<compile_context>
chip_gen: v7x
topology: tpu7x:2x2x1
jax: 0.10.2.dev20260603
libtpu: 0.0.44.dev20260713+nightly
codegen_flags: <defaults>
</compile_context>

<pallas_src>
import functools

import jax
import jax.numpy as jnp
import numpy as np
from jax import lax
from jax.experimental import pallas as pl
from jax.experimental.pallas import tpu as pltpu
from jax.experimental.pallas import tpu_sc as plsc

D = 384
H = 6
DH = D // H
KNN = 8
N = 2048
NBLK = 256
QBLK = 512


def _layernorm(x, g, b):
    m = jnp.mean(x, axis=-1, keepdims=True)
    xc = x - m
    v = jnp.mean(xc * xc, axis=-1, keepdims=True)
    return xc * lax.rsqrt(v + 1e-5) * g + b


def _lrelu(x):
    return jnp.where(x >= 0, x, 0.2 * x)


DP = D // 2
DPW = 256


def _pack_bf16(p):
    pb = p.astype(jnp.bfloat16)
    lo = lax.bitcast_convert_type(pb[:, :DP], jnp.uint16).astype(jnp.uint32)
    hi = lax.bitcast_convert_type(pb[:, DP:], jnp.uint16).astype(jnp.uint32)
    packed = lax.bitcast_convert_type(lo | (hi << 16), jnp.int32)
    return jnp.concatenate(
        [packed, jnp.zeros((p.shape[0], DPW - DP), jnp.int32)], axis=1)


def _unpack_bf16(g):
    gu = lax.bitcast_convert_type(g[:, :DP], jnp.uint32)
    lo = lax.bitcast_convert_type((gu & 0xFFFF).astype(jnp.uint16),
                                  jnp.bfloat16)
    hi = lax.bitcast_convert_type((gu >> 16).astype(jnp.uint16),
                                  jnp.bfloat16)
    return jnp.concatenate([lo, hi], axis=-1)


def _headify_q(x):
    xs = (x * (1.0 / np.sqrt(DH))).astype(jnp.bfloat16)
    return jnp.stack([xs[:, h * DH:(h + 1) * DH] for h in range(H)], axis=0)


def _headify(x):
    xb = x.astype(jnp.bfloat16)
    return jnp.stack([xb[:, h * DH:(h + 1) * DH] for h in range(H)], axis=0)


def _headify_v(x):
    xb = x.astype(jnp.bfloat16)
    ones = jnp.ones((x.shape[0], DH), jnp.bfloat16)
    return jnp.stack(
        [jnp.concatenate([xb[:, h * DH:(h + 1) * DH], ones], axis=1)
         for h in range(H)], axis=0)


def _prep_q_body(qf_ref, g_ref, b_ref, wqkv_ref, wk1_ref, bk1_ref,
                 q_ref, k_ref, v_ref, p1_ref, cc1_ref):
    nf = _layernorm(qf_ref[0], g_ref[0], b_ref[0])
    qkv = jnp.dot(nf, wqkv_ref[...], preferred_element_type=jnp.float32)
    q_ref[:, 0] = _headify_q(qkv[:, :D])
    k_ref[:, 0] = _headify(qkv[:, D:2 * D])
    v_ref[:, 0] = _headify_v(qkv[:, 2 * D:])
    w1a = wk1_ref[:D]
    w1b = wk1_ref[D:]
    p1_ref[0] = _pack_bf16(jnp.dot(nf, w1a,
                                   preferred_element_type=jnp.float32))
    cc1_ref[0] = jnp.dot(nf, w1b - w1a, preferred_element_type=jnp.float32) + bk1_ref[0]


def _prep_q(qf_t, g_in, b_in, W_qkv, W_knn1, b_knn1):
    B = qf_t.shape[0]
    grid = (B, N // NBLK)
    return pl.pallas_call(
        _prep_q_body,
        grid=grid,
        in_specs=[
            pl.BlockSpec((1, NBLK, D), lambda b, i: (b, i, 0)),
            pl.BlockSpec((1, D), lambda b, i: (0, 0)),
            pl.BlockSpec((1, D), lambda b, i: (0, 0)),
            pl.BlockSpec((D, 3 * D), lambda b, i: (0, 0)),
            pl.BlockSpec((2 * D, D), lambda b, i: (0, 0)),
            pl.BlockSpec((1, D), lambda b, i: (0, 0)),
        ],
        out_specs=[
            pl.BlockSpec((H, 1, NBLK, DH), lambda b, i: (0, b, i, 0)),
            pl.BlockSpec((H, 1, NBLK, DH), lambda b, i: (0, b, i, 0)),
            pl.BlockSpec((H, 1, NBLK, 2 * DH), lambda b, i: (0, b, i, 0)),
            pl.BlockSpec((1, NBLK, DPW), lambda b, i: (b, i, 0)),
            pl.BlockSpec((1, NBLK, D), lambda b, i: (b, i, 0)),
        ],
        out_shape=[
            jax.ShapeDtypeStruct((H, B, N, DH), jnp.bfloat16),
            jax.ShapeDtypeStruct((H, B, N, DH), jnp.bfloat16),
            jax.ShapeDtypeStruct((H, B, N, 2 * DH), jnp.bfloat16),
            jax.ShapeDtypeStruct((B, N, DPW), jnp.int32),
            jax.ShapeDtypeStruct((B, N, D), jnp.float32),
        ],
    )(qf_t, g_in, b_in, W_qkv, W_knn1, b_knn1)


def _prep_k_body(kf_ref, g_ref, b_ref, wck_ref, wcv_ref, wk2_ref,
                 ck_ref, cv_ref, p2_ref):
    nk = _layernorm(kf_ref[0], g_ref[0], b_ref[0])
    ck_ref[:, 0] = _headify(
        jnp.dot(nk, wck_ref[...], preferred_element_type=jnp.float32))
    cv_ref[:, 0] = _headify_v(
        jnp.dot(nk, wcv_ref[...], preferred_element_type=jnp.float32))
    p2_ref[0] = _pack_bf16(jnp.dot(nk, wk2_ref[:D],
                                   preferred_element_type=jnp.float32))


def _prep_k(kf_t, g_ck, b_ck, W_ck, W_cv, W_knn2):
    B = kf_t.shape[0]
    grid = (B, N // NBLK)
    return pl.pallas_call(
        _prep_k_body,
        grid=grid,
        in_specs=[
            pl.BlockSpec((1, NBLK, D), lambda b, i: (b, i, 0)),
            pl.BlockSpec((1, D), lambda b, i: (0, 0)),
            pl.BlockSpec((1, D), lambda b, i: (0, 0)),
            pl.BlockSpec((D, D), lambda b, i: (0, 0)),
            pl.BlockSpec((D, D), lambda b, i: (0, 0)),
            pl.BlockSpec((2 * D, D), lambda b, i: (0, 0)),
        ],
        out_specs=[
            pl.BlockSpec((H, 1, NBLK, DH), lambda b, i: (0, b, i, 0)),
            pl.BlockSpec((H, 1, NBLK, 2 * DH), lambda b, i: (0, b, i, 0)),
            pl.BlockSpec((1, NBLK, DPW), lambda b, i: (b, i, 0)),
        ],
        out_shape=[
            jax.ShapeDtypeStruct((H, B, N, DH), jnp.bfloat16),
            jax.ShapeDtypeStruct((H, B, N, 2 * DH), jnp.bfloat16),
            jax.ShapeDtypeStruct((B, N, DPW), jnp.int32),
        ],
    )(kf_t, g_ck, b_ck, W_ck, W_cv, W_knn2)



def _fused_prep_body(qf_ref, kf_ref, qcb_ref, qcfull_ref, kcfull_ref,
                     gin_ref, bin_ref, wqkv_ref, wk1_ref, bk1_ref,
                     gck_ref, bck_ref, wck_ref, wcv_ref, wk2_ref,
                     q_ref, k_ref, v_ref, p1_ref, cc1_ref,
                     ck_ref, cv_ref, p2_ref, i1_ref, i2_ref):
    _prep_q_body(qf_ref, gin_ref, bin_ref, wqkv_ref, wk1_ref, bk1_ref,
                 q_ref, k_ref, v_ref, p1_ref, cc1_ref)
    _prep_k_body(kf_ref, gck_ref, bck_ref, wck_ref, wcv_ref, wk2_ref,
                 ck_ref, cv_ref, p2_ref)
    _knn_body(qcb_ref, qcfull_ref, kcfull_ref, i1_ref, i2_ref)


def _fused_prep(qf_t, kf_t, qc_p, kc_p, g_in, b_in, W_qkv, W_knn1, b_knn1,
                g_ck, b_ck, W_ck, W_cv, W_knn2):
    B = qf_t.shape[0]
    grid = (B, N // NBLK)
    blk = lambda b, i: (b, i, 0)
    wfull = lambda b, i: (0, 0)
    hspec = lambda w: pl.BlockSpec((H, 1, NBLK, w), lambda b, i: (0, b, i, 0))
    return pl.pallas_call(
        _fused_prep_body,
        grid=grid,
        in_specs=[
            pl.BlockSpec((1, NBLK, D), blk),
            pl.BlockSpec((1, NBLK, D), blk),
            pl.BlockSpec((1, NBLK, 8), blk),
            pl.BlockSpec((1, N, 8), lambda b, i: (b, 0, 0)),
            pl.BlockSpec((1, N, 8), lambda b, i: (b, 0, 0)),
            pl.BlockSpec((1, D), wfull),
            pl.BlockSpec((1, D), wfull),
            pl.BlockSpec((D, 3 * D), wfull),
            pl.BlockSpec((2 * D, D), wfull),
            pl.BlockSpec((1, D), wfull),
            pl.BlockSpec((1, D), wfull),
            pl.BlockSpec((1, D), wfull),
            pl.BlockSpec((D, D), wfull),
            pl.BlockSpec((D, D), wfull),
            pl.BlockSpec((2 * D, D), wfull),
        ],
        out_specs=[
            hspec(DH),
            hspec(DH),
            hspec(2 * DH),
            pl.BlockSpec((1, NBLK, DPW), blk),
            pl.BlockSpec((1, NBLK, D), blk),
            hspec(DH),
            hspec(2 * DH),
            pl.BlockSpec((1, NBLK, DPW), blk),
            pl.BlockSpec((KNN, 1, 1, NBLK), lambda b, i: (0, b, 0, i)),
            pl.BlockSpec((KNN, 1, 1, NBLK), lambda b, i: (0, b, 0, i)),
        ],
        out_shape=[
            jax.ShapeDtypeStruct((H, B, N, DH), jnp.bfloat16),
            jax.ShapeDtypeStruct((H, B, N, DH), jnp.bfloat16),
            jax.ShapeDtypeStruct((H, B, N, 2 * DH), jnp.bfloat16),
            jax.ShapeDtypeStruct((B, N, DPW), jnp.int32),
            jax.ShapeDtypeStruct((B, N, D), jnp.float32),
            jax.ShapeDtypeStruct((H, B, N, DH), jnp.bfloat16),
            jax.ShapeDtypeStruct((H, B, N, 2 * DH), jnp.bfloat16),
            jax.ShapeDtypeStruct((B, N, DPW), jnp.int32),
            jax.ShapeDtypeStruct((KNN, B, 1, N), jnp.int32),
            jax.ShapeDtypeStruct((KNN, B, 1, N), jnp.int32),
        ],
    )(qf_t, kf_t, qc_p, qc_p, kc_p, g_in, b_in, W_qkv, W_knn1, b_knn1,
      g_ck, b_ck, W_ck, W_cv, W_knn2)


def _mha_body(q_ref, k_ref, v_ref, o_ref):
    for h in range(H):
        s = lax.dot_general(q_ref[h, 0], k_ref[h, 0], (((1,), (1,)), ((), ())),
                            preferred_element_type=jnp.float32)
        eb = jnp.exp(s).astype(jnp.bfloat16)
        o = jnp.dot(eb, v_ref[h, 0], preferred_element_type=jnp.float32)
        o_ref[h, 0] = (o[:, :DH] / o[:, DH:DH + 1]).astype(jnp.bfloat16)


def _mha(q, k, v):
    B = q.shape[1]
    grid = (B, N // QBLK)
    return pl.pallas_call(
        _mha_body,
        grid=grid,
        in_specs=[
            pl.BlockSpec((H, 1, QBLK, DH), lambda b, i: (0, b, i, 0)),
            pl.BlockSpec((H, 1, N, DH), lambda b, i: (0, b, 0, 0)),
            pl.BlockSpec((H, 1, N, 2 * DH), lambda b, i: (0, b, 0, 0)),
        ],
        out_specs=pl.BlockSpec((H, 1, QBLK, DH), lambda b, i: (0, b, i, 0)),
        out_shape=jax.ShapeDtypeStruct((H, B, N, DH), jnp.bfloat16),
    )(q, k, v)


def _knn_body(qb_ref, qfull_ref, kfull_ref, i1_ref, i2_ref):
    b = pl.program_id(0)
    qb = qb_ref[0]
    qn = jnp.sum(qb * qb, axis=-1, keepdims=True)

    def top8(keys):
        kn = jnp.sum(keys * keys, axis=-1)
        d = (qn + kn[None, :]
             - 2.0 * lax.dot_general(qb, keys, (((1,), (1,)), ((), ())),
                                     preferred_element_type=jnp.float32))
        cols = lax.broadcasted_iota(jnp.int32, d.shape, 1)
        outs = []
        for j in range(KNN):
            mval = jnp.min(d, axis=-1, keepdims=True)
            hit = d <= mval
            ij = jnp.min(jnp.where(hit, cols, N), axis=-1)
            outs.append(ij.reshape(1, NBLK))
            if j < KNN - 1:
                d = jnp.where(hit, jnp.float32(3.0e38), d)
        return jnp.concatenate(outs, axis=0)

    i1_ref[:, 0, 0] = top8(qfull_ref[0]) + b * N
    i2_ref[:, 0, 0] = top8(kfull_ref[0]) + b * N


def _knn(qc_p, kc_p):
    B = qc_p.shape[0]
    grid = (B, N // NBLK)
    return pl.pallas_call(
        _knn_body,
        grid=grid,
        in_specs=[
            pl.BlockSpec((1, NBLK, 8), lambda b, i: (b, i, 0)),
            pl.BlockSpec((1, N, 8), lambda b, i: (b, 0, 0)),
            pl.BlockSpec((1, N, 8), lambda b, i: (b, 0, 0)),
        ],
        out_specs=[
            pl.BlockSpec((KNN, 1, 1, NBLK), lambda b, i: (0, b, 0, i)),
            pl.BlockSpec((KNN, 1, 1, NBLK), lambda b, i: (0, b, 0, i)),
        ],
        out_shape=[
            jax.ShapeDtypeStruct((KNN, B, 1, N), jnp.int32),
            jax.ShapeDtypeStruct((KNN, B, 1, N), jnp.int32),
        ],
    )(qc_p, qc_p, kc_p)


def _gather_rows2(t1, i1_flat, t2, i2_flat):
    num_rows = i1_flat.shape[0]
    info = plsc.get_sparse_core_info()
    nw = info.num_cores * info.num_subcores
    per_w = num_rows // nw
    chunk = 128
    nchunks = per_w // chunk
    NBUF = 3
    mesh = plsc.VectorSubcoreMesh(core_axis_name="c", subcore_axis_name="s")

    @functools.partial(
        pl.kernel,
        mesh=mesh,
        out_type=[
            jax.ShapeDtypeStruct((num_rows, DPW), jnp.int32),
            jax.ShapeDtypeStruct((num_rows, DPW), jnp.int32),
        ],
        scratch_types=[
            pltpu.VMEM((per_w,), jnp.int32),
            pltpu.VMEM((per_w,), jnp.int32),
            pltpu.VMEM((NBUF, chunk, DPW), jnp.int32),
            pltpu.SemaphoreType.DMA,
            pltpu.SemaphoreType.DMA,
            pltpu.SemaphoreType.DMA,
            pltpu.SemaphoreType.DMA,
            pltpu.SemaphoreType.DMA,
            pltpu.SemaphoreType.DMA,
        ],
    )
    def gk(t1_hbm, i1_hbm, t2_hbm, i2_hbm, o1_hbm, o2_hbm,
           i1_v, i2_v, rows_v, g0, g1, g2, w0, w1, w2):
        wid = lax.axis_index("s") * info.num_cores + lax.axis_index("c")
        base = wid * per_w
        pltpu.sync_copy(i1_hbm.at[pl.ds(base, per_w)], i1_v)
        pltpu.sync_copy(i2_hbm.at[pl.ds(base, per_w)], i2_v)
        work = ([(t1_hbm, i1_v, o1_hbm, c) for c in range(nchunks)]
                + [(t2_hbm, i2_v, o2_hbm, c) for c in range(nchunks)])
        gs = [g0, g1, g2]
        ws = [w0, w1, w2]
        gh = [None] * NBUF
        wh = [None] * NBUF
        total = len(work)
        for lc in range(total):
            bi = lc % NBUF
            if wh[bi] is not None:
                wh[bi].wait()
            tbl, idxv, _, c = work[lc]
            gh[bi] = pltpu.async_copy(
                tbl.at[idxv.at[pl.ds(c * chunk, chunk)]], rows_v.at[bi],
                gs[bi])
            if lc >= 1:
                pb = (lc - 1) % NBUF
                gh[pb].wait()
                _, _, pout, pc = work[lc - 1]
                wh[pb] = pltpu.async_copy(
                    rows_v.at[pb], pout.at[pl.ds(base + pc * chunk, chunk)],
                    ws[pb])
        lb = (total - 1) % NBUF
        gh[lb].wait()
        _, _, pout, pc = work[total - 1]
        wh[lb] = pltpu.async_copy(
            rows_v.at[lb], pout.at[pl.ds(base + pc * chunk, chunk)], ws[lb])
        for bi in range(NBUF):
            if wh[bi] is not None:
                wh[bi].wait()

    return gk(t1, i1_flat, t2, i2_flat)


def _apply_wo(h_ref, wo_ref, bo_ref):
    wo = wo_ref[...].astype(jnp.bfloat16)
    sa = bo_ref[0]
    for h in range(H):
        sa = sa + jnp.dot(h_ref[h, 0], wo[h * DH:(h + 1) * DH],
                          preferred_element_type=jnp.float32)
    return sa


def _comb1_body(h_ref, g1_ref, cc1_ref, qf_ref, wo_ref, bo_ref, wsm_ref,
                bsm_ref, gcq_ref, bcq_ref, wcq_ref, wk2_ref, bk2_ref,
                qfeat_ref, cq_ref, cc2_ref):
    sa = _apply_wo(h_ref, wo_ref, bo_ref)
    g = g1_ref[...]
    cc = cc1_ref[0].astype(jnp.bfloat16)
    acc = _lrelu(_unpack_bf16(g[0]) + cc)
    for j in range(1, KNN):
        acc = jnp.maximum(acc, _lrelu(_unpack_bf16(g[j]) + cc))
    wsm = wsm_ref[...].astype(jnp.bfloat16)
    out1 = (jnp.dot(sa.astype(jnp.bfloat16), wsm[:D],
                    preferred_element_type=jnp.float32)
            + jnp.dot(acc, wsm[D:],
                      preferred_element_type=jnp.float32)
            + bsm_ref[0])
    qfeat = out1 + qf_ref[0]
    qfeat_ref[0] = qfeat
    nq = _layernorm(qfeat, gcq_ref[0], bcq_ref[0])
    nqb = nq.astype(jnp.bfloat16)
    cq_ref[:, 0] = _headify_q(
        jnp.dot(nqb, wcq_ref[...].astype(jnp.bfloat16),
                preferred_element_type=jnp.float32))
    w2a = wk2_ref[:D]
    w2b = wk2_ref[D:]
    cc2_ref[0] = jnp.dot(nqb, (w2b - w2a).astype(jnp.bfloat16),
                         preferred_element_type=jnp.float32) + bk2_ref[0]


def _comb1(heads, G1, Cc1, qf_t, W_o, b_o, W_sm, b_sm, g_cq, b_cq, W_cq,
           W_knn2, b_knn2):
    B = heads.shape[1]
    grid = (B, N // NBLK)
    blk = lambda b, i: (b, i, 0)
    wfull = lambda b, i: (0, 0)
    return pl.pallas_call(
        _comb1_body,
        grid=grid,
        in_specs=[
            pl.BlockSpec((H, 1, NBLK, DH), lambda b, i: (0, b, i, 0)),
            pl.BlockSpec((KNN, NBLK, DPW), lambda b, i: (0, b * (N // NBLK) + i, 0)),
            pl.BlockSpec((1, NBLK, D), blk),
            pl.BlockSpec((1, NBLK, D), blk),
            pl.BlockSpec((D, D), wfull),
            pl.BlockSpec((1, D), wfull),
            pl.BlockSpec((2 * D, D), wfull),
            pl.BlockSpec((1, D), wfull),
            pl.BlockSpec((1, D), wfull),
            pl.BlockSpec((1, D), wfull),
            pl.BlockSpec((D, D), wfull),
            pl.BlockSpec((2 * D, D), wfull),
            pl.BlockSpec((1, D), wfull),
        ],
        out_specs=[
            pl.BlockSpec((1, NBLK, D), blk),
            pl.BlockSpec((H, 1, NBLK, DH), lambda b, i: (0, b, i, 0)),
            pl.BlockSpec((1, NBLK, D), blk),
        ],
        out_shape=[
            jax.ShapeDtypeStruct((B, N, D), jnp.float32),
            jax.ShapeDtypeStruct((H, B, N, DH), jnp.bfloat16),
            jax.ShapeDtypeStruct((B, N, D), jnp.float32),
        ],
    )(heads, G1, Cc1, qf_t, W_o, b_o, W_sm, b_sm, g_cq, b_cq, W_cq, W_knn2,
      b_knn2)


def _comb2_body(h_ref, g2_ref, cc2_ref, qfeat_ref, qc_ref, wo_ref, bo_ref,
                wcm_ref, bcm_ref, gff_ref, bff_ref, wff1_ref, bff1_ref,
                wff2_ref, bff2_ref, out_ref):
    cr = _apply_wo(h_ref, wo_ref, bo_ref)
    g = g2_ref[...]
    cc = cc2_ref[0].astype(jnp.bfloat16)
    acc = _lrelu(_unpack_bf16(g[0]) + cc)
    for j in range(1, KNN):
        acc = jnp.maximum(acc, _lrelu(_unpack_bf16(g[j]) + cc))
    wcm = wcm_ref[...].astype(jnp.bfloat16)
    out2 = (jnp.dot(cr.astype(jnp.bfloat16), wcm[:D],
                    preferred_element_type=jnp.float32)
            + jnp.dot(acc, wcm[D:],
                      preferred_element_type=jnp.float32)
            + bcm_ref[0])
    qf2 = qfeat_ref[0] + out2
    nff = _layernorm(qf2, gff_ref[0], bff_ref[0])
    ff = jnp.maximum(
        jnp.dot(nff.astype(jnp.bfloat16), wff1_ref[...].astype(jnp.bfloat16),
                preferred_element_type=jnp.float32) + bff1_ref[0],
        0.0)
    ff = jnp.dot(ff.astype(jnp.bfloat16), wff2_ref[...].astype(jnp.bfloat16),
                 preferred_element_type=jnp.float32) + bff2_ref[0]
    res = qf2 + ff
    out_ref[0] = jnp.concatenate([qc_ref[0], res.T], axis=0)


def _comb2(heads, G2, Cc2, qfeat, qc, W_o, b_o, W_cm, b_cm, g_ff, b_ff, W_ff1,
           b_ff1, W_ff2, b_ff2):
    B = heads.shape[1]
    grid = (B, N // NBLK)
    blk = lambda b, i: (b, i, 0)
    wfull = lambda b, i: (0, 0)
    return pl.pallas_call(
        _comb2_body,
        grid=grid,
        in_specs=[
            pl.BlockSpec((H, 1, NBLK, DH), lambda b, i: (0, b, i, 0)),
            pl.BlockSpec((KNN, NBLK, DPW), lambda b, i: (0, b * (N // NBLK) + i, 0)),
            pl.BlockSpec((1, NBLK, D), blk),
            pl.BlockSpec((1, NBLK, D), blk),
            pl.BlockSpec((1, 3, NBLK), lambda b, i: (b, 0, i)),
            pl.BlockSpec((D, D), wfull),
            pl.BlockSpec((1, D), wfull),
            pl.BlockSpec((2 * D, D), wfull),
            pl.BlockSpec((1, D), wfull),
            pl.BlockSpec((1, D), wfull),
            pl.BlockSpec((1, D), wfull),
            pl.BlockSpec((D, 2 * D), wfull),
            pl.BlockSpec((1, 2 * D), wfull),
            pl.BlockSpec((2 * D, D), wfull),
            pl.BlockSpec((1, D), wfull),
        ],
        out_specs=pl.BlockSpec((1, 3 + D, NBLK), lambda b, i: (b, 0, i)),
        out_shape=jax.ShapeDtypeStruct((B, 3 + D, N), jnp.float32),
    )(heads, G2, Cc2, qfeat, qc, W_o, b_o, W_cm, b_cm, g_ff, b_ff, W_ff1,
      b_ff1, W_ff2, b_ff2)


def kernel(query_points, key_points, g_in, b_in, W_qkv, W_o, b_o, W_knn1,
           b_knn1, W_knn2, b_knn2, W_sm, b_sm, W_cm, b_cm, g_cq, b_cq, g_ck,
           b_ck, W_cq, W_ck, W_cv, g_ff, b_ff, W_ff1, b_ff1, W_ff2, b_ff2):
    B = query_points.shape[0]
    f32 = jnp.float32
    qc = query_points[:, :3, :]
    kc = key_points[:, :3, :]
    qf_t = query_points[:, 3:, :].transpose(0, 2, 1)
    kf_t = key_points[:, 3:, :].transpose(0, 2, 1)

    zpad = jnp.zeros((B, N, 5), f32)
    qc_p = jnp.concatenate([qc.transpose(0, 2, 1), zpad], axis=-1)
    kc_p = jnp.concatenate([kc.transpose(0, 2, 1), zpad], axis=-1)

    r2 = lambda x: x.reshape(1, -1)
    (q, k, v, P1, Cc1, ck, cv, P2, idx1, idx2) = _fused_prep(
        qf_t, kf_t, qc_p, kc_p, r2(g_in), r2(b_in), W_qkv, W_knn1,
        r2(b_knn1), r2(g_ck), r2(b_ck), W_ck, W_cv, W_knn2)

    heads1 = _mha(q, k, v)

    i1_flat = idx1.reshape(-1)
    i2_flat = idx2.reshape(-1)

    G1, G2 = _gather_rows2(P1.reshape(B * N, DPW), i1_flat,
                           P2.reshape(B * N, DPW), i2_flat)
    G1 = G1.reshape(KNN, B * N, DPW)
    G2 = G2.reshape(KNN, B * N, DPW)

    qfeat, cq, Cc2 = _comb1(heads1, G1, Cc1, qf_t, W_o, r2(b_o), W_sm,
                            r2(b_sm), r2(g_cq), r2(b_cq), W_cq, W_knn2,
                            r2(b_knn2))

    heads2 = _mha(cq, ck, cv)

    return _comb2(heads2, G2, Cc2, qfeat, qc, W_o, r2(b_o), W_cm, r2(b_cm),
                  r2(g_ff), r2(b_ff), W_ff1, r2(b_ff1), W_ff2, r2(b_ff2))

# --- scband reference (transcript-rebuilt; emitter-appended) ---
"""Pipeline reference for scband-geometry-aware-cross-attention-block-67242007986300 (READ-ONLY COPY).

The authoritative reference and input builder live on the scoring server;
editing this copy changes nothing except your own understanding.
"""

import jax, jax.numpy as jnp
import numpy as np

D = 384
H = 6
KNN = 8

def layer_norm(x, g, b, eps=1e-5):
    m = jnp.mean(x, axis=-1, keepdims=True)
    v = jnp.var(x, axis=-1, keepdims=True)
    return (x - m) / jnp.sqrt(v + eps) * g + b

def mha(q, k, v, W_o, b_o):
    B, N, Dm = q.shape
    dh = Dm // H
    def split(t):
        return t.reshape(B, -1, H, dh).transpose(0, 2, 1, 3)
    qh, kh, vh = split(q), split(k), split(v)
    attn = jax.nn.softmax(jnp.einsum('bhnd,bhmd->bhnm', qh, kh) / np.sqrt(dh), axis=-1)
    out = jnp.einsum('bhnm,bhmd->bhnd', attn, vh).transpose(0, 2, 1, 3).reshape(B, N, Dm)
    return out @ W_o + b_o

def knn_query(qpts, kpts):
    qc, qf = qpts[:, :3, :], qpts[:, 3:, :]
    kc, kf = kpts[:, :3, :], kpts[:, 3:, :]
    d2 = (jnp.sum(qc ** 2, axis=1)[:, :, None] + jnp.sum(kc ** 2, axis=1)[:, None, :]
          - 2.0 * jnp.einsum('bcn,bcm->bnm', qc, kc))
    _, idx = jax.lax.top_k(-d2, KNN)
    grouped = jax.vmap(lambda f, i: f[:, i])(kf, idx)
    center = qf[:, :, :, None]
    return jnp.concatenate([grouped - center, jnp.broadcast_to(center, grouped.shape)], axis=1)

def forward(query_points, key_points, g_in, b_in, W_qkv, W_o, b_o, W_knn1, b_knn1, W_knn2, b_knn2, W_sm, b_sm, W_cm, b_cm, g_cq, b_cq, g_ck, b_ck, W_cq, W_ck, W_cv, g_ff, b_ff, W_ff1, b_ff1, W_ff2, b_ff2):
    qc = query_points[:, :3, :]
    kc = key_points[:, :3, :]
    qf = query_points[:, 3:, :]
    kf = key_points[:, 3:, :]
    nf = layer_norm(qf.transpose(0, 2, 1), g_in, b_in)
    qkv = nf @ W_qkv
    q, k, v = jnp.split(qkv, 3, axis=-1)
    attn_f = mha(q, k, v, W_o, b_o)
    normed_pts = jnp.concatenate([qc, nf.transpose(0, 2, 1)], axis=1)
    geo = knn_query(normed_pts, normed_pts)
    geo = geo.transpose(0, 3, 2, 1)
    geo = jax.nn.leaky_relu(geo @ W_knn1 + b_knn1, 0.2)
    geo = jnp.max(geo, axis=1)
    attn_f = jnp.concatenate([attn_f, geo], axis=-1) @ W_sm + b_sm
    qfeat = attn_f + qf.transpose(0, 2, 1)
    nq = layer_norm(qfeat, g_cq, b_cq)
    nk = layer_norm(kf.transpose(0, 2, 1), g_ck, b_ck)
    cq = nq @ W_cq
    ck = nk @ W_ck
    cv = nk @ W_cv
    cross = mha(cq, ck, cv, W_o, b_o)
    cqp = jnp.concatenate([qc, nq.transpose(0, 2, 1)], axis=1)
    ckp = jnp.concatenate([kc, nk.transpose(0, 2, 1)], axis=1)
    cgeo = knn_query(cqp, ckp).transpose(0, 3, 2, 1)
    cgeo = jax.nn.leaky_relu(cgeo @ W_knn2 + b_knn2, 0.2)
    cgeo = jnp.max(cgeo, axis=1)
    cross = jnp.concatenate([cross, cgeo], axis=-1) @ W_cm + b_cm
    qfeat = qfeat + cross
    ff = layer_norm(qfeat, g_ff, b_ff)
    ff = jax.nn.relu(ff @ W_ff1 + b_ff1) @ W_ff2 + b_ff2
    qfeat = qfeat + ff
    return jnp.concatenate([qc, qfeat.transpose(0, 2, 1)], axis=1)

def setup_inputs(seed: int = 0):
    key = jax.random.key(seed)
    ks = jax.random.split(key, 16)
    B, N, M = 2, 2048, 2048
    def w(k, shape):
        return jax.random.normal(k, shape, jnp.float32) * 0.02
    inp = {}
    inp['query_points'] = jax.random.normal(ks[0], (B, 3 + D, N), jnp.float32)
    inp['key_points'] = jax.random.normal(ks[1], (B, 3 + D, M), jnp.float32)
    inp['g_in'] = jnp.ones((D,), jnp.float32); inp['b_in'] = jnp.zeros((D,), jnp.float32)
    inp['W_qkv'] = w(ks[2], (D, 3 * D))
    inp['W_o'] = w(ks[3], (D, D)); inp['b_o'] = jnp.zeros((D,), jnp.float32)
    inp['W_knn1'] = w(ks[4], (2 * D, D)); inp['b_knn1'] = jnp.zeros((D,), jnp.float32)
    inp['W_knn2'] = w(ks[5], (2 * D, D)); inp['b_knn2'] = jnp.zeros((D,), jnp.float32)
    inp['W_sm'] = w(ks[6], (2 * D, D)); inp['b_sm'] = jnp.zeros((D,), jnp.float32)
    inp['W_cm'] = w(ks[7], (2 * D, D)); inp['b_cm'] = jnp.zeros((D,), jnp.float32)
    inp['g_cq'] = jnp.ones((D,), jnp.float32); inp['b_cq'] = jnp.zeros((D,), jnp.float32)
    inp['g_ck'] = jnp.ones((D,), jnp.float32); inp['b_ck'] = jnp.zeros((D,), jnp.float32)
    inp['W_cq'] = w(ks[8], (D, D)); inp['W_ck'] = w(ks[9], (D, D)); inp['W_cv'] = w(ks[10], (D, D))
    inp['g_ff'] = jnp.ones((D,), jnp.float32); inp['b_ff'] = jnp.zeros((D,), jnp.float32)
    inp['W_ff1'] = w(ks[11], (D, 2 * D)); inp['b_ff1'] = jnp.zeros((2 * D,), jnp.float32)
    inp['W_ff2'] = w(ks[12], (2 * D, D)); inp['b_ff2'] = jnp.zeros((D,), jnp.float32)
    return inp

def reference(query_points, key_points, g_in, b_in, W_qkv, W_o, b_o, W_knn1, b_knn1, W_knn2, b_knn2, W_sm, b_sm, W_cm, b_cm, g_cq, b_cq, g_ck, b_ck, W_cq, W_ck, W_cv, g_ff, b_ff, W_ff1, b_ff1, W_ff2, b_ff2):
    return forward(query_points, key_points, g_in, b_in, W_qkv, W_o, b_o, W_knn1, b_knn1, W_knn2, b_knn2, W_sm, b_sm, W_cm, b_cm, g_cq, b_cq, g_ck, b_ck, W_cq, W_ck, W_cv, g_ff, b_ff, W_ff1, b_ff1, W_ff2, b_ff2)

if __name__ == "__main__":
    import jax
    _d = setup_inputs()
    print(jax.jit(kernel)(*tuple(_d.values())))

</pallas_src>

<mosaic_0001>
#map = affine_map<(d0, d1) -> (0, 0)>
#map1 = affine_map<(d0, d1) -> (0)>
module attributes {stable_mosaic.version = 14 : i64} {
  func.func @gk(%arg0: i32, %arg1: i32, %arg2: memref<4096x256xi32, #tpu.memory_space<hbm>>, %arg3: memref<32768xi32, #tpu.memory_space<hbm>>, %arg4: memref<4096x256xi32, #tpu.memory_space<hbm>>, %arg5: memref<32768xi32, #tpu.memory_space<hbm>>, %arg6: memref<32768x256xi32, #tpu.memory_space<hbm>>, %arg7: memref<32768x256xi32, #tpu.memory_space<hbm>>, %arg8: memref<1024xi32, #tpu.memory_space<vmem>>, %arg9: memref<1024xi32, #tpu.memory_space<vmem>>, %arg10: memref<3x128x256xi32, #tpu.memory_space<vmem>>, %arg11: memref<!tpu.dma_semaphore, #tpu.memory_space<semaphore_mem>>, %arg12: memref<!tpu.dma_semaphore, #tpu.memory_space<semaphore_mem>>, %arg13: memref<!tpu.dma_semaphore, #tpu.memory_space<semaphore_mem>>, %arg14: memref<!tpu.dma_semaphore, #tpu.memory_space<semaphore_mem>>, %arg15: memref<!tpu.dma_semaphore, #tpu.memory_space<semaphore_mem>>, %arg16: memref<!tpu.dma_semaphore, #tpu.memory_space<semaphore_mem>>) attributes {dimension_semantics = [#tpu.dimension_semantics<core_parallel>, #tpu.dimension_semantics<subcore_parallel>], iteration_bounds = array<i64: 2, 16>, scalar_prefetch = 0 : i64, scratch_operands = 9 : i64, tpu.core_type = #tpu.core_type<sc_vector_subcore>, window_params = [{transform_indices = #map}, {transform_indices = #map1}, {transform_indices = #map}, {transform_indices = #map1}, {transform_indices = #map}, {transform_indices = #map}]} {
    %mul3A = arith.constant 2 : i32
    %mul3A_0 = arith.muli %arg1, %mul3A : i32
    %add3A = arith.addi %mul3A_0, %arg0 : i32
    %mul3A_1 = arith.constant 1024 : i32
    %mul3A_2 = arith.muli %add3A, %mul3A_1 : i32
    "tpu.region"() ({
      %run_scoped3A = tpu.sem_alloc : memref<!tpu.dma_semaphore, #tpu.memory_space<semaphore_mem>>
      %dma_start3A_769 = tpu.memref_slice %arg3[%mul3A_2] : memref<32768xi32, #tpu.memory_space<hbm>> -> memref<1024xi32, #tpu.memory_space<hbm>>
      %dma_start3A_770 = tpu.memref_slice %arg3[%mul3A_2] : memref<32768xi32, #tpu.memory_space<hbm>> -> memref<1024xi32, #tpu.memory_space<hbm>>
      tpu.enqueue_dma source(%dma_start3A_770 : memref<1024xi32, #tpu.memory_space<hbm>>) target(%arg8 : memref<1024xi32, #tpu.memory_space<vmem>>) target_semaphore(%run_scoped3A : memref<!tpu.dma_semaphore, #tpu.memory_space<semaphore_mem>>)
      %dma_wait3A_771 = tpu.memref_slice %arg3[%mul3A_2] : memref<32768xi32, #tpu.memory_space<hbm>> -> memref<1024xi32, #tpu.memory_space<hbm>>
      %dma_wait3A_772 = tpu.memref_slice %arg3[%mul3A_2] : memref<32768xi32, #tpu.memory_space<hbm>> -> memref<1024xi32, #tpu.memory_space<hbm>>
      tpu.wait_dma2 semaphore(%run_scoped3A : memref<!tpu.dma_semaphore, #tpu.memory_space<semaphore_mem>>) src(%dma_wait3A_772 : memref<1024xi32, #tpu.memory_space<hbm>>) dst(%arg8 : memref<1024xi32, #tpu.memory_space<vmem>>)
      tpu.yield
    }) : () -> ()
    "tpu.region"() ({
      %run_scoped3A = tpu.sem_alloc : memref<!tpu.dma_semaphore, #tpu.memory_space<semaphore_mem>>
      %dma_start3A_769 = tpu.memref_slice %arg5[%mul3A_2] : memref<32768xi32, #tpu.memory_space<hbm>> -> memref<1024xi32, #tpu.memory_space<hbm>>
      %dma_start3A_770 = tpu.memref_slice %arg5[%mul3A_2] : memref<32768xi32, #tpu.memory_space<hbm>> -> memref<1024xi32, #tpu.memory_space<hbm>>
      tpu.enqueue_dma source(%dma_start3A_770 : memref<1024xi32, #tpu.memory_space<hbm>>) target(%arg9 : memref<1024xi32, #tpu.memory_space<vmem>>) target_semaphore(%run_scoped3A : memref<!tpu.dma_semaphore, #tpu.memory_space<semaphore_mem>>)
      %dma_wait3A_771 = tpu.memref_slice %arg5[%mul3A_2] : memref<32768xi32, #tpu.memory_space<hbm>> -> memref<1024xi32, #tpu.memory_space<hbm>>
      %dma_wait3A_772 = tpu.memref_slice %arg5[%mul3A_2] : memref<32768xi32, #tpu.memory_space<hbm>> -> memref<1024xi32, #tpu.memory_space<hbm>>
      tpu.wait_dma2 semaphore(%run_scoped3A : memref<!tpu.dma_semaphore, #tpu.memory_space<semaphore_mem>>) src(%dma_wait3A_772 : memref<1024xi32, #tpu.memory_space<hbm>>) dst(%arg9 : memref<1024xi32, #tpu.memory_space<vmem>>)
      tpu.yield
    }) : () -> ()
    %dma_start3A = arith.constant 0 : i32
    %dma_start3A_3 = arith.constant 0 : i32
    %dma_start3A_4 = arith.constant 0 : i32
    %dma_start3A_5 = tpu.memref_slice %arg10[%dma_start3A, %dma_start3A_3, %dma_start3A_4] : memref<3x128x256xi32, #tpu.memory_space<vmem>> -> memref<1x128x256xi32, #tpu.memory_space<vmem>>
    %dma_start3A_6 = tpu.memref_squeeze %dma_start3A_5 : memref<1x128x256xi32, #tpu.memory_space<vmem>> -> memref<128x256xi32, #tpu.memory_space<vmem>>
    %dma_start3A_7 = arith.constant 0 : i32
    %dma_start3A_8 = tpu.memref_slice %arg8[%dma_start3A_7] : memref<1024xi32, #tpu.memory_space<vmem>> -> memref<128xi32, #tpu.memory_space<vmem>>
    %dma_start3A_9 = arith.constant 0 : i32
    %dma_start3A_10 = arith.constant 0 : i32
    %dma_start3A_11 = tpu.memref_slice %arg2[%dma_start3A_9, %dma_start3A_10] : memref<4096x256xi32, #tpu.memory_space<hbm>> -> memref<4096x256xi32, #tpu.memory_space<hbm>>
    tpu.enqueue_indirect_dma source(%dma_start3A_11 : memref<4096x256xi32, #tpu.memory_space<hbm>>) target(%dma_start3A_6 : memref<128x256xi32, #tpu.memory_space<vmem>>) offsets(%dma_start3A_8 : memref<128xi32, #tpu.memory_space<vmem>>) semaphore(%arg11 : memref<!tpu.dma_semaphore, #tpu.memory_space<semaphore_mem>>)
    %dma_start3A_12 = arith.constant 1 : i32
    %dma_start3A_13 = arith.constant 0 : i32
    %dma_start3A_14 = arith.constant 0 : i32
    %dma_start3A_15 = tpu.memref_slice %arg10[%dma_start3A_12, %dma_start3A_13, %dma_start3A_14] : memref<3x128x256xi32, #tpu.memory_space<vmem>> -> memref<1x128x256xi32, #tpu.memory_space<vmem>>
    %dma_start3A_16 = tpu.memref_squeeze %dma_start3A_15 : memref<1x128x256xi32, #tpu.memory_space<vmem>> -> memref<128x256xi32, #tpu.memory_space<vmem>>
    %dma_start3A_17 = arith.constant 128 : i32
    %dma_start3A_18 = tpu.memref_slice %arg8[%dma_start3A_17] : memref<1024xi32, #tpu.memory_space<vmem>> -> memref<128xi32, #tpu.memory_space<vmem>>
    %dma_start3A_19 = arith.constant 0 : i32
    %dma_start3A_20 = arith.constant 0 : i32
    %dma_start3A_21 = tpu.memref_slice %arg2[%dma_start3A_19, %dma_start3A_20] : memref<4096x256xi32, #tpu.memory_space<hbm>> -> memref<4096x256xi32, #tpu.memory_space<hbm>>
    tpu.enqueue_indirect_dma source(%dma_start3A_21 : memref<4096x256xi32, #tpu.memory_space<hbm>>) target(%dma_start3A_16 : memref<128x256xi32, #tpu.memory_space<vmem>>) offsets(%dma_start3A_18 : memref<128xi32, #tpu.memory_space<vmem>>) semaphore(%arg12 : memref<!tpu.dma_semaphore, #tpu.memory_space<semaphore_mem>>)
    %dma_wait3A = arith.constant 0 : i32
    %dma_wait3A_22 = arith.constant 0 : i32
    %dma_wait3A_23 = arith.constant 0 : i32
    %dma_wait3A_24 = tpu.memref_slice %arg10[%dma_wait3A, %dma_wait3A_22, %dma_wait3A_23] : memref<3x128x256xi32, #tpu.memory_space<vmem>> -> memref<1x128x256xi32, #tpu.memory_space<vmem>>
    %dma_wait3A_25 = tpu.memref_squeeze %dma_wait3A_24 : memref<1x128x256xi32, #tpu.memory_space<vmem>> -> memref<128x256xi32, #tpu.memory_space<vmem>>
    %dma_wait3A_26 = arith.constant 0 : i32
    %dma_wait3A_27 = tpu.memref_slice %arg8[%dma_wait3A_26] : memref<1024xi32, #tpu.memory_space<vmem>> -> memref<128xi32, #tpu.memory_space<vmem>>
    %dma_wait3A_28 = arith.constant 0 : i32
    %dma_wait3A_29 = arith.constant 0 : i32
    %dma_wait3A_30 = tpu.memref_slice %arg2[%dma_wait3A_28, %dma_wait3A_29] : memref<4096x256xi32, #tpu.memory_space<hbm>> -> memref<4096x256xi32, #tpu.memory_space<hbm>>
    tpu.wait_indirect_dma semaphore(%arg11 : memref<!tpu.dma_semaphore, #tpu.memory_space<semaphore_mem>>) src(%dma_wait3A_30 : memref<4096x256xi32, #tpu.memory_space<hbm>>) dst(%dma_wait3A_25 : memref<128x256xi32, #tpu.memory_space<vmem>>)
    %add3A_31 = arith.constant 0 : i32
    %add3A_32 = arith.addi %mul3A_2, %add3A_31 : i32
    %dma_start3A_33 = arith.constant 0 : i32
    %dma_start3A_34 = arith.constant 0 : i32
    %dma_start3A_35 = arith.constant 0 : i32
    %dma_start3A_36 = tpu.memref_slice %arg10[%dma_start3A_33, %dma_start3A_34, %dma_start3A_35] : memref<3x128x256xi32, #tpu.memory_space<vmem>> -> memref<1x128x256xi32, #tpu.memory_space<vmem>>
    %dma_start3A_37 = tpu.memref_squeeze %dma_start3A_36 : memref<1x128x256xi32, #tpu.memory_space<vmem>> -> memref<128x256xi32, #tpu.memory_space<vmem>>
    %dma_start3A_38 = arith.constant 0 : i32
    %dma_start3A_39 = tpu.memref_slice %arg6[%add3A_32, %dma_start3A_38] : memref<32768x256xi32, #tpu.memory_space<hbm>> -> memref<128x256xi32, #tpu.memory_space<hbm>>
    %dma_start3A_40 = arith.constant 0 : i32
    %dma_start3A_41 = tpu.memref_slice %arg6[%add3A_32, %dma_start3A_40] : memref<32768x256xi32, #tpu.memory_space<hbm>> -> memref<128x256xi32, #tpu.memory_space<hbm>>
    %dma_start3A_42 = arith.constant 0 : i32
    %dma_start3A_43 = arith.constant 0 : i32
    %dma_start3A_44 = tpu.memref_slice %arg10[%dma_start3A_33, %dma_start3A_42, %dma_start3A_43] : memref<3x128x256xi32, #tpu.memory_space<vmem>> -> memref<1x128x256xi32, #tpu.memory_space<vmem>>
    %dma_start3A_45 = tpu.memref_squeeze %dma_start3A_44 : memref<1x128x256xi32, #tpu.memory_space<vmem>> -> memref<128x256xi32, #tpu.memory_space<vmem>>
    tpu.enqueue_dma source(%dma_start3A_45 : memref<128x256xi32, #tpu.memory_space<vmem>>) target(%dma_start3A_41 : memref<128x256xi32, #tpu.memory_space<hbm>>) target_semaphore(%arg14 : memref<!tpu.dma_semaphore, #tpu.memory_space<semaphore_mem>>)
    %dma_start3A_46 = arith.constant 2 : i32
    %dma_start3A_47 = arith.constant 0 : i32
    %dma_start3A_48 = arith.constant 0 : i32
    %dma_start3A_49 = tpu.memref_slice %arg10[%dma_start3A_46, %dma_start3A_47, %dma_start3A_48] : memref<3x128x256xi32, #tpu.memory_space<vmem>> -> memref<1x128x256xi32, #tpu.memory_space<vmem>>
    %dma_start3A_50 = tpu.memref_squeeze %dma_start3A_49 : memref<1x128x256xi32, #tpu.memory_space<vmem>> -> memref<128x256xi32, #tpu.memory_space<vmem>>
    %dma_start3A_51 = arith.constant 256 : i32
    %dma_start3A_52 = tpu.memref_slice %arg8[%dma_start3A_51] : memref<1024xi32, #tpu.memory_space<vmem>> -> memref<128xi32, #tpu.memory_space<vmem>>
    %dma_start3A_53 = arith.constant 0 : i32
    %dma_start3A_54 = arith.constant 0 : i32
    %dma_start3A_55 = tpu.memref_slice %arg2[%dma_start3A_53, %dma_start3A_54] : memref<4096x256xi32, #tpu.memory_space<hbm>> -> memref<4096x256xi32, #tpu.memory_space<hbm>>
    tpu.enqueue_indirect_dma source(%dma_start3A_55 : memref<4096x256xi32, #tpu.memory_space<hbm>>) target(%dma_start3A_50 : memref<128x256xi32, #tpu.memory_space<vmem>>) offsets(%dma_start3A_52 : memref<128xi32, #tpu.memory_space<vmem>>) semaphore(%arg13 : memref<!tpu.dma_semaphore, #tpu.memory_space<semaphore_mem>>)
    %dma_wait3A_56 = arith.constant 1 : i32
    %dma_wait3A_57 = arith.constant 0 : i32
    %dma_wait3A_58 = arith.constant 0 : i32
    %dma_wait3A_59 = tpu.memref_slice %arg10[%dma_wait3A_56, %dma_wait3A_57, %dma_wait3A_58] : memref<3x128x256xi32, #tpu.memory_space<vmem>> -> memref<1x128x256xi32, #tpu.memory_space<vmem>>
    %dma_wait3A_60 = tpu.memref_squeeze %dma_wait3A_59 : memref<1x128x256xi32, #tpu.memory_space<vmem>> -> memref<128x256xi32, #tpu.memory_space<vmem>>
    %dma_wait3A_61 = arith.constant 128 : i32
    %dma_wait3A_62 = tpu.memref_slice %arg8[%dma_wait3A_61] : memref<1024xi32, #tpu.memory_space<vmem>> -> memref<128xi32, #tpu.memory_space<vmem>>
    %dma_wait3A_63 = arith.constant 0 : i32
    %dma_wait3A_64 = arith.constant 0 : i32
    %dma_wait3A_65 = tpu.memref_slice %arg2[%dma_wait3A_63, %dma_wait3A_64] : memref<4096x256xi32, #tpu.memory_space<hbm>> -> memref<4096x256xi32, #tpu.memory_space<hbm>>
    tpu.wait_indirect_dma semaphore(%arg12 : memref<!tpu.dma_semaphore, #tpu.memory_space<semaphore_mem>>) src(%dma_wait3A_65 : memref<4096x256xi32, #tpu.memory_space<hbm>>) dst(%dma_wait3A_60 : memref<128x256xi32, #tpu.memory_space<vmem>>)
    %add3A_66 = arith.constant 128 : i32
    %add3A_67 = arith.addi %mul3A_2, %add3A_66 : i32
    %dma_start3A_68 = arith.constant 1 : i32
    %dma_start3A_69 = arith.constant 0 : i32
    %dma_start3A_70 = arith.constant 0 : i32
    %dma_start3A_71 = tpu.memref_slice %arg10[%dma_start3A_68, %dma_start3A_69, %dma_start3A_70] : memref<3x128x256xi32, #tpu.memory_space<vmem>> -> memref<1x128x256xi32, #tpu.memory_space<vmem>>
    %dma_start3A_72 = tpu.memref_squeeze %dma_start3A_71 : memref<1x128x256xi32, #tpu.memory_space<vmem>> -> memref<128x256xi32, #tpu.memory_space<vmem>>
    %dma_start3A_73 = arith.constant 0 : i32
    %dma_start3A_74 = tpu.memref_slice %arg6[%add3A_67, %dma_start3A_73] : memref<32768x256xi32, #tpu.memory_space<hbm>> -> memref<128x256xi32, #tpu.memory_space<hbm>>
    %dma_start3A_75 = arith.constant 0 : i32
    %dma_start3A_76 = tpu.memref_slice %arg6[%add3A_67, %dma_start3A_75] : memref<32768x256xi32, #tpu.memory_space<hbm>> -> memref<128x256xi32, #tpu.memory_space<hbm>>
    %dma_start3A_77 = arith.constant 0 : i32
    %dma_start3A_78 = arith.constant 0 : i32
    %dma_start3A_79 = tpu.memref_slice %arg10[%dma_start3A_68, %dma_start3A_77, %dma_start3A_78] : memref<3x128x256xi32, #tpu.memory_space<vmem>> -> memref<1x128x256xi32, #tpu.memory_space<vmem>>
    %dma_start3A_80 = tpu.memref_squeeze %dma_start3A_79 : memref<1x128x256xi32, #tpu.memory_space<vmem>> -> memref<128x256xi32, #tpu.memory_space<vmem>>
    tpu.enqueue_dma source(%dma_start3A_80 : memref<128x256xi32, #tpu.memory_space<vmem>>) target(%dma_start3A_76 : memref<128x256xi32, #tpu.memory_space<hbm>>) target_semaphore(%arg15 : memref<!tpu.dma_semaphore, #tpu.memory_space<semaphore_mem>>)
    %dma_wait3A_81 = arith.constant 0 : i32
    %dma_wait3A_82 = arith.constant 0 : i32
    %dma_wait3A_83 = arith.constant 0 : i32
    %dma_wait3A_84 = tpu.memref_slice %arg10[%dma_wait3A_81, %dma_wait3A_82, %dma_wait3A_83] : memref<3x128x256xi32, #tpu.memory_space<vmem>> -> memref<1x128x256xi32, #tpu.memory_space<vmem>>
    %dma_wait3A_85 = tpu.memref_squeeze %dma_wait3A_84 : memref<1x128x256xi32, #tpu.memory_space<vmem>> -> memref<128x256xi32, #tpu.memory_space<vmem>>
    %dma_wait3A_86 = arith.constant 0 : i32
    %dma_wait3A_87 = tpu.memref_slice %arg6[%add3A_32, %dma_wait3A_86] : memref<32768x256xi32, #tpu.memory_space<hbm>> -> memref<128x256xi32, #tpu.memory_space<hbm>>
    %dma_wait3A_88 = arith.constant 0 : i32
    %dma_wait3A_89 = tpu.memref_slice %arg6[%add3A_32, %dma_wait3A_88] : memref<32768x256xi32, #tpu.memory_space<hbm>> -> memref<128x256xi32, #tpu.memory_space<hbm>>
    %dma_wait3A_90 = arith.constant 0 : i32
    %dma_wait3A_91 = arith.constant 0 : i32
    %dma_wait3A_92 = tpu.memref_slice %arg10[%dma_wait3A_81, %dma_wait3A_90, %dma_wait3A_91] : memref<3x128x256xi32, #tpu.memory_space<vmem>> -> memref<1x128x256xi32, #tpu.memory_space<vmem>>
    %dma_wait3A_93 = tpu.memref_squeeze %dma_wait3A_92 : memref<1x128x256xi32, #tpu.memory_space<vmem>> -> memref<128x256xi32, #tpu.memory_space<vmem>>
    tpu.wait_dma2 semaphore(%arg14 : memref<!tpu.dma_semaphore, #tpu.memory_space<semaphore_mem>>) src(%dma_wait3A_93 : memref<128x256xi32, #tpu.memory_space<vmem>>) dst(%dma_wait3A_89 : memref<128x256xi32, #tpu.memory_space<hbm>>)
    %dma_start3A_94 = arith.constant 0 : i32
    %dma_start3A_95 = arith.constant 0 : i32
    %dma_start3A_96 = arith.constant 0 : i32
    %dma_start3A_97 = tpu.memref_slice %arg10[%dma_start3A_94, %dma_start3A_95, %dma_start3A_96] : memref<3x128x256xi32, #tpu.memory_space<vmem>> -> memref<1x128x256xi32, #tpu.memory_space<vmem>>
    %dma_start3A_98 = tpu.memref_squeeze %dma_start3A_97 : memref<1x128x256xi32, #tpu.memory_space<vmem>> -> memref<128x256xi32, #tpu.memory_space<vmem>>
    %dma_start3A_99 = arith.constant 384 : i32
    %dma_start3A_100 = tpu.memref_slice %arg8[%dma_start3A_99] : memref<1024xi32, #tpu.memory_space<vmem>> -> memref<128xi32, #tpu.memory_space<vmem>>
    %dma_start3A_101 = arith.constant 0 : i32
    %dma_start3A_102 = arith.constant 0 : i32
    %dma_start3A_103 = tpu.memref_slice %arg2[%dma_start3A_101, %dma_start3A_102] : memref<4096x256xi32, #tpu.memory_space<hbm>> -> memref<4096x256xi32, #tpu.memory_space<hbm>>
    tpu.enqueue_indirect_dma source(%dma_start3A_103 : memref<4096x256xi32, #tpu.memory_space<hbm>>) target(%dma_start3A_98 : memref<128x256xi32, #tpu.memory_space<vmem>>) offsets(%dma_start3A_100 : memref<128xi32, #tpu.memory_space<vmem>>) semaphore(%arg11 : memref<!tpu.dma_semaphore, #tpu.memory_space<semaphore_mem>>)
    %dma_wait3A_104 = arith.constant 2 : i32
    %dma_wait3A_105 = arith.constant 0 : i32
    %dma_wait3A_106 = arith.constant 0 : i32
    %dma_wait3A_107 = tpu.memref_slice %arg10[%dma_wait3A_104, %dma_wait3A_105, %dma_wait3A_106] : memref<3x128x256xi32, #tpu.memory_space<vmem>> -> memref<1x128x256xi32, #tpu.memory_space<vmem>>
    %dma_wait3A_108 = tpu.memref_squeeze %dma_wait3A_107 : memref<1x128x256xi32, #tpu.memory_space<vmem>> -> memref<128x256xi32, #tpu.memory_space<vmem>>
    %dma_wait3A_109 = arith.constant 256 : i32
    %dma_wait3A_110 = tpu.memref_slice %arg8[%dma_wait3A_109] : memref<1024xi32, #tpu.memory_space<vmem>> -> memref<128xi32, #tpu.memory_space<vmem>>
    %dma_wait3A_111 = arith.constant 0 : i32
    %dma_wait3A_112 = arith.constant 0 : i32
    %dma_wait3A_113 = tpu.memref_slice %arg2[%dma_wait3A_111, %dma_wait3A_112] : memref<4096x256xi32, #tpu.memory_space<hbm>> -> memref<4096x256xi32, #tpu.memory_space<hbm>>
    tpu.wait_indirect_dma semaphore(%arg13 : memref<!tpu.dma_semaphore, #tpu.memory_space<semaphore_mem>>) src(%dma_wait3A_113 : memref<4096x256xi32, #tpu.memory_space<hbm>>) dst(%dma_wait3A_108 : memref<128x256xi32, #tpu.memory_space<vmem>>)
    %add3A_114 = arith.constant 256 : i32
    %add3A_115 = arith.addi %mul3A_2, %add3A_114 : i32
    %dma_start3A_116 = arith.constant 2 : i32
    %dma_start3A_117 = arith.constant 0 : i32
    %dma_start3A_118 = arith.constant 0 : i32
    %dma_start3A_119 = tpu.memref_slice %arg10[%dma_start3A_116, %dma_start3A_117, %dma_start3A_118] : memref<3x128x256xi32, #tpu.memory_space<vmem>> -> memref<1x128x256xi32, #tpu.memory_space<vmem>>
    %dma_start3A_120 = tpu.memref_squeeze %dma_start3A_119 : memref<1x128x256xi32, #tpu.memory_space<vmem>> -> memref<128x256xi32, #tpu.memory_space<vmem>>
    %dma_start3A_121 = arith.constant 0 : i32
    %dma_start3A_122 = tpu.memref_slice %arg6[%add3A_115, %dma_start3A_121] : memref<32768x256xi32, #tpu.memory_space<hbm>> -> memref<128x256xi32, #tpu.memory_space<hbm>>
    %dma_start3A_123 = arith.constant 0 : i32
    %dma_start3A_124 = tpu.memref_slice %arg6[%add3A_115, %dma_start3A_123] : memref<32768x256xi32, #tpu.memory_space<hbm>> -> memref<128x256xi32, #tpu.memory_space<hbm>>
    %dma_start3A_125 = arith.constant 0 : i32
    %dma_start3A_126 = arith.constant 0 : i32
    %dma_start3A_127 = tpu.memref_slice %arg10[%dma_start3A_116, %dma_start3A_125, %dma_start3A_126] : memref<3x128x256xi32, #tpu.memory_space<vmem>> -> memref<1x128x256xi32, #tpu.memory_space<vmem>>
    %dma_start3A_128 = tpu.memref_squeeze %dma_start3A_127 : memref<1x128x256xi32, #tpu.memory_space<vmem>> -> memref<128x256xi32, #tpu.memory_space<vmem>>
    tpu.enqueue_dma source(%dma_start3A_128 : memref<128x256xi32, #tpu.memory_space<vmem>>) target(%dma_start3A_124 : memref<128x256xi32, #tpu.memory_space<hbm>>) target_semaphore(%arg16 : memref<!tpu.dma_semaphore, #tpu.memory_space<semaphore_mem>>)
    %dma_wait3A_129 = arith.constant 1 : i32
    %dma_wait3A_130 = arith.constant 0 : i32
    %dma_wait3A_131 = arith.constant 0 : i32
    %dma_wait3A_132 = tpu.memref_slice %arg10[%dma_wait3A_129, %dma_wait3A_130, %dma_wait3A_131] : memref<3x128x256xi32, #tpu.memory_space<vmem>> -> memref<1x128x256xi32, #tpu.memory_space<vmem>>
    %dma_wait3A_133 = tpu.memref_squeeze %dma_wait3A_132 : memref<1x128x256xi32, #tpu.memory_space<vmem>> -> memref<128x256xi32, #tpu.memory_space<vmem>>
    %dma_wait3A_134 = arith.constant 0 : i32
    %dma_wait3A_135 = tpu.memref_slice %arg6[%add3A_67, %dma_wait3A_134] : memref<32768x256xi32, #tpu.memory_space<hbm>> -> memref<128x256xi32, #tpu.memory_space<hbm>>
    %dma_wait3A_136 = arith.constant 0 : i32
    %dma_wait3A_137 = tpu.memref_slice %arg6[%add3A_67, %dma_wait3A_136] : memref<32768x256xi32, #tpu.memory_space<hbm>> -> memref<128x256xi32, #tpu.memory_space<hbm>>
    %dma_wait3A_138 = arith.constant 0 : i32
    %dma_wait3A_139 = arith.constant 0 : i32
    %dma_wait3A_140 = tpu.memref_slice %arg10[%dma_wait3A_129, %dma_wait3A_138, %dma_wait3A_139] : memref<3x128x256xi32, #tpu.memory_space<vmem>> -> memref<1x128x256xi32, #tpu.memory_space<vmem>>
    %dma_wait3A_141 = tpu.memref_squeeze %dma_wait3A_140 : memref<1x128x256xi32, #tpu.memory_space<vmem>> -> memref<128x256xi32, #tpu.memory_space<vmem>>
    tpu.wait_dma2 semaphore(%arg15 : memref<!tpu.dma_semaphore, #tpu.memory_space<semaphore_mem>>) src(%dma_wait3A_141 : memref<128x256xi32, #tpu.memory_space<vmem>>) dst(%dma_wait3A_137 : memref<128x256xi32, #tpu.memory_space<hbm>>)
    %dma_start3A_142 = arith.constant 1 : i32
    %dma_start3A_143 = arith.constant 0 : i32
    %dma_start3A_144 = arith.constant 0 : i32
    %dma_start3A_145 = tpu.memref_slice %arg10[%dma_start3A_142, %dma_start3A_143, %dma_start3A_144] : memref<3x128x256xi32, #tpu.memory_space<vmem>> -> memref<1x128x256xi32, #tpu.memory_space<vmem>>
    %dma_start3A_146 = tpu.memref_squeeze %dma_start3A_145 : memref<1x128x256xi32, #tpu.memory_space<vmem>> -> memref<128x256xi32, #tpu.memory_space<vmem>>
    %dma_start3A_147 = arith.constant 512 : i32
    %dma_start3A_148 = tpu.memref_slice %arg8[%dma_start3A_147] : memref<1024xi32, #tpu.memory_space<vmem>> -> memref<128xi32, #tpu.memory_space<vmem>>
    %dma_start3A_149 = arith.constant 0 : i32
    %dma_start3A_150 = arith.constant 0 : i32
    %dma_start3A_151 = tpu.memref_slice %arg2[%dma_start3A_149, %dma_start3A_150] : memref<4096x256xi32, #tpu.memory_space<hbm>> -> memref<4096x256xi32, #tpu.memory_space<hbm>>
    tpu.enqueue_indirect_dma source(%dma_start3A_151 : memref<4096x256xi32, #tpu.memory_space<hbm>>) target(%dma_start3A_146 : memref<128x256xi32, #tpu.memory_space<vmem>>) offsets(%dma_start3A_148 : memref<128xi32, #tpu.memory_space<vmem>>) semaphore(%arg12 : memref<!tpu.dma_semaphore, #tpu.memory_space<semaphore_mem>>)
    %dma_wait3A_152 = arith.constant 0 : i32
    %dma_wait3A_153 = arith.constant 0 : i32
    %dma_wait3A_154 = arith.constant 0 : i32
    %dma_wait3A_155 = tpu.memref_slice %arg10[%dma_wait3A_152, %dma_wait3A_153, %dma_wait3A_154] : memref<3x128x256xi32, #tpu.memory_space<vmem>> -> memref<1x128x256xi32, #tpu.memory_space<vmem>>
    %dma_wait3A_156 = tpu.memref_squeeze %dma_wait3A_155 : memref<1x128x256xi32, #tpu.memory_space<vmem>> -> memref<128x256xi32, #tpu.memory_space<vmem>>
    %dma_wait3A_157 = arith.constant 384 : i32
    %dma_wait3A_158 = tpu.memref_slice %arg8[%dma_wait3A_157] : memref<1024xi32, #tpu.memory_space<vmem>> -> memref<128xi32, #tpu.memory_space<vmem>>
    %dma_wait3A_159 = arith.constant 0 : i32
    %dma_wait3A_160 = arith.constant 0 : i32
    %dma_wait3A_161 = tpu.memref_slice %arg2[%dma_wait3A_159, %dma_wait3A_160] : memref<4096x256xi32, #tpu.memory_space<hbm>> -> memref<4096x256xi32, #tpu.memory_space<hbm>>
    tpu.wait_indirect_dma semaphore(%arg11 : memref<!tpu.dma_semaphore, #tpu.memory_space<semaphore_mem>>) src(%dma_wait3A_161 : memref<4096x256xi32, #tpu.memory_space<hbm>>) dst(%dma_wait3A_156 : memref<128x256xi32, #tpu.memory_space<vmem>>)
    %add3A_162 = arith.constant 384 : i32
    %add3A_163 = arith.addi %mul3A_2, %add3A_162 : i32
    %dma_start3A_164 = arith.constant 0 : i32
    %dma_start3A_165 = arith.constant 0 : i32
    %dma_start3A_166 = arith.constant 0 : i32
    %dma_start3A_167 = tpu.memref_slice %arg10[%dma_start3A_164, %dma_start3A_165, %dma_start3A_166] : memref<3x128x256xi32, #tpu.memory_space<vmem>> -> memref<1x128x256xi32, #tpu.memory_space<vmem>>
    %dma_start3A_168 = tpu.memref_squeeze %dma_start3A_167 : memref<1x128x256xi32, #tpu.memory_space<vmem>> -> memref<128x256xi32, #tpu.memory_space<vmem>>
    %dma_start3A_169 = arith.constant 0 : i32
    %dma_start3A_170 = tpu.memref_slice %arg6[%add3A_163, %dma_start3A_169] : memref<32768x256xi32, #tpu.memory_space<hbm>> -> memref<128x256xi32, #tpu.memory_space<hbm>>
    %dma_start3A_171 = arith.constant 0 : i32
    %dma_start3A_172 = tpu.memref_slice %arg6[%add3A_163, %dma_start3A_171] : memref<32768x256xi32, #tpu.memory_space<hbm>> -> memref<128x256xi32, #tpu.memory_space<hbm>>
    %dma_start3A_173 = arith.constant 0 : i32
    %dma_start3A_174 = arith.constant 0 : i32
    %dma_start3A_175 = tpu.memref_slice %arg10[%dma_start3A_164, %dma_start3A_173, %dma_start3A_174] : memref<3x128x256xi32, #tpu.memory_space<vmem>> -> memref<1x128x256xi32, #tpu.memory_space<vmem>>
    %dma_start3A_176 = tpu.memref_squeeze %dma_start3A_175 : memref<1x128x256xi32, #tpu.memory_space<vmem>> -> memref<128x256xi32, #tpu.memory_space<vmem>>
    tpu.enqueue_dma source(%dma_start3A_176 : memref<128x256xi32, #tpu.memory_space<vmem>>) target(%dma_start3A_172 : memref<128x256xi32, #tpu.memory_space<hbm>>) target_semaphore(%arg14 : memref<!tpu.dma_semaphore, #tpu.memory_space<semaphore_mem>>)
    %dma_wait3A_177 = arith.constant 2 : i32
    %dma_wait3A_178 = arith.constant 0 : i32
    %dma_wait3A_179 = arith.constant 0 : i32
    %dma_wait3A_180 = tpu.memref_slice %arg10[%dma_wait3A_177, %dma_wait3A_178, %dma_wait3A_179] : memref<3x128x256xi32, #tpu.memory_space<vmem>> -> memref<1x128x256xi32, #tpu.memory_space<vmem>>
    %dma_wait3A_181 = tpu.memref_squeeze %dma_wait3A_180 : memref<1x128x256xi32, #tpu.memory_space<vmem>> -> memref<128x256xi32, #tpu.memory_space<vmem>>
    %dma_wait3A_182 = arith.constant 0 : i32
    %dma_wait3A_183 = tpu.memref_slice %arg6[%add3A_115, %dma_wait3A_182] : memref<32768x256xi32, #tpu.memory_space<hbm>> -> memref<128x256xi32, #tpu.memory_space<hbm>>
    %dma_wait3A_184 = arith.constant 0 : i32
    %dma_wait3A_185 = tpu.memref_slice %arg6[%add3A_115, %dma_wait3A_184] : memref<32768x256xi32, #tpu.memory_space<hbm>> -> memref<128x256xi32, #tpu.memory_space<hbm>>
    %dma_wait3A_186 = arith.constant 0 : i32
    %dma_wait3A_187 = arith.constant 0 : i32
    %dma_wait3A_188 = tpu.memref_slice %arg10[%dma_wait3A_177, %dma_wait3A_186, %dma_wait3A_187] : memref<3x128x256xi32, #tpu.memory_space<vmem>> -> memref<1x128x256xi32, #tpu.memory_space<vmem>>
    %dma_wait3A_189 = tpu.memref_squeeze %dma_wait3A_188 : memref<1x128x256xi32, #tpu.memory_space<vmem>> -> memref<128x256xi32, #tpu.memory_space<vmem>>
    tpu.wait_dma2 semaphore(%arg16 : memref<!tpu.dma_semaphore, #tpu.memory_space<semaphore_mem>>) src(%dma_wait3A_189 : memref<128x256xi32, #tpu.memory_space<vmem>>) dst(%dma_wait3A_185 : memref<128x256xi32, #tpu.memory_space<hbm>>)
    %dma_start3A_190 = arith.constant 2 : i32
    %dma_start3A_191 = arith.constant 0 : i32
    %dma_start3A_192 = arith.constant 0 : i32
    %dma_start3A_193 = tpu.memref_slice %arg10[%dma_start3A_190, %dma_start3A_191, %dma_start3A_192] : memref<3x128x256xi32, #tpu.memory_space<vmem>> -> memref<1x128x256xi32, #tpu.memory_space<vmem>>
    %dma_start3A_194 = tpu.memref_squeeze %dma_start3A_193 : memref<1x128x256xi32, #tpu.memory_space<vmem>> -> memref<128x256xi32, #tpu.memory_space<vmem>>
    %dma_start3A_195 = arith.constant 640 : i32
    %dma_start3A_196 = tpu.memref_slice %arg8[%dma_start3A_195] : memref<1024xi32, #tpu.memory_space<vmem>> -> memref<128xi32, #tpu.memory_space<vmem>>
    %dma_start3A_197 = arith.constant 0 : i32
    %dma_start3A_198 = arith.constant 0 : i32
    %dma_start3A_199 = tpu.memref_slice %arg2[%dma_start3A_197, %dma_start3A_198] : memref<4096x256xi32, #tpu.memory_space<hbm>> -> memref<4096x256xi32, #tpu.memory_space<hbm>>
    tpu.enqueue_indirect_dma source(%dma_start3A_199 : memref<4096x256xi32, #tpu.memory_space<hbm>>) target(%dma_start3A_194 : memref<128x256xi32, #tpu.memory_space<vmem>>) offsets(%dma_start3A_196 : memref<128xi32, #tpu.memory_space<vmem>>) semaphore(%arg13 : memref<!tpu.dma_semaphore, #tpu.memory_space<semaphore_mem>>)
    %dma_wait3A_200 = arith.constant 1 : i32
    %dma_wait3A_201 = arith.constant 0 : i32
    %dma_wait3A_202 = arith.constant 0 : i32
    %dma_wait3A_203 = tpu.memref_slice %arg10[%dma_wait3A_200, %dma_wait3A_201, %dma_wait3A_202] : memref<3x128x256xi32, #tpu.memory_space<vmem>> -> memref<1x128x256xi32, #tpu.memory_space<vmem>>
    %dma_wait3A_204 = tpu.memref_squeeze %dma_wait3A_203 : memref<1x128x256xi32, #tpu.memory_space<vmem>> -> memref<128x256xi32, #tpu.memory_space<vmem>>
    %dma_wait3A_205 = arith.constant 512 : i32
    %dma_wait3A_206 = tpu.memref_slice %arg8[%dma_wait3A_205] : memref<1024xi32, #tpu.memory_space<vmem>> -> memref<128xi32, #tpu.memory_space<vmem>>
    %dma_wait3A_207 = arith.constant 0 : i32
    %dma_wait3A_208 = arith.constant 0 : i32
    %dma_wait3A_209 = tpu.memref_slice %arg2[%dma_wait3A_207, %dma_wait3A_208] : memref<4096x256xi32, #tpu.memory_space<hbm>> -> memref<4096x256xi32, #tpu.memory_space<hbm>>
    tpu.wait_indirect_dma semaphore(%arg12 : memref<!tpu.dma_semaphore, #tpu.memory_space<semaphore_mem>>) src(%dma_wait3A_209 : memref<4096x256xi32, #tpu.memory_space<hbm>>) dst(%dma_wait3A_204 : memref<128x256xi32, #tpu.memory_space<vmem>>)
    %add3A_210 = arith.constant 512 : i32
    %add3A_211 = arith.addi %mul3A_2, %add3A_210 : i32
    %dma_start3A_212 = arith.constant 1 : i32
    %dma_start3A_213 = arith.constant 0 : i32
    %dma_start3A_214 = arith.constant 0 : i32
    %dma_start3A_215 = tpu.memref_slice %arg10[%dma_start3A_212, %dma_start3A_213, %dma_start3A_214] : memref<3x128x256xi32, #tpu.memory_space<vmem>> -> memref<1x128x256xi32, #tpu.memory_space<vmem>>
    %dma_start3A_216 = tpu.memref_squeeze %dma_start3A_215 : memref<1x128x256xi32, #tpu.memory_space<vmem>> -> memref<128x256xi32, #tpu.memory_space<vmem>>
    %dma_start3A_217 = arith.constant 0 : i32
    %dma_start3A_218 = tpu.memref_slice %arg6[%add3A_211, %dma_start3A_217] : memref<32768x256xi32, #tpu.memory_space<hbm>> -> memref<128x256xi32, #tpu.memory_space<hbm>>
    %dma_start3A_219 = arith.constant 0 : i32
    %dma_start3A_220 = tpu.memref_slice %arg6[%add3A_211, %dma_start3A_219] : memref<32768x256xi32, #tpu.memory_space<hbm>> -> memref<128x256xi32, #tpu.memory_space<hbm>>
    %dma_start3A_221 = arith.constant 0 : i32
    %dma_start3A_222 = arith.constant 0 : i32
    %dma_start3A_223 = tpu.memref_slice %arg10[%dma_start3A_212, %dma_start3A_221, %dma_start3A_222] : memref<3x128x256xi32, #tpu.memory_space<vmem>> -> memref<1x128x256xi32, #tpu.memory_space<vmem>>
    %dma_start3A_224 = tpu.memref_squeeze %dma_start3A_223 : memref<1x128x256xi32, #tpu.memory_space<vmem>> -> memref<128x256xi32, #tpu.memory_space<vmem>>
    tpu.enqueue_dma source(%dma_start3A_224 : memref<128x256xi32, #tpu.memory_space<vmem>>) target(%dma_start3A_220 : memref<128x256xi32, #tpu.memory_space<hbm>>) target_semaphore(%arg15 : memref<!tpu.dma_semaphore, #tpu.memory_space<semaphore_mem>>)
    %dma_wait3A_225 = arith.constant 0 : i32
    %dma_wait3A_226 = arith.constant 0 : i32
    %dma_wait3A_227 = arith.constant 0 : i32
    %dma_wait3A_228 = tpu.memref_slice %arg10[%dma_wait3A_225, %dma_wait3A_226, %dma_wait3A_227] : memref<3x128x256xi32, #tpu.memory_space<vmem>> -> memref<1x128x256xi32, #tpu.memory_space<vmem>>
    %dma_wait3A_229 = tpu.memref_squeeze %dma_wait3A_228 : memref<1x128x256xi32, #tpu.memory_space<vmem>> -> memref<128x256xi32, #tpu.memory_space<vmem>>
    %dma_wait3A_230 = arith.constant 0 : i32
    %dma_wait3A_231 = tpu.memref_slice %arg6[%add3A_163, %dma_wait3A_230] : memref<32768x256xi32, #tpu.memory_space<hbm>> -> memref<128x256xi32, #tpu.memory_space<hbm>>
    %dma_wait3A_232 = arith.constant 0 : i32
    %dma_wait3A_233 = tpu.memref_slice %arg6[%add3A_163, %dma_wait3A_232] : memref<32768x256xi32, #tpu.memory_space<hbm>> -> memref<128x256xi32, #tpu.memory_space<hbm>>
    %dma_wait3A_234 = arith.constant 0 : i32
    %dma_wait3A_235 = arith.constant 0 : i32
    %dma_wait3A_236 = tpu.memref_slice %arg10[%dma_wait3A_225, %dma_wait3A_234, %dma_wait3A_235] : memref<3x128x256xi32, #tpu.memory_space<vmem>> -> memref<1x128x256xi32, #tpu.memory_space<vmem>>
    %dma_wait3A_237 = tpu.memref_squeeze %dma_wait3A_236 : memref<1x128x256xi32, #tpu.memory_space<vmem>> -> memref<128x256xi32, #tpu.memory_space<vmem>>
    tpu.wait_dma2 semaphore(%arg14 : memref<!tpu.dma_semaphore, #tpu.memory_space<semaphore_mem>>) src(%dma_wait3A_237 : memref<128x256xi32, #tpu.memory_space<vmem>>) dst(%dma_wait3A_233 : memref<128x256xi32, #tpu.memory_space<hbm>>)
    %dma_start3A_238 = arith.constant 0 : i32
    %dma_start3A_239 = arith.constant 0 : i32
    %dma_start3A_240 = arith.constant 0 : i32
    %dma_start3A_241 = tpu.memref_slice %arg10[%dma_start3A_238, %dma_start3A_239, %dma_start3A_240] : memref<3x128x256xi32, #tpu.memory_space<vmem>> -> memref<1x128x256xi32, #tpu.memory_space<vmem>>
    %dma_start3A_242 = tpu.memref_squeeze %dma_start3A_241 : memref<1x128x256xi32, #tpu.memory_space<vmem>> -> memref<128x256xi32, #tpu.memory_space<vmem>>
    %dma_start3A_243 = arith.constant 768 : i32
    %dma_start3A_244 = tpu.memref_slice %arg8[%dma_start3A_243] : memref<1024xi32, #tpu.memory_space<vmem>> -> memref<128xi32, #tpu.memory_space<vmem>>
    %dma_start3A_245 = arith.constant 0 : i32
    %dma_start3A_246 = arith.constant 0 : i32
    %dma_start3A_247 = tpu.memref_slice %arg2[%dma_start3A_245, %dma_start3A_246] : memref<4096x256xi32, #tpu.memory_space<hbm>> -> memref<4096x256xi32, #tpu.memory_space<hbm>>
    tpu.enqueue_indirect_dma source(%dma_start3A_247 : memref<4096x256xi32, #tpu.memory_space<hbm>>) target(%dma_start3A_242 : memref<128x256xi32, #tpu.memory_space<vmem>>) offsets(%dma_start3A_244 : memref<128xi32, #tpu.memory_space<vmem>>) semaphore(%arg11 : memref<!tpu.dma_semaphore, #tpu.memory_space<semaphore_mem>>)
    %dma_wait3A_248 = arith.constant 2 : i32
    %dma_wait3A_249 = arith.constant 0 : i32
    %dma_wait3A_250 = arith.constant 0 : i32
    %dma_wait3A_251 = tpu.memref_slice %arg10[%dma_wait3A_248, %dma_wait3A_249, %dma_wait3A_250] : memref<3x128x256xi32, #tpu.memory_space<vmem>> -> memref<1x128x256xi32, #tpu.memory_space<vmem>>
    %dma_wait3A_252 = tpu.memref_squeeze %dma_wait3A_251 : memref<1x128x256xi32, #tpu.memory_space<vmem>> -> memref<128x256xi32, #tpu.memory_space<vmem>>
    %dma_wait3A_253 = arith.constant 640 : i32
    %dma_wait3A_254 = tpu.memref_slice %arg8[%dma_wait3A_253] : memref<1024xi32, #tpu.memory_space<vmem>> -> memref<128xi32, #tpu.memory_space<vmem>>
    %dma_wait3A_255 = arith.constant 0 : i32
    %dma_wait3A_256 = arith.constant 0 : i32
    %dma_wait3A_257 = tpu.memref_slice %arg2[%dma_wait3A_255, %dma_wait3A_256] : memref<4096x256xi32, #tpu.memory_space<hbm>> -> memref<4096x256xi32, #tpu.memory_space<hbm>>
    tpu.wait_indirect_dma semaphore(%arg13 : memref<!tpu.dma_semaphore, #tpu.memory_space<semaphore_mem>>) src(%dma_wait3A_257 : memref<4096x256xi32, #tpu.memory_space<hbm>>) dst(%dma_wait3A_252 : memref<128x256xi32, #tpu.memory_space<vmem>>)
    %add3A_258 = arith.constant 640 : i32
    %add3A_259 = arith.addi %mul3A_2, %add3A_258 : i32
    %dma_start3A_260 = arith.constant 2 : i32
    %dma_start3A_261 = arith.constant 0 : i32
    %dma_start3A_262 = arith.constant 0 : i32
    %dma_start3A_263 = tpu.memref_slice %arg10[%dma_start3A_260, %dma_start3A_261, %dma_start3A_262] : memref<3x128x256xi32, #tpu.memory_space<vmem>> -> memref<1x128x256xi32, #tpu.memory_space<vmem>>
    %dma_start3A_264 = tpu.memref_squeeze %dma_start3A_263 : memref<1x128x256xi32, #tpu.memory_space<vmem>> -> memref<128x256xi32, #tpu.memory_space<vmem>>
    %dma_start3A_265 = arith.constant 0 : i32
    %dma_start3A_266 = tpu.memref_slice %arg6[%add3A_259, %dma_start3A_265] : memref<32768x256xi32, #tpu.memory_space<hbm>> -> memref<128x256xi32, #tpu.memory_space<hbm>>
    %dma_start3A_267 = arith.constant 0 : i32
    %dma_start3A_268 = tpu.memref_slice %arg6[%add3A_259, %dma_start3A_267] : memref<32768x256xi32, #tpu.memory_space<hbm>> -> memref<128x256xi32, #tpu.memory_space<hbm>>
    %dma_start3A_269 = arith.constant 0 : i32
    %dma_start3A_270 = arith.constant 0 : i32
    %dma_start3A_271 = tpu.memref_slice %arg10[%dma_start3A_260, %dma_start3A_269, %dma_start3A_270] : memref<3x128x256xi32, #tpu.memory_space<vmem>> -> memref<1x128x256xi32, #tpu.memory_space<vmem>>
    %dma_start3A_272 = tpu.memref_squeeze %dma_start3A_271 : memref<1x128x256xi32, #tpu.memory_space<vmem>> -> memref<128x256xi32, #tpu.memory_space<vmem>>
    tpu.enqueue_dma source(%dma_start3A_272 : memref<128x256xi32, #tpu.memory_space<vmem>>) target(%dma_start3A_268 : memref<128x256xi32, #tpu.memory_space<hbm>>) target_semaphore(%arg16 : memref<!tpu.dma_semaphore, #tpu.memory_space<semaphore_mem>>)
    %dma_wait3A_273 = arith.constant 1 : i32
    %dma_wait3A_274 = arith.constant 0 : i32
    %dma_wait3A_275 = arith.constant 0 : i32
    %dma_wait3A_276 = tpu.memref_slice %arg10[%dma_wait3A_273, %dma_wait3A_274, %dma_wait3A_275] : memref<3x128x256xi32, #tpu.memory_space<vmem>> -> memref<1x128x256xi32, #tpu.memory_space<vmem>>
    %dma_wait3A_277 = tpu.memref_squeeze %dma_wait3A_276 : memref<1x128x256xi32, #tpu.memory_space<vmem>> -> memref<128x256xi32, #tpu.memory_space<vmem>>
    %dma_wait3A_278 = arith.constant 0 : i32
    %dma_wait3A_279 = tpu.memref_slice %arg6[%add3A_211, %dma_wait3A_278] : memref<32768x256xi32, #tpu.memory_space<hbm>> -> memref<128x256xi32, #tpu.memory_space<hbm>>
    %dma_wait3A_280 = arith.constant 0 : i32
    %dma_wait3A_281 = tpu.memref_slice %arg6[%add3A_211, %dma_wait3A_280] : memref<32768x256xi32, #tpu.memory_space<hbm>> -> memref<128x256xi32, #tpu.memory_space<hbm>>
    %dma_wait3A_282 = arith.constant 0 : i32
    %dma_wait3A_283 = arith.constant 0 : i32
    %dma_wait3A_284 = tpu.memref_slice %arg10[%dma_wait3A_273, %dma_wait3A_282, %dma_wait3A_283] : memref<3x128x256xi32, #tpu.memory_space<vmem>> -> memref<1x128x256xi32, #tpu.memory_space<vmem>>
    %dma_wait3A_285 = tpu.memref_squeeze %dma_wait3A_284 : memref<1x128x256xi32, #tpu.memory_space<vmem>> -> memref<128x256xi32, #tpu.memory_space<vmem>>
    tpu.wait_dma2 semaphore(%arg15 : memref<!tpu.dma_semaphore, #tpu.memory_space<semaphore_mem>>) src(%dma_wait3A_285 : memref<128x256xi32, #tpu.memory_space<vmem>>) dst(%dma_wait3A_281 : memref<128x256xi32, #tpu.memory_space<hbm>>)
    %dma_start3A_286 = arith.constant 1 : i32
    %dma_start3A_287 = arith.constant 0 : i32
    %dma_start3A_288 = arith.constant 0 : i32
    %dma_start3A_289 = tpu.memref_slice %arg10[%dma_start3A_286, %dma_start3A_287, %dma_start3A_288] : memref<3x128x256xi32, #tpu.memory_space<vmem>> -> memref<1x128x256xi32, #tpu.memory_space<vmem>>
    %dma_start3A_290 = tpu.memref_squeeze %dma_start3A_289 : memref<1x128x256xi32, #tpu.memory_space<vmem>> -> memref<128x256xi32, #tpu.memory_space<vmem>>
    %dma_start3A_291 = arith.constant 896 : i32
    %dma_start3A_292 = tpu.memref_slice %arg8[%dma_start3A_291] : memref<1024xi32, #tpu.memory_space<vmem>> -> memref<128xi32, #tpu.memory_space<vmem>>
    %dma_start3A_293 = arith.constant 0 : i32
    %dma_start3A_294 = arith.constant 0 : i32
    %dma_start3A_295 = tpu.memref_slice %arg2[%dma_start3A_293, %dma_start3A_294] : memref<4096x256xi32, #tpu.memory_space<hbm>> -> memref<4096x256xi32, #tpu.memory_space<hbm>>
    tpu.enqueue_indirect_dma source(%dma_start3A_295 : memref<4096x256xi32, #tpu.memory_space<hbm>>) target(%dma_start3A_290 : memref<128x256xi32, #tpu.memory_space<vmem>>) offsets(%dma_start3A_292 : memref<128xi32, #tpu.memory_space<vmem>>) semaphore(%arg12 : memref<!tpu.dma_semaphore, #tpu.memory_space<semaphore_mem>>)
    %dma_wait3A_296 = arith.constant 0 : i32
    %dma_wait3A_297 = arith.constant 0 : i32
    %dma_wait3A_298 = arith.constant 0 : i32
    %dma_wait3A_299 = tpu.memref_slice %arg10[%dma_wait3A_296, %dma_wait3A_297, %dma_wait3A_298] : memref<3x128x256xi32, #tpu.memory_space<vmem>> -> memref<1x128x256xi32, #tpu.memory_space<vmem>>
    %dma_wait3A_300 = tpu.memref_squeeze %dma_wait3A_299 : memref<1x128x256xi32, #tpu.memory_space<vmem>> -> memref<128x256xi32, #tpu.memory_space<vmem>>
    %dma_wait3A_301 = arith.constant 768 : i32
    %dma_wait3A_302 = tpu.memref_slice %arg8[%dma_wait3A_301] : memref<1024xi32, #tpu.memory_space<vmem>> -> memref<128xi32, #tpu.memory_space<vmem>>
    %dma_wait3A_303 = arith.constant 0 : i32
    %dma_wait3A_304 = arith.constant 0 : i32
    %dma_wait3A_305 = tpu.memref_slice %arg2[%dma_wait3A_303, %dma_wait3A_304] : memref<4096x256xi32, #tpu.memory_space<hbm>> -> memref<4096x256xi32, #tpu.memory_space<hbm>>
    tpu.wait_indirect_dma semaphore(%arg11 : memref<!tpu.dma_semaphore, #tpu.memory_space<semaphore_mem>>) src(%dma_wait3A_305 : memref<4096x256xi32, #tpu.memory_space<hbm>>) dst(%dma_wait3A_300 : memref<128x256xi32, #tpu.memory_space<vmem>>)
    %add3A_306 = arith.constant 768 : i32
    %add3A_307 = arith.addi %mul3A_2, %add3A_306 : i32
    %dma_start3A_308 = arith.constant 0 : i32
    %dma_start3A_309 = arith.constant 0 : i32
    %dma_start3A_310 = arith.constant 0 : i32
    %dma_start3A_311 = tpu.memref_slice %arg10[%dma_start3A_308, %dma_start3A_309, %dma_start3A_310] : memref<3x128x256xi32, #tpu.memory_space<vmem>> -> memref<1x128x256xi32, #tpu.memory_space<vmem>>
    %dma_start3A_312 = tpu.memref_squeeze %dma_start3A_311 : memref<1x128x256xi32, #tpu.memory_space<vmem>> -> memref<128x256xi32, #tpu.memory_space<vmem>>
    %dma_start3A_313 = arith.constant 0 : i32
    %dma_start3A_314 = tpu.memref_slice %arg6[%add3A_307, %dma_start3A_313] : memref<32768x256xi32, #tpu.memory_space<hbm>> -> memref<128x256xi32, #tpu.memory_space<hbm>>
    %dma_start3A_315 = arith.constant 0 : i32
    %dma_start3A_316 = tpu.memref_slice %arg6[%add3A_307, %dma_start3A_315] : memref<32768x256xi32, #tpu.memory_space<hbm>> -> memref<128x256xi32, #tpu.memory_space<hbm>>
    %dma_start3A_317 = arith.constant 0 : i32
    %dma_start3A_318 = arith.constant 0 : i32
    %dma_start3A_319 = tpu.memref_slice %arg10[%dma_start3A_308, %dma_start3A_317, %dma_start3A_318] : memref<3x128x256xi32, #tpu.memory_space<vmem>> -> memref<1x128x256xi32, #tpu.memory_space<vmem>>
    %dma_start3A_320 = tpu.memref_squeeze %dma_start3A_319 : memref<1x128x256xi32, #tpu.memory_space<vmem>> -> memref<128x256xi32, #tpu.memory_space<vmem>>
    tpu.enqueue_dma source(%dma_start3A_320 : memref<128x256xi32, #tpu.memory_space<vmem>>) target(%dma_start3A_316 : memref<128x256xi32, #tpu.memory_space<hbm>>) target_semaphore(%arg14 : memref<!tpu.dma_semaphore, #tpu.memory_space<semaphore_mem>>)
    %dma_wait3A_321 = arith.constant 2 : i32
    %dma_wait3A_322 = arith.constant 0 : i32
    %dma_wait3A_323 = arith.constant 0 : i32
    %dma_wait3A_324 = tpu.memref_slice %arg10[%dma_wait3A_321, %dma_wait3A_322, %dma_wait3A_323] : memref<3x128x256xi32, #tpu.memory_space<vmem>> -> memref<1x128x256xi32, #tpu.memory_space<vmem>>
    %dma_wait3A_325 = tpu.memref_squeeze %dma_wait3A_324 : memref<1x128x256xi32, #tpu.memory_space<vmem>> -> memref<128x256xi32, #tpu.memory_space<vmem>>
    %dma_wait3A_326 = arith.constant 0 : i32
    %dma_wait3A_327 = tpu.memref_slice %arg6[%add3A_259, %dma_wait3A_326] : memref<32768x256xi32, #tpu.memory_space<hbm>> -> memref<128x256xi32, #tpu.memory_space<hbm>>
    %dma_wait3A_328 = arith.constant 0 : i32
    %dma_wait3A_329 = tpu.memref_slice %arg6[%add3A_259, %dma_wait3A_328] : memref<32768x256xi32, #tpu.memory_space<hbm>> -> memref<128x256xi32, #tpu.memory_space<hbm>>
    %dma_wait3A_330 = arith.constant 0 : i32
    %dma_wait3A_331 = arith.constant 0 : i32
    %dma_wait3A_332 = tpu.memref_slice %arg10[%dma_wait3A_321, %dma_wait3A_330, %dma_wait3A_331] : memref<3x128x256xi32, #tpu.memory_space<vmem>> -> memref<1x128x256xi32, #tpu.memory_space<vmem>>
    %dma_wait3A_333 = tpu.memref_squeeze %dma_wait3A_332 : memref<1x128x256xi32, #tpu.memory_space<vmem>> -> memref<128x256xi32, #tpu.memory_space<vmem>>
    tpu.wait_dma2 semaphore(%arg16 : memref<!tpu.dma_semaphore, #tpu.memory_space<semaphore_mem>>) src(%dma_wait3A_333 : memref<128x256xi32, #tpu.memory_space<vmem>>) dst(%dma_wait3A_329 : memref<128x256xi32, #tpu.memory_space<hbm>>)
    %dma_start3A_334 = arith.constant 2 : i32
    %dma_start3A_335 = arith.constant 0 : i32
    %dma_start3A_336 = arith.constant 0 : i32
    %dma_start3A_337 = tpu.memref_slice %arg10[%dma_start3A_334, %dma_start3A_335, %dma_start3A_336] : memref<3x128x256xi32, #tpu.memory_space<vmem>> -> memref<1x128x256xi32, #tpu.memory_space<vmem>>
    %dma_start3A_338 = tpu.memref_squeeze %dma_start3A_337 : memref<1x128x256xi32, #tpu.memory_space<vmem>> -> memref<128x256xi32, #tpu.memory_space<vmem>>
    %dma_start3A_339 = arith.constant 0 : i32
    %dma_start3A_340 = tpu.memref_slice %arg9[%dma_start3A_339] : memref<1024xi32, #tpu.memory_space<vmem>> -> memref<128xi32, #tpu.memory_space<vmem>>
    %dma_start3A_341 = arith.constant 0 : i32
    %dma_start3A_342 = arith.constant 0 : i32
    %dma_start3A_343 = tpu.memref_slice %arg4[%dma_start3A_341, %dma_start3A_342] : memref<4096x256xi32, #tpu.memory_space<hbm>> -> memref<4096x256xi32, #tpu.memory_space<hbm>>
    tpu.enqueue_indirect_dma source(%dma_start3A_343 : memref<4096x256xi32, #tpu.memory_space<hbm>>) target(%dma_start3A_338 : memref<128x256xi32, #tpu.memory_space<vmem>>) offsets(%dma_start3A_340 : memref<128xi32, #tpu.memory_space<vmem>>) semaphore(%arg13 : memref<!tpu.dma_semaphore, #tpu.memory_space<semaphore_mem>>)
    %dma_wait3A_344 = arith.constant 1 : i32
    %dma_wait3A_345 = arith.constant 0 : i32
    %dma_wait3A_346 = arith.constant 0 : i32
    %dma_wait3A_347 = tpu.memref_slice %arg10[%dma_wait3A_344, %dma_wait3A_345, %dma_wait3A_346] : memref<3x128x256xi32, #tpu.memory_space<vmem>> -> memref<1x128x256xi32, #tpu.memory_space<vmem>>
    %dma_wait3A_348 = tpu.memref_squeeze %dma_wait3A_347 : memref<1x128x256xi32, #tpu.memory_space<vmem>> -> memref<128x256xi32, #tpu.memory_space<vmem>>
    %dma_wait3A_349 = arith.constant 896 : i32
    %dma_wait3A_350 = tpu.memref_slice %arg8[%dma_wait3A_349] : memref<1024xi32, #tpu.memory_space<vmem>> -> memref<128xi32, #tpu.memory_space<vmem>>
    %dma_wait3A_351 = arith.constant 0 : i32
    %dma_wait3A_352 = arith.constant 0 : i32
    %dma_wait3A_353 = tpu.memref_slice %arg2[%dma_wait3A_351, %dma_wait3A_352] : memref<4096x256xi32, #tpu.memory_space<hbm>> -> memref<4096x256xi32, #tpu.memory_space<hbm>>
    tpu.wait_indirect_dma semaphore(%arg12 : memref<!tpu.dma_semaphore, #tpu.memory_space<semaphore_mem>>) src(%dma_wait3A_353 : memref<4096x256xi32, #tpu.memory_space<hbm>>) dst(%dma_wait3A_348 : memref<128x256xi32, #tpu.memory_space<vmem>>)
    %add3A_354 = arith.constant 896 : i32
    %add3A_355 = arith.addi %mul3A_2, %add3A_354 : i32
    %dma_start3A_356 = arith.constant 1 : i32
    %dma_start3A_357 = arith.constant 0 : i32
    %dma_start3A_358 = arith.constant 0 : i32
    %dma_start3A_359 = tpu.memref_slice %arg10[%dma_start3A_356, %dma_start3A_357, %dma_start3A_358] : memref<3x128x256xi32, #tpu.memory_space<vmem>> -> memref<1x128x256xi32, #tpu.memory_space<vmem>>
    %dma_start3A_360 = tpu.memref_squeeze %dma_start3A_359 : memref<1x128x256xi32, #tpu.memory_space<vmem>> -> memref<128x256xi32, #tpu.memory_space<vmem>>
    %dma_start3A_361 = arith.constant 0 : i32
    %dma_start3A_362 = tpu.memref_slice %arg6[%add3A_355, %dma_start3A_361] : memref<32768x256xi32, #tpu.memory_space<hbm>> -> memref<128x256xi32, #tpu.memory_space<hbm>>
    %dma_start3A_363 = arith.constant 0 : i32
    %dma_start3A_364 = tpu.memref_slice %arg6[%add3A_355, %dma_start3A_363] : memref<32768x256xi32, #tpu.memory_space<hbm>> -> memref<128x256xi32, #tpu.memory_space<hbm>>
    %dma_start3A_365 = arith.constant 0 : i32
    %dma_start3A_366 = arith.constant 0 : i32
    %dma_start3A_367 = tpu.memref_slice %arg10[%dma_start3A_356, %dma_start3A_365, %dma_start3A_366] : memref<3x128x256xi32, #tpu.memory_space<vmem>> -> memref<1x128x256xi32, #tpu.memory_space<vmem>>
    %dma_start3A_368 = tpu.memref_squeeze %dma_start3A_367 : memref<1x128x256xi32, #tpu.memory_space<vmem>> -> memref<128x256xi32, #tpu.memory_space<vmem>>
    tpu.enqueue_dma source(%dma_start3A_368 : memref<128x256xi32, #tpu.memory_space<vmem>>) target(%dma_start3A_364 : memref<128x256xi32, #tpu.memory_space<hbm>>) target_semaphore(%arg15 : memref<!tpu.dma_semaphore, #tpu.memory_space<semaphore_mem>>)
    %dma_wait3A_369 = arith.constant 0 : i32
    %dma_wait3A_370 = arith.constant 0 : i32
    %dma_wait3A_371 = arith.constant 0 : i32
    %dma_wait3A_372 = tpu.memref_slice %arg10[%dma_wait3A_369, %dma_wait3A_370, %dma_wait3A_371] : memref<3x128x256xi32, #tpu.memory_space<vmem>> -> memref<1x128x256xi32, #tpu.memory_space<vmem>>
    %dma_wait3A_373 = tpu.memref_squeeze %dma_wait3A_372 : memref<1x128x256xi32, #tpu.memory_space<vmem>> -> memref<128x256xi32, #tpu.memory_space<vmem>>
    %dma_wait3A_374 = arith.constant 0 : i32
    %dma_wait3A_375 = tpu.memref_slice %arg6[%add3A_307, %dma_wait3A_374] : memref<32768x256xi32, #tpu.memory_space<hbm>> -> memref<128x256xi32, #tpu.memory_space<hbm>>
    %dma_wait3A_376 = arith.constant 0 : i32
    %dma_wait3A_377 = tpu.memref_slice %arg6[%add3A_307, %dma_wait3A_376] : memref<32768x256xi32, #tpu.memory_space<hbm>> -> memref<128x256xi32, #tpu.memory_space<hbm>>
    %dma_wait3A_378 = arith.constant 0 : i32
    %dma_wait3A_379 = arith.constant 0 : i32
    %dma_wait3A_380 = tpu.memref_slice %arg10[%dma_wait3A_369, %dma_wait3A_378, %dma_wait3A_379] : memref<3x128x256xi32, #tpu.memory_space<vmem>> -> memref<1x128x256xi32, #tpu.memory_space<vmem>>
    %dma_wait3A_381 = tpu.memref_squeeze %dma_wait3A_380 : memref<1x128x256xi32, #tpu.memory_space<vmem>> -> memref<128x256xi32, #tpu.memory_space<vmem>>
    tpu.wait_dma2 semaphore(%arg14 : memref<!tpu.dma_semaphore, #tpu.memory_space<semaphore_mem>>) src(%dma_wait3A_381 : memref<128x256xi32, #tpu.memory_space<vmem>>) dst(%dma_wait3A_377 : memref<128x256xi32, #tpu.memory_space<hbm>>)
    %dma_start3A_382 = arith.constant 0 : i32
    %dma_start3A_383 = arith.constant 0 : i32
    %dma_start3A_384 = arith.constant 0 : i32
    %dma_start3A_385 = tpu.memref_slice %arg10[%dma_start3A_382, %dma_start3A_383, %dma_start3A_384] : memref<3x128x256xi32, #tpu.memory_space<vmem>> -> memref<1x128x256xi32, #tpu.memory_space<vmem>>
    %dma_start3A_386 = tpu.memref_squeeze %dma_start3A_385 : memref<1x128x256xi32, #tpu.memory_space<vmem>> -> memref<128x256xi32, #tpu.memory_space<vmem>>
    %dma_start3A_387 = arith.constant 128 : i32
    %dma_start3A_388 = tpu.memref_slice %arg9[%dma_start3A_387] : memref<1024xi32, #tpu.memory_space<vmem>> -> memref<128xi32, #tpu.memory_space<vmem>>
    %dma_start3A_389 = arith.constant 0 : i32
    %dma_start3A_390 = arith.constant 0 : i32
    %dma_start3A_391 = tpu.memref_slice %arg4[%dma_start3A_389, %dma_start3A_390] : memref<4096x256xi32, #tpu.memory_space<hbm>> -> memref<4096x256xi32, #tpu.memory_space<hbm>>
    tpu.enqueue_indirect_dma source(%dma_start3A_391 : memref<4096x256xi32, #tpu.memory_space<hbm>>) target(%dma_start3A_386 : memref<128x256xi32, #tpu.memory_space<vmem>>) offsets(%dma_start3A_388 : memref<128xi32, #tpu.memory_space<vmem>>) semaphore(%arg11 : memref<!tpu.dma_semaphore, #tpu.memory_space<semaphore_mem>>)
    %dma_wait3A_392 = arith.constant 2 : i32
    %dma_wait3A_393 = arith.constant 0 : i32
    %dma_wait3A_394 = arith.constant 0 : i32
    %dma_wait3A_395 = tpu.memref_slice %arg10[%dma_wait3A_392, %dma_wait3A_393, %dma_wait3A_394] : memref<3x128x256xi32, #tpu.memory_space<vmem>> -> memref<1x128x256xi32, #tpu.memory_space<vmem>>
    %dma_wait3A_396 = tpu.memref_squeeze %dma_wait3A_395 : memref<1x128x256xi32, #tpu.memory_space<vmem>> -> memref<128x256xi32, #tpu.memory_space<vmem>>
    %dma_wait3A_397 = arith.constant 0 : i32
    %dma_wait3A_398 = tpu.memref_slice %arg9[%dma_wait3A_397] : memref<1024xi32, #tpu.memory_space<vmem>> -> memref<128xi32, #tpu.memory_space<vmem>>
    %dma_wait3A_399 = arith.constant 0 : i32
    %dma_wait3A_400 = arith.constant 0 : i32
    %dma_wait3A_401 = tpu.memref_slice %arg4[%dma_wait3A_399, %dma_wait3A_400] : memref<4096x256xi32, #tpu.memory_space<hbm>> -> memref<4096x256xi32, #tpu.memory_space<hbm>>
    tpu.wait_indirect_dma semaphore(%arg13 : memref<!tpu.dma_semaphore, #tpu.memory_space<semaphore_mem>>) src(%dma_wait3A_401 : memref<4096x256xi32, #tpu.memory_space<hbm>>) dst(%dma_wait3A_396 : memref<128x256xi32, #tpu.memory_space<vmem>>)
    %add3A_402 = arith.constant 0 : i32
    %add3A_403 = arith.addi %mul3A_2, %add3A_402 : i32
    %dma_start3A_404 = arith.constant 2 : i32
    %dma_start3A_405 = arith.constant 0 : i32
    %dma_start3A_406 = arith.constant 0 : i32
    %dma_start3A_407 = tpu.memref_slice %arg10[%dma_start3A_404, %dma_start3A_405, %dma_start3A_406] : memref<3x128x256xi32, #tpu.memory_space<vmem>> -> memref<1x128x256xi32, #tpu.memory_space<vmem>>
    %dma_start3A_408 = tpu.memref_squeeze %dma_start3A_407 : memref<1x128x256xi32, #tpu.memory_space<vmem>> -> memref<128x256xi32, #tpu.memory_space<vmem>>
    %dma_start3A_409 = arith.constant 0 : i32
    %dma_start3A_410 = tpu.memref_slice %arg7[%add3A_403, %dma_start3A_409] : memref<32768x256xi32, #tpu.memory_space<hbm>> -> memref<128x256xi32, #tpu.memory_space<hbm>>
    %dma_start3A_411 = arith.constant 0 : i32
    %dma_start3A_412 = tpu.memref_slice %arg7[%add3A_403, %dma_start3A_411] : memref<32768x256xi32, #tpu.memory_space<hbm>> -> memref<128x256xi32, #tpu.memory_space<hbm>>
    %dma_start3A_413 = arith.constant 0 : i32
    %dma_start3A_414 = arith.constant 0 : i32
    %dma_start3A_415 = tpu.memref_slice %arg10[%dma_start3A_404, %dma_start3A_413, %dma_start3A_414] : memref<3x128x256xi32, #tpu.memory_space<vmem>> -> memref<1x128x256xi32, #tpu.memory_space<vmem>>
    %dma_start3A_416 = tpu.memref_squeeze %dma_start3A_415 : memref<1x128x256xi32, #tpu.memory_space<vmem>> -> memref<128x256xi32, #tpu.memory_space<vmem>>
    tpu.enqueue_dma source(%dma_start3A_416 : memref<128x256xi32, #tpu.memory_space<vmem>>) target(%dma_start3A_412 : memref<128x256xi32, #tpu.memory_space<hbm>>) target_semaphore(%arg16 : memref<!tpu.dma_semaphore, #tpu.memory_space<semaphore_mem>>)
    %dma_wait3A_417 = arith.constant 1 : i32
    %dma_wait3A_418 = arith.constant 0 : i32
    %dma_wait3A_419 = arith.constant 0 : i32
    %dma_wait3A_420 = tpu.memref_slice %arg10[%dma_wait3A_417, %dma_wait3A_418, %dma_wait3A_419] : memref<3x128x256xi32, #tpu.memory_space<vmem>> -> memref<1x128x256xi32, #tpu.memory_space<vmem>>
    %dma_wait3A_421 = tpu.memref_squeeze %dma_wait3A_420 : memref<1x128x256xi32, #tpu.memory_space<vmem>> -> memref<128x256xi32, #tpu.memory_space<vmem>>
    %dma_wait3A_422 = arith.constant 0 : i32
    %dma_wait3A_423 = tpu.memref_slice %arg6[%add3A_355, %dma_wait3A_422] : memref<32768x256xi32, #tpu.memory_space<hbm>> -> memref<128x256xi32, #tpu.memory_space<hbm>>
    %dma_wait3A_424 = arith.constant 0 : i32
    %dma_wait3A_425 = tpu.memref_slice %arg6[%add3A_355, %dma_wait3A_424] : memref<32768x256xi32, #tpu.memory_space<hbm>> -> memref<128x256xi32, #tpu.memory_space<hbm>>
    %dma_wait3A_426 = arith.constant 0 : i32
    %dma_wait3A_427 = arith.constant 0 : i32
    %dma_wait3A_428 = tpu.memref_slice %arg10[%dma_wait3A_417, %dma_wait3A_426, %dma_wait3A_427] : memref<3x128x256xi32, #tpu.memory_space<vmem>> -> memref<1x128x256xi32, #tpu.memory_space<vmem>>
    %dma_wait3A_429 = tpu.memref_squeeze %dma_wait3A_428 : memref<1x128x256xi32, #tpu.memory_space<vmem>> -> memref<128x256xi32, #tpu.memory_space<vmem>>
    tpu.wait_dma2 semaphore(%arg15 : memref<!tpu.dma_semaphore, #tpu.memory_space<semaphore_mem>>) src(%dma_wait3A_429 : memref<128x256xi32, #tpu.memory_space<vmem>>) dst(%dma_wait3A_425 : memref<128x256xi32, #tpu.memory_space<hbm>>)
    %dma_start3A_430 = arith.constant 1 : i32
    %dma_start3A_431 = arith.constant 0 : i32
    %dma_start3A_432 = arith.constant 0 : i32
    %dma_start3A_433 = tpu.memref_slice %arg10[%dma_start3A_430, %dma_start3A_431, %dma_start3A_432] : memref<3x128x256xi32, #tpu.memory_space<vmem>> -> memref<1x128x256xi32, #tpu.memory_space<vmem>>
    %dma_start3A_434 = tpu.memref_squeeze %dma_start3A_433 : memref<1x128x256xi32, #tpu.memory_space<vmem>> -> memref<128x256xi32, #tpu.memory_space<vmem>>
    %dma_start3A_435 = arith.constant 256 : i32
    %dma_start3A_436 = tpu.memref_slice %arg9[%dma_start3A_435] : memref<1024xi32, #tpu.memory_space<vmem>> -> memref<128xi32, #tpu.memory_space<vmem>>
    %dma_start3A_437 = arith.constant 0 : i32
    %dma_start3A_438 = arith.constant 0 : i32
    %dma_start3A_439 = tpu.memref_slice %arg4[%dma_start3A_437, %dma_start3A_438] : memref<4096x256xi32, #tpu.memory_space<hbm>> -> memref<4096x256xi32, #tpu.memory_space<hbm>>
    tpu.enqueue_indirect_dma source(%dma_start3A_439 : memref<4096x256xi32, #tpu.memory_space<hbm>>) target(%dma_start3A_434 : memref<128x256xi32, #tpu.memory_space<vmem>>) offsets(%dma_start3A_436 : memref<128xi32, #tpu.memory_space<vmem>>) semaphore(%arg12 : memref<!tpu.dma_semaphore, #tpu.memory_space<semaphore_mem>>)
    %dma_wait3A_440 = arith.constant 0 : i32
    %dma_wait3A_441 = arith.constant 0 : i32
    %dma_wait3A_442 = arith.constant 0 : i32
    %dma_wait3A_443 = tpu.memref_slice %arg10[%dma_wait3A_440, %dma_wait3A_441, %dma_wait3A_442] : memref<3x128x256xi32, #tpu.memory_space<vmem>> -> memref<1x128x256xi32, #tpu.memory_space<vmem>>
    %dma_wait3A_444 = tpu.memref_squeeze %dma_wait3A_443 : memref<1x128x256xi32, #tpu.memory_space<vmem>> -> memref<128x256xi32, #tpu.memory_space<vmem>>
    %dma_wait3A_445 = arith.constant 128 : i32
    %dma_wait3A_446 = tpu.memref_slice %arg9[%dma_wait3A_445] : memref<1024xi32, #tpu.memory_space<vmem>> -> memref<128xi32, #tpu.memory_space<vmem>>
    %dma_wait3A_447 = arith.constant 0 : i32
    %dma_wait3A_448 = arith.constant 0 : i32
    %dma_wait3A_449 = tpu.memref_slice %arg4[%dma_wait3A_447, %dma_wait3A_448] : memref<4096x256xi32, #tpu.memory_space<hbm>> -> memref<4096x256xi32, #tpu.memory_space<hbm>>
    tpu.wait_indirect_dma semaphore(%arg11 : memref<!tpu.dma_semaphore, #tpu.memory_space<semaphore_mem>>) src(%dma_wait3A_449 : memref<4096x256xi32, #tpu.memory_space<hbm>>) dst(%dma_wait3A_444 : memref<128x256xi32, #tpu.memory_space<vmem>>)
    %add3A_450 = arith.constant 128 : i32
    %add3A_451 = arith.addi %mul3A_2, %add3A_450 : i32
    %dma_start3A_452 = arith.constant 0 : i32
    %dma_start3A_453 = arith.constant 0 : i32
    %dma_start3A_454 = arith.constant 0 : i32
    %dma_start3A_455 = tpu.memref_slice %arg10[%dma_start3A_452, %dma_start3A_453, %dma_start3A_454] : memref<3x128x256xi32, #tpu.memory_space<vmem>> -> memref<1x128x256xi32, #tpu.memory_space<vmem>>
    %dma_start3A_456 = tpu.memref_squeeze %dma_start3A_455 : memref<1x128x256xi32, #tpu.memory_space<vmem>> -> memref<128x256xi32, #tpu.memory_space<vmem>>
    %dma_start3A_457 = arith.constant 0 : i32
    %dma_start3A_458 = tpu.memref_slice %arg7[%add3A_451, %dma_start3A_457] : memref<32768x256xi32, #tpu.memory_space<hbm>> -> memref<128x256xi32, #tpu.memory_space<hbm>>
    %dma_start3A_459 = arith.constant 0 : i32
    %dma_start3A_460 = tpu.memref_slice %arg7[%add3A_451, %dma_start3A_459] : memref<32768x256xi32, #tpu.memory_space<hbm>> -> memref<128x256xi32, #tpu.memory_space<hbm>>
    %dma_start3A_461 = arith.constant 0 : i32
    %dma_start3A_462 = arith.constant 0 : i32
    %dma_start3A_463 = tpu.memref_slice %arg10[%dma_start3A_452, %dma_start3A_461, %dma_start3A_462] : memref<3x128x256xi32, #tpu.memory_space<vmem>> -> memref<1x128x256xi32, #tpu.memory_space<vmem>>
    %dma_start3A_464 = tpu.memref_squeeze %dma_start3A_463 : memref<1x128x256xi32, #tpu.memory_space<vmem>> -> memref<128x256xi32, #tpu.memory_space<vmem>>
    tpu.enqueue_dma source(%dma_start3A_464 : memref<128x256xi32, #tpu.memory_space<vmem>>) target(%dma_start3A_460 : memref<128x256xi32, #tpu.memory_space<hbm>>) target_semaphore(%arg14 : memref<!tpu.dma_semaphore, #tpu.memory_space<semaphore_mem>>)
    %dma_wait3A_465 = arith.constant 2 : i32
    %dma_wait3A_466 = arith.constant 0 : i32
    %dma_wait3A_467 = arith.constant 0 : i32
    %dma_wait3A_468 = tpu.memref_slice %arg10[%dma_wait3A_465, %dma_wait3A_466, %dma_wait3A_467] : memref<3x128x256xi32, #tpu.memory_space<vmem>> -> memref<1x128x256xi32, #tpu.memory_space<vmem>>
    %dma_wait3A_469 = tpu.memref_squeeze %dma_wait3A_468 : memref<1x128x256xi32, #tpu.memory_space<vmem>> -> memref<128x256xi32, #tpu.memory_space<vmem>>
    %dma_wait3A_470 = arith.constant 0 : i32
    %dma_wait3A_471 = tpu.memref_slice %arg7[%add3A_403, %dma_wait3A_470] : memref<32768x256xi32, #tpu.memory_space<hbm>> -> memref<128x256xi32, #tpu.memory_space<hbm>>
    %dma_wait3A_472 = arith.constant 0 : i32
    %dma_wait3A_473 = tpu.memref_slice %arg7[%add3A_403, %dma_wait3A_472] : memref<32768x256xi32, #tpu.memory_space<hbm>> -> memref<128x256xi32, #tpu.memory_space<hbm>>
    %dma_wait3A_474 = arith.constant 0 : i32
    %dma_wait3A_475 = arith.constant 0 : i32
    %dma_wait3A_476 = tpu.memref_slice %arg10[%dma_wait3A_465, %dma_wait3A_474, %dma_wait3A_475] : memref<3x128x256xi32, #tpu.memory_space<vmem>> -> memref<1x128x256xi32, #tpu.memory_space<vmem>>
    %dma_wait3A_477 = tpu.memref_squeeze %dma_wait3A_476 : memref<1x128x256xi32, #tpu.memory_space<vmem>> -> memref<128x256xi32, #tpu.memory_space<vmem>>
    tpu.wait_dma2 semaphore(%arg16 : memref<!tpu.dma_semaphore, #tpu.memory_space<semaphore_mem>>) src(%dma_wait3A_477 : memref<128x256xi32, #tpu.memory_space<vmem>>) dst(%dma_wait3A_473 : memref<128x256xi32, #tpu.memory_space<hbm>>)
    %dma_start3A_478 = arith.constant 2 : i32
    %dma_start3A_479 = arith.constant 0 : i32
    %dma_start3A_480 = arith.constant 0 : i32
    %dma_start3A_481 = tpu.memref_slice %arg10[%dma_start3A_478, %dma_start3A_479, %dma_start3A_480] : memref<3x128x256xi32, #tpu.memory_space<vmem>> -> memref<1x128x256xi32, #tpu.memory_space<vmem>>
    %dma_start3A_482 = tpu.memref_squeeze %dma_start3A_481 : memref<1x128x256xi32, #tpu.memory_space<vmem>> -> memref<128x256xi32, #tpu.memory_space<vmem>>
    %dma_start3A_483 = arith.constant 384 : i32
    %dma_start3A_484 = tpu.memref_slice %arg9[%dma_start3A_483] : memref<1024xi32, #tpu.memory_space<vmem>> -> memref<128xi32, #tpu.memory_space<vmem>>
    %dma_start3A_485 = arith.constant 0 : i32
    %dma_start3A_486 = arith.constant 0 : i32
    %dma_start3A_487 = tpu.memref_slice %arg4[%dma_start3A_485, %dma_start3A_486] : memref<4096x256xi32, #tpu.memory_space<hbm>> -> memref<4096x256xi32, #tpu.memory_space<hbm>>
    tpu.enqueue_indirect_dma source(%dma_start3A_487 : memref<4096x256xi32, #tpu.memory_space<hbm>>) target(%dma_start3A_482 : memref<128x256xi32, #tpu.memory_space<vmem>>) offsets(%dma_start3A_484 : memref<128xi32, #tpu.memory_space<vmem>>) semaphore(%arg13 : memref<!tpu.dma_semaphore, #tpu.memory_space<semaphore_mem>>)
    %dma_wait3A_488 = arith.constant 1 : i32
    %dma_wait3A_489 = arith.constant 0 : i32
    %dma_wait3A_490 = arith.constant 0 : i32
    %dma_wait3A_491 = tpu.memref_slice %arg10[%dma_wait3A_488, %dma_wait3A_489, %dma_wait3A_490] : memref<3x128x256xi32, #tpu.memory_space<vmem>> -> memref<1x128x256xi32, #tpu.memory_space<vmem>>
    %dma_wait3A_492 = tpu.memref_squeeze %dma_wait3A_491 : memref<1x128x256xi32, #tpu.memory_space<vmem>> -> memref<128x256xi32, #tpu.memory_space<vmem>>
    %dma_wait3A_493 = arith.constant 256 : i32
    %dma_wait3A_494 = tpu.memref_slice %arg9[%dma_wait3A_493] : memref<1024xi32, #tpu.memory_space<vmem>> -> memref<128xi32, #tpu.memory_space<vmem>>
    %dma_wait3A_495 = arith.constant 0 : i32
    %dma_wait3A_496 = arith.constant 0 : i32
    %dma_wait3A_497 = tpu.memref_slice %arg4[%dma_wait3A_495, %dma_wait3A_496] : memref<4096x256xi32, #tpu.memory_space<hbm>> -> memref<4096x256xi32, #tpu.memory_space<hbm>>
    tpu.wait_indirect_dma semaphore(%arg12 : memref<!tpu.dma_semaphore, #tpu.memory_space<semaphore_mem>>) src(%dma_wait3A_497 : memref<4096x256xi32, #tpu.memory_space<hbm>>) dst(%dma_wait3A_492 : memref<128x256xi32, #tpu.memory_space<vmem>>)
    %add3A_498 = arith.constant 256 : i32
    %add3A_499 = arith.addi %mul3A_2, %add3A_498 : i32
    %dma_start3A_500 = arith.constant 1 : i32
    %dma_start3A_501 = arith.constant 0 : i32
    %dma_start3A_502 = arith.constant 0 : i32
    %dma_start3A_503 = tpu.memref_slice %arg10[%dma_start3A_500, %dma_start3A_501, %dma_start3A_502] : memref<3x128x256xi32, #tpu.memory_space<vmem>> -> memref<1x128x256xi32, #tpu.memory_space<vmem>>
    %dma_start3A_504 = tpu.memref_squeeze %dma_start3A_503 : memref<1x128x256xi32, #tpu.memory_space<vmem>> -> memref<128x256xi32, #tpu.memory_space<vmem>>
    %dma_start3A_505 = arith.constant 0 : i32
    %dma_start3A_506 = tpu.memref_slice %arg7[%add3A_499, %dma_start3A_505] : memref<32768x256xi32, #tpu.memory_space<hbm>> -> memref<128x256xi32, #tpu.memory_space<hbm>>
    %dma_start3A_507 = arith.constant 0 : i32
    %dma_start3A_508 = tpu.memref_slice %arg7[%add3A_499, %dma_start3A_507] : memref<32768x256xi32, #tpu.memory_space<hbm>> -> memref<128x256xi32, #tpu.memory_space<hbm>>
    %dma_start3A_509 = arith.constant 0 : i32
    %dma_start3A_510 = arith.constant 0 : i32
    %dma_start3A_511 = tpu.memref_slice %arg10[%dma_start3A_500, %dma_start3A_509, %dma_start3A_510] : memref<3x128x256xi32, #tpu.memory_space<vmem>> -> memref<1x128x256xi32, #tpu.memory_space<vmem>>
    %dma_start3A_512 = tpu.memref_squeeze %dma_start3A_511 : memref<1x128x256xi32, #tpu.memory_space<vmem>> -> memref<128x256xi32, #tpu.memory_space<vmem>>
    tpu.enqueue_dma source(%dma_start3A_512 : memref<128x256xi32, #tpu.memory_space<vmem>>) target(%dma_start3A_508 : memref<128x256xi32, #tpu.memory_space<hbm>>) target_semaphore(%arg15 : memref<!tpu.dma_semaphore, #tpu.memory_space<semaphore_mem>>)
    %dma_wait3A_513 = arith.constant 0 : i32
    %dma_wait3A_514 = arith.constant 0 : i32
    %dma_wait3A_515 = arith.constant 0 : i32
    %dma_wait3A_516 = tpu.memref_slice %arg10[%dma_wait3A_513, %dma_wait3A_514, %dma_wait3A_515] : memref<3x128x256xi32, #tpu.memory_space<vmem>> -> memref<1x128x256xi32, #tpu.memory_space<vmem>>
    %dma_wait3A_517 = tpu.memref_squeeze %dma_wait3A_516 : memref<1x128x256xi32, #tpu.memory_space<vmem>> -> memref<128x256xi32, #tpu.memory_space<vmem>>
    %dma_wait3A_518 = arith.constant 0 : i32
    %dma_wait3A_519 = tpu.memref_slice %arg7[%add3A_451, %dma_wait3A_518] : memref<32768x256xi32, #tpu.memory_space<hbm>> -> memref<128x256xi32, #tpu.memory_space<hbm>>
    %dma_wait3A_520 = arith.constant 0 : i32
    %dma_wait3A_521 = tpu.memref_slice %arg7[%add3A_451, %dma_wait3A_520] : memref<32768x256xi32, #tpu.memory_space<hbm>> -> memref<128x256xi32, #tpu.memory_space<hbm>>
    %dma_wait3A_522 = arith.constant 0 : i32
    %dma_wait3A_523 = arith.constant 0 : i32
    %dma_wait3A_524 = tpu.memref_slice %arg10[%dma_wait3A_513, %dma_wait3A_522, %dma_wait3A_523] : memref<3x128x256xi32, #tpu.memory_space<vmem>> -> memref<1x128x256xi32, #tpu.memory_space<vmem>>
    %dma_wait3A_525 = tpu.memref_squeeze %dma_wait3A_524 : memref<1x128x256xi32, #tpu.memory_space<vmem>> -> memref<128x256xi32, #tpu.memory_space<vmem>>
    tpu.wait_dma2 semaphore(%arg14 : memref<!tpu.dma_semaphore, #tpu.memory_space<semaphore_mem>>) src(%dma_wait3A_525 : memref<128x256xi32, #tpu.memory_space<vmem>>) dst(%dma_wait3A_521 : memref<128x256xi32, #tpu.memory_space<hbm>>)
    %dma_start3A_526 = arith.constant 0 : i32
    %dma_start3A_527 = arith.constant 0 : i32
    %dma_start3A_528 = arith.constant 0 : i32
    %dma_start3A_529 = tpu.memref_slice %arg10[%dma_start3A_526, %dma_start3A_527, %dma_start3A_528] : memref<3x128x256xi32, #tpu.memory_space<vmem>> -> memref<1x128x256xi32, #tpu.memory_space<vmem>>
    %dma_start3A_530 = tpu.memref_squeeze %dma_start3A_529 : memref<1x128x256xi32, #tpu.memory_space<vmem>> -> memref<128x256xi32, #tpu.memory_space<vmem>>
    %dma_start3A_531 = arith.constant 512 : i32
    %dma_start3A_532 = tpu.memref_slice %arg9[%dma_start3A_531] : memref<1024xi32, #tpu.memory_space<vmem>> -> memref<128xi32, #tpu.memory_space<vmem>>
    %dma_start3A_533 = arith.constant 0 : i32
    %dma_start3A_534 = arith.constant 0 : i32
    %dma_start3A_535 = tpu.memref_slice %arg4[%dma_start3A_533, %dma_start3A_534] : memref<4096x256xi32, #tpu.memory_space<hbm>> -> memref<4096x256xi32, #tpu.memory_space<hbm>>
    tpu.enqueue_indirect_dma source(%dma_start3A_535 : memref<4096x256xi32, #tpu.memory_space<hbm>>) target(%dma_start3A_530 : memref<128x256xi32, #tpu.memory_space<vmem>>) offsets(%dma_start3A_532 : memref<128xi32, #tpu.memory_space<vmem>>) semaphore(%arg11 : memref<!tpu.dma_semaphore, #tpu.memory_space<semaphore_mem>>)
    %dma_wait3A_536 = arith.constant 2 : i32
    %dma_wait3A_537 = arith.constant 0 : i32
    %dma_wait3A_538 = arith.constant 0 : i32
    %dma_wait3A_539 = tpu.memref_slice %arg10[%dma_wait3A_536, %dma_wait3A_537, %dma_wait3A_538] : memref<3x128x256xi32, #tpu.memory_space<vmem>> -> memref<1x128x256xi32, #tpu.memory_space<vmem>>
    %dma_wait3A_540 = tpu.memref_squeeze %dma_wait3A_539 : memref<1x128x256xi32, #tpu.memory_space<vmem>> -> memref<128x256xi32, #tpu.memory_space<vmem>>
    %dma_wait3A_541 = arith.constant 384 : i32
    %dma_wait3A_542 = tpu.memref_slice %arg9[%dma_wait3A_541] : memref<1024xi32, #tpu.memory_space<vmem>> -> memref<128xi32, #tpu.memory_space<vmem>>
    %dma_wait3A_543 = arith.constant 0 : i32
    %dma_wait3A_544 = arith.constant 0 : i32
    %dma_wait3A_545 = tpu.memref_slice %arg4[%dma_wait3A_543, %dma_wait3A_544] : memref<4096x256xi32, #tpu.memory_space<hbm>> -> memref<4096x256xi32, #tpu.memory_space<hbm>>
    tpu.wait_indirect_dma semaphore(%arg13 : memref<!tpu.dma_semaphore, #tpu.memory_space<semaphore_mem>>) src(%dma_wait3A_545 : memref<4096x256xi32, #tpu.memory_space<hbm>>) dst(%dma_wait3A_540 : memref<128x256xi32, #tpu.memory_space<vmem>>)
    %add3A_546 = arith.constant 384 : i32
    %add3A_547 = arith.addi %mul3A_2, %add3A_546 : i32
    %dma_start3A_548 = arith.constant 2 : i32
    %dma_start3A_549 = arith.constant 0 : i32
    %dma_start3A_550 = arith.constant 0 : i32
    %dma_start3A_551 = tpu.memref_slice %arg10[%dma_start3A_548, %dma_start3A_549, %dma_start3A_550] : memref<3x128x256xi32, #tpu.memory_space<vmem>> -> memref<1x128x256xi32, #tpu.memory_space<vmem>>
    %dma_start3A_552 = tpu.memref_squeeze %dma_start3A_551 : memref<1x128x256xi32, #tpu.memory_space<vmem>> -> memref<128x256xi32, #tpu.memory_space<vmem>>
    %dma_start3A_553 = arith.constant 0 : i32
    %dma_start3A_554 = tpu.memref_slice %arg7[%add3A_547, %dma_start3A_553] : memref<32768x256xi32, #tpu.memory_space<hbm>> -> memref<128x256xi32, #tpu.memory_space<hbm>>
    %dma_start3A_555 = arith.constant 0 : i32
    %dma_start3A_556 = tpu.memref_slice %arg7[%add3A_547, %dma_start3A_555] : memref<32768x256xi32, #tpu.memory_space<hbm>> -> memref<128x256xi32, #tpu.memory_space<hbm>>
    %dma_start3A_557 = arith.constant 0 : i32
    %dma_start3A_558 = arith.constant 0 : i32
    %dma_start3A_559 = tpu.memref_slice %arg10[%dma_start3A_548, %dma_start3A_557, %dma_start3A_558] : memref<3x128x256xi32, #tpu.memory_space<vmem>> -> memref<1x128x256xi32, #tpu.memory_space<vmem>>
    %dma_start3A_560 = tpu.memref_squeeze %dma_start3A_559 : memref<1x128x256xi32, #tpu.memory_space<vmem>> -> memref<128x256xi32, #tpu.memory_space<vmem>>
    tpu.enqueue_dma source(%dma_start3A_560 : memref<128x256xi32, #tpu.memory_space<vmem>>) target(%dma_start3A_556 : memref<128x256xi32, #tpu.memory_space<hbm>>) target_semaphore(%arg16 : memref<!tpu.dma_semaphore, #tpu.memory_space<semaphore_mem>>)
    %dma_wait3A_561 = arith.constant 1 : i32
    %dma_wait3A_562 = arith.constant 0 : i32
    %dma_wait3A_563 = arith.constant 0 : i32
    %dma_wait3A_564 = tpu.memref_slice %arg10[%dma_wait3A_561, %dma_wait3A_562, %dma_wait3A_563] : memref<3x128x256xi32, #tpu.memory_space<vmem>> -> memref<1x128x256xi32, #tpu.memory_space<vmem>>
    %dma_wait3A_565 = tpu.memref_squeeze %dma_wait3A_564 : memref<1x128x256xi32, #tpu.memory_space<vmem>> -> memref<128x256xi32, #tpu.memory_space<vmem>>
    %dma_wait3A_566 = arith.constant 0 : i32
    %dma_wait3A_567 = tpu.memref_slice %arg7[%add3A_499, %dma_wait3A_566] : memref<32768x256xi32, #tpu.memory_space<hbm>> -> memref<128x256xi32, #tpu.memory_space<hbm>>
    %dma_wait3A_568 = arith.constant 0 : i32
    %dma_wait3A_569 = tpu.memref_slice %arg7[%add3A_499, %dma_wait3A_568] : memref<32768x256xi32, #tpu.memory_space<hbm>> -> memref<128x256xi32, #tpu.memory_space<hbm>>
    %dma_wait3A_570 = arith.constant 0 : i32
    %dma_wait3A_571 = arith.constant 0 : i32
    %dma_wait3A_572 = tpu.memref_slice %arg10[%dma_wait3A_561, %dma_wait3A_570, %dma_wait3A_571] : memref<3x128x256xi32, #tpu.memory_space<vmem>> -> memref<1x128x256xi32, #tpu.memory_space<vmem>>
    %dma_wait3A_573 = tpu.memref_squeeze %dma_wait3A_572 : memref<1x128x256xi32, #tpu.memory_space<vmem>> -> memref<128x256xi32, #tpu.memory_space<vmem>>
    tpu.wait_dma2 semaphore(%arg15 : memref<!tpu.dma_semaphore, #tpu.memory_space<semaphore_mem>>) src(%dma_wait3A_573 : memref<128x256xi32, #tpu.memory_space<vmem>>) dst(%dma_wait3A_569 : memref<128x256xi32, #tpu.memory_space<hbm>>)
    %dma_start3A_574 = arith.constant 1 : i32
    %dma_start3A_575 = arith.constant 0 : i32
    %dma_start3A_576 = arith.constant 0 : i32
    %dma_start3A_577 = tpu.memref_slice %arg10[%dma_start3A_574, %dma_start3A_575, %dma_start3A_576] : memref<3x128x256xi32, #tpu.memory_space<vmem>> -> memref<1x128x256xi32, #tpu.memory_space<vmem>>
    %dma_start3A_578 = tpu.memref_squeeze %dma_start3A_577 : memref<1x128x256xi32, #tpu.memory_space<vmem>> -> memref<128x256xi32, #tpu.memory_space<vmem>>
    %dma_start3A_579 = arith.constant 640 : i32
    %dma_start3A_580 = tpu.memref_slice %arg9[%dma_start3A_579] : memref<1024xi32, #tpu.memory_space<vmem>> -> memref<128xi32, #tpu.memory_space<vmem>>
    %dma_start3A_581 = arith.constant 0 : i32
    %dma_start3A_582 = arith.constant 0 : i32
    %dma_start3A_583 = tpu.memref_slice %arg4[%dma_start3A_581, %dma_start3A_582] : memref<4096x256xi32, #tpu.memory_space<hbm>> -> memref<4096x256xi32, #tpu.memory_space<hbm>>
    tpu.enqueue_indirect_dma source(%dma_start3A_583 : memref<4096x256xi32, #tpu.memory_space<hbm>>) target(%dma_start3A_578 : memref<128x256xi32, #tpu.memory_space<vmem>>) offsets(%dma_start3A_580 : memref<128xi32, #tpu.memory_space<vmem>>) semaphore(%arg12 : memref<!tpu.dma_semaphore, #tpu.memory_space<semaphore_mem>>)
    %dma_wait3A_584 = arith.constant 0 : i32
    %dma_wait3A_585 = arith.constant 0 : i32
    %dma_wait3A_586 = arith.constant 0 : i32
    %dma_wait3A_587 = tpu.memref_slice %arg10[%dma_wait3A_584, %dma_wait3A_585, %dma_wait3A_586] : memref<3x128x256xi32, #tpu.memory_space<vmem>> -> memref<1x128x256xi32, #tpu.memory_space<vmem>>
    %dma_wait3A_588 = tpu.memref_squeeze %dma_wait3A_587 : memref<1x128x256xi32, #tpu.memory_space<vmem>> -> memref<128x256xi32, #tpu.memory_space<vmem>>
    %dma_wait3A_589 = arith.constant 512 : i32
    %dma_wait3A_590 = tpu.memref_slice %arg9[%dma_wait3A_589] : memref<1024xi32, #tpu.memory_space<vmem>> -> memref<128xi32, #tpu.memory_space<vmem>>
    %dma_wait3A_591 = arith.constant 0 : i32
    %dma_wait3A_592 = arith.constant 0 : i32
    %dma_wait3A_593 = tpu.memref_slice %arg4[%dma_wait3A_591, %dma_wait3A_592] : memref<4096x256xi32, #tpu.memory_space<hbm>> -> memref<4096x256xi32, #tpu.memory_space<hbm>>
    tpu.wait_indirect_dma semaphore(%arg11 : memref<!tpu.dma_semaphore, #tpu.memory_space<semaphore_mem>>) src(%dma_wait3A_593 : memref<4096x256xi32, #tpu.memory_space<hbm>>) dst(%dma_wait3A_588 : memref<128x256xi32, #tpu.memory_space<vmem>>)
    %add3A_594 = arith.constant 512 : i32
    %add3A_595 = arith.addi %mul3A_2, %add3A_594 : i32
    %dma_start3A_596 = arith.constant 0 : i32
    %dma_start3A_597 = arith.constant 0 : i32
    %dma_start3A_598 = arith.constant 0 : i32
    %dma_start3A_599 = tpu.memref_slice %arg10[%dma_start3A_596, %dma_start3A_597, %dma_start3A_598] : memref<3x128x256xi32, #tpu.memory_space<vmem>> -> memref<1x128x256xi32, #tpu.memory_space<vmem>>
    %dma_start3A_600 = tpu.memref_squeeze %dma_start3A_599 : memref<1x128x256xi32, #tpu.memory_space<vmem>> -> memref<128x256xi32, #tpu.memory_space<vmem>>
    %dma_start3A_601 = arith.constant 0 : i32
    %dma_start3A_602 = tpu.memref_slice %arg7[%add3A_595, %dma_start3A_601] : memref<32768x256xi32, #tpu.memory_space<hbm>> -> memref<128x256xi32, #tpu.memory_space<hbm>>
    %dma_start3A_603 = arith.constant 0 : i32
    %dma_start3A_604 = tpu.memref_slice %arg7[%add3A_595, %dma_start3A_603] : memref<32768x256xi32, #tpu.memory_space<hbm>> -> memref<128x256xi32, #tpu.memory_space<hbm>>
    %dma_start3A_605 = arith.constant 0 : i32
    %dma_start3A_606 = arith.constant 0 : i32
    %dma_start3A_607 = tpu.memref_slice %arg10[%dma_start3A_596, %dma_start3A_605, %dma_start3A_606] : memref<3x128x256xi32, #tpu.memory_space<vmem>> -> memref<1x128x256xi32, #tpu.memory_space<vmem>>
    %dma_start3A_608 = tpu.memref_squeeze %dma_start3A_607 : memref<1x128x256xi32, #tpu.memory_space<vmem>> -> memref<128x256xi32, #tpu.memory_space<vmem>>
    tpu.enqueue_dma source(%dma_start3A_608 : memref<128x256xi32, #tpu.memory_space<vmem>>) target(%dma_start3A_604 : memref<128x256xi32, #tpu.memory_space<hbm>>) target_semaphore(%arg14 : memref<!tpu.dma_semaphore, #tpu.memory_space<semaphore_mem>>)
    %dma_wait3A_609 = arith.constant 2 : i32
    %dma_wait3A_610 = arith.constant 0 : i32
    %dma_wait3A_611 = arith.constant 0 : i32
    %dma_wait3A_612 = tpu.memref_slice %arg10[%dma_wait3A_609, %dma_wait3A_610, %dma_wait3A_611] : memref<3x128x256xi32, #tpu.memory_space<vmem>> -> memref<1x128x256xi32, #tpu.memory_space<vmem>>
    %dma_wait3A_613 = tpu.memref_squeeze %dma_wait3A_612 : memref<1x128x256xi32, #tpu.memory_space<vmem>> -> memref<128x256xi32, #tpu.memory_space<vmem>>
    %dma_wait3A_614 = arith.constant 0 : i32
    %dma_wait3A_615 = tpu.memref_slice %arg7[%add3A_547, %dma_wait3A_614] : memref<32768x256xi32, #tpu.memory_space<hbm>> -> memref<128x256xi32, #tpu.memory_space<hbm>>
    %dma_wait3A_616 = arith.constant 0 : i32
    %dma_wait3A_617 = tpu.memref_slice %arg7[%add3A_547, %dma_wait3A_616] : memref<32768x256xi32, #tpu.memory_space<hbm>> -> memref<128x256xi32, #tpu.memory_space<hbm>>
    %dma_wait3A_618 = arith.constant 0 : i32
    %dma_wait3A_619 = arith.constant 0 : i32
    %dma_wait3A_620 = tpu.memref_slice %arg10[%dma_wait3A_609, %dma_wait3A_618, %dma_wait3A_619] : memref<3x128x256xi32, #tpu.memory_space<vmem>> -> memref<1x128x256xi32, #tpu.memory_space<vmem>>
    %dma_wait3A_621 = tpu.memref_squeeze %dma_wait3A_620 : memref<1x128x256xi32, #tpu.memory_space<vmem>> -> memref<128x256xi32, #tpu.memory_space<vmem>>
    tpu.wait_dma2 semaphore(%arg16 : memref<!tpu.dma_semaphore, #tpu.memory_space<semaphore_mem>>) src(%dma_wait3A_621 : memref<128x256xi32, #tpu.memory_space<vmem>>) dst(%dma_wait3A_617 : memref<128x256xi32, #tpu.memory_space<hbm>>)
    %dma_start3A_622 = arith.constant 2 : i32
    %dma_start3A_623 = arith.constant 0 : i32
    %dma_start3A_624 = arith.constant 0 : i32
    %dma_start3A_625 = tpu.memref_slice %arg10[%dma_start3A_622, %dma_start3A_623, %dma_start3A_624] : memref<3x128x256xi32, #tpu.memory_space<vmem>> -> memref<1x128x256xi32, #tpu.memory_space<vmem>>
    %dma_start3A_626 = tpu.memref_squeeze %dma_start3A_625 : memref<1x128x256xi32, #tpu.memory_space<vmem>> -> memref<128x256xi32, #tpu.memory_space<vmem>>
    %dma_start3A_627 = arith.constant 768 : i32
    %dma_start3A_628 = tpu.memref_slice %arg9[%dma_start3A_627] : memref<1024xi32, #tpu.memory_space<vmem>> -> memref<128xi32, #tpu.memory_space<vmem>>
    %dma_start3A_629 = arith.constant 0 : i32
    %dma_start3A_630 = arith.constant 0 : i32
    %dma_start3A_631 = tpu.memref_slice %arg4[%dma_start3A_629, %dma_start3A_630] : memref<4096x256xi32, #tpu.memory_space<hbm>> -> memref<4096x256xi32, #tpu.memory_space<hbm>>
    tpu.enqueue_indirect_dma source(%dma_start3A_631 : memref<4096x256xi32, #tpu.memory_space<hbm>>) target(%dma_start3A_626 : memref<128x256xi32, #tpu.memory_space<vmem>>) offsets(%dma_start3A_628 : memref<128xi32, #tpu.memory_space<vmem>>) semaphore(%arg13 : memref<!tpu.dma_semaphore, #tpu.memory_space<semaphore_mem>>)
    %dma_wait3A_632 = arith.constant 1 : i32
    %dma_wait3A_633 = arith.constant 0 : i32
    %dma_wait3A_634 = arith.constant 0 : i32
    %dma_wait3A_635 = tpu.memref_slice %arg10[%dma_wait3A_632, %dma_wait3A_633, %dma_wait3A_634] : memref<3x128x256xi32, #tpu.memory_space<vmem>> -> memref<1x128x256xi32, #tpu.memory_space<vmem>>
    %dma_wait3A_636 = tpu.memref_squeeze %dma_wait3A_635 : memref<1x128x256xi32, #tpu.memory_space<vmem>> -> memref<128x256xi32, #tpu.memory_space<vmem>>
    %dma_wait3A_637 = arith.constant 640 : i32
    %dma_wait3A_638 = tpu.memref_slice %arg9[%dma_wait3A_637] : memref<1024xi32, #tpu.memory_space<vmem>> -> memref<128xi32, #tpu.memory_space<vmem>>
    %dma_wait3A_639 = arith.constant 0 : i32
    %dma_wait3A_640 = arith.constant 0 : i32
    %dma_wait3A_641 = tpu.memref_slice %arg4[%dma_wait3A_639, %dma_wait3A_640] : memref<4096x256xi32, #tpu.memory_space<hbm>> -> memref<4096x256xi32, #tpu.memory_space<hbm>>
    tpu.wait_indirect_dma semaphore(%arg12 : memref<!tpu.dma_semaphore, #tpu.memory_space<semaphore_mem>>) src(%dma_wait3A_641 : memref<4096x256xi32, #tpu.memory_space<hbm>>) dst(%dma_wait3A_636 : memref<128x256xi32, #tpu.memory_space<vmem>>)
    %add3A_642 = arith.constant 640 : i32
    %add3A_643 = arith.addi %mul3A_2, %add3A_642 : i32
    %dma_start3A_644 = arith.constant 1 : i32
    %dma_start3A_645 = arith.constant 0 : i32
    %dma_start3A_646 = arith.constant 0 : i32
    %dma_start3A_647 = tpu.memref_slice %arg10[%dma_start3A_644, %dma_start3A_645, %dma_start3A_646] : memref<3x128x256xi32, #tpu.memory_space<vmem>> -> memref<1x128x256xi32, #tpu.memory_space<vmem>>
    %dma_start3A_648 = tpu.memref_squeeze %dma_start3A_647 : memref<1x128x256xi32, #tpu.memory_space<vmem>> -> memref<128x256xi32, #tpu.memory_space<vmem>>
    %dma_start3A_649 = arith.constant 0 : i32
    %dma_start3A_650 = tpu.memref_slice %arg7[%add3A_643, %dma_start3A_649] : memref<32768x256xi32, #tpu.memory_space<hbm>> -> memref<128x256xi32, #tpu.memory_space<hbm>>
    %dma_start3A_651 = arith.constant 0 : i32
    %dma_start3A_652 = tpu.memref_slice %arg7[%add3A_643, %dma_start3A_651] : memref<32768x256xi32, #tpu.memory_space<hbm>> -> memref<128x256xi32, #tpu.memory_space<hbm>>
    %dma_start3A_653 = arith.constant 0 : i32
    %dma_start3A_654 = arith.constant 0 : i32
    %dma_start3A_655 = tpu.memref_slice %arg10[%dma_start3A_644, %dma_start3A_653, %dma_start3A_654] : memref<3x128x256xi32, #tpu.memory_space<vmem>> -> memref<1x128x256xi32, #tpu.memory_space<vmem>>
    %dma_start3A_656 = tpu.memref_squeeze %dma_start3A_655 : memref<1x128x256xi32, #tpu.memory_space<vmem>> -> memref<128x256xi32, #tpu.memory_space<vmem>>
    tpu.enqueue_dma source(%dma_start3A_656 : memref<128x256xi32, #tpu.memory_space<vmem>>) target(%dma_start3A_652 : memref<128x256xi32, #tpu.memory_space<hbm>>) target_semaphore(%arg15 : memref<!tpu.dma_semaphore, #tpu.memory_space<semaphore_mem>>)
    %dma_wait3A_657 = arith.constant 0 : i32
    %dma_wait3A_658 = arith.constant 0 : i32
    %dma_wait3A_659 = arith.constant 0 : i32
    %dma_wait3A_660 = tpu.memref_slice %arg10[%dma_wait3A_657, %dma_wait3A_658, %dma_wait3A_659] : memref<3x128x256xi32, #tpu.memory_space<vmem>> -> memref<1x128x256xi32, #tpu.memory_space<vmem>>
    %dma_wait3A_661 = tpu.memref_squeeze %dma_wait3A_660 : memref<1x128x256xi32, #tpu.memory_space<vmem>> -> memref<128x256xi32, #tpu.memory_space<vmem>>
    %dma_wait3A_662 = arith.constant 0 : i32
    %dma_wait3A_663 = tpu.memref_slice %arg7[%add3A_595, %dma_wait3A_662] : memref<32768x256xi32, #tpu.memory_space<hbm>> -> memref<128x256xi32, #tpu.memory_space<hbm>>
    %dma_wait3A_664 = arith.constant 0 : i32
    %dma_wait3A_665 = tpu.memref_slice %arg7[%add3A_595, %dma_wait3A_664] : memref<32768x256xi32, #tpu.memory_space<hbm>> -> memref<128x256xi32, #tpu.memory_space<hbm>>
    %dma_wait3A_666 = arith.constant 0 : i32
    %dma_wait3A_667 = arith.constant 0 : i32
    %dma_wait3A_668 = tpu.memref_slice %arg10[%dma_wait3A_657, %dma_wait3A_666, %dma_wait3A_667] : memref<3x128x256xi32, #tpu.memory_space<vmem>> -> memref<1x128x256xi32, #tpu.memory_space<vmem>>
    %dma_wait3A_669 = tpu.memref_squeeze %dma_wait3A_668 : memref<1x128x256xi32, #tpu.memory_space<vmem>> -> memref<128x256xi32, #tpu.memory_space<vmem>>
    tpu.wait_dma2 semaphore(%arg14 : memref<!tpu.dma_semaphore, #tpu.memory_space<semaphore_mem>>) src(%dma_wait3A_669 : memref<128x256xi32, #tpu.memory_space<vmem>>) dst(%dma_wait3A_665 : memref<128x256xi32, #tpu.memory_space<hbm>>)
    %dma_start3A_670 = arith.constant 0 : i32
    %dma_start3A_671 = arith.constant 0 : i32
    %dma_start3A_672 = arith.constant 0 : i32
    %dma_start3A_673 = tpu.memref_slice %arg10[%dma_start3A_670, %dma_start3A_671, %dma_start3A_672] : memref<3x128x256xi32, #tpu.memory_space<vmem>> -> memref<1x128x256xi32, #tpu.memory_space<vmem>>
    %dma_start3A_674 = tpu.memref_squeeze %dma_start3A_673 : memref<1x128x256xi32, #tpu.memory_space<vmem>> -> memref<128x256xi32, #tpu.memory_space<vmem>>
    %dma_start3A_675 = arith.constant 896 : i32
    %dma_start3A_676 = tpu.memref_slice %arg9[%dma_start3A_675] : memref<1024xi32, #tpu.memory_space<vmem>> -> memref<128xi32, #tpu.memory_space<vmem>>
    %dma_start3A_677 = arith.constant 0 : i32
    %dma_start3A_678 = arith.constant 0 : i32
    %dma_start3A_679 = tpu.memref_slice %arg4[%dma_start3A_677, %dma_start3A_678] : memref<4096x256xi32, #tpu.memory_space<hbm>> -> memref<4096x256xi32, #tpu.memory_space<hbm>>
    tpu.enqueue_indirect_dma source(%dma_start3A_679 : memref<4096x256xi32, #tpu.memory_space<hbm>>) target(%dma_start3A_674 : memref<128x256xi32, #tpu.memory_space<vmem>>) offsets(%dma_start3A_676 : memref<128xi32, #tpu.memory_space<vmem>>) semaphore(%arg11 : memref<!tpu.dma_semaphore, #tpu.memory_space<semaphore_mem>>)
    %dma_wait3A_680 = arith.constant 2 : i32
    %dma_wait3A_681 = arith.constant 0 : i32
    %dma_wait3A_682 = arith.constant 0 : i32
    %dma_wait3A_683 = tpu.memref_slice %arg10[%dma_wait3A_680, %dma_wait3A_681, %dma_wait3A_682] : memref<3x128x256xi32, #tpu.memory_space<vmem>> -> memref<1x128x256xi32, #tpu.memory_space<vmem>>
    %dma_wait3A_684 = tpu.memref_squeeze %dma_wait3A_683 : memref<1x128x256xi32, #tpu.memory_space<vmem>> -> memref<128x256xi32, #tpu.memory_space<vmem>>
    %dma_wait3A_685 = arith.constant 768 : i32
    %dma_wait3A_686 = tpu.memref_slice %arg9[%dma_wait3A_685] : memref<1024xi32, #tpu.memory_space<vmem>> -> memref<128xi32, #tpu.memory_space<vmem>>
    %dma_wait3A_687 = arith.constant 0 : i32
    %dma_wait3A_688 = arith.constant 0 : i32
    %dma_wait3A_689 = tpu.memref_slice %arg4[%dma_wait3A_687, %dma_wait3A_688] : memref<4096x256xi32, #tpu.memory_space<hbm>> -> memref<4096x256xi32, #tpu.memory_space<hbm>>
    tpu.wait_indirect_dma semaphore(%arg13 : memref<!tpu.dma_semaphore, #tpu.memory_space<semaphore_mem>>) src(%dma_wait3A_689 : memref<4096x256xi32, #tpu.memory_space<hbm>>) dst(%dma_wait3A_684 : memref<128x256xi32, #tpu.memory_space<vmem>>)
    %add3A_690 = arith.constant 768 : i32
    %add3A_691 = arith.addi %mul3A_2, %add3A_690 : i32
    %dma_start3A_692 = arith.constant 2 : i32
    %dma_start3A_693 = arith.constant 0 : i32
    %dma_start3A_694 = arith.constant 0 : i32
    %dma_start3A_695 = tpu.memref_slice %arg10[%dma_start3A_692, %dma_start3A_693, %dma_start3A_694] : memref<3x128x256xi32, #tpu.memory_space<vmem>> -> memref<1x128x256xi32, #tpu.memory_space<vmem>>
    %dma_start3A_696 = tpu.memref_squeeze %dma_start3A_695 : memref<1x128x256xi32, #tpu.memory_space<vmem>> -> memref<128x256xi32, #tpu.memory_space<vmem>>
    %dma_start3A_697 = arith.constant 0 : i32
    %dma_start3A_698 = tpu.memref_slice %arg7[%add3A_691, %dma_start3A_697] : memref<32768x256xi32, #tpu.memory_space<hbm>> -> memref<128x256xi32, #tpu.memory_space<hbm>>
    %dma_start3A_699 = arith.constant 0 : i32
    %dma_start3A_700 = tpu.memref_slice %arg7[%add3A_691, %dma_start3A_699] : memref<32768x256xi32, #tpu.memory_space<hbm>> -> memref<128x256xi32, #tpu.memory_space<hbm>>
    %dma_start3A_701 = arith.constant 0 : i32
    %dma_start3A_702 = arith.constant 0 : i32
    %dma_start3A_703 = tpu.memref_slice %arg10[%dma_start3A_692, %dma_start3A_701, %dma_start3A_702] : memref<3x128x256xi32, #tpu.memory_space<vmem>> -> memref<1x128x256xi32, #tpu.memory_space<vmem>>
    %dma_start3A_704 = tpu.memref_squeeze %dma_start3A_703 : memref<1x128x256xi32, #tpu.memory_space<vmem>> -> memref<128x256xi32, #tpu.memory_space<vmem>>
    tpu.enqueue_dma source(%dma_start3A_704 : memref<128x256xi32, #tpu.memory_space<vmem>>) target(%dma_start3A_700 : memref<128x256xi32, #tpu.memory_space<hbm>>) target_semaphore(%arg16 : memref<!tpu.dma_semaphore, #tpu.memory_space<semaphore_mem>>)
    %dma_wait3A_705 = arith.constant 0 : i32
    %dma_wait3A_706 = arith.constant 0 : i32
    %dma_wait3A_707 = arith.constant 0 : i32
    %dma_wait3A_708 = tpu.memref_slice %arg10[%dma_wait3A_705, %dma_wait3A_706, %dma_wait3A_707] : memref<3x128x256xi32, #tpu.memory_space<vmem>> -> memref<1x128x256xi32, #tpu.memory_space<vmem>>
    %dma_wait3A_709 = tpu.memref_squeeze %dma_wait3A_708 : memref<1x128x256xi32, #tpu.memory_space<vmem>> -> memref<128x256xi32, #tpu.memory_space<vmem>>
    %dma_wait3A_710 = arith.constant 896 : i32
    %dma_wait3A_711 = tpu.memref_slice %arg9[%dma_wait3A_710] : memref<1024xi32, #tpu.memory_space<vmem>> -> memref<128xi32, #tpu.memory_space<vmem>>
    %dma_wait3A_712 = arith.constant 0 : i32
    %dma_wait3A_713 = arith.constant 0 : i32
    %dma_wait3A_714 = tpu.memref_slice %arg4[%dma_wait3A_712, %dma_wait3A_713] : memref<4096x256xi32, #tpu.memory_space<hbm>> -> memref<4096x256xi32, #tpu.memory_space<hbm>>
    tpu.wait_indirect_dma semaphore(%arg11 : memref<!tpu.dma_semaphore, #tpu.memory_space<semaphore_mem>>) src(%dma_wait3A_714 : memref<4096x256xi32, #tpu.memory_space<hbm>>) dst(%dma_wait3A_709 : memref<128x256xi32, #tpu.memory_space<vmem>>)
    %add3A_715 = arith.constant 896 : i32
    %add3A_716 = arith.addi %mul3A_2, %add3A_715 : i32
    %dma_start3A_717 = arith.constant 0 : i32
    %dma_start3A_718 = arith.constant 0 : i32
    %dma_start3A_719 = arith.constant 0 : i32
    %dma_start3A_720 = tpu.memref_slice %arg10[%dma_start3A_717, %dma_start3A_718, %dma_start3A_719] : memref<3x128x256xi32, #tpu.memory_space<vmem>> -> memref<1x128x256xi32, #tpu.memory_space<vmem>>
    %dma_start3A_721 = tpu.memref_squeeze %dma_start3A_720 : memref<1x128x256xi32, #tpu.memory_space<vmem>> -> memref<128x256xi32, #tpu.memory_space<vmem>>
    %dma_start3A_722 = arith.constant 0 : i32
    %dma_start3A_723 = tpu.memref_slice %arg7[%add3A_716, %dma_start3A_722] : memref<32768x256xi32, #tpu.memory_space<hbm>> -> memref<128x256xi32, #tpu.memory_space<hbm>>
    %dma_start3A_724 = arith.constant 0 : i32
    %dma_start3A_725 = tpu.memref_slice %arg7[%add3A_716, %dma_start3A_724] : memref<32768x256xi32, #tpu.memory_space<hbm>> -> memref<128x256xi32, #tpu.memory_space<hbm>>
    %dma_start3A_726 = arith.constant 0 : i32
    %dma_start3A_727 = arith.constant 0 : i32
    %dma_start3A_728 = tpu.memref_slice %arg10[%dma_start3A_717, %dma_start3A_726, %dma_start3A_727] : memref<3x128x256xi32, #tpu.memory_space<vmem>> -> memref<1x128x256xi32, #tpu.memory_space<vmem>>
    %dma_start3A_729 = tpu.memref_squeeze %dma_start3A_728 : memref<1x128x256xi32, #tpu.memory_space<vmem>> -> memref<128x256xi32, #tpu.memory_space<vmem>>
    tpu.enqueue_dma source(%dma_start3A_729 : memref<128x256xi32, #tpu.memory_space<vmem>>) target(%dma_start3A_725 : memref<128x256xi32, #tpu.memory_space<hbm>>) target_semaphore(%arg14 : memref<!tpu.dma_semaphore, #tpu.memory_space<semaphore_mem>>)
    %dma_wait3A_730 = arith.constant 0 : i32
    %dma_wait3A_731 = arith.constant 0 : i32
    %dma_wait3A_732 = arith.constant 0 : i32
    %dma_wait3A_733 = tpu.memref_slice %arg10[%dma_wait3A_730, %dma_wait3A_731, %dma_wait3A_732] : memref<3x128x256xi32, #tpu.memory_space<vmem>> -> memref<1x128x256xi32, #tpu.memory_space<vmem>>
    %dma_wait3A_734 = tpu.memref_squeeze %dma_wait3A_733 : memref<1x128x256xi32, #tpu.memory_space<vmem>> -> memref<128x256xi32, #tpu.memory_space<vmem>>
    %dma_wait3A_735 = arith.constant 0 : i32
    %dma_wait3A_736 = tpu.memref_slice %arg7[%add3A_716, %dma_wait3A_735] : memref<32768x256xi32, #tpu.memory_space<hbm>> -> memref<128x256xi32, #tpu.memory_space<hbm>>
    %dma_wait3A_737 = arith.constant 0 : i32
    %dma_wait3A_738 = tpu.memref_slice %arg7[%add3A_716, %dma_wait3A_737] : memref<32768x256xi32, #tpu.memory_space<hbm>> -> memref<128x256xi32, #tpu.memory_space<hbm>>
    %dma_wait3A_739 = arith.constant 0 : i32
    %dma_wait3A_740 = arith.constant 0 : i32
    %dma_wait3A_741 = tpu.memref_slice %arg10[%dma_wait3A_730, %dma_wait3A_739, %dma_wait3A_740] : memref<3x128x256xi32, #tpu.memory_space<vmem>> -> memref<1x128x256xi32, #tpu.memory_space<vmem>>
    %dma_wait3A_742 = tpu.memref_squeeze %dma_wait3A_741 : memref<1x128x256xi32, #tpu.memory_space<vmem>> -> memref<128x256xi32, #tpu.memory_space<vmem>>
    tpu.wait_dma2 semaphore(%arg14 : memref<!tpu.dma_semaphore, #tpu.memory_space<semaphore_mem>>) src(%dma_wait3A_742 : memref<128x256xi32, #tpu.memory_space<vmem>>) dst(%dma_wait3A_738 : memref<128x256xi32, #tpu.memory_space<hbm>>)
    %dma_wait3A_743 = arith.constant 1 : i32
    %dma_wait3A_744 = arith.constant 0 : i32
    %dma_wait3A_745 = arith.constant 0 : i32
    %dma_wait3A_746 = tpu.memref_slice %arg10[%dma_wait3A_743, %dma_wait3A_744, %dma_wait3A_745] : memref<3x128x256xi32, #tpu.memory_space<vmem>> -> memref<1x128x256xi32, #tpu.memory_space<vmem>>
    %dma_wait3A_747 = tpu.memref_squeeze %dma_wait3A_746 : memref<1x128x256xi32, #tpu.memory_space<vmem>> -> memref<128x256xi32, #tpu.memory_space<vmem>>
    %dma_wait3A_748 = arith.constant 0 : i32
    %dma_wait3A_749 = tpu.memref_slice %arg7[%add3A_643, %dma_wait3A_748] : memref<32768x256xi32, #tpu.memory_space<hbm>> -> memref<128x256xi32, #tpu.memory_space<hbm>>
    %dma_wait3A_750 = arith.constant 0 : i32
    %dma_wait3A_751 = tpu.memref_slice %arg7[%add3A_643, %dma_wait3A_750] : memref<32768x256xi32, #tpu.memory_space<hbm>> -> memref<128x256xi32, #tpu.memory_space<hbm>>
    %dma_wait3A_752 = arith.constant 0 : i32
    %dma_wait3A_753 = arith.constant 0 : i32
    %dma_wait3A_754 = tpu.memref_slice %arg10[%dma_wait3A_743, %dma_wait3A_752, %dma_wait3A_753] : memref<3x128x256xi32, #tpu.memory_space<vmem>> -> memref<1x128x256xi32, #tpu.memory_space<vmem>>
    %dma_wait3A_755 = tpu.memref_squeeze %dma_wait3A_754 : memref<1x128x256xi32, #tpu.memory_space<vmem>> -> memref<128x256xi32, #tpu.memory_space<vmem>>
    tpu.wait_dma2 semaphore(%arg15 : memref<!tpu.dma_semaphore, #tpu.memory_space<semaphore_mem>>) src(%dma_wait3A_755 : memref<128x256xi32, #tpu.memory_space<vmem>>) dst(%dma_wait3A_751 : memref<128x256xi32, #tpu.memory_space<hbm>>)
    %dma_wait3A_756 = arith.constant 2 : i32
    %dma_wait3A_757 = arith.constant 0 : i32
    %dma_wait3A_758 = arith.constant 0 : i32
    %dma_wait3A_759 = tpu.memref_slice %arg10[%dma_wait3A_756, %dma_wait3A_757, %dma_wait3A_758] : memref<3x128x256xi32, #tpu.memory_space<vmem>> -> memref<1x128x256xi32, #tpu.memory_space<vmem>>
    %dma_wait3A_760 = tpu.memref_squeeze %dma_wait3A_759 : memref<1x128x256xi32, #tpu.memory_space<vmem>> -> memref<128x256xi32, #tpu.memory_space<vmem>>
    %dma_wait3A_761 = arith.constant 0 : i32
    %dma_wait3A_762 = tpu.memref_slice %arg7[%add3A_691, %dma_wait3A_761] : memref<32768x256xi32, #tpu.memory_space<hbm>> -> memref<128x256xi32, #tpu.memory_space<hbm>>
    %dma_wait3A_763 = arith.constant 0 : i32
    %dma_wait3A_764 = tpu.memref_slice %arg7[%add3A_691, %dma_wait3A_763] : memref<32768x256xi32, #tpu.memory_space<hbm>> -> memref<128x256xi32, #tpu.memory_space<hbm>>
    %dma_wait3A_765 = arith.constant 0 : i32
    %dma_wait3A_766 = arith.constant 0 : i32
    %dma_wait3A_767 = tpu.memref_slice %arg10[%dma_wait3A_756, %dma_wait3A_765, %dma_wait3A_766] : memref<3x128x256xi32, #tpu.memory_space<vmem>> -> memref<1x128x256xi32, #tpu.memory_space<vmem>>
    %dma_wait3A_768 = tpu.memref_squeeze %dma_wait3A_767 : memref<1x128x256xi32, #tpu.memory_space<vmem>> -> memref<128x256xi32, #tpu.memory_space<vmem>>
    tpu.wait_dma2 semaphore(%arg16 : memref<!tpu.dma_semaphore, #tpu.memory_space<semaphore_mem>>) src(%dma_wait3A_768 : memref<128x256xi32, #tpu.memory_space<vmem>>) dst(%dma_wait3A_764 : memref<128x256xi32, #tpu.memory_space<hbm>>)
    return
  }
}

module attributes {stable_mosaic.version = 14 : i64} {
  func.func @_fused_prep_body(%arg0: i32, %arg1: i32, %arg2: memref<1x256x384xf32, #tpu.memory_space<vmem>>, %arg3: memref<1x256x384xf32, #tpu.memory_space<vmem>>, %arg4: memref<1x256x8xf32, #tpu.memory_space<vmem>>, %arg5: memref<1x2048x8xf32, #tpu.memory_space<vmem>>, %arg6: memref<1x2048x8xf32, #tpu.memory_space<vmem>>, %arg7: memref<1x384xf32, #tpu.memory_space<vmem>>, %arg8: memref<1x384xf32, #tpu.memory_space<vmem>>, %arg9: memref<384x1152xf32, #tpu.memory_space<vmem>>, %arg10: memref<768x384xf32, #tpu.memory_space<vmem>>, %arg11: memref<1x384xf32, #tpu.memory_space<vmem>>, %arg12: memref<1x384xf32, #tpu.memory_space<vmem>>, %arg13: memref<1x384xf32, #tpu.memory_space<vmem>>, %arg14: memref<384x384xf32, #tpu.memory_space<vmem>>, %arg15: memref<384x384xf32, #tpu.memory_space<vmem>>, %arg16: memref<768x384xf32, #tpu.memory_space<vmem>>, %arg17: memref<6x1x256x64xbf16, #tpu.memory_space<vmem>>, %arg18: memref<6x1x256x64xbf16, #tpu.memory_space<vmem>>, %arg19: memref<6x1x256x128xbf16, #tpu.memory_space<vmem>>, %arg20: memref<1x256x256xi32, #tpu.memory_space<vmem>>, %arg21: memref<1x256x384xf32, #tpu.memory_space<vmem>>, %arg22: memref<6x1x256x64xbf16, #tpu.memory_space<vmem>>, %arg23: memref<6x1x256x128xbf16, #tpu.memory_space<vmem>>, %arg24: memref<1x256x256xi32, #tpu.memory_space<vmem>>, %arg25: memref<8x1x1x256xi32, #tpu.memory_space<vmem>>, %arg26: memref<8x1x1x256xi32, #tpu.memory_space<vmem>>) attributes {dimension_semantics = [#tpu.dimension_semantics<arbitrary>, #tpu.dimension_semantics<arbitrary>], iteration_bounds = array<i64: 2, 8>, scalar_prefetch = 0 : i64, scratch_operands = 0 : i64, tpu.core_type = #tpu.core_type<tc>, window_params = [{transform_indices = @transform_0, window_bounds = array<i64: 1, 256, 384>}, {transform_indices = @transform_1, window_bounds = array<i64: 1, 256, 384>}, {transform_indices = @transform_2, window_bounds = array<i64: 1, 256, 8>}, {transform_indices = @transform_3, window_bounds = array<i64: 1, 2048, 8>}, {transform_indices = @transform_4, window_bounds = array<i64: 1, 2048, 8>}, {pipeline_mode = #tpu.pipeline_mode<synchronous>, transform_indices = @transform_5, window_bounds = array<i64: 1, 384>}, {pipeline_mode = #tpu.pipeline_mode<synchronous>, transform_indices = @transform_6, window_bounds = array<i64: 1, 384>}, {pipeline_mode = #tpu.pipeline_mode<synchronous>, transform_indices = @transform_7, window_bounds = array<i64: 384, 1152>}, {pipeline_mode = #tpu.pipeline_mode<synchronous>, transform_indices = @transform_8, window_bounds = array<i64: 768, 384>}, {pipeline_mode = #tpu.pipeline_mode<synchronous>, transform_indices = @transform_9, window_bounds = array<i64: 1, 384>}, {pipeline_mode = #tpu.pipeline_mode<synchronous>, transform_indices = @transform_10, window_bounds = array<i64: 1, 384>}, {pipeline_mode = #tpu.pipeline_mode<synchronous>, transform_indices = @transform_11, window_bounds = array<i64: 1, 384>}, {pipeline_mode = #tpu.pipeline_mode<synchronous>, transform_indices = @transform_12, window_bounds = array<i64: 384, 384>}, {pipeline_mode = #tpu.pipeline_mode<synchronous>, transform_indices = @transform_13, window_bounds = array<i64: 384, 384>}, {pipeline_mode = #tpu.pipeline_mode<synchronous>, transform_indices = @transform_14, window_bounds = array<i64: 768, 384>}, {transform_indices = @transform_15, window_bounds = array<i64: 6, 1, 256, 64>}, {transform_indices = @transform_16, window_bounds = array<i64: 6, 1, 256, 64>}, {transform_indices = @transform_17, window_bounds = array<i64: 6, 1, 256, 128>}, {transform_indices = @transform_18, window_bounds = array<i64: 1, 256, 256>}, {transform_indices = @transform_19, window_bounds = array<i64: 1, 256, 384>}, {transform_indices = @transform_20, window_bounds = array<i64: 6, 1, 256, 64>}, {transform_indices = @transform_21, window_bounds = array<i64: 6, 1, 256, 128>}, {transform_indices = @transform_22, window_bounds = array<i64: 1, 256, 256>}, {transform_indices = @transform_23, window_bounds = array<i64: 8, 1, 1, 256>}, {transform_indices = @transform_24, window_bounds = array<i64: 8, 1, 1, 256>}]} {
    %get3A = arith.constant 0 : index
    %get3A_0 = arith.constant 0 : index
    %get3A_1 = arith.constant 0 : index
    %get3A_2 = vector.load %arg2[%get3A, %get3A_0, %get3A_1] : memref<1x256x384xf32, #tpu.memory_space<vmem>>, vector<1x256x384xf32>
    %get3A_3 = vector.shape_cast %get3A_2 : vector<1x256x384xf32> to vector<256x384xf32>
    %get3A_4 = arith.constant 0 : index
    %get3A_5 = arith.constant 0 : index
    %get3A_6 = vector.load %arg7[%get3A_4, %get3A_5] : memref<1x384xf32, #tpu.memory_space<vmem>>, vector<1x384xf32>
    %get3A_7 = vector.shape_cast %get3A_6 : vector<1x384xf32> to vector<384xf32>
    %get3A_8 = arith.constant 0 : index
    %get3A_9 = arith.constant 0 : index
    %get3A_10 = vector.load %arg8[%get3A_8, %get3A_9] : memref<1x384xf32, #tpu.memory_space<vmem>>, vector<1x384xf32>
    %get3A_11 = vector.shape_cast %get3A_10 : vector<1x384xf32> to vector<384xf32>
    %reduce_sum3A = arith.constant dense<0.000000e+00> : vector<256xf32>
    %reduce_sum3A_12 = vector.multi_reduction <add>, %get3A_3, %reduce_sum3A [1] : vector<256x384xf32> to vector<256xf32>
    %broadcast_in_dim3A = vector.shape_cast %reduce_sum3A_12 : vector<256xf32> to vector<256x1xf32>
    %div3A = arith.constant 3.840000e+02 : f32
    %div3A_13 = vector.broadcast %div3A : f32 to vector<256x1xf32>
    %div3A_14 = arith.divf %broadcast_in_dim3A, %div3A_13 : vector<256x1xf32>
    %sub3A = vector.broadcast %div3A_14 : vector<256x1xf32> to vector<256x384xf32>
    %sub3A_15 = arith.subf %get3A_3, %sub3A : vector<256x384xf32>
    %mul3A = arith.mulf %sub3A_15, %sub3A_15 : vector<256x384xf32>
    %reduce_sum3A_16 = arith.constant dense<0.000000e+00> : vector<256xf32>
    %reduce_sum3A_17 = vector.multi_reduction <add>, %mul3A, %reduce_sum3A_16 [1] : vector<256x384xf32> to vector<256xf32>
    %broadcast_in_dim3A_18 = vector.shape_cast %reduce_sum3A_17 : vector<256xf32> to vector<256x1xf32>
    %div3A_19 = arith.constant 3.840000e+02 : f32
    %div3A_20 = vector.broadcast %div3A_19 : f32 to vector<256x1xf32>
    %div3A_21 = arith.divf %broadcast_in_dim3A_18, %div3A_20 : vector<256x1xf32>
    %add3A = arith.constant 9.99999974E-6 : f32
    %add3A_22 = vector.broadcast %add3A : f32 to vector<256x1xf32>
    %add3A_23 = arith.addf %div3A_21, %add3A_22 : vector<256x1xf32>
    %rsqrt3A = math.rsqrt %add3A_23 : vector<256x1xf32>
    %mul3A_24 = vector.broadcast %rsqrt3A : vector<256x1xf32> to vector<256x384xf32>
    %mul3A_25 = arith.mulf %sub3A_15, %mul3A_24 : vector<256x384xf32>
    %broadcast_in_dim3A_26 = vector.shape_cast %get3A_7 : vector<384xf32> to vector<1x384xf32>
    %mul3A_27 = vector.broadcast %broadcast_in_dim3A_26 : vector<1x384xf32> to vector<256x384xf32>
    %mul3A_28 = arith.mulf %mul3A_25, %mul3A_27 : vector<256x384xf32>
    %broadcast_in_dim3A_29 = vector.shape_cast %get3A_11 : vector<384xf32> to vector<1x384xf32>
    %add3A_30 = vector.broadcast %broadcast_in_dim3A_29 : vector<1x384xf32> to vector<256x384xf32>
    %add3A_31 = arith.addf %mul3A_28, %add3A_30 : vector<256x384xf32>
    %get3A_32 = arith.constant 0 : index
    %get3A_33 = arith.constant 0 : index
    %get3A_34 = vector.load %arg9[%get3A_32, %get3A_33] : memref<384x1152xf32, #tpu.memory_space<vmem>>, vector<384x1152xf32>
    %dot_general3A = arith.constant dense<0.000000e+00> : vector<256x1152xf32>
    %dot_general3A_35 = tpu.matmul %add3A_31, %get3A_34, %dot_general3A {dimension_numbers = #tpu.dot_dimension_numbers<[1], [0], [0], [1], [0, 0, 1, 1], [], []>, transpose_lhs_hint = false} : vector<256x384xf32>, vector<384x1152xf32>, vector<256x1152xf32> -> vector<256x1152xf32>
    %slice3A = vector.extract_strided_slice %dot_general3A_35 {offsets = [0, 0], sizes = [256, 384], strides = [1, 1]} : vector<256x1152xf32> to vector<256x384xf32>
    %mul3A_36 = arith.constant 1.250000e-01 : f32
    %mul3A_37 = vector.broadcast %mul3A_36 : f32 to vector<256x384xf32>
    %mul3A_38 = arith.mulf %slice3A, %mul3A_37 : vector<256x384xf32>
    %convert_element_type3A = arith.truncf %mul3A_38 : vector<256x384xf32> to vector<256x384xbf16>
    %slice3A_39 = vector.extract_strided_slice %convert_element_type3A {offsets = [0, 0], sizes = [256, 64], strides = [1, 1]} : vector<256x384xbf16> to vector<256x64xbf16>
    %slice3A_40 = vector.extract_strided_slice %convert_element_type3A {offsets = [0, 64], sizes = [256, 64], strides = [1, 1]} : vector<256x384xbf16> to vector<256x64xbf16>
    %slice3A_41 = vector.extract_strided_slice %convert_element_type3A {offsets = [0, 128], sizes = [256, 64], strides = [1, 1]} : vector<256x384xbf16> to vector<256x64xbf16>
    %slice3A_42 = vector.extract_strided_slice %convert_element_type3A {offsets = [0, 192], sizes = [256, 64], strides = [1, 1]} : vector<256x384xbf16> to vector<256x64xbf16>
    %slice3A_43 = vector.extract_strided_slice %convert_element_type3A {offsets = [0, 256], sizes = [256, 64], strides = [1, 1]} : vector<256x384xbf16> to vector<256x64xbf16>
    %slice3A_44 = vector.extract_strided_slice %convert_element_type3A {offsets = [0, 320], sizes = [256, 64], strides = [1, 1]} : vector<256x384xbf16> to vector<256x64xbf16>
    %stack3A = vector.shape_cast %slice3A_39 : vector<256x64xbf16> to vector<1x256x64xbf16>
    %stack3A_45 = vector.shape_cast %slice3A_40 : vector<256x64xbf16> to vector<1x256x64xbf16>
    %stack3A_46 = vector.shape_cast %slice3A_41 : vector<256x64xbf16> to vector<1x256x64xbf16>
    %stack3A_47 = vector.shape_cast %slice3A_42 : vector<256x64xbf16> to vector<1x256x64xbf16>
    %stack3A_48 = vector.shape_cast %slice3A_43 : vector<256x64xbf16> to vector<1x256x64xbf16>
    %stack3A_49 = vector.shape_cast %slice3A_44 : vector<256x64xbf16> to vector<1x256x64xbf16>
    %stack3A_50 = tpu.concatenate %stack3A, %stack3A_45, %stack3A_46, %stack3A_47, %stack3A_48, %stack3A_49 in 0 : vector<1x256x64xbf16>, vector<1x256x64xbf16>, vector<1x256x64xbf16>, vector<1x256x64xbf16>, vector<1x256x64xbf16>, vector<1x256x64xbf16> -> vector<6x256x64xbf16>
    %swap3A = arith.constant 0 : index
    %swap3A_51 = arith.constant 0 : index
    %swap3A_52 = arith.constant 0 : index
    %swap3A_53 = arith.constant 0 : index
    %swap3A_54 = vector.load %arg17[%swap3A, %swap3A_51, %swap3A_52, %swap3A_53] : memref<6x1x256x64xbf16, #tpu.memory_space<vmem>>, vector<6x1x256x64xbf16>
    %swap3A_55 = vector.shape_cast %swap3A_54 : vector<6x1x256x64xbf16> to vector<6x256x64xbf16>
    %swap3A_56 = vector.shape_cast %stack3A_50 : vector<6x256x64xbf16> to vector<6x1x256x64xbf16>
    tpu.vector_store %arg17[%swap3A, %swap3A_51, %swap3A_52, %swap3A_53], %swap3A_56 {strides = array<i32>} : memref<6x1x256x64xbf16, #tpu.memory_space<vmem>>, vector<6x1x256x64xbf16>,
    %slice3A_57 = vector.extract_strided_slice %dot_general3A_35 {offsets = [0, 384], sizes = [256, 384], strides = [1, 1]} : vector<256x1152xf32> to vector<256x384xf32>
    %convert_element_type3A_58 = arith.truncf %slice3A_57 : vector<256x384xf32> to vector<256x384xbf16>
    %slice3A_59 = vector.extract_strided_slice %convert_element_type3A_58 {offsets = [0, 0], sizes = [256, 64], strides = [1, 1]} : vector<256x384xbf16> to vector<256x64xbf16>
    %slice3A_60 = vector.extract_strided_slice %convert_element_type3A_58 {offsets = [0, 64], sizes = [256, 64], strides = [1, 1]} : vector<256x384xbf16> to vector<256x64xbf16>
    %slice3A_61 = vector.extract_strided_slice %convert_element_type3A_58 {offsets = [0, 128], sizes = [256, 64], strides = [1, 1]} : vector<256x384xbf16> to vector<256x64xbf16>
    %slice3A_62 = vector.extract_strided_slice %convert_element_type3A_58 {offsets = [0, 192], sizes = [256, 64], strides = [1, 1]} : vector<256x384xbf16> to vector<256x64xbf16>
    %slice3A_63 = vector.extract_strided_slice %convert_element_type3A_58 {offsets = [0, 256], sizes = [256, 64], strides = [1, 1]} : vector<256x384xbf16> to vector<256x64xbf16>
    %slice3A_64 = vector.extract_strided_slice %convert_element_type3A_58 {offsets = [0, 320], sizes = [256, 64], strides = [1, 1]} : vector<256x384xbf16> to vector<256x64xbf16>
    %stack3A_65 = vector.shape_cast %slice3A_59 : vector<256x64xbf16> to vector<1x256x64xbf16>
    %stack3A_66 = vector.shape_cast %slice3A_60 : vector<256x64xbf16> to vector<1x256x64xbf16>
    %stack3A_67 = vector.shape_cast %slice3A_61 : vector<256x64xbf16> to vector<1x256x64xbf16>
    %stack3A_68 = vector.shape_cast %slice3A_62 : vector<256x64xbf16> to vector<1x256x64xbf16>
    %stack3A_69 = vector.shape_cast %slice3A_63 : vector<256x64xbf16> to vector<1x256x64xbf16>
    %stack3A_70 = vector.shape_cast %slice3A_64 : vector<256x64xbf16> to vector<1x256x64xbf16>
    %stack3A_71 = tpu.concatenate %stack3A_65, %stack3A_66, %stack3A_67, %stack3A_68, %stack3A_69, %stack3A_70 in 0 : vector<1x256x64xbf16>, vector<1x256x64xbf16>, vector<1x256x64xbf16>, vector<1x256x64xbf16>, vector<1x256x64xbf16>, vector<1x256x64xbf16> -> vector<6x256x64xbf16>
    %swap3A_72 = arith.constant 0 : index
    %swap3A_73 = arith.constant 0 : index
    %swap3A_74 = arith.constant 0 : index
    %swap3A_75 = arith.constant 0 : index
    %swap3A_76 = vector.load %arg18[%swap3A_72, %swap3A_73, %swap3A_74, %swap3A_75] : memref<6x1x256x64xbf16, #tpu.memory_space<vmem>>, vector<6x1x256x64xbf16>
    %swap3A_77 = vector.shape_cast %swap3A_76 : vector<6x1x256x64xbf16> to vector<6x256x64xbf16>
    %swap3A_78 = vector.shape_cast %stack3A_71 : vector<6x256x64xbf16> to vector<6x1x256x64xbf16>
    tpu.vector_store %arg18[%swap3A_72, %swap3A_73, %swap3A_74, %swap3A_75], %swap3A_78 {strides = array<i32>} : memref<6x1x256x64xbf16, #tpu.memory_space<vmem>>, vector<6x1x256x64xbf16>,
    %slice3A_79 = vector.extract_strided_slice %dot_general3A_35 {offsets = [0, 768], sizes = [256, 384], strides = [1, 1]} : vector<256x1152xf32> to vector<256x384xf32>
    %convert_element_type3A_80 = arith.truncf %slice3A_79 : vector<256x384xf32> to vector<256x384xbf16>
    %broadcast_in_dim3A_81 = arith.constant 1.000000e+00 : bf16
    %broadcast_in_dim3A_82 = vector.broadcast %broadcast_in_dim3A_81 : bf16 to vector<256x64xbf16>
    %slice3A_83 = vector.extract_strided_slice %convert_element_type3A_80 {offsets = [0, 0], sizes = [256, 64], strides = [1, 1]} : vector<256x384xbf16> to vector<256x64xbf16>
    %concatenate3A = tpu.concatenate %slice3A_83, %broadcast_in_dim3A_82 in 1 : vector<256x64xbf16>, vector<256x64xbf16> -> vector<256x128xbf16>
    %slice3A_84 = vector.extract_strided_slice %convert_element_type3A_80 {offsets = [0, 64], sizes = [256, 64], strides = [1, 1]} : vector<256x384xbf16> to vector<256x64xbf16>
    %concatenate3A_85 = tpu.concatenate %slice3A_84, %broadcast_in_dim3A_82 in 1 : vector<256x64xbf16>, vector<256x64xbf16> -> vector<256x128xbf16>
    %slice3A_86 = vector.extract_strided_slice %convert_element_type3A_80 {offsets = [0, 128], sizes = [256, 64], strides = [1, 1]} : vector<256x384xbf16> to vector<256x64xbf16>
    %concatenate3A_87 = tpu.concatenate %slice3A_86, %broadcast_in_dim3A_82 in 1 : vector<256x64xbf16>, vector<256x64xbf16> -> vector<256x128xbf16>
    %slice3A_88 = vector.extract_strided_slice %convert_element_type3A_80 {offsets = [0, 192], sizes = [256, 64], strides = [1, 1]} : vector<256x384xbf16> to vector<256x64xbf16>
    %concatenate3A_89 = tpu.concatenate %slice3A_88, %broadcast_in_dim3A_82 in 1 : vector<256x64xbf16>, vector<256x64xbf16> -> vector<256x128xbf16>
    %slice3A_90 = vector.extract_strided_slice %convert_element_type3A_80 {offsets = [0, 256], sizes = [256, 64], strides = [1, 1]} : vector<256x384xbf16> to vector<256x64xbf16>
    %concatenate3A_91 = tpu.concatenate %slice3A_90, %broadcast_in_dim3A_82 in 1 : vector<256x64xbf16>, vector<256x64xbf16> -> vector<256x128xbf16>
    %slice3A_92 = vector.extract_strided_slice %convert_element_type3A_80 {offsets = [0, 320], sizes = [256, 64], strides = [1, 1]} : vector<256x384xbf16> to vector<256x64xbf16>
    %concatenate3A_93 = tpu.concatenate %slice3A_92, %broadcast_in_dim3A_82 in 1 : vector<256x64xbf16>, vector<256x64xbf16> -> vector<256x128xbf16>
    %stack3A_94 = vector.shape_cast %concatenate3A : vector<256x128xbf16> to vector<1x256x128xbf16>
    %stack3A_95 = vector.shape_cast %concatenate3A_85 : vector<256x128xbf16> to vector<1x256x128xbf16>
    %stack3A_96 = vector.shape_cast %concatenate3A_87 : vector<256x128xbf16> to vector<1x256x128xbf16>
    %stack3A_97 = vector.shape_cast %concatenate3A_89 : vector<256x128xbf16> to vector<1x256x128xbf16>
    %stack3A_98 = vector.shape_cast %concatenate3A_91 : vector<256x128xbf16> to vector<1x256x128xbf16>
    %stack3A_99 = vector.shape_cast %concatenate3A_93 : vector<256x128xbf16> to vector<1x256x128xbf16>
    %stack3A_100 = tpu.concatenate %stack3A_94, %stack3A_95, %stack3A_96, %stack3A_97, %stack3A_98, %stack3A_99 in 0 : vector<1x256x128xbf16>, vector<1x256x128xbf16>, vector<1x256x128xbf16>, vector<1x256x128xbf16>, vector<1x256x128xbf16>, vector<1x256x128xbf16> -> vector<6x256x128xbf16>
    %swap3A_101 = arith.constant 0 : index
    %swap3A_102 = arith.constant 0 : index
    %swap3A_103 = arith.constant 0 : index
    %swap3A_104 = arith.constant 0 : index
    %swap3A_105 = vector.load %arg19[%swap3A_101, %swap3A_102, %swap3A_103, %swap3A_104] : memref<6x1x256x128xbf16, #tpu.memory_space<vmem>>, vector<6x1x256x128xbf16>
    %swap3A_106 = vector.shape_cast %swap3A_105 : vector<6x1x256x128xbf16> to vector<6x256x128xbf16>
    %swap3A_107 = vector.shape_cast %stack3A_100 : vector<6x256x128xbf16> to vector<6x1x256x128xbf16>
    tpu.vector_store %arg19[%swap3A_101, %swap3A_102, %swap3A_103, %swap3A_104], %swap3A_107 {strides = array<i32>} : memref<6x1x256x128xbf16, #tpu.memory_space<vmem>>, vector<6x1x256x128xbf16>,
    %get3A_108 = arith.constant 0 : index
    %get3A_109 = arith.constant 0 : index
    %get3A_110 = vector.load %arg10[%get3A_108, %get3A_109] : memref<768x384xf32, #tpu.memory_space<vmem>>, vector<384x384xf32>
    %get3A_111 = arith.constant 384 : index
    %get3A_112 = arith.constant 0 : index
    %get3A_113 = vector.load %arg10[%get3A_111, %get3A_112] : memref<768x384xf32, #tpu.memory_space<vmem>>, vector<384x384xf32>
    %dot_general3A_114 = arith.constant dense<0.000000e+00> : vector<256x384xf32>
    %dot_general3A_115 = tpu.matmul %add3A_31, %get3A_110, %dot_general3A_114 {dimension_numbers = #tpu.dot_dimension_numbers<[1], [0], [0], [1], [0, 0, 1, 1], [], []>, transpose_lhs_hint = false} : vector<256x384xf32>, vector<384x384xf32>, vector<256x384xf32> -> vector<256x384xf32>
    %convert_element_type3A_116 = arith.truncf %dot_general3A_115 : vector<256x384xf32> to vector<256x384xbf16>
    %slice3A_117 = vector.extract_strided_slice %convert_element_type3A_116 {offsets = [0, 0], sizes = [256, 192], strides = [1, 1]} : vector<256x384xbf16> to vector<256x192xbf16>
    %bitcast_convert_type3A = tpu.bitcast %slice3A_117 : vector<256x192xbf16> -> vector<256x192xi16>
    %convert_element_type3A_118 = arith.extui %bitcast_convert_type3A : vector<256x192xi16> to vector<256x192xi32>
    %slice3A_119 = vector.extract_strided_slice %convert_element_type3A_116 {offsets = [0, 192], sizes = [256, 192], strides = [1, 1]} : vector<256x384xbf16> to vector<256x192xbf16>
    %bitcast_convert_type3A_120 = tpu.bitcast %slice3A_119 : vector<256x192xbf16> -> vector<256x192xi16>
    %convert_element_type3A_121 = arith.extui %bitcast_convert_type3A_120 : vector<256x192xi16> to vector<256x192xi32>
    %shift_left3A = arith.constant 16 : i32
    %shift_left3A_122 = vector.broadcast %shift_left3A : i32 to vector<256x192xi32>
    %shift_left3A_123 = arith.shli %convert_element_type3A_121, %shift_left3A_122 : vector<256x192xi32>
    %or3A = arith.ori %convert_element_type3A_118, %shift_left3A_123 : vector<256x192xi32>
    %bitcast_convert_type3A_124 = tpu.bitcast %or3A : vector<256x192xi32> -> vector<256x192xi32>
    %broadcast_in_dim3A_125 = arith.constant 0 : i32
    %broadcast_in_dim3A_126 = vector.broadcast %broadcast_in_dim3A_125 : i32 to vector<256x64xi32>
    %concatenate3A_127 = tpu.concatenate %bitcast_convert_type3A_124, %broadcast_in_dim3A_126 in 1 : vector<256x192xi32>, vector<256x64xi32> -> vector<256x256xi32>
    %swap3A_128 = arith.constant 0 : index
    %swap3A_129 = arith.constant 0 : index
    %swap3A_130 = arith.constant 0 : index
    %swap3A_131 = vector.load %arg20[%swap3A_128, %swap3A_129, %swap3A_130] : memref<1x256x256xi32, #tpu.memory_space<vmem>>, vector<1x256x256xi32>
    %swap3A_132 = vector.shape_cast %swap3A_131 : vector<1x256x256xi32> to vector<256x256xi32>
    %swap3A_133 = vector.shape_cast %concatenate3A_127 : vector<256x256xi32> to vector<1x256x256xi32>
    tpu.vector_store %arg20[%swap3A_128, %swap3A_129, %swap3A_130], %swap3A_133 {strides = array<i32>} : memref<1x256x256xi32, #tpu.memory_space<vmem>>, vector<1x256x256xi32>,
    %sub3A_134 = arith.subf %get3A_113, %get3A_110 : vector<384x384xf32>
    %dot_general3A_135 = arith.constant dense<0.000000e+00> : vector<256x384xf32>
    %dot_general3A_136 = tpu.matmul %add3A_31, %sub3A_134, %dot_general3A_135 {dimension_numbers = #tpu.dot_dimension_numbers<[1], [0], [0], [1], [0, 0, 1, 1], [], []>, transpose_lhs_hint = false} : vector<256x384xf32>, vector<384x384xf32>, vector<256x384xf32> -> vector<256x384xf32>
    %get3A_137 = arith.constant 0 : index
    %get3A_138 = arith.constant 0 : index
    %get3A_139 = vector.load %arg11[%get3A_137, %get3A_138] : memref<1x384xf32, #tpu.memory_space<vmem>>, vector<1x384xf32>
    %get3A_140 = vector.shape_cast %get3A_139 : vector<1x384xf32> to vector<384xf32>
    %broadcast_in_dim3A_141 = vector.shape_cast %get3A_140 : vector<384xf32> to vector<1x384xf32>
    %add3A_142 = vector.broadcast %broadcast_in_dim3A_141 : vector<1x384xf32> to vector<256x384xf32>
    %add3A_143 = arith.addf %dot_general3A_136, %add3A_142 : vector<256x384xf32>
    %swap3A_144 = arith.constant 0 : index
    %swap3A_145 = arith.constant 0 : index
    %swap3A_146 = arith.constant 0 : index
    %swap3A_147 = vector.load %arg21[%swap3A_144, %swap3A_145, %swap3A_146] : memref<1x256x384xf32, #tpu.memory_space<vmem>>, vector<1x256x384xf32>
    %swap3A_148 = vector.shape_cast %swap3A_147 : vector<1x256x384xf32> to vector<256x384xf32>
    %swap3A_149 = vector.shape_cast %add3A_143 : vector<256x384xf32> to vector<1x256x384xf32>
    tpu.vector_store %arg21[%swap3A_144, %swap3A_145, %swap3A_146], %swap3A_149 {strides = array<i32>} : memref<1x256x384xf32, #tpu.memory_space<vmem>>, vector<1x256x384xf32>,
    %get3A_150 = arith.constant 0 : index
    %get3A_151 = arith.constant 0 : index
    %get3A_152 = arith.constant 0 : index
    %get3A_153 = vector.load %arg3[%get3A_150, %get3A_151, %get3A_152] : memref<1x256x384xf32, #tpu.memory_space<vmem>>, vector<1x256x384xf32>
    %get3A_154 = vector.shape_cast %get3A_153 : vector<1x256x384xf32> to vector<256x384xf32>
    %get3A_155 = arith.constant 0 : index
    %get3A_156 = arith.constant 0 : index
    %get3A_157 = vector.load %arg12[%get3A_155, %get3A_156] : memref<1x384xf32, #tpu.memory_space<vmem>>, vector<1x384xf32>
    %get3A_158 = vector.shape_cast %get3A_157 : vector<1x384xf32> to vector<384xf32>
    %get3A_159 = arith.constant 0 : index
    %get3A_160 = arith.constant 0 : index
    %get3A_161 = vector.load %arg13[%get3A_159, %get3A_160] : memref<1x384xf32, #tpu.memory_space<vmem>>, vector<1x384xf32>
    %get3A_162 = vector.shape_cast %get3A_161 : vector<1x384xf32> to vector<384xf32>
    %reduce_sum3A_163 = arith.constant dense<0.000000e+00> : vector<256xf32>
    %reduce_sum3A_164 = vector.multi_reduction <add>, %get3A_154, %reduce_sum3A_163 [1] : vector<256x384xf32> to vector<256xf32>
    %broadcast_in_dim3A_165 = vector.shape_cast %reduce_sum3A_164 : vector<256xf32> to vector<256x1xf32>
    %div3A_166 = arith.constant 3.840000e+02 : f32
    %div3A_167 = vector.broadcast %div3A_166 : f32 to vector<256x1xf32>
    %div3A_168 = arith.divf %broadcast_in_dim3A_165, %div3A_167 : vector<256x1xf32>
    %sub3A_169 = vector.broadcast %div3A_168 : vector<256x1xf32> to vector<256x384xf32>
    %sub3A_170 = arith.subf %get3A_154, %sub3A_169 : vector<256x384xf32>
    %mul3A_171 = arith.mulf %sub3A_170, %sub3A_170 : vector<256x384xf32>
    %reduce_sum3A_172 = arith.constant dense<0.000000e+00> : vector<256xf32>
    %reduce_sum3A_173 = vector.multi_reduction <add>, %mul3A_171, %reduce_sum3A_172 [1] : vector<256x384xf32> to vector<256xf32>
    %broadcast_in_dim3A_174 = vector.shape_cast %reduce_sum3A_173 : vector<256xf32> to vector<256x1xf32>
    %div3A_175 = arith.constant 3.840000e+02 : f32
    %div3A_176 = vector.broadcast %div3A_175 : f32 to vector<256x1xf32>
    %div3A_177 = arith.divf %broadcast_in_dim3A_174, %div3A_176 : vector<256x1xf32>
    %add3A_178 = arith.constant 9.99999974E-6 : f32
    %add3A_179 = vector.broadcast %add3A_178 : f32 to vector<256x1xf32>
    %add3A_180 = arith.addf %div3A_177, %add3A_179 : vector<256x1xf32>
    %rsqrt3A_181 = math.rsqrt %add3A_180 : vector<256x1xf32>
    %mul3A_182 = vector.broadcast %rsqrt3A_181 : vector<256x1xf32> to vector<256x384xf32>
    %mul3A_183 = arith.mulf %sub3A_170, %mul3A_182 : vector<256x384xf32>
    %broadcast_in_dim3A_184 = vector.shape_cast %get3A_158 : vector<384xf32> to vector<1x384xf32>
    %mul3A_185 = vector.broadcast %broadcast_in_dim3A_184 : vector<1x384xf32> to vector<256x384xf32>
    %mul3A_186 = arith.mulf %mul3A_183, %mul3A_185 : vector<256x384xf32>
    %broadcast_in_dim3A_187 = vector.shape_cast %get3A_162 : vector<384xf32> to vector<1x384xf32>
    %add3A_188 = vector.broadcast %broadcast_in_dim3A_187 : vector<1x384xf32> to vector<256x384xf32>
    %add3A_189 = arith.addf %mul3A_186, %add3A_188 : vector<256x384xf32>
    %get3A_190 = arith.constant 0 : index
    %get3A_191 = arith.constant 0 : index
    %get3A_192 = vector.load %arg14[%get3A_190, %get3A_191] : memref<384x384xf32, #tpu.memory_space<vmem>>, vector<384x384xf32>
    %dot_general3A_193 = arith.constant dense<0.000000e+00> : vector<256x384xf32>
    %dot_general3A_194 = tpu.matmul %add3A_189, %get3A_192, %dot_general3A_193 {dimension_numbers = #tpu.dot_dimension_numbers<[1], [0], [0], [1], [0, 0, 1, 1], [], []>, transpose_lhs_hint = false} : vector<256x384xf32>, vector<384x384xf32>, vector<256x384xf32> -> vector<256x384xf32>
    %convert_element_type3A_195 = arith.truncf %dot_general3A_194 : vector<256x384xf32> to vector<256x384xbf16>
    %slice3A_196 = vector.extract_strided_slice %convert_element_type3A_195 {offsets = [0, 0], sizes = [256, 64], strides = [1, 1]} : vector<256x384xbf16> to vector<256x64xbf16>
    %slice3A_197 = vector.extract_strided_slice %convert_element_type3A_195 {offsets = [0, 64], sizes = [256, 64], strides = [1, 1]} : vector<256x384xbf16> to vector<256x64xbf16>
    %slice3A_198 = vector.extract_strided_slice %convert_element_type3A_195 {offsets = [0, 128], sizes = [256, 64], strides = [1, 1]} : vector<256x384xbf16> to vector<256x64xbf16>
    %slice3A_199 = vector.extract_strided_slice %convert_element_type3A_195 {offsets = [0, 192], sizes = [256, 64], strides = [1, 1]} : vector<256x384xbf16> to vector<256x64xbf16>
    %slice3A_200 = vector.extract_strided_slice %convert_element_type3A_195 {offsets = [0, 256], sizes = [256, 64], strides = [1, 1]} : vector<256x384xbf16> to vector<256x64xbf16>
    %slice3A_201 = vector.extract_strided_slice %convert_element_type3A_195 {offsets = [0, 320], sizes = [256, 64], strides = [1, 1]} : vector<256x384xbf16> to vector<256x64xbf16>
    %stack3A_202 = vector.shape_cast %slice3A_196 : vector<256x64xbf16> to vector<1x256x64xbf16>
    %stack3A_203 = vector.shape_cast %slice3A_197 : vector<256x64xbf16> to vector<1x256x64xbf16>
    %stack3A_204 = vector.shape_cast %slice3A_198 : vector<256x64xbf16> to vector<1x256x64xbf16>
    %stack3A_205 = vector.shape_cast %slice3A_199 : vector<256x64xbf16> to vector<1x256x64xbf16>
    %stack3A_206 = vector.shape_cast %slice3A_200 : vector<256x64xbf16> to vector<1x256x64xbf16>
    %stack3A_207 = vector.shape_cast %slice3A_201 : vector<256x64xbf16> to vector<1x256x64xbf16>
    %stack3A_208 = tpu.concatenate %stack3A_202, %stack3A_203, %stack3A_204, %stack3A_205, %stack3A_206, %stack3A_207 in 0 : vector<1x256x64xbf16>, vector<1x256x64xbf16>, vector<1x256x64xbf16>, vector<1x256x64xbf16>, vector<1x256x64xbf16>, vector<1x256x64xbf16> -> vector<6x256x64xbf16>
    %swap3A_209 = arith.constant 0 : index
    %swap3A_210 = arith.constant 0 : index
    %swap3A_211 = arith.constant 0 : index
    %swap3A_212 = arith.constant 0 : index
    %swap3A_213 = vector.load %arg22[%swap3A_209, %swap3A_210, %swap3A_211, %swap3A_212] : memref<6x1x256x64xbf16, #tpu.memory_space<vmem>>, vector<6x1x256x64xbf16>
    %swap3A_214 = vector.shape_cast %swap3A_213 : vector<6x1x256x64xbf16> to vector<6x256x64xbf16>
    %swap3A_215 = vector.shape_cast %stack3A_208 : vector<6x256x64xbf16> to vector<6x1x256x64xbf16>
    tpu.vector_store %arg22[%swap3A_209, %swap3A_210, %swap3A_211, %swap3A_212], %swap3A_215 {strides = array<i32>} : memref<6x1x256x64xbf16, #tpu.memory_space<vmem>>, vector<6x1x256x64xbf16>,
    %get3A_216 = arith.constant 0 : index
    %get3A_217 = arith.constant 0 : index
    %get3A_218 = vector.load %arg15[%get3A_216, %get3A_217] : memref<384x384xf32, #tpu.memory_space<vmem>>, vector<384x384xf32>
    %dot_general3A_219 = arith.constant dense<0.000000e+00> : vector<256x384xf32>
    %dot_general3A_220 = tpu.matmul %add3A_189, %get3A_218, %dot_general3A_219 {dimension_numbers = #tpu.dot_dimension_numbers<[1], [0], [0], [1], [0, 0, 1, 1], [], []>, transpose_lhs_hint = false} : vector<256x384xf32>, vector<384x384xf32>, vector<256x384xf32> -> vector<256x384xf32>
    %convert_element_type3A_221 = arith.truncf %dot_general3A_220 : vector<256x384xf32> to vector<256x384xbf16>
    %broadcast_in_dim3A_222 = arith.constant 1.000000e+00 : bf16
    %broadcast_in_dim3A_223 = vector.broadcast %broadcast_in_dim3A_222 : bf16 to vector<256x64xbf16>
    %slice3A_224 = vector.extract_strided_slice %convert_element_type3A_221 {offsets = [0, 0], sizes = [256, 64], strides = [1, 1]} : vector<256x384xbf16> to vector<256x64xbf16>
    %concatenate3A_225 = tpu.concatenate %slice3A_224, %broadcast_in_dim3A_223 in 1 : vector<256x64xbf16>, vector<256x64xbf16> -> vector<256x128xbf16>
    %slice3A_226 = vector.extract_strided_slice %convert_element_type3A_221 {offsets = [0, 64], sizes = [256, 64], strides = [1, 1]} : vector<256x384xbf16> to vector<256x64xbf16>
    %concatenate3A_227 = tpu.concatenate %slice3A_226, %broadcast_in_dim3A_223 in 1 : vector<256x64xbf16>, vector<256x64xbf16> -> vector<256x128xbf16>
    %slice3A_228 = vector.extract_strided_slice %convert_element_type3A_221 {offsets = [0, 128], sizes = [256, 64], strides = [1, 1]} : vector<256x384xbf16> to vector<256x64xbf16>
    %concatenate3A_229 = tpu.concatenate %slice3A_228, %broadcast_in_dim3A_223 in 1 : vector<256x64xbf16>, vector<256x64xbf16> -> vector<256x128xbf16>
    %slice3A_230 = vector.extract_strided_slice %convert_element_type3A_221 {offsets = [0, 192], sizes = [256, 64], strides = [1, 1]} : vector<256x384xbf16> to vector<256x64xbf16>
    %concatenate3A_231 = tpu.concatenate %slice3A_230, %broadcast_in_dim3A_223 in 1 : vector<256x64xbf16>, vector<256x64xbf16> -> vector<256x128xbf16>
    %slice3A_232 = vector.extract_strided_slice %convert_element_type3A_221 {offsets = [0, 256], sizes = [256, 64], strides = [1, 1]} : vector<256x384xbf16> to vector<256x64xbf16>
    %concatenate3A_233 = tpu.concatenate %slice3A_232, %broadcast_in_dim3A_223 in 1 : vector<256x64xbf16>, vector<256x64xbf16> -> vector<256x128xbf16>
    %slice3A_234 = vector.extract_strided_slice %convert_element_type3A_221 {offsets = [0, 320], sizes = [256, 64], strides = [1, 1]} : vector<256x384xbf16> to vector<256x64xbf16>
    %concatenate3A_235 = tpu.concatenate %slice3A_234, %broadcast_in_dim3A_223 in 1 : vector<256x64xbf16>, vector<256x64xbf16> -> vector<256x128xbf16>
    %stack3A_236 = vector.shape_cast %concatenate3A_225 : vector<256x128xbf16> to vector<1x256x128xbf16>
    %stack3A_237 = vector.shape_cast %concatenate3A_227 : vector<256x128xbf16> to vector<1x256x128xbf16>
    %stack3A_238 = vector.shape_cast %concatenate3A_229 : vector<256x128xbf16> to vector<1x256x128xbf16>
    %stack3A_239 = vector.shape_cast %concatenate3A_231 : vector<256x128xbf16> to vector<1x256x128xbf16>
    %stack3A_240 = vector.shape_cast %concatenate3A_233 : vector<256x128xbf16> to vector<1x256x128xbf16>
    %stack3A_241 = vector.shape_cast %concatenate3A_235 : vector<256x128xbf16> to vector<1x256x128xbf16>
    %stack3A_242 = tpu.concatenate %stack3A_236, %stack3A_237, %stack3A_238, %stack3A_239, %stack3A_240, %stack3A_241 in 0 : vector<1x256x128xbf16>, vector<1x256x128xbf16>, vector<1x256x128xbf16>, vector<1x256x128xbf16>, vector<1x256x128xbf16>, vector<1x256x128xbf16> -> vector<6x256x128xbf16>
    %swap3A_243 = arith.constant 0 : index
    %swap3A_244 = arith.constant 0 : index
    %swap3A_245 = arith.constant 0 : index
    %swap3A_246 = arith.constant 0 : index
    %swap3A_247 = vector.load %arg23[%swap3A_243, %swap3A_244, %swap3A_245, %swap3A_246] : memref<6x1x256x128xbf16, #tpu.memory_space<vmem>>, vector<6x1x256x128xbf16>
    %swap3A_248 = vector.shape_cast %swap3A_247 : vector<6x1x256x128xbf16> to vector<6x256x128xbf16>
    %swap3A_249 = vector.shape_cast %stack3A_242 : vector<6x256x128xbf16> to vector<6x1x256x128xbf16>
    tpu.vector_store %arg23[%swap3A_243, %swap3A_244, %swap3A_245, %swap3A_246], %swap3A_249 {strides = array<i32>} : memref<6x1x256x128xbf16, #tpu.memory_space<vmem>>, vector<6x1x256x128xbf16>,
    %get3A_250 = arith.constant 0 : index
    %get3A_251 = arith.constant 0 : index
    %get3A_252 = vector.load %arg16[%get3A_250, %get3A_251] : memref<768x384xf32, #tpu.memory_space<vmem>>, vector<384x384xf32>
    %dot_general3A_253 = arith.constant dense<0.000000e+00> : vector<256x384xf32>
    %dot_general3A_254 = tpu.matmul %add3A_189, %get3A_252, %dot_general3A_253 {dimension_numbers = #tpu.dot_dimension_numbers<[1], [0], [0], [1], [0, 0, 1, 1], [], []>, transpose_lhs_hint = false} : vector<256x384xf32>, vector<384x384xf32>, vector<256x384xf32> -> vector<256x384xf32>
    %convert_element_type3A_255 = arith.truncf %dot_general3A_254 : vector<256x384xf32> to vector<256x384xbf16>
    %slice3A_256 = vector.extract_strided_slice %convert_element_type3A_255 {offsets = [0, 0], sizes = [256, 192], strides = [1, 1]} : vector<256x384xbf16> to vector<256x192xbf16>
    %bitcast_convert_type3A_257 = tpu.bitcast %slice3A_256 : vector<256x192xbf16> -> vector<256x192xi16>
    %convert_element_type3A_258 = arith.extui %bitcast_convert_type3A_257 : vector<256x192xi16> to vector<256x192xi32>
    %slice3A_259 = vector.extract_strided_slice %convert_element_type3A_255 {offsets = [0, 192], sizes = [256, 192], strides = [1, 1]} : vector<256x384xbf16> to vector<256x192xbf16>
    %bitcast_convert_type3A_260 = tpu.bitcast %slice3A_259 : vector<256x192xbf16> -> vector<256x192xi16>
    %convert_element_type3A_261 = arith.extui %bitcast_convert_type3A_260 : vector<256x192xi16> to vector<256x192xi32>
    %shift_left3A_262 = arith.constant 16 : i32
    %shift_left3A_263 = vector.broadcast %shift_left3A_262 : i32 to vector<256x192xi32>
    %shift_left3A_264 = arith.shli %convert_element_type3A_261, %shift_left3A_263 : vector<256x192xi32>
    %or3A_265 = arith.ori %convert_element_type3A_258, %shift_left3A_264 : vector<256x192xi32>
    %bitcast_convert_type3A_266 = tpu.bitcast %or3A_265 : vector<256x192xi32> -> vector<256x192xi32>
    %broadcast_in_dim3A_267 = arith.constant 0 : i32
    %broadcast_in_dim3A_268 = vector.broadcast %broadcast_in_dim3A_267 : i32 to vector<256x64xi32>
    %concatenate3A_269 = tpu.concatenate %bitcast_convert_type3A_266, %broadcast_in_dim3A_268 in 1 : vector<256x192xi32>, vector<256x64xi32> -> vector<256x256xi32>
    %swap3A_270 = arith.constant 0 : index
    %swap3A_271 = arith.constant 0 : index
    %swap3A_272 = arith.constant 0 : index
    %swap3A_273 = vector.load %arg24[%swap3A_270, %swap3A_271, %swap3A_272] : memref<1x256x256xi32, #tpu.memory_space<vmem>>, vector<1x256x256xi32>
    %swap3A_274 = vector.shape_cast %swap3A_273 : vector<1x256x256xi32> to vector<256x256xi32>
    %swap3A_275 = vector.shape_cast %concatenate3A_269 : vector<256x256xi32> to vector<1x256x256xi32>
    tpu.vector_store %arg24[%swap3A_270, %swap3A_271, %swap3A_272], %swap3A_275 {strides = array<i32>} : memref<1x256x256xi32, #tpu.memory_space<vmem>>, vector<1x256x256xi32>,
    %get3A_276 = arith.constant 0 : index
    %get3A_277 = arith.constant 0 : index
    %get3A_278 = arith.constant 0 : index
    %get3A_279 = vector.load %arg4[%get3A_276, %get3A_277, %get3A_278] : memref<1x256x8xf32, #tpu.memory_space<vmem>>, vector<1x256x8xf32>
    %get3A_280 = vector.shape_cast %get3A_279 : vector<1x256x8xf32> to vector<256x8xf32>
    %mul3A_281 = arith.mulf %get3A_280, %get3A_280 : vector<256x8xf32>
    %reduce_sum3A_282 = arith.constant dense<0.000000e+00> : vector<256xf32>
    %reduce_sum3A_283 = vector.multi_reduction <add>, %mul3A_281, %reduce_sum3A_282 [1] : vector<256x8xf32> to vector<256xf32>
    %broadcast_in_dim3A_284 = vector.shape_cast %reduce_sum3A_283 : vector<256xf32> to vector<256x1xf32>
    %get3A_285 = arith.constant 0 : index
    %get3A_286 = arith.constant 0 : index
    %get3A_287 = arith.constant 0 : index
    %get3A_288 = vector.load %arg5[%get3A_285, %get3A_286, %get3A_287] : memref<1x2048x8xf32, #tpu.memory_space<vmem>>, vector<1x2048x8xf32>
    %get3A_289 = vector.shape_cast %get3A_288 : vector<1x2048x8xf32> to vector<2048x8xf32>
    %mul3A_290 = arith.mulf %get3A_289, %get3A_289 : vector<2048x8xf32>
    %reduce_sum3A_291 = arith.constant dense<0.000000e+00> : vector<2048xf32>
    %reduce_sum3A_292 = vector.multi_reduction <add>, %mul3A_290, %reduce_sum3A_291 [1] : vector<2048x8xf32> to vector<2048xf32>
    %broadcast_in_dim3A_293 = vector.shape_cast %reduce_sum3A_292 : vector<2048xf32> to vector<1x2048xf32>
    %add3A_294 = vector.broadcast %broadcast_in_dim3A_284 : vector<256x1xf32> to vector<256x2048xf32>
    %add3A_295 = vector.broadcast %broadcast_in_dim3A_293 : vector<1x2048xf32> to vector<256x2048xf32>
    %add3A_296 = arith.addf %add3A_294, %add3A_295 : vector<256x2048xf32>
    %dot_general3A_297 = arith.constant dense<0.000000e+00> : vector<256x2048xf32>
    %dot_general3A_298 = tpu.matmul %get3A_280, %get3A_289, %dot_general3A_297 {dimension_numbers = #tpu.dot_dimension_numbers<[1], [1], [0], [0], [0, 0, 1, 0], [], []>, transpose_lhs_hint = false} : vector<256x8xf32>, vector<2048x8xf32>, vector<256x2048xf32> -> vector<256x2048xf32>
    %mul3A_299 = arith.constant 2.000000e+00 : f32
    %mul3A_300 = vector.broadcast %mul3A_299 : f32 to vector<256x2048xf32>
    %mul3A_301 = arith.mulf %mul3A_300, %dot_general3A_298 : vector<256x2048xf32>
    %sub3A_302 = arith.subf %add3A_296, %mul3A_301 : vector<256x2048xf32>
    %iota3A = tpu.iota {dimensions = array<i32: 1>} : vector<256x2048xi32>
    %reduce_min3A = arith.constant dense<0x7F800000> : vector<256xf32>
    %reduce_min3A_303 = vector.multi_reduction <minimumf>, %sub3A_302, %reduce_min3A [1] : vector<256x2048xf32> to vector<256xf32>
    %broadcast_in_dim3A_304 = vector.shape_cast %reduce_min3A_303 : vector<256xf32> to vector<256x1xf32>
    %le3A = vector.broadcast %broadcast_in_dim3A_304 : vector<256x1xf32> to vector<256x2048xf32>
    %le3A_305 = arith.cmpf ole, %sub3A_302, %le3A : vector<256x2048xf32>
    %jit3A = arith.constant 2048 : i32
    %broadcast_in_dim3A_306 = vector.broadcast %jit3A : i32 to vector<256x2048xi32>
    %select_n3A = arith.select %le3A_305, %iota3A, %broadcast_in_dim3A_306 : vector<256x2048xi1>, vector<256x2048xi32>
    %reduce_min3A_307 = arith.constant dense<2147483647> : vector<256xi32>
    %reduce_min3A_308 = vector.multi_reduction <minsi>, %select_n3A, %reduce_min3A_307 [1] : vector<256x2048xi32> to vector<256xi32>
    %reshape3A = vector.shape_cast %reduce_min3A_308 : vector<256xi32> to vector<1x256xi32>
    %jit3A_309 = arith.constant 3.000000e+38 : f32
    %broadcast_in_dim3A_310 = vector.broadcast %jit3A_309 : f32 to vector<256x2048xf32>
    %select_n3A_311 = arith.select %le3A_305, %broadcast_in_dim3A_310, %sub3A_302 : vector<256x2048xi1>, vector<256x2048xf32>
    %reduce_min3A_312 = arith.constant dense<0x7F800000> : vector<256xf32>
    %reduce_min3A_313 = vector.multi_reduction <minimumf>, %select_n3A_311, %reduce_min3A_312 [1] : vector<256x2048xf32> to vector<256xf32>
    %broadcast_in_dim3A_314 = vector.shape_cast %reduce_min3A_313 : vector<256xf32> to vector<256x1xf32>
    %le3A_315 = vector.broadcast %broadcast_in_dim3A_314 : vector<256x1xf32> to vector<256x2048xf32>
    %le3A_316 = arith.cmpf ole, %select_n3A_311, %le3A_315 : vector<256x2048xf32>
    %jit3A_317 = arith.constant 2048 : i32
    %broadcast_in_dim3A_318 = vector.broadcast %jit3A_317 : i32 to vector<256x2048xi32>
    %select_n3A_319 = arith.select %le3A_316, %iota3A, %broadcast_in_dim3A_318 : vector<256x2048xi1>, vector<256x2048xi32>
    %reduce_min3A_320 = arith.constant dense<2147483647> : vector<256xi32>
    %reduce_min3A_321 = vector.multi_reduction <minsi>, %select_n3A_319, %reduce_min3A_320 [1] : vector<256x2048xi32> to vector<256xi32>
    %reshape3A_322 = vector.shape_cast %reduce_min3A_321 : vector<256xi32> to vector<1x256xi32>
    %jit3A_323 = arith.constant 3.000000e+38 : f32
    %broadcast_in_dim3A_324 = vector.broadcast %jit3A_323 : f32 to vector<256x2048xf32>
    %select_n3A_325 = arith.select %le3A_316, %broadcast_in_dim3A_324, %select_n3A_311 : vector<256x2048xi1>, vector<256x2048xf32>
    %reduce_min3A_326 = arith.constant dense<0x7F800000> : vector<256xf32>
    %reduce_min3A_327 = vector.multi_reduction <minimumf>, %select_n3A_325, %reduce_min3A_326 [1] : vector<256x2048xf32> to vector<256xf32>
    %broadcast_in_dim3A_328 = vector.shape_cast %reduce_min3A_327 : vector<256xf32> to vector<256x1xf32>
    %le3A_329 = vector.broadcast %broadcast_in_dim3A_328 : vector<256x1xf32> to vector<256x2048xf32>
    %le3A_330 = arith.cmpf ole, %select_n3A_325, %le3A_329 : vector<256x2048xf32>
    %jit3A_331 = arith.constant 2048 : i32
    %broadcast_in_dim3A_332 = vector.broadcast %jit3A_331 : i32 to vector<256x2048xi32>
    %select_n3A_333 = arith.select %le3A_330, %iota3A, %broadcast_in_dim3A_332 : vector<256x2048xi1>, vector<256x2048xi32>
    %reduce_min3A_334 = arith.constant dense<2147483647> : vector<256xi32>
    %reduce_min3A_335 = vector.multi_reduction <minsi>, %select_n3A_333, %reduce_min3A_334 [1] : vector<256x2048xi32> to vector<256xi32>
    %reshape3A_336 = vector.shape_cast %reduce_min3A_335 : vector<256xi32> to vector<1x256xi32>
    %jit3A_337 = arith.constant 3.000000e+38 : f32
    %broadcast_in_dim3A_338 = vector.broadcast %jit3A_337 : f32 to vector<256x2048xf32>
    %select_n3A_339 = arith.select %le3A_330, %broadcast_in_dim3A_338, %select_n3A_325 : vector<256x2048xi1>, vector<256x2048xf32>
    %reduce_min3A_340 = arith.constant dense<0x7F800000> : vector<256xf32>
    %reduce_min3A_341 = vector.multi_reduction <minimumf>, %select_n3A_339, %reduce_min3A_340 [1] : vector<256x2048xf32> to vector<256xf32>
    %broadcast_in_dim3A_342 = vector.shape_cast %reduce_min3A_341 : vector<256xf32> to vector<256x1xf32>
    %le3A_343 = vector.broadcast %broadcast_in_dim3A_342 : vector<256x1xf32> to vector<256x2048xf32>
    %le3A_344 = arith.cmpf ole, %select_n3A_339, %le3A_343 : vector<256x2048xf32>
    %jit3A_345 = arith.constant 2048 : i32
    %broadcast_in_dim3A_346 = vector.broadcast %jit3A_345 : i32 to vector<256x2048xi32>
    %select_n3A_347 = arith.select %le3A_344, %iota3A, %broadcast_in_dim3A_346 : vector<256x2048xi1>, vector<256x2048xi32>
    %reduce_min3A_348 = arith.constant dense<2147483647> : vector<256xi32>
    %reduce_min3A_349 = vector.multi_reduction <minsi>, %select_n3A_347, %reduce_min3A_348 [1] : vector<256x2048xi32> to vector<256xi32>
    %reshape3A_350 = vector.shape_cast %reduce_min3A_349 : vector<256xi32> to vector<1x256xi32>
    %jit3A_351 = arith.constant 3.000000e+38 : f32
    %broadcast_in_dim3A_352 = vector.broadcast %jit3A_351 : f32 to vector<256x2048xf32>
    %select_n3A_353 = arith.select %le3A_344, %broadcast_in_dim3A_352, %select_n3A_339 : vector<256x2048xi1>, vector<256x2048xf32>
    %reduce_min3A_354 = arith.constant dense<0x7F800000> : vector<256xf32>
    %reduce_min3A_355 = vector.multi_reduction <minimumf>, %select_n3A_353, %reduce_min3A_354 [1] : vector<256x2048xf32> to vector<256xf32>
    %broadcast_in_dim3A_356 = vector.shape_cast %reduce_min3A_355 : vector<256xf32> to vector<256x1xf32>
    %le3A_357 = vector.broadcast %broadcast_in_dim3A_356 : vector<256x1xf32> to vector<256x2048xf32>
    %le3A_358 = arith.cmpf ole, %select_n3A_353, %le3A_357 : vector<256x2048xf32>
    %jit3A_359 = arith.constant 2048 : i32
    %broadcast_in_dim3A_360 = vector.broadcast %jit3A_359 : i32 to vector<256x2048xi32>
    %select_n3A_361 = arith.select %le3A_358, %iota3A, %broadcast_in_dim3A_360 : vector<256x2048xi1>, vector<256x2048xi32>
    %reduce_min3A_362 = arith.constant dense<2147483647> : vector<256xi32>
    %reduce_min3A_363 = vector.multi_reduction <minsi>, %select_n3A_361, %reduce_min3A_362 [1] : vector<256x2048xi32> to vector<256xi32>
    %reshape3A_364 = vector.shape_cast %reduce_min3A_363 : vector<256xi32> to vector<1x256xi32>
    %jit3A_365 = arith.constant 3.000000e+38 : f32
    %broadcast_in_dim3A_366 = vector.broadcast %jit3A_365 : f32 to vector<256x2048xf32>
    %select_n3A_367 = arith.select %le3A_358, %broadcast_in_dim3A_366, %select_n3A_353 : vector<256x2048xi1>, vector<256x2048xf32>
    %reduce_min3A_368 = arith.constant dense<0x7F800000> : vector<256xf32>
    %reduce_min3A_369 = vector.multi_reduction <minimumf>, %select_n3A_367, %reduce_min3A_368 [1] : vector<256x2048xf32> to vector<256xf32>
    %broadcast_in_dim3A_370 = vector.shape_cast %reduce_min3A_369 : vector<256xf32> to vector<256x1xf32>
    %le3A_371 = vector.broadcast %broadcast_in_dim3A_370 : vector<256x1xf32> to vector<256x2048xf32>
    %le3A_372 = arith.cmpf ole, %select_n3A_367, %le3A_371 : vector<256x2048xf32>
    %jit3A_373 = arith.constant 2048 : i32
    %broadcast_in_dim3A_374 = vector.broadcast %jit3A_373 : i32 to vector<256x2048xi32>
    %select_n3A_375 = arith.select %le3A_372, %iota3A, %broadcast_in_dim3A_374 : vector<256x2048xi1>, vector<256x2048xi32>
    %reduce_min3A_376 = arith.constant dense<2147483647> : vector<256xi32>
    %reduce_min3A_377 = vector.multi_reduction <minsi>, %select_n3A_375, %reduce_min3A_376 [1] : vector<256x2048xi32> to vector<256xi32>
    %reshape3A_378 = vector.shape_cast %reduce_min3A_377 : vector<256xi32> to vector<1x256xi32>
    %jit3A_379 = arith.constant 3.000000e+38 : f32
    %broadcast_in_dim3A_380 = vector.broadcast %jit3A_379 : f32 to vector<256x2048xf32>
    %select_n3A_381 = arith.select %le3A_372, %broadcast_in_dim3A_380, %select_n3A_367 : vector<256x2048xi1>, vector<256x2048xf32>
    %reduce_min3A_382 = arith.constant dense<0x7F800000> : vector<256xf32>
    %reduce_min3A_383 = vector.multi_reduction <minimumf>, %select_n3A_381, %reduce_min3A_382 [1] : vector<256x2048xf32> to vector<256xf32>
    %broadcast_in_dim3A_384 = vector.shape_cast %reduce_min3A_383 : vector<256xf32> to vector<256x1xf32>
    %le3A_385 = vector.broadcast %broadcast_in_dim3A_384 : vector<256x1xf32> to vector<256x2048xf32>
    %le3A_386 = arith.cmpf ole, %select_n3A_381, %le3A_385 : vector<256x2048xf32>
    %jit3A_387 = arith.constant 2048 : i32
    %broadcast_in_dim3A_388 = vector.broadcast %jit3A_387 : i32 to vector<256x2048xi32>
    %select_n3A_389 = arith.select %le3A_386, %iota3A, %broadcast_in_dim3A_388 : vector<256x2048xi1>, vector<256x2048xi32>
    %reduce_min3A_390 = arith.constant dense<2147483647> : vector<256xi32>
    %reduce_min3A_391 = vector.multi_reduction <minsi>, %select_n3A_389, %reduce_min3A_390 [1] : vector<256x2048xi32> to vector<256xi32>
    %reshape3A_392 = vector.shape_cast %reduce_min3A_391 : vector<256xi32> to vector<1x256xi32>
    %jit3A_393 = arith.constant 3.000000e+38 : f32
    %broadcast_in_dim3A_394 = vector.broadcast %jit3A_393 : f32 to vector<256x2048xf32>
    %select_n3A_395 = arith.select %le3A_386, %broadcast_in_dim3A_394, %select_n3A_381 : vector<256x2048xi1>, vector<256x2048xf32>
    %reduce_min3A_396 = arith.constant dense<0x7F800000> : vector<256xf32>
    %reduce_min3A_397 = vector.multi_reduction <minimumf>, %select_n3A_395, %reduce_min3A_396 [1] : vector<256x2048xf32> to vector<256xf32>
    %broadcast_in_dim3A_398 = vector.shape_cast %reduce_min3A_397 : vector<256xf32> to vector<256x1xf32>
    %le3A_399 = vector.broadcast %broadcast_in_dim3A_398 : vector<256x1xf32> to vector<256x2048xf32>
    %le3A_400 = arith.cmpf ole, %select_n3A_395, %le3A_399 : vector<256x2048xf32>
    %jit3A_401 = arith.constant 2048 : i32
    %broadcast_in_dim3A_402 = vector.broadcast %jit3A_401 : i32 to vector<256x2048xi32>
    %select_n3A_403 = arith.select %le3A_400, %iota3A, %broadcast_in_dim3A_402 : vector<256x2048xi1>, vector<256x2048xi32>
    %reduce_min3A_404 = arith.constant dense<2147483647> : vector<256xi32>
    %reduce_min3A_405 = vector.multi_reduction <minsi>, %select_n3A_403, %reduce_min3A_404 [1] : vector<256x2048xi32> to vector<256xi32>
    %reshape3A_406 = vector.shape_cast %reduce_min3A_405 : vector<256xi32> to vector<1x256xi32>
    %concatenate3A_407 = tpu.concatenate %reshape3A, %reshape3A_322, %reshape3A_336, %reshape3A_350, %reshape3A_364, %reshape3A_378, %reshape3A_392, %reshape3A_406 in 0 : vector<1x256xi32>, vector<1x256xi32>, vector<1x256xi32>, vector<1x256xi32>, vector<1x256xi32>, vector<1x256xi32>, vector<1x256xi32>, vector<1x256xi32> -> vector<8x256xi32>
    %mul3A_408 = arith.constant 2048 : i32
    %mul3A_409 = arith.muli %arg0, %mul3A_408 : i32
    %add3A_410 = vector.broadcast %mul3A_409 : i32 to vector<8x256xi32>
    %add3A_411 = arith.addi %concatenate3A_407, %add3A_410 : vector<8x256xi32>
    %swap3A_412 = arith.constant 0 : index
    %swap3A_413 = arith.constant 0 : index
    %swap3A_414 = arith.constant 0 : index
    %swap3A_415 = arith.constant 0 : index
    %swap3A_416 = vector.load %arg25[%swap3A_412, %swap3A_413, %swap3A_414, %swap3A_415] : memref<8x1x1x256xi32, #tpu.memory_space<vmem>>, vector<8x1x1x256xi32>
    %swap3A_417 = vector.shape_cast %swap3A_416 : vector<8x1x1x256xi32> to vector<8x256xi32>
    %swap3A_418 = vector.shape_cast %add3A_411 : vector<8x256xi32> to vector<8x1x1x256xi32>
    tpu.vector_store %arg25[%swap3A_412, %swap3A_413, %swap3A_414, %swap3A_415], %swap3A_418 {strides = array<i32>} : memref<8x1x1x256xi32, #tpu.memory_space<vmem>>, vector<8x1x1x256xi32>,
    %get3A_419 = arith.constant 0 : index
    %get3A_420 = arith.constant 0 : index
    %get3A_421 = arith.constant 0 : index
    %get3A_422 = vector.load %arg6[%get3A_419, %get3A_420, %get3A_421] : memref<1x2048x8xf32, #tpu.memory_space<vmem>>, vector<1x2048x8xf32>
    %get3A_423 = vector.shape_cast %get3A_422 : vector<1x2048x8xf32> to vector<2048x8xf32>
    %mul3A_424 = arith.mulf %get3A_423, %get3A_423 : vector<2048x8xf32>
    %reduce_sum3A_425 = arith.constant dense<0.000000e+00> : vector<2048xf32>
    %reduce_sum3A_426 = vector.multi_reduction <add>, %mul3A_424, %reduce_sum3A_425 [1] : vector<2048x8xf32> to vector<2048xf32>
    %broadcast_in_dim3A_427 = vector.shape_cast %reduce_sum3A_426 : vector<2048xf32> to vector<1x2048xf32>
    %add3A_428 = vector.broadcast %broadcast_in_dim3A_284 : vector<256x1xf32> to vector<256x2048xf32>
    %add3A_429 = vector.broadcast %broadcast_in_dim3A_427 : vector<1x2048xf32> to vector<256x2048xf32>
    %add3A_430 = arith.addf %add3A_428, %add3A_429 : vector<256x2048xf32>
    %dot_general3A_431 = arith.constant dense<0.000000e+00> : vector<256x2048xf32>
    %dot_general3A_432 = tpu.matmul %get3A_280, %get3A_423, %dot_general3A_431 {dimension_numbers = #tpu.dot_dimension_numbers<[1], [1], [0], [0], [0, 0, 1, 0], [], []>, transpose_lhs_hint = false} : vector<256x8xf32>, vector<2048x8xf32>, vector<256x2048xf32> -> vector<256x2048xf32>
    %mul3A_433 = arith.constant 2.000000e+00 : f32
    %mul3A_434 = vector.broadcast %mul3A_433 : f32 to vector<256x2048xf32>
    %mul3A_435 = arith.mulf %mul3A_434, %dot_general3A_432 : vector<256x2048xf32>
    %sub3A_436 = arith.subf %add3A_430, %mul3A_435 : vector<256x2048xf32>
    %iota3A_437 = tpu.iota {dimensions = array<i32: 1>} : vector<256x2048xi32>
    %reduce_min3A_438 = arith.constant dense<0x7F800000> : vector<256xf32>
    %reduce_min3A_439 = vector.multi_reduction <minimumf>, %sub3A_436, %reduce_min3A_438 [1] : vector<256x2048xf32> to vector<256xf32>
    %broadcast_in_dim3A_440 = vector.shape_cast %reduce_min3A_439 : vector<256xf32> to vector<256x1xf32>
    %le3A_441 = vector.broadcast %broadcast_in_dim3A_440 : vector<256x1xf32> to vector<256x2048xf32>
    %le3A_442 = arith.cmpf ole, %sub3A_436, %le3A_441 : vector<256x2048xf32>
    %jit3A_443 = arith.constant 2048 : i32
    %broadcast_in_dim3A_444 = vector.broadcast %jit3A_443 : i32 to vector<256x2048xi32>
    %select_n3A_445 = arith.select %le3A_442, %iota3A_437, %broadcast_in_dim3A_444 : vector<256x2048xi1>, vector<256x2048xi32>
    %reduce_min3A_446 = arith.constant dense<2147483647> : vector<256xi32>
    %reduce_min3A_447 = vector.multi_reduction <minsi>, %select_n3A_445, %reduce_min3A_446 [1] : vector<256x2048xi32> to vector<256xi32>
    %reshape3A_448 = vector.shape_cast %reduce_min3A_447 : vector<256xi32> to vector<1x256xi32>
    %jit3A_449 = arith.constant 3.000000e+38 : f32
    %broadcast_in_dim3A_450 = vector.broadcast %jit3A_449 : f32 to vector<256x2048xf32>
    %select_n3A_451 = arith.select %le3A_442, %broadcast_in_dim3A_450, %sub3A_436 : vector<256x2048xi1>, vector<256x2048xf32>
    %reduce_min3A_452 = arith.constant dense<0x7F800000> : vector<256xf32>
    %reduce_min3A_453 = vector.multi_reduction <minimumf>, %select_n3A_451, %reduce_min3A_452 [1] : vector<256x2048xf32> to vector<256xf32>
    %broadcast_in_dim3A_454 = vector.shape_cast %reduce_min3A_453 : vector<256xf32> to vector<256x1xf32>
    %le3A_455 = vector.broadcast %broadcast_in_dim3A_454 : vector<256x1xf32> to vector<256x2048xf32>
    %le3A_456 = arith.cmpf ole, %select_n3A_451, %le3A_455 : vector<256x2048xf32>
    %jit3A_457 = arith.constant 2048 : i32
    %broadcast_in_dim3A_458 = vector.broadcast %jit3A_457 : i32 to vector<256x2048xi32>
    %select_n3A_459 = arith.select %le3A_456, %iota3A_437, %broadcast_in_dim3A_458 : vector<256x2048xi1>, vector<256x2048xi32>
    %reduce_min3A_460 = arith.constant dense<2147483647> : vector<256xi32>
    %reduce_min3A_461 = vector.multi_reduction <minsi>, %select_n3A_459, %reduce_min3A_460 [1] : vector<256x2048xi32> to vector<256xi32>
    %reshape3A_462 = vector.shape_cast %reduce_min3A_461 : vector<256xi32> to vector<1x256xi32>
    %jit3A_463 = arith.constant 3.000000e+38 : f32
    %broadcast_in_dim3A_464 = vector.broadcast %jit3A_463 : f32 to vector<256x2048xf32>
    %select_n3A_465 = arith.select %le3A_456, %broadcast_in_dim3A_464, %select_n3A_451 : vector<256x2048xi1>, vector<256x2048xf32>
    %reduce_min3A_466 = arith.constant dense<0x7F800000> : vector<256xf32>
    %reduce_min3A_467 = vector.multi_reduction <minimumf>, %select_n3A_465, %reduce_min3A_466 [1] : vector<256x2048xf32> to vector<256xf32>
    %broadcast_in_dim3A_468 = vector.shape_cast %reduce_min3A_467 : vector<256xf32> to vector<256x1xf32>
    %le3A_469 = vector.broadcast %broadcast_in_dim3A_468 : vector<256x1xf32> to vector<256x2048xf32>
    %le3A_470 = arith.cmpf ole, %select_n3A_465, %le3A_469 : vector<256x2048xf32>
    %jit3A_471 = arith.constant 2048 : i32
    %broadcast_in_dim3A_472 = vector.broadcast %jit3A_471 : i32 to vector<256x2048xi32>
    %select_n3A_473 = arith.select %le3A_470, %iota3A_437, %broadcast_in_dim3A_472 : vector<256x2048xi1>, vector<256x2048xi32>
    %reduce_min3A_474 = arith.constant dense<2147483647> : vector<256xi32>
    %reduce_min3A_475 = vector.multi_reduction <minsi>, %select_n3A_473, %reduce_min3A_474 [1] : vector<256x2048xi32> to vector<256xi32>
    %reshape3A_476 = vector.shape_cast %reduce_min3A_475 : vector<256xi32> to vector<1x256xi32>
    %jit3A_477 = arith.constant 3.000000e+38 : f32
    %broadcast_in_dim3A_478 = vector.broadcast %jit3A_477 : f32 to vector<256x2048xf32>
    %select_n3A_479 = arith.select %le3A_470, %broadcast_in_dim3A_478, %select_n3A_465 : vector<256x2048xi1>, vector<256x2048xf32>
    %reduce_min3A_480 = arith.constant dense<0x7F800000> : vector<256xf32>
    %reduce_min3A_481 = vector.multi_reduction <minimumf>, %select_n3A_479, %reduce_min3A_480 [1] : vector<256x2048xf32> to vector<256xf32>
    %broadcast_in_dim3A_482 = vector.shape_cast %reduce_min3A_481 : vector<256xf32> to vector<256x1xf32>
    %le3A_483 = vector.broadcast %broadcast_in_dim3A_482 : vector<256x1xf32> to vector<256x2048xf32>
    %le3A_484 = arith.cmpf ole, %select_n3A_479, %le3A_483 : vector<256x2048xf32>
    %jit3A_485 = arith.constant 2048 : i32
    %broadcast_in_dim3A_486 = vector.broadcast %jit3A_485 : i32 to vector<256x2048xi32>
    %select_n3A_487 = arith.select %le3A_484, %iota3A_437, %broadcast_in_dim3A_486 : vector<256x2048xi1>, vector<256x2048xi32>
    %reduce_min3A_488 = arith.constant dense<2147483647> : vector<256xi32>
    %reduce_min3A_489 = vector.multi_reduction <minsi>, %select_n3A_487, %reduce_min3A_488 [1] : vector<256x2048xi32> to vector<256xi32>
    %reshape3A_490 = vector.shape_cast %reduce_min3A_489 : vector<256xi32> to vector<1x256xi32>
    %jit3A_491 = arith.constant 3.000000e+38 : f32
    %broadcast_in_dim3A_492 = vector.broadcast %jit3A_491 : f32 to vector<256x2048xf32>
    %select_n3A_493 = arith.select %le3A_484, %broadcast_in_dim3A_492, %select_n3A_479 : vector<256x2048xi1>, vector<256x2048xf32>
    %reduce_min3A_494 = arith.constant dense<0x7F800000> : vector<256xf32>
    %reduce_min3A_495 = vector.multi_reduction <minimumf>, %select_n3A_493, %reduce_min3A_494 [1] : vector<256x2048xf32> to vector<256xf32>
    %broadcast_in_dim3A_496 = vector.shape_cast %reduce_min3A_495 : vector<256xf32> to vector<256x1xf32>
    %le3A_497 = vector.broadcast %broadcast_in_dim3A_496 : vector<256x1xf32> to vector<256x2048xf32>
    %le3A_498 = arith.cmpf ole, %select_n3A_493, %le3A_497 : vector<256x2048xf32>
    %jit3A_499 = arith.constant 2048 : i32
    %broadcast_in_dim3A_500 = vector.broadcast %jit3A_499 : i32 to vector<256x2048xi32>
    %select_n3A_501 = arith.select %le3A_498, %iota3A_437, %broadcast_in_dim3A_500 : vector<256x2048xi1>, vector<256x2048xi32>
    %reduce_min3A_502 = arith.constant dense<2147483647> : vector<256xi32>
    %reduce_min3A_503 = vector.multi_reduction <minsi>, %select_n3A_501, %reduce_min3A_502 [1] : vector<256x2048xi32> to vector<256xi32>
    %reshape3A_504 = vector.shape_cast %reduce_min3A_503 : vector<256xi32> to vector<1x256xi32>
    %jit3A_505 = arith.constant 3.000000e+38 : f32
    %broadcast_in_dim3A_506 = vector.broadcast %jit3A_505 : f32 to vector<256x2048xf32>
    %select_n3A_507 = arith.select %le3A_498, %broadcast_in_dim3A_506, %select_n3A_493 : vector<256x2048xi1>, vector<256x2048xf32>
    %reduce_min3A_508 = arith.constant dense<0x7F800000> : vector<256xf32>
    %reduce_min3A_509 = vector.multi_reduction <minimumf>, %select_n3A_507, %reduce_min3A_508 [1] : vector<256x2048xf32> to vector<256xf32>
    %broadcast_in_dim3A_510 = vector.shape_cast %reduce_min3A_509 : vector<256xf32> to vector<256x1xf32>
    %le3A_511 = vector.broadcast %broadcast_in_dim3A_510 : vector<256x1xf32> to vector<256x2048xf32>
    %le3A_512 = arith.cmpf ole, %select_n3A_507, %le3A_511 : vector<256x2048xf32>
    %jit3A_513 = arith.constant 2048 : i32
    %broadcast_in_dim3A_514 = vector.broadcast %jit3A_513 : i32 to vector<256x2048xi32>
    %select_n3A_515 = arith.select %le3A_512, %iota3A_437, %broadcast_in_dim3A_514 : vector<256x2048xi1>, vector<256x2048xi32>
    %reduce_min3A_516 = arith.constant dense<2147483647> : vector<256xi32>
    %reduce_min3A_517 = vector.multi_reduction <minsi>, %select_n3A_515, %reduce_min3A_516 [1] : vector<256x2048xi32> to vector<256xi32>
    %reshape3A_518 = vector.shape_cast %reduce_min3A_517 : vector<256xi32> to vector<1x256xi32>
    %jit3A_519 = arith.constant 3.000000e+38 : f32
    %broadcast_in_dim3A_520 = vector.broadcast %jit3A_519 : f32 to vector<256x2048xf32>
    %select_n3A_521 = arith.select %le3A_512, %broadcast_in_dim3A_520, %select_n3A_507 : vector<256x2048xi1>, vector<256x2048xf32>
    %reduce_min3A_522 = arith.constant dense<0x7F800000> : vector<256xf32>
    %reduce_min3A_523 = vector.multi_reduction <minimumf>, %select_n3A_521, %reduce_min3A_522 [1] : vector<256x2048xf32> to vector<256xf32>
    %broadcast_in_dim3A_524 = vector.shape_cast %reduce_min3A_523 : vector<256xf32> to vector<256x1xf32>
    %le3A_525 = vector.broadcast %broadcast_in_dim3A_524 : vector<256x1xf32> to vector<256x2048xf32>
    %le3A_526 = arith.cmpf ole, %select_n3A_521, %le3A_525 : vector<256x2048xf32>
    %jit3A_527 = arith.constant 2048 : i32
    %broadcast_in_dim3A_528 = vector.broadcast %jit3A_527 : i32 to vector<256x2048xi32>
    %select_n3A_529 = arith.select %le3A_526, %iota3A_437, %broadcast_in_dim3A_528 : vector<256x2048xi1>, vector<256x2048xi32>
    %reduce_min3A_530 = arith.constant dense<2147483647> : vector<256xi32>
    %reduce_min3A_531 = vector.multi_reduction <minsi>, %select_n3A_529, %reduce_min3A_530 [1] : vector<256x2048xi32> to vector<256xi32>
    %reshape3A_532 = vector.shape_cast %reduce_min3A_531 : vector<256xi32> to vector<1x256xi32>
    %jit3A_533 = arith.constant 3.000000e+38 : f32
    %broadcast_in_dim3A_534 = vector.broadcast %jit3A_533 : f32 to vector<256x2048xf32>
    %select_n3A_535 = arith.select %le3A_526, %broadcast_in_dim3A_534, %select_n3A_521 : vector<256x2048xi1>, vector<256x2048xf32>
    %reduce_min3A_536 = arith.constant dense<0x7F800000> : vector<256xf32>
    %reduce_min3A_537 = vector.multi_reduction <minimumf>, %select_n3A_535, %reduce_min3A_536 [1] : vector<256x2048xf32> to vector<256xf32>
    %broadcast_in_dim3A_538 = vector.shape_cast %reduce_min3A_537 : vector<256xf32> to vector<256x1xf32>
    %le3A_539 = vector.broadcast %broadcast_in_dim3A_538 : vector<256x1xf32> to vector<256x2048xf32>
    %le3A_540 = arith.cmpf ole, %select_n3A_535, %le3A_539 : vector<256x2048xf32>
    %jit3A_541 = arith.constant 2048 : i32
    %broadcast_in_dim3A_542 = vector.broadcast %jit3A_541 : i32 to vector<256x2048xi32>
    %select_n3A_543 = arith.select %le3A_540, %iota3A_437, %broadcast_in_dim3A_542 : vector<256x2048xi1>, vector<256x2048xi32>
    %reduce_min3A_544 = arith.constant dense<2147483647> : vector<256xi32>
    %reduce_min3A_545 = vector.multi_reduction <minsi>, %select_n3A_543, %reduce_min3A_544 [1] : vector<256x2048xi32> to vector<256xi32>
    %reshape3A_546 = vector.shape_cast %reduce_min3A_545 : vector<256xi32> to vector<1x256xi32>
    %concatenate3A_547 = tpu.concatenate %reshape3A_448, %reshape3A_462, %reshape3A_476, %reshape3A_490, %reshape3A_504, %reshape3A_518, %reshape3A_532, %reshape3A_546 in 0 : vector<1x256xi32>, vector<1x256xi32>, vector<1x256xi32>, vector<1x256xi32>, vector<1x256xi32>, vector<1x256xi32>, vector<1x256xi32>, vector<1x256xi32> -> vector<8x256xi32>
    %mul3A_548 = arith.constant 2048 : i32
    %mul3A_549 = arith.muli %arg0, %mul3A_548 : i32
    %add3A_550 = vector.broadcast %mul3A_549 : i32 to vector<8x256xi32>
    %add3A_551 = arith.addi %concatenate3A_547, %add3A_550 : vector<8x256xi32>
    %swap3A_552 = arith.constant 0 : index
    %swap3A_553 = arith.constant 0 : index
    %swap3A_554 = arith.constant 0 : index
    %swap3A_555 = arith.constant 0 : index
    %swap3A_556 = vector.load %arg26[%swap3A_552, %swap3A_553, %swap3A_554, %swap3A_555] : memref<8x1x1x256xi32, #tpu.memory_space<vmem>>, vector<8x1x1x256xi32>
    %swap3A_557 = vector.shape_cast %swap3A_556 : vector<8x1x1x256xi32> to vector<8x256xi32>
    %swap3A_558 = vector.shape_cast %add3A_551 : vector<8x256xi32> to vector<8x1x1x256xi32>
    tpu.vector_store %arg26[%swap3A_552, %swap3A_553, %swap3A_554, %swap3A_555], %swap3A_558 {strides = array<i32>} : memref<8x1x1x256xi32, #tpu.memory_space<vmem>>, vector<8x1x1x256xi32>,
    return
  }
  func.func @transform_0(%arg0: i32, %arg1: i32) -> (i32, i32, i32) {
    %c0_i32 = arith.constant 0 : i32
    %c0_i32_0 = arith.constant 0 : i32
    return %arg0, %arg1, %c0_i32 : i32, i32, i32
  }
  func.func @transform_1(%arg0: i32, %arg1: i32) -> (i32, i32, i32) {
    %c0_i32 = arith.constant 0 : i32
    %c0_i32_0 = arith.constant 0 : i32
    return %arg0, %arg1, %c0_i32 : i32, i32, i32
  }
  func.func @transform_2(%arg0: i32, %arg1: i32) -> (i32, i32, i32) {
    %c0_i32 = arith.constant 0 : i32
    %c0_i32_0 = arith.constant 0 : i32
    return %arg0, %arg1, %c0_i32 : i32, i32, i32
  }
  func.func @transform_3(%arg0: i32, %arg1: i32) -> (i32, i32, i32) {
    %c0_i32 = arith.constant 0 : i32
    %c0_i32_0 = arith.constant 0 : i32
    %c0_i32_1 = arith.constant 0 : i32
    return %arg0, %c0_i32, %c0_i32_0 : i32, i32, i32
  }
  func.func @transform_4(%arg0: i32, %arg1: i32) -> (i32, i32, i32) {
    %c0_i32 = arith.constant 0 : i32
    %c0_i32_0 = arith.constant 0 : i32
    %c0_i32_1 = arith.constant 0 : i32
    return %arg0, %c0_i32, %c0_i32_0 : i32, i32, i32
  }
  func.func @transform_5(%arg0: i32, %arg1: i32) -> (i32, i32) {
    %c0_i32 = arith.constant 0 : i32
    %c0_i32_0 = arith.constant 0 : i32
    %c0_i32_1 = arith.constant 0 : i32
    return %c0_i32, %c0_i32_0 : i32, i32
  }
  func.func @transform_6(%arg0: i32, %arg1: i32) -> (i32, i32) {
    %c0_i32 = arith.constant 0 : i32
    %c0_i32_0 = arith.constant 0 : i32
    %c0_i32_1 = arith.constant 0 : i32
    return %c0_i32, %c0_i32_0 : i32, i32
  }
  func.func @transform_7(%arg0: i32, %arg1: i32) -> (i32, i32) {
    %c0_i32 = arith.constant 0 : i32
    %c0_i32_0 = arith.constant 0 : i32
    %c0_i32_1 = arith.constant 0 : i32
    return %c0_i32, %c0_i32_0 : i32, i32
  }
  func.func @transform_8(%arg0: i32, %arg1: i32) -> (i32, i32) {
    %c0_i32 = arith.constant 0 : i32
    %c0_i32_0 = arith.constant 0 : i32
    %c0_i32_1 = arith.constant 0 : i32
    return %c0_i32, %c0_i32_0 : i32, i32
  }
  func.func @transform_9(%arg0: i32, %arg1: i32) -> (i32, i32) {
    %c0_i32 = arith.constant 0 : i32
    %c0_i32_0 = arith.constant 0 : i32
    %c0_i32_1 = arith.constant 0 : i32
    return %c0_i32, %c0_i32_0 : i32, i32
  }
  func.func @transform_10(%arg0: i32, %arg1: i32) -> (i32, i32) {
    %c0_i32 = arith.constant 0 : i32
    %c0_i32_0 = arith.constant 0 : i32
    %c0_i32_1 = arith.constant 0 : i32
    return %c0_i32, %c0_i32_0 : i32, i32
  }
  func.func @transform_11(%arg0: i32, %arg1: i32) -> (i32, i32) {
    %c0_i32 = arith.constant 0 : i32
    %c0_i32_0 = arith.constant 0 : i32
    %c0_i32_1 = arith.constant 0 : i32
    return %c0_i32, %c0_i32_0 : i32, i32
  }
  func.func @transform_12(%arg0: i32, %arg1: i32) -> (i32, i32) {
    %c0_i32 = arith.constant 0 : i32
    %c0_i32_0 = arith.constant 0 : i32
    %c0_i32_1 = arith.constant 0 : i32
    return %c0_i32, %c0_i32_0 : i32, i32
  }
  func.func @transform_13(%arg0: i32, %arg1: i32) -> (i32, i32) {
    %c0_i32 = arith.constant 0 : i32
    %c0_i32_0 = arith.constant 0 : i32
    %c0_i32_1 = arith.constant 0 : i32
    return %c0_i32, %c0_i32_0 : i32, i32
  }
  func.func @transform_14(%arg0: i32, %arg1: i32) -> (i32, i32) {
    %c0_i32 = arith.constant 0 : i32
    %c0_i32_0 = arith.constant 0 : i32
    %c0_i32_1 = arith.constant 0 : i32
    return %c0_i32, %c0_i32_0 : i32, i32
  }
  func.func @transform_15(%arg0: i32, %arg1: i32) -> (i32, i32, i32, i32) {
    %c0_i32 = arith.constant 0 : i32
    %c0_i32_0 = arith.constant 0 : i32
    %c0_i32_1 = arith.constant 0 : i32
    return %c0_i32, %arg0, %arg1, %c0_i32_0 : i32, i32, i32, i32
  }
  func.func @transform_16(%arg0: i32, %arg1: i32) -> (i32, i32, i32, i32) {
    %c0_i32 = arith.constant 0 : i32
    %c0_i32_0 = arith.constant 0 : i32
    %c0_i32_1 = arith.constant 0 : i32
    return %c0_i32, %arg0, %arg1, %c0_i32_0 : i32, i32, i32, i32
  }
  func.func @transform_17(%arg0: i32, %arg1: i32) -> (i32, i32, i32, i32) {
    %c0_i32 = arith.constant 0 : i32
    %c0_i32_0 = arith.constant 0 : i32
    %c0_i32_1 = arith.constant 0 : i32
    return %c0_i32, %arg0, %arg1, %c0_i32_0 : i32, i32, i32, i32
  }
  func.func @transform_18(%arg0: i32, %arg1: i32) -> (i32, i32, i32) {
    %c0_i32 = arith.constant 0 : i32
    %c0_i32_0 = arith.constant 0 : i32
    return %arg0, %arg1, %c0_i32 : i32, i32, i32
  }
  func.func @transform_19(%arg0: i32, %arg1: i32) -> (i32, i32, i32) {
    %c0_i32 = arith.constant 0 : i32
    %c0_i32_0 = arith.constant 0 : i32
    return %arg0, %arg1, %c0_i32 : i32, i32, i32
  }
  func.func @transform_20(%arg0: i32, %arg1: i32) -> (i32, i32, i32, i32) {
    %c0_i32 = arith.constant 0 : i32
    %c0_i32_0 = arith.constant 0 : i32
    %c0_i32_1 = arith.constant 0 : i32
    return %c0_i32, %arg0, %arg1, %c0_i32_0 : i32, i32, i32, i32
  }
  func.func @transform_21(%arg0: i32, %arg1: i32) -> (i32, i32, i32, i32) {
    %c0_i32 = arith.constant 0 : i32
    %c0_i32_0 = arith.constant 0 : i32
    %c0_i32_1 = arith.constant 0 : i32
    return %c0_i32, %arg0, %arg1, %c0_i32_0 : i32, i32, i32, i32
  }
  func.func @transform_22(%arg0: i32, %arg1: i32) -> (i32, i32, i32) {
    %c0_i32 = arith.constant 0 : i32
    %c0_i32_0 = arith.constant 0 : i32
    return %arg0, %arg1, %c0_i32 : i32, i32, i32
  }
  func.func @transform_23(%arg0: i32, %arg1: i32) -> (i32, i32, i32, i32) {
    %c0_i32 = arith.constant 0 : i32
    %c0_i32_0 = arith.constant 0 : i32
    %c0_i32_1 = arith.constant 0 : i32
    return %c0_i32, %arg0, %c0_i32_0, %arg1 : i32, i32, i32, i32
  }
  func.func @transform_24(%arg0: i32, %arg1: i32) -> (i32, i32, i32, i32) {
    %c0_i32 = arith.constant 0 : i32
    %c0_i32_0 = arith.constant 0 : i32
    %c0_i32_1 = arith.constant 0 : i32
    return %c0_i32, %arg0, %c0_i32_0, %arg1 : i32, i32, i32, i32
  }
}

module attributes {stable_mosaic.version = 14 : i64} {
  func.func @_comb1_body(%arg0: i32, %arg1: i32, %arg2: memref<6x1x256x64xbf16, #tpu.memory_space<vmem>>, %arg3: memref<8x256x256xi32, #tpu.memory_space<vmem>>, %arg4: memref<1x256x384xf32, #tpu.memory_space<vmem>>, %arg5: memref<1x256x384xf32, #tpu.memory_space<vmem>>, %arg6: memref<384x384xf32, #tpu.memory_space<vmem>>, %arg7: memref<1x384xf32, #tpu.memory_space<vmem>>, %arg8: memref<768x384xf32, #tpu.memory_space<vmem>>, %arg9: memref<1x384xf32, #tpu.memory_space<vmem>>, %arg10: memref<1x384xf32, #tpu.memory_space<vmem>>, %arg11: memref<1x384xf32, #tpu.memory_space<vmem>>, %arg12: memref<384x384xf32, #tpu.memory_space<vmem>>, %arg13: memref<768x384xf32, #tpu.memory_space<vmem>>, %arg14: memref<1x384xf32, #tpu.memory_space<vmem>>, %arg15: memref<1x256x384xf32, #tpu.memory_space<vmem>>, %arg16: memref<6x1x256x64xbf16, #tpu.memory_space<vmem>>, %arg17: memref<1x256x384xf32, #tpu.memory_space<vmem>>) attributes {dimension_semantics = [#tpu.dimension_semantics<arbitrary>, #tpu.dimension_semantics<arbitrary>], iteration_bounds = array<i64: 2, 8>, scalar_prefetch = 0 : i64, scratch_operands = 0 : i64, tpu.core_type = #tpu.core_type<tc>, window_params = [{transform_indices = @transform_0, window_bounds = array<i64: 6, 1, 256, 64>}, {transform_indices = @transform_1, window_bounds = array<i64: 8, 256, 256>}, {transform_indices = @transform_2, window_bounds = array<i64: 1, 256, 384>}, {transform_indices = @transform_3, window_bounds = array<i64: 1, 256, 384>}, {pipeline_mode = #tpu.pipeline_mode<synchronous>, transform_indices = @transform_4, window_bounds = array<i64: 384, 384>}, {pipeline_mode = #tpu.pipeline_mode<synchronous>, transform_indices = @transform_5, window_bounds = array<i64: 1, 384>}, {pipeline_mode = #tpu.pipeline_mode<synchronous>, transform_indices = @transform_6, window_bounds = array<i64: 768, 384>}, {pipeline_mode = #tpu.pipeline_mode<synchronous>, transform_indices = @transform_7, window_bounds = array<i64: 1, 384>}, {pipeline_mode = #tpu.pipeline_mode<synchronous>, transform_indices = @transform_8, window_bounds = array<i64: 1, 384>}, {pipeline_mode = #tpu.pipeline_mode<synchronous>, transform_indices = @transform_9, window_bounds = array<i64: 1, 384>}, {pipeline_mode = #tpu.pipeline_mode<synchronous>, transform_indices = @transform_10, window_bounds = array<i64: 384, 384>}, {pipeline_mode = #tpu.pipeline_mode<synchronous>, transform_indices = @transform_11, window_bounds = array<i64: 768, 384>}, {pipeline_mode = #tpu.pipeline_mode<synchronous>, transform_indices = @transform_12, window_bounds = array<i64: 1, 384>}, {transform_indices = @transform_13, window_bounds = array<i64: 1, 256, 384>}, {transform_indices = @transform_14, window_bounds = array<i64: 6, 1, 256, 64>}, {transform_indices = @transform_15, window_bounds = array<i64: 1, 256, 384>}]} {
    %get3A = arith.constant 0 : index
    %get3A_0 = arith.constant 0 : index
    %get3A_1 = vector.load %arg6[%get3A, %get3A_0] : memref<384x384xf32, #tpu.memory_space<vmem>>, vector<384x384xf32>
    %convert_element_type3A = arith.truncf %get3A_1 : vector<384x384xf32> to vector<384x384xbf16>
    %get3A_2 = arith.constant 0 : index
    %get3A_3 = arith.constant 0 : index
    %get3A_4 = vector.load %arg7[%get3A_2, %get3A_3] : memref<1x384xf32, #tpu.memory_space<vmem>>, vector<1x384xf32>
    %get3A_5 = vector.shape_cast %get3A_4 : vector<1x384xf32> to vector<384xf32>
    %get3A_6 = arith.constant 0 : index
    %get3A_7 = arith.constant 0 : index
    %get3A_8 = arith.constant 0 : index
    %get3A_9 = arith.constant 0 : index
    %get3A_10 = vector.load %arg2[%get3A_6, %get3A_7, %get3A_8, %get3A_9] : memref<6x1x256x64xbf16, #tpu.memory_space<vmem>>, vector<1x1x256x64xbf16>
    %get3A_11 = vector.shape_cast %get3A_10 : vector<1x1x256x64xbf16> to vector<256x64xbf16>
    %slice3A = vector.extract_strided_slice %convert_element_type3A {offsets = [0, 0], sizes = [64, 384], strides = [1, 1]} : vector<384x384xbf16> to vector<64x384xbf16>
    %dot_general3A = arith.constant dense<0.000000e+00> : vector<256x384xf32>
    %dot_general3A_12 = tpu.matmul %get3A_11, %slice3A, %dot_general3A {dimension_numbers = #tpu.dot_dimension_numbers<[1], [0], [0], [1], [0, 0, 1, 1], [], []>, transpose_lhs_hint = false} : vector<256x64xbf16>, vector<64x384xbf16>, vector<256x384xf32> -> vector<256x384xf32>
    %broadcast_in_dim3A = vector.shape_cast %get3A_5 : vector<384xf32> to vector<1x384xf32>
    %add3A = vector.broadcast %broadcast_in_dim3A : vector<1x384xf32> to vector<256x384xf32>
    %add3A_13 = arith.addf %add3A, %dot_general3A_12 : vector<256x384xf32>
    %get3A_14 = arith.constant 1 : index
    %get3A_15 = arith.constant 0 : index
    %get3A_16 = arith.constant 0 : index
    %get3A_17 = arith.constant 0 : index
    %get3A_18 = vector.load %arg2[%get3A_14, %get3A_15, %get3A_16, %get3A_17] : memref<6x1x256x64xbf16, #tpu.memory_space<vmem>>, vector<1x1x256x64xbf16>
    %get3A_19 = vector.shape_cast %get3A_18 : vector<1x1x256x64xbf16> to vector<256x64xbf16>
    %slice3A_20 = vector.extract_strided_slice %convert_element_type3A {offsets = [64, 0], sizes = [64, 384], strides = [1, 1]} : vector<384x384xbf16> to vector<64x384xbf16>
    %dot_general3A_21 = arith.constant dense<0.000000e+00> : vector<256x384xf32>
    %dot_general3A_22 = tpu.matmul %get3A_19, %slice3A_20, %dot_general3A_21 {dimension_numbers = #tpu.dot_dimension_numbers<[1], [0], [0], [1], [0, 0, 1, 1], [], []>, transpose_lhs_hint = false} : vector<256x64xbf16>, vector<64x384xbf16>, vector<256x384xf32> -> vector<256x384xf32>
    %add3A_23 = arith.addf %add3A_13, %dot_general3A_22 : vector<256x384xf32>
    %get3A_24 = arith.constant 2 : index
    %get3A_25 = arith.constant 0 : index
    %get3A_26 = arith.constant 0 : index
    %get3A_27 = arith.constant 0 : index
    %get3A_28 = vector.load %arg2[%get3A_24, %get3A_25, %get3A_26, %get3A_27] : memref<6x1x256x64xbf16, #tpu.memory_space<vmem>>, vector<1x1x256x64xbf16>
    %get3A_29 = vector.shape_cast %get3A_28 : vector<1x1x256x64xbf16> to vector<256x64xbf16>
    %slice3A_30 = vector.extract_strided_slice %convert_element_type3A {offsets = [128, 0], sizes = [64, 384], strides = [1, 1]} : vector<384x384xbf16> to vector<64x384xbf16>
    %dot_general3A_31 = arith.constant dense<0.000000e+00> : vector<256x384xf32>
    %dot_general3A_32 = tpu.matmul %get3A_29, %slice3A_30, %dot_general3A_31 {dimension_numbers = #tpu.dot_dimension_numbers<[1], [0], [0], [1], [0, 0, 1, 1], [], []>, transpose_lhs_hint = false} : vector<256x64xbf16>, vector<64x384xbf16>, vector<256x384xf32> -> vector<256x384xf32>
    %add3A_33 = arith.addf %add3A_23, %dot_general3A_32 : vector<256x384xf32>
    %get3A_34 = arith.constant 3 : index
    %get3A_35 = arith.constant 0 : index
    %get3A_36 = arith.constant 0 : index
    %get3A_37 = arith.constant 0 : index
    %get3A_38 = vector.load %arg2[%get3A_34, %get3A_35, %get3A_36, %get3A_37] : memref<6x1x256x64xbf16, #tpu.memory_space<vmem>>, vector<1x1x256x64xbf16>
    %get3A_39 = vector.shape_cast %get3A_38 : vector<1x1x256x64xbf16> to vector<256x64xbf16>
    %slice3A_40 = vector.extract_strided_slice %convert_element_type3A {offsets = [192, 0], sizes = [64, 384], strides = [1, 1]} : vector<384x384xbf16> to vector<64x384xbf16>
    %dot_general3A_41 = arith.constant dense<0.000000e+00> : vector<256x384xf32>
    %dot_general3A_42 = tpu.matmul %get3A_39, %slice3A_40, %dot_general3A_41 {dimension_numbers = #tpu.dot_dimension_numbers<[1], [0], [0], [1], [0, 0, 1, 1], [], []>, transpose_lhs_hint = false} : vector<256x64xbf16>, vector<64x384xbf16>, vector<256x384xf32> -> vector<256x384xf32>
    %add3A_43 = arith.addf %add3A_33, %dot_general3A_42 : vector<256x384xf32>
    %get3A_44 = arith.constant 4 : index
    %get3A_45 = arith.constant 0 : index
    %get3A_46 = arith.constant 0 : index
    %get3A_47 = arith.constant 0 : index
    %get3A_48 = vector.load %arg2[%get3A_44, %get3A_45, %get3A_46, %get3A_47] : memref<6x1x256x64xbf16, #tpu.memory_space<vmem>>, vector<1x1x256x64xbf16>
    %get3A_49 = vector.shape_cast %get3A_48 : vector<1x1x256x64xbf16> to vector<256x64xbf16>
    %slice3A_50 = vector.extract_strided_slice %convert_element_type3A {offsets = [256, 0], sizes = [64, 384], strides = [1, 1]} : vector<384x384xbf16> to vector<64x384xbf16>
    %dot_general3A_51 = arith.constant dense<0.000000e+00> : vector<256x384xf32>
    %dot_general3A_52 = tpu.matmul %get3A_49, %slice3A_50, %dot_general3A_51 {dimension_numbers = #tpu.dot_dimension_numbers<[1], [0], [0], [1], [0, 0, 1, 1], [], []>, transpose_lhs_hint = false} : vector<256x64xbf16>, vector<64x384xbf16>, vector<256x384xf32> -> vector<256x384xf32>
    %add3A_53 = arith.addf %add3A_43, %dot_general3A_52 : vector<256x384xf32>
    %get3A_54 = arith.constant 5 : index
    %get3A_55 = arith.constant 0 : index
    %get3A_56 = arith.constant 0 : index
    %get3A_57 = arith.constant 0 : index
    %get3A_58 = vector.load %arg2[%get3A_54, %get3A_55, %get3A_56, %get3A_57] : memref<6x1x256x64xbf16, #tpu.memory_space<vmem>>, vector<1x1x256x64xbf16>
    %get3A_59 = vector.shape_cast %get3A_58 : vector<1x1x256x64xbf16> to vector<256x64xbf16>
    %slice3A_60 = vector.extract_strided_slice %convert_element_type3A {offsets = [320, 0], sizes = [64, 384], strides = [1, 1]} : vector<384x384xbf16> to vector<64x384xbf16>
    %dot_general3A_61 = arith.constant dense<0.000000e+00> : vector<256x384xf32>
    %dot_general3A_62 = tpu.matmul %get3A_59, %slice3A_60, %dot_general3A_61 {dimension_numbers = #tpu.dot_dimension_numbers<[1], [0], [0], [1], [0, 0, 1, 1], [], []>, transpose_lhs_hint = false} : vector<256x64xbf16>, vector<64x384xbf16>, vector<256x384xf32> -> vector<256x384xf32>
    %add3A_63 = arith.addf %add3A_53, %dot_general3A_62 : vector<256x384xf32>
    %get3A_64 = arith.constant 0 : index
    %get3A_65 = arith.constant 0 : index
    %get3A_66 = arith.constant 0 : index
    %get3A_67 = vector.load %arg3[%get3A_64, %get3A_65, %get3A_66] : memref<8x256x256xi32, #tpu.memory_space<vmem>>, vector<8x256x256xi32>
    %get3A_68 = arith.constant 0 : index
    %get3A_69 = arith.constant 0 : index
    %get3A_70 = arith.constant 0 : index
    %get3A_71 = vector.load %arg4[%get3A_68, %get3A_69, %get3A_70] : memref<1x256x384xf32, #tpu.memory_space<vmem>>, vector<1x256x384xf32>
    %get3A_72 = vector.shape_cast %get3A_71 : vector<1x256x384xf32> to vector<256x384xf32>
    %convert_element_type3A_73 = arith.truncf %get3A_72 : vector<256x384xf32> to vector<256x384xbf16>
    %slice3A_74 = vector.extract_strided_slice %get3A_67 {offsets = [0, 0, 0], sizes = [1, 256, 256], strides = [1, 1, 1]} : vector<8x256x256xi32> to vector<1x256x256xi32>
    %squeeze3A = vector.shape_cast %slice3A_74 : vector<1x256x256xi32> to vector<256x256xi32>
    %slice3A_75 = vector.extract_strided_slice %squeeze3A {offsets = [0, 0], sizes = [256, 192], strides = [1, 1]} : vector<256x256xi32> to vector<256x192xi32>
    %bitcast_convert_type3A = tpu.bitcast %slice3A_75 : vector<256x192xi32> -> vector<256x192xi32>
    %and3A = arith.constant 65535 : i32
    %and3A_76 = vector.broadcast %and3A : i32 to vector<256x192xi32>
    %and3A_77 = arith.andi %bitcast_convert_type3A, %and3A_76 : vector<256x192xi32>
    %convert_element_type3A_78 = arith.trunci %and3A_77 : vector<256x192xi32> to vector<256x192xi16>
    %bitcast_convert_type3A_79 = tpu.bitcast %convert_element_type3A_78 : vector<256x192xi16> -> vector<256x192xbf16>
    %shift_right_logical3A = arith.constant 16 : i32
    %shift_right_logical3A_80 = vector.broadcast %shift_right_logical3A : i32 to vector<256x192xi32>
    %shift_right_logical3A_81 = arith.shrui %bitcast_convert_type3A, %shift_right_logical3A_80 : vector<256x192xi32>
    %convert_element_type3A_82 = arith.trunci %shift_right_logical3A_81 : vector<256x192xi32> to vector<256x192xi16>
    %bitcast_convert_type3A_83 = tpu.bitcast %convert_element_type3A_82 : vector<256x192xi16> -> vector<256x192xbf16>
    %concatenate3A = tpu.concatenate %bitcast_convert_type3A_79, %bitcast_convert_type3A_83 in 1 : vector<256x192xbf16>, vector<256x192xbf16> -> vector<256x384xbf16>
    %add3A_84 = arith.addf %concatenate3A, %convert_element_type3A_73 : vector<256x384xbf16>
    %ge3A = arith.constant 0.000000e+00 : bf16
    %ge3A_85 = vector.broadcast %ge3A : bf16 to vector<256x384xbf16>
    %ge3A_86 = arith.cmpf oge, %add3A_84, %ge3A_85 : vector<256x384xbf16>
    %mul3A = arith.constant 2.001950e-01 : bf16
    %mul3A_87 = vector.broadcast %mul3A : bf16 to vector<256x384xbf16>
    %mul3A_88 = arith.mulf %mul3A_87, %add3A_84 : vector<256x384xbf16>
    %select_n3A = arith.select %ge3A_86, %add3A_84, %mul3A_88 : vector<256x384xi1>, vector<256x384xbf16>
    %slice3A_89 = vector.extract_strided_slice %get3A_67 {offsets = [1, 0, 0], sizes = [1, 256, 256], strides = [1, 1, 1]} : vector<8x256x256xi32> to vector<1x256x256xi32>
    %squeeze3A_90 = vector.shape_cast %slice3A_89 : vector<1x256x256xi32> to vector<256x256xi32>
    %slice3A_91 = vector.extract_strided_slice %squeeze3A_90 {offsets = [0, 0], sizes = [256, 192], strides = [1, 1]} : vector<256x256xi32> to vector<256x192xi32>
    %bitcast_convert_type3A_92 = tpu.bitcast %slice3A_91 : vector<256x192xi32> -> vector<256x192xi32>
    %and3A_93 = arith.constant 65535 : i32
    %and3A_94 = vector.broadcast %and3A_93 : i32 to vector<256x192xi32>
    %and3A_95 = arith.andi %bitcast_convert_type3A_92, %and3A_94 : vector<256x192xi32>
    %convert_element_type3A_96 = arith.trunci %and3A_95 : vector<256x192xi32> to vector<256x192xi16>
    %bitcast_convert_type3A_97 = tpu.bitcast %convert_element_type3A_96 : vector<256x192xi16> -> vector<256x192xbf16>
    %shift_right_logical3A_98 = arith.constant 16 : i32
    %shift_right_logical3A_99 = vector.broadcast %shift_right_logical3A_98 : i32 to vector<256x192xi32>
    %shift_right_logical3A_100 = arith.shrui %bitcast_convert_type3A_92, %shift_right_logical3A_99 : vector<256x192xi32>
    %convert_element_type3A_101 = arith.trunci %shift_right_logical3A_100 : vector<256x192xi32> to vector<256x192xi16>
    %bitcast_convert_type3A_102 = tpu.bitcast %convert_element_type3A_101 : vector<256x192xi16> -> vector<256x192xbf16>
    %concatenate3A_103 = tpu.concatenate %bitcast_convert_type3A_97, %bitcast_convert_type3A_102 in 1 : vector<256x192xbf16>, vector<256x192xbf16> -> vector<256x384xbf16>
    %add3A_104 = arith.addf %concatenate3A_103, %convert_element_type3A_73 : vector<256x384xbf16>
    %ge3A_105 = arith.constant 0.000000e+00 : bf16
    %ge3A_106 = vector.broadcast %ge3A_105 : bf16 to vector<256x384xbf16>
    %ge3A_107 = arith.cmpf oge, %add3A_104, %ge3A_106 : vector<256x384xbf16>
    %mul3A_108 = arith.constant 2.001950e-01 : bf16
    %mul3A_109 = vector.broadcast %mul3A_108 : bf16 to vector<256x384xbf16>
    %mul3A_110 = arith.mulf %mul3A_109, %add3A_104 : vector<256x384xbf16>
    %select_n3A_111 = arith.select %ge3A_107, %add3A_104, %mul3A_110 : vector<256x384xi1>, vector<256x384xbf16>
    %max3A = arith.maximumf %select_n3A, %select_n3A_111 : vector<256x384xbf16>
    %slice3A_112 = vector.extract_strided_slice %get3A_67 {offsets = [2, 0, 0], sizes = [1, 256, 256], strides = [1, 1, 1]} : vector<8x256x256xi32> to vector<1x256x256xi32>
    %squeeze3A_113 = vector.shape_cast %slice3A_112 : vector<1x256x256xi32> to vector<256x256xi32>
    %slice3A_114 = vector.extract_strided_slice %squeeze3A_113 {offsets = [0, 0], sizes = [256, 192], strides = [1, 1]} : vector<256x256xi32> to vector<256x192xi32>
    %bitcast_convert_type3A_115 = tpu.bitcast %slice3A_114 : vector<256x192xi32> -> vector<256x192xi32>
    %and3A_116 = arith.constant 65535 : i32
    %and3A_117 = vector.broadcast %and3A_116 : i32 to vector<256x192xi32>
    %and3A_118 = arith.andi %bitcast_convert_type3A_115, %and3A_117 : vector<256x192xi32>
    %convert_element_type3A_119 = arith.trunci %and3A_118 : vector<256x192xi32> to vector<256x192xi16>
    %bitcast_convert_type3A_120 = tpu.bitcast %convert_element_type3A_119 : vector<256x192xi16> -> vector<256x192xbf16>
    %shift_right_logical3A_121 = arith.constant 16 : i32
    %shift_right_logical3A_122 = vector.broadcast %shift_right_logical3A_121 : i32 to vector<256x192xi32>
    %shift_right_logical3A_123 = arith.shrui %bitcast_convert_type3A_115, %shift_right_logical3A_122 : vector<256x192xi32>
    %convert_element_type3A_124 = arith.trunci %shift_right_logical3A_123 : vector<256x192xi32> to vector<256x192xi16>
    %bitcast_convert_type3A_125 = tpu.bitcast %convert_element_type3A_124 : vector<256x192xi16> -> vector<256x192xbf16>
    %concatenate3A_126 = tpu.concatenate %bitcast_convert_type3A_120, %bitcast_convert_type3A_125 in 1 : vector<256x192xbf16>, vector<256x192xbf16> -> vector<256x384xbf16>
    %add3A_127 = arith.addf %concatenate3A_126, %convert_element_type3A_73 : vector<256x384xbf16>
    %ge3A_128 = arith.constant 0.000000e+00 : bf16
    %ge3A_129 = vector.broadcast %ge3A_128 : bf16 to vector<256x384xbf16>
    %ge3A_130 = arith.cmpf oge, %add3A_127, %ge3A_129 : vector<256x384xbf16>
    %mul3A_131 = arith.constant 2.001950e-01 : bf16
    %mul3A_132 = vector.broadcast %mul3A_131 : bf16 to vector<256x384xbf16>
    %mul3A_133 = arith.mulf %mul3A_132, %add3A_127 : vector<256x384xbf16>
    %select_n3A_134 = arith.select %ge3A_130, %add3A_127, %mul3A_133 : vector<256x384xi1>, vector<256x384xbf16>
    %max3A_135 = arith.maximumf %max3A, %select_n3A_134 : vector<256x384xbf16>
    %slice3A_136 = vector.extract_strided_slice %get3A_67 {offsets = [3, 0, 0], sizes = [1, 256, 256], strides = [1, 1, 1]} : vector<8x256x256xi32> to vector<1x256x256xi32>
    %squeeze3A_137 = vector.shape_cast %slice3A_136 : vector<1x256x256xi32> to vector<256x256xi32>
    %slice3A_138 = vector.extract_strided_slice %squeeze3A_137 {offsets = [0, 0], sizes = [256, 192], strides = [1, 1]} : vector<256x256xi32> to vector<256x192xi32>
    %bitcast_convert_type3A_139 = tpu.bitcast %slice3A_138 : vector<256x192xi32> -> vector<256x192xi32>
    %and3A_140 = arith.constant 65535 : i32
    %and3A_141 = vector.broadcast %and3A_140 : i32 to vector<256x192xi32>
    %and3A_142 = arith.andi %bitcast_convert_type3A_139, %and3A_141 : vector<256x192xi32>
    %convert_element_type3A_143 = arith.trunci %and3A_142 : vector<256x192xi32> to vector<256x192xi16>
    %bitcast_convert_type3A_144 = tpu.bitcast %convert_element_type3A_143 : vector<256x192xi16> -> vector<256x192xbf16>
    %shift_right_logical3A_145 = arith.constant 16 : i32
    %shift_right_logical3A_146 = vector.broadcast %shift_right_logical3A_145 : i32 to vector<256x192xi32>
    %shift_right_logical3A_147 = arith.shrui %bitcast_convert_type3A_139, %shift_right_logical3A_146 : vector<256x192xi32>
    %convert_element_type3A_148 = arith.trunci %shift_right_logical3A_147 : vector<256x192xi32> to vector<256x192xi16>
    %bitcast_convert_type3A_149 = tpu.bitcast %convert_element_type3A_148 : vector<256x192xi16> -> vector<256x192xbf16>
    %concatenate3A_150 = tpu.concatenate %bitcast_convert_type3A_144, %bitcast_convert_type3A_149 in 1 : vector<256x192xbf16>, vector<256x192xbf16> -> vector<256x384xbf16>
    %add3A_151 = arith.addf %concatenate3A_150, %convert_element_type3A_73 : vector<256x384xbf16>
    %ge3A_152 = arith.constant 0.000000e+00 : bf16
    %ge3A_153 = vector.broadcast %ge3A_152 : bf16 to vector<256x384xbf16>
    %ge3A_154 = arith.cmpf oge, %add3A_151, %ge3A_153 : vector<256x384xbf16>
    %mul3A_155 = arith.constant 2.001950e-01 : bf16
    %mul3A_156 = vector.broadcast %mul3A_155 : bf16 to vector<256x384xbf16>
    %mul3A_157 = arith.mulf %mul3A_156, %add3A_151 : vector<256x384xbf16>
    %select_n3A_158 = arith.select %ge3A_154, %add3A_151, %mul3A_157 : vector<256x384xi1>, vector<256x384xbf16>
    %max3A_159 = arith.maximumf %max3A_135, %select_n3A_158 : vector<256x384xbf16>
    %slice3A_160 = vector.extract_strided_slice %get3A_67 {offsets = [4, 0, 0], sizes = [1, 256, 256], strides = [1, 1, 1]} : vector<8x256x256xi32> to vector<1x256x256xi32>
    %squeeze3A_161 = vector.shape_cast %slice3A_160 : vector<1x256x256xi32> to vector<256x256xi32>
    %slice3A_162 = vector.extract_strided_slice %squeeze3A_161 {offsets = [0, 0], sizes = [256, 192], strides = [1, 1]} : vector<256x256xi32> to vector<256x192xi32>
    %bitcast_convert_type3A_163 = tpu.bitcast %slice3A_162 : vector<256x192xi32> -> vector<256x192xi32>
    %and3A_164 = arith.constant 65535 : i32
    %and3A_165 = vector.broadcast %and3A_164 : i32 to vector<256x192xi32>
    %and3A_166 = arith.andi %bitcast_convert_type3A_163, %and3A_165 : vector<256x192xi32>
    %convert_element_type3A_167 = arith.trunci %and3A_166 : vector<256x192xi32> to vector<256x192xi16>
    %bitcast_convert_type3A_168 = tpu.bitcast %convert_element_type3A_167 : vector<256x192xi16> -> vector<256x192xbf16>
    %shift_right_logical3A_169 = arith.constant 16 : i32
    %shift_right_logical3A_170 = vector.broadcast %shift_right_logical3A_169 : i32 to vector<256x192xi32>
    %shift_right_logical3A_171 = arith.shrui %bitcast_convert_type3A_163, %shift_right_logical3A_170 : vector<256x192xi32>
    %convert_element_type3A_172 = arith.trunci %shift_right_logical3A_171 : vector<256x192xi32> to vector<256x192xi16>
    %bitcast_convert_type3A_173 = tpu.bitcast %convert_element_type3A_172 : vector<256x192xi16> -> vector<256x192xbf16>
    %concatenate3A_174 = tpu.concatenate %bitcast_convert_type3A_168, %bitcast_convert_type3A_173 in 1 : vector<256x192xbf16>, vector<256x192xbf16> -> vector<256x384xbf16>
    %add3A_175 = arith.addf %concatenate3A_174, %convert_element_type3A_73 : vector<256x384xbf16>
    %ge3A_176 = arith.constant 0.000000e+00 : bf16
    %ge3A_177 = vector.broadcast %ge3A_176 : bf16 to vector<256x384xbf16>
    %ge3A_178 = arith.cmpf oge, %add3A_175, %ge3A_177 : vector<256x384xbf16>
    %mul3A_179 = arith.constant 2.001950e-01 : bf16
    %mul3A_180 = vector.broadcast %mul3A_179 : bf16 to vector<256x384xbf16>
    %mul3A_181 = arith.mulf %mul3A_180, %add3A_175 : vector<256x384xbf16>
    %select_n3A_182 = arith.select %ge3A_178, %add3A_175, %mul3A_181 : vector<256x384xi1>, vector<256x384xbf16>
    %max3A_183 = arith.maximumf %max3A_159, %select_n3A_182 : vector<256x384xbf16>
    %slice3A_184 = vector.extract_strided_slice %get3A_67 {offsets = [5, 0, 0], sizes = [1, 256, 256], strides = [1, 1, 1]} : vector<8x256x256xi32> to vector<1x256x256xi32>
    %squeeze3A_185 = vector.shape_cast %slice3A_184 : vector<1x256x256xi32> to vector<256x256xi32>
    %slice3A_186 = vector.extract_strided_slice %squeeze3A_185 {offsets = [0, 0], sizes = [256, 192], strides = [1, 1]} : vector<256x256xi32> to vector<256x192xi32>
    %bitcast_convert_type3A_187 = tpu.bitcast %slice3A_186 : vector<256x192xi32> -> vector<256x192xi32>
    %and3A_188 = arith.constant 65535 : i32
    %and3A_189 = vector.broadcast %and3A_188 : i32 to vector<256x192xi32>
    %and3A_190 = arith.andi %bitcast_convert_type3A_187, %and3A_189 : vector<256x192xi32>
    %convert_element_type3A_191 = arith.trunci %and3A_190 : vector<256x192xi32> to vector<256x192xi16>
    %bitcast_convert_type3A_192 = tpu.bitcast %convert_element_type3A_191 : vector<256x192xi16> -> vector<256x192xbf16>
    %shift_right_logical3A_193 = arith.constant 16 : i32
    %shift_right_logical3A_194 = vector.broadcast %shift_right_logical3A_193 : i32 to vector<256x192xi32>
    %shift_right_logical3A_195 = arith.shrui %bitcast_convert_type3A_187, %shift_right_logical3A_194 : vector<256x192xi32>
    %convert_element_type3A_196 = arith.trunci %shift_right_logical3A_195 : vector<256x192xi32> to vector<256x192xi16>
    %bitcast_convert_type3A_197 = tpu.bitcast %convert_element_type3A_196 : vector<256x192xi16> -> vector<256x192xbf16>
    %concatenate3A_198 = tpu.concatenate %bitcast_convert_type3A_192, %bitcast_convert_type3A_197 in 1 : vector<256x192xbf16>, vector<256x192xbf16> -> vector<256x384xbf16>
    %add3A_199 = arith.addf %concatenate3A_198, %convert_element_type3A_73 : vector<256x384xbf16>
    %ge3A_200 = arith.constant 0.000000e+00 : bf16
    %ge3A_201 = vector.broadcast %ge3A_200 : bf16 to vector<256x384xbf16>
    %ge3A_202 = arith.cmpf oge, %add3A_199, %ge3A_201 : vector<256x384xbf16>
    %mul3A_203 = arith.constant 2.001950e-01 : bf16
    %mul3A_204 = vector.broadcast %mul3A_203 : bf16 to vector<256x384xbf16>
    %mul3A_205 = arith.mulf %mul3A_204, %add3A_199 : vector<256x384xbf16>
    %select_n3A_206 = arith.select %ge3A_202, %add3A_199, %mul3A_205 : vector<256x384xi1>, vector<256x384xbf16>
    %max3A_207 = arith.maximumf %max3A_183, %select_n3A_206 : vector<256x384xbf16>
    %slice3A_208 = vector.extract_strided_slice %get3A_67 {offsets = [6, 0, 0], sizes = [1, 256, 256], strides = [1, 1, 1]} : vector<8x256x256xi32> to vector<1x256x256xi32>
    %squeeze3A_209 = vector.shape_cast %slice3A_208 : vector<1x256x256xi32> to vector<256x256xi32>
    %slice3A_210 = vector.extract_strided_slice %squeeze3A_209 {offsets = [0, 0], sizes = [256, 192], strides = [1, 1]} : vector<256x256xi32> to vector<256x192xi32>
    %bitcast_convert_type3A_211 = tpu.bitcast %slice3A_210 : vector<256x192xi32> -> vector<256x192xi32>
    %and3A_212 = arith.constant 65535 : i32
    %and3A_213 = vector.broadcast %and3A_212 : i32 to vector<256x192xi32>
    %and3A_214 = arith.andi %bitcast_convert_type3A_211, %and3A_213 : vector<256x192xi32>
    %convert_element_type3A_215 = arith.trunci %and3A_214 : vector<256x192xi32> to vector<256x192xi16>
    %bitcast_convert_type3A_216 = tpu.bitcast %convert_element_type3A_215 : vector<256x192xi16> -> vector<256x192xbf16>
    %shift_right_logical3A_217 = arith.constant 16 : i32
    %shift_right_logical3A_218 = vector.broadcast %shift_right_logical3A_217 : i32 to vector<256x192xi32>
    %shift_right_logical3A_219 = arith.shrui %bitcast_convert_type3A_211, %shift_right_logical3A_218 : vector<256x192xi32>
    %convert_element_type3A_220 = arith.trunci %shift_right_logical3A_219 : vector<256x192xi32> to vector<256x192xi16>
    %bitcast_convert_type3A_221 = tpu.bitcast %convert_element_type3A_220 : vector<256x192xi16> -> vector<256x192xbf16>
    %concatenate3A_222 = tpu.concatenate %bitcast_convert_type3A_216, %bitcast_convert_type3A_221 in 1 : vector<256x192xbf16>, vector<256x192xbf16> -> vector<256x384xbf16>
    %add3A_223 = arith.addf %concatenate3A_222, %convert_element_type3A_73 : vector<256x384xbf16>
    %ge3A_224 = arith.constant 0.000000e+00 : bf16
    %ge3A_225 = vector.broadcast %ge3A_224 : bf16 to vector<256x384xbf16>
    %ge3A_226 = arith.cmpf oge, %add3A_223, %ge3A_225 : vector<256x384xbf16>
    %mul3A_227 = arith.constant 2.001950e-01 : bf16
    %mul3A_228 = vector.broadcast %mul3A_227 : bf16 to vector<256x384xbf16>
    %mul3A_229 = arith.mulf %mul3A_228, %add3A_223 : vector<256x384xbf16>
    %select_n3A_230 = arith.select %ge3A_226, %add3A_223, %mul3A_229 : vector<256x384xi1>, vector<256x384xbf16>
    %max3A_231 = arith.maximumf %max3A_207, %select_n3A_230 : vector<256x384xbf16>
    %slice3A_232 = vector.extract_strided_slice %get3A_67 {offsets = [7, 0, 0], sizes = [1, 256, 256], strides = [1, 1, 1]} : vector<8x256x256xi32> to vector<1x256x256xi32>
    %squeeze3A_233 = vector.shape_cast %slice3A_232 : vector<1x256x256xi32> to vector<256x256xi32>
    %slice3A_234 = vector.extract_strided_slice %squeeze3A_233 {offsets = [0, 0], sizes = [256, 192], strides = [1, 1]} : vector<256x256xi32> to vector<256x192xi32>
    %bitcast_convert_type3A_235 = tpu.bitcast %slice3A_234 : vector<256x192xi32> -> vector<256x192xi32>
    %and3A_236 = arith.constant 65535 : i32
    %and3A_237 = vector.broadcast %and3A_236 : i32 to vector<256x192xi32>
    %and3A_238 = arith.andi %bitcast_convert_type3A_235, %and3A_237 : vector<256x192xi32>
    %convert_element_type3A_239 = arith.trunci %and3A_238 : vector<256x192xi32> to vector<256x192xi16>
    %bitcast_convert_type3A_240 = tpu.bitcast %convert_element_type3A_239 : vector<256x192xi16> -> vector<256x192xbf16>
    %shift_right_logical3A_241 = arith.constant 16 : i32
    %shift_right_logical3A_242 = vector.broadcast %shift_right_logical3A_241 : i32 to vector<256x192xi32>
    %shift_right_logical3A_243 = arith.shrui %bitcast_convert_type3A_235, %shift_right_logical3A_242 : vector<256x192xi32>
    %convert_element_type3A_244 = arith.trunci %shift_right_logical3A_243 : vector<256x192xi32> to vector<256x192xi16>
    %bitcast_convert_type3A_245 = tpu.bitcast %convert_element_type3A_244 : vector<256x192xi16> -> vector<256x192xbf16>
    %concatenate3A_246 = tpu.concatenate %bitcast_convert_type3A_240, %bitcast_convert_type3A_245 in 1 : vector<256x192xbf16>, vector<256x192xbf16> -> vector<256x384xbf16>
    %add3A_247 = arith.addf %concatenate3A_246, %convert_element_type3A_73 : vector<256x384xbf16>
    %ge3A_248 = arith.constant 0.000000e+00 : bf16
    %ge3A_249 = vector.broadcast %ge3A_248 : bf16 to vector<256x384xbf16>
    %ge3A_250 = arith.cmpf oge, %add3A_247, %ge3A_249 : vector<256x384xbf16>
    %mul3A_251 = arith.constant 2.001950e-01 : bf16
    %mul3A_252 = vector.broadcast %mul3A_251 : bf16 to vector<256x384xbf16>
    %mul3A_253 = arith.mulf %mul3A_252, %add3A_247 : vector<256x384xbf16>
    %select_n3A_254 = arith.select %ge3A_250, %add3A_247, %mul3A_253 : vector<256x384xi1>, vector<256x384xbf16>
    %max3A_255 = arith.maximumf %max3A_231, %select_n3A_254 : vector<256x384xbf16>
    %get3A_256 = arith.constant 0 : index
    %get3A_257 = arith.constant 0 : index
    %get3A_258 = vector.load %arg8[%get3A_256, %get3A_257] : memref<768x384xf32, #tpu.memory_space<vmem>>, vector<768x384xf32>
    %convert_element_type3A_259 = arith.truncf %get3A_258 : vector<768x384xf32> to vector<768x384xbf16>
    %convert_element_type3A_260 = arith.truncf %add3A_63 : vector<256x384xf32> to vector<256x384xbf16>
    %slice3A_261 = vector.extract_strided_slice %convert_element_type3A_259 {offsets = [0, 0], sizes = [384, 384], strides = [1, 1]} : vector<768x384xbf16> to vector<384x384xbf16>
    %dot_general3A_262 = arith.constant dense<0.000000e+00> : vector<256x384xf32>
    %dot_general3A_263 = tpu.matmul %convert_element_type3A_260, %slice3A_261, %dot_general3A_262 {dimension_numbers = #tpu.dot_dimension_numbers<[1], [0], [0], [1], [0, 0, 1, 1], [], []>, transpose_lhs_hint = false} : vector<256x384xbf16>, vector<384x384xbf16>, vector<256x384xf32> -> vector<256x384xf32>
    %slice3A_264 = vector.extract_strided_slice %convert_element_type3A_259 {offsets = [384, 0], sizes = [384, 384], strides = [1, 1]} : vector<768x384xbf16> to vector<384x384xbf16>
    %dot_general3A_265 = arith.constant dense<0.000000e+00> : vector<256x384xf32>
    %dot_general3A_266 = tpu.matmul %max3A_255, %slice3A_264, %dot_general3A_265 {dimension_numbers = #tpu.dot_dimension_numbers<[1], [0], [0], [1], [0, 0, 1, 1], [], []>, transpose_lhs_hint = false} : vector<256x384xbf16>, vector<384x384xbf16>, vector<256x384xf32> -> vector<256x384xf32>
    %add3A_267 = arith.addf %dot_general3A_263, %dot_general3A_266 : vector<256x384xf32>
    %get3A_268 = arith.constant 0 : index
    %get3A_269 = arith.constant 0 : index
    %get3A_270 = vector.load %arg9[%get3A_268, %get3A_269] : memref<1x384xf32, #tpu.memory_space<vmem>>, vector<1x384xf32>
    %get3A_271 = vector.shape_cast %get3A_270 : vector<1x384xf32> to vector<384xf32>
    %broadcast_in_dim3A_272 = vector.shape_cast %get3A_271 : vector<384xf32> to vector<1x384xf32>
    %add3A_273 = vector.broadcast %broadcast_in_dim3A_272 : vector<1x384xf32> to vector<256x384xf32>
    %add3A_274 = arith.addf %add3A_267, %add3A_273 : vector<256x384xf32>
    %get3A_275 = arith.constant 0 : index
    %get3A_276 = arith.constant 0 : index
    %get3A_277 = arith.constant 0 : index
    %get3A_278 = vector.load %arg5[%get3A_275, %get3A_276, %get3A_277] : memref<1x256x384xf32, #tpu.memory_space<vmem>>, vector<1x256x384xf32>
    %get3A_279 = vector.shape_cast %get3A_278 : vector<1x256x384xf32> to vector<256x384xf32>
    %add3A_280 = arith.addf %add3A_274, %get3A_279 : vector<256x384xf32>
    %swap3A = arith.constant 0 : index
    %swap3A_281 = arith.constant 0 : index
    %swap3A_282 = arith.constant 0 : index
    %swap3A_283 = vector.load %arg15[%swap3A, %swap3A_281, %swap3A_282] : memref<1x256x384xf32, #tpu.memory_space<vmem>>, vector<1x256x384xf32>
    %swap3A_284 = vector.shape_cast %swap3A_283 : vector<1x256x384xf32> to vector<256x384xf32>
    %swap3A_285 = vector.shape_cast %add3A_280 : vector<256x384xf32> to vector<1x256x384xf32>
    tpu.vector_store %arg15[%swap3A, %swap3A_281, %swap3A_282], %swap3A_285 {strides = array<i32>} : memref<1x256x384xf32, #tpu.memory_space<vmem>>, vector<1x256x384xf32>,
    %get3A_286 = arith.constant 0 : index
    %get3A_287 = arith.constant 0 : index
    %get3A_288 = vector.load %arg10[%get3A_286, %get3A_287] : memref<1x384xf32, #tpu.memory_space<vmem>>, vector<1x384xf32>
    %get3A_289 = vector.shape_cast %get3A_288 : vector<1x384xf32> to vector<384xf32>
    %get3A_290 = arith.constant 0 : index
    %get3A_291 = arith.constant 0 : index
    %get3A_292 = vector.load %arg11[%get3A_290, %get3A_291] : memref<1x384xf32, #tpu.memory_space<vmem>>, vector<1x384xf32>
    %get3A_293 = vector.shape_cast %get3A_292 : vector<1x384xf32> to vector<384xf32>
    %reduce_sum3A = arith.constant dense<0.000000e+00> : vector<256xf32>
    %reduce_sum3A_294 = vector.multi_reduction <add>, %add3A_280, %reduce_sum3A [1] : vector<256x384xf32> to vector<256xf32>
    %broadcast_in_dim3A_295 = vector.shape_cast %reduce_sum3A_294 : vector<256xf32> to vector<256x1xf32>
    %div3A = arith.constant 3.840000e+02 : f32
    %div3A_296 = vector.broadcast %div3A : f32 to vector<256x1xf32>
    %div3A_297 = arith.divf %broadcast_in_dim3A_295, %div3A_296 : vector<256x1xf32>
    %sub3A = vector.broadcast %div3A_297 : vector<256x1xf32> to vector<256x384xf32>
    %sub3A_298 = arith.subf %add3A_280, %sub3A : vector<256x384xf32>
    %mul3A_299 = arith.mulf %sub3A_298, %sub3A_298 : vector<256x384xf32>
    %reduce_sum3A_300 = arith.constant dense<0.000000e+00> : vector<256xf32>
    %reduce_sum3A_301 = vector.multi_reduction <add>, %mul3A_299, %reduce_sum3A_300 [1] : vector<256x384xf32> to vector<256xf32>
    %broadcast_in_dim3A_302 = vector.shape_cast %reduce_sum3A_301 : vector<256xf32> to vector<256x1xf32>
    %div3A_303 = arith.constant 3.840000e+02 : f32
    %div3A_304 = vector.broadcast %div3A_303 : f32 to vector<256x1xf32>
    %div3A_305 = arith.divf %broadcast_in_dim3A_302, %div3A_304 : vector<256x1xf32>
    %add3A_306 = arith.constant 9.99999974E-6 : f32
    %add3A_307 = vector.broadcast %add3A_306 : f32 to vector<256x1xf32>
    %add3A_308 = arith.addf %div3A_305, %add3A_307 : vector<256x1xf32>
    %rsqrt3A = math.rsqrt %add3A_308 : vector<256x1xf32>
    %mul3A_309 = vector.broadcast %rsqrt3A : vector<256x1xf32> to vector<256x384xf32>
    %mul3A_310 = arith.mulf %sub3A_298, %mul3A_309 : vector<256x384xf32>
    %broadcast_in_dim3A_311 = vector.shape_cast %get3A_289 : vector<384xf32> to vector<1x384xf32>
    %mul3A_312 = vector.broadcast %broadcast_in_dim3A_311 : vector<1x384xf32> to vector<256x384xf32>
    %mul3A_313 = arith.mulf %mul3A_310, %mul3A_312 : vector<256x384xf32>
    %broadcast_in_dim3A_314 = vector.shape_cast %get3A_293 : vector<384xf32> to vector<1x384xf32>
    %add3A_315 = vector.broadcast %broadcast_in_dim3A_314 : vector<1x384xf32> to vector<256x384xf32>
    %add3A_316 = arith.addf %mul3A_313, %add3A_315 : vector<256x384xf32>
    %convert_element_type3A_317 = arith.truncf %add3A_316 : vector<256x384xf32> to vector<256x384xbf16>
    %get3A_318 = arith.constant 0 : index
    %get3A_319 = arith.constant 0 : index
    %get3A_320 = vector.load %arg12[%get3A_318, %get3A_319] : memref<384x384xf32, #tpu.memory_space<vmem>>, vector<384x384xf32>
    %convert_element_type3A_321 = arith.truncf %get3A_320 : vector<384x384xf32> to vector<384x384xbf16>
    %dot_general3A_322 = arith.constant dense<0.000000e+00> : vector<256x384xf32>
    %dot_general3A_323 = tpu.matmul %convert_element_type3A_317, %convert_element_type3A_321, %dot_general3A_322 {dimension_numbers = #tpu.dot_dimension_numbers<[1], [0], [0], [1], [0, 0, 1, 1], [], []>, transpose_lhs_hint = false} : vector<256x384xbf16>, vector<384x384xbf16>, vector<256x384xf32> -> vector<256x384xf32>
    %mul3A_324 = arith.constant 1.250000e-01 : f32
    %mul3A_325 = vector.broadcast %mul3A_324 : f32 to vector<256x384xf32>
    %mul3A_326 = arith.mulf %dot_general3A_323, %mul3A_325 : vector<256x384xf32>
    %convert_element_type3A_327 = arith.truncf %mul3A_326 : vector<256x384xf32> to vector<256x384xbf16>
    %slice3A_328 = vector.extract_strided_slice %convert_element_type3A_327 {offsets = [0, 0], sizes = [256, 64], strides = [1, 1]} : vector<256x384xbf16> to vector<256x64xbf16>
    %slice3A_329 = vector.extract_strided_slice %convert_element_type3A_327 {offsets = [0, 64], sizes = [256, 64], strides = [1, 1]} : vector<256x384xbf16> to vector<256x64xbf16>
    %slice3A_330 = vector.extract_strided_slice %convert_element_type3A_327 {offsets = [0, 128], sizes = [256, 64], strides = [1, 1]} : vector<256x384xbf16> to vector<256x64xbf16>
    %slice3A_331 = vector.extract_strided_slice %convert_element_type3A_327 {offsets = [0, 192], sizes = [256, 64], strides = [1, 1]} : vector<256x384xbf16> to vector<256x64xbf16>
    %slice3A_332 = vector.extract_strided_slice %convert_element_type3A_327 {offsets = [0, 256], sizes = [256, 64], strides = [1, 1]} : vector<256x384xbf16> to vector<256x64xbf16>
    %slice3A_333 = vector.extract_strided_slice %convert_element_type3A_327 {offsets = [0, 320], sizes = [256, 64], strides = [1, 1]} : vector<256x384xbf16> to vector<256x64xbf16>
    %stack3A = vector.shape_cast %slice3A_328 : vector<256x64xbf16> to vector<1x256x64xbf16>
    %stack3A_334 = vector.shape_cast %slice3A_329 : vector<256x64xbf16> to vector<1x256x64xbf16>
    %stack3A_335 = vector.shape_cast %slice3A_330 : vector<256x64xbf16> to vector<1x256x64xbf16>
    %stack3A_336 = vector.shape_cast %slice3A_331 : vector<256x64xbf16> to vector<1x256x64xbf16>
    %stack3A_337 = vector.shape_cast %slice3A_332 : vector<256x64xbf16> to vector<1x256x64xbf16>
    %stack3A_338 = vector.shape_cast %slice3A_333 : vector<256x64xbf16> to vector<1x256x64xbf16>
    %stack3A_339 = tpu.concatenate %stack3A, %stack3A_334, %stack3A_335, %stack3A_336, %stack3A_337, %stack3A_338 in 0 : vector<1x256x64xbf16>, vector<1x256x64xbf16>, vector<1x256x64xbf16>, vector<1x256x64xbf16>, vector<1x256x64xbf16>, vector<1x256x64xbf16> -> vector<6x256x64xbf16>
    %swap3A_340 = arith.constant 0 : index
    %swap3A_341 = arith.constant 0 : index
    %swap3A_342 = arith.constant 0 : index
    %swap3A_343 = arith.constant 0 : index
    %swap3A_344 = vector.load %arg16[%swap3A_340, %swap3A_341, %swap3A_342, %swap3A_343] : memref<6x1x256x64xbf16, #tpu.memory_space<vmem>>, vector<6x1x256x64xbf16>
    %swap3A_345 = vector.shape_cast %swap3A_344 : vector<6x1x256x64xbf16> to vector<6x256x64xbf16>
    %swap3A_346 = vector.shape_cast %stack3A_339 : vector<6x256x64xbf16> to vector<6x1x256x64xbf16>
    tpu.vector_store %arg16[%swap3A_340, %swap3A_341, %swap3A_342, %swap3A_343], %swap3A_346 {strides = array<i32>} : memref<6x1x256x64xbf16, #tpu.memory_space<vmem>>, vector<6x1x256x64xbf16>,
    %get3A_347 = arith.constant 0 : index
    %get3A_348 = arith.constant 0 : index
    %get3A_349 = vector.load %arg13[%get3A_347, %get3A_348] : memref<768x384xf32, #tpu.memory_space<vmem>>, vector<384x384xf32>
    %get3A_350 = arith.constant 384 : index
    %get3A_351 = arith.constant 0 : index
    %get3A_352 = vector.load %arg13[%get3A_350, %get3A_351] : memref<768x384xf32, #tpu.memory_space<vmem>>, vector<384x384xf32>
    %sub3A_353 = arith.subf %get3A_352, %get3A_349 : vector<384x384xf32>
    %convert_element_type3A_354 = arith.truncf %sub3A_353 : vector<384x384xf32> to vector<384x384xbf16>
    %dot_general3A_355 = arith.constant dense<0.000000e+00> : vector<256x384xf32>
    %dot_general3A_356 = tpu.matmul %convert_element_type3A_317, %convert_element_type3A_354, %dot_general3A_355 {dimension_numbers = #tpu.dot_dimension_numbers<[1], [0], [0], [1], [0, 0, 1, 1], [], []>, transpose_lhs_hint = false} : vector<256x384xbf16>, vector<384x384xbf16>, vector<256x384xf32> -> vector<256x384xf32>
    %get3A_357 = arith.constant 0 : index
    %get3A_358 = arith.constant 0 : index
    %get3A_359 = vector.load %arg14[%get3A_357, %get3A_358] : memref<1x384xf32, #tpu.memory_space<vmem>>, vector<1x384xf32>
    %get3A_360 = vector.shape_cast %get3A_359 : vector<1x384xf32> to vector<384xf32>
    %broadcast_in_dim3A_361 = vector.shape_cast %get3A_360 : vector<384xf32> to vector<1x384xf32>
    %add3A_362 = vector.broadcast %broadcast_in_dim3A_361 : vector<1x384xf32> to vector<256x384xf32>
    %add3A_363 = arith.addf %dot_general3A_356, %add3A_362 : vector<256x384xf32>
    %swap3A_364 = arith.constant 0 : index
    %swap3A_365 = arith.constant 0 : index
    %swap3A_366 = arith.constant 0 : index
    %swap3A_367 = vector.load %arg17[%swap3A_364, %swap3A_365, %swap3A_366] : memref<1x256x384xf32, #tpu.memory_space<vmem>>, vector<1x256x384xf32>
    %swap3A_368 = vector.shape_cast %swap3A_367 : vector<1x256x384xf32> to vector<256x384xf32>
    %swap3A_369 = vector.shape_cast %add3A_363 : vector<256x384xf32> to vector<1x256x384xf32>
    tpu.vector_store %arg17[%swap3A_364, %swap3A_365, %swap3A_366], %swap3A_369 {strides = array<i32>} : memref<1x256x384xf32, #tpu.memory_space<vmem>>, vector<1x256x384xf32>,
    return
  }
  func.func @transform_0(%arg0: i32, %arg1: i32) -> (i32, i32, i32, i32) {
    %c0_i32 = arith.constant 0 : i32
    %c0_i32_0 = arith.constant 0 : i32
    %c0_i32_1 = arith.constant 0 : i32
    return %c0_i32, %arg0, %arg1, %c0_i32_0 : i32, i32, i32, i32
  }
  func.func @transform_1(%arg0: i32, %arg1: i32) -> (i32, i32, i32) {
    %mul3A = arith.constant 8 : i32
    %mul3A_0 = arith.muli %arg0, %mul3A : i32
    %add3A = arith.addi %mul3A_0, %arg1 : i32
    %c0_i32 = arith.constant 0 : i32
    %c0_i32_1 = arith.constant 0 : i32
    %c0_i32_2 = arith.constant 0 : i32
    return %c0_i32, %add3A, %c0_i32_1 : i32, i32, i32
  }
  func.func @transform_2(%arg0: i32, %arg1: i32) -> (i32, i32, i32) {
    %c0_i32 = arith.constant 0 : i32
    %c0_i32_0 = arith.constant 0 : i32
    return %arg0, %arg1, %c0_i32 : i32, i32, i32
  }
  func.func @transform_3(%arg0: i32, %arg1: i32) -> (i32, i32, i32) {
    %c0_i32 = arith.constant 0 : i32
    %c0_i32_0 = arith.constant 0 : i32
    return %arg0, %arg1, %c0_i32 : i32, i32, i32
  }
  func.func @transform_4(%arg0: i32, %arg1: i32) -> (i32, i32) {
    %c0_i32 = arith.constant 0 : i32
    %c0_i32_0 = arith.constant 0 : i32
    %c0_i32_1 = arith.constant 0 : i32
    return %c0_i32, %c0_i32_0 : i32, i32
  }
  func.func @transform_5(%arg0: i32, %arg1: i32) -> (i32, i32) {
    %c0_i32 = arith.constant 0 : i32
    %c0_i32_0 = arith.constant 0 : i32
    %c0_i32_1 = arith.constant 0 : i32
    return %c0_i32, %c0_i32_0 : i32, i32
  }
  func.func @transform_6(%arg0: i32, %arg1: i32) -> (i32, i32) {
    %c0_i32 = arith.constant 0 : i32
    %c0_i32_0 = arith.constant 0 : i32
    %c0_i32_1 = arith.constant 0 : i32
    return %c0_i32, %c0_i32_0 : i32, i32
  }
  func.func @transform_7(%arg0: i32, %arg1: i32) -> (i32, i32) {
    %c0_i32 = arith.constant 0 : i32
    %c0_i32_0 = arith.constant 0 : i32
    %c0_i32_1 = arith.constant 0 : i32
    return %c0_i32, %c0_i32_0 : i32, i32
  }
  func.func @transform_8(%arg0: i32, %arg1: i32) -> (i32, i32) {
    %c0_i32 = arith.constant 0 : i32
    %c0_i32_0 = arith.constant 0 : i32
    %c0_i32_1 = arith.constant 0 : i32
    return %c0_i32, %c0_i32_0 : i32, i32
  }
  func.func @transform_9(%arg0: i32, %arg1: i32) -> (i32, i32) {
    %c0_i32 = arith.constant 0 : i32
    %c0_i32_0 = arith.constant 0 : i32
    %c0_i32_1 = arith.constant 0 : i32
    return %c0_i32, %c0_i32_0 : i32, i32
  }
  func.func @transform_10(%arg0: i32, %arg1: i32) -> (i32, i32) {
    %c0_i32 = arith.constant 0 : i32
    %c0_i32_0 = arith.constant 0 : i32
    %c0_i32_1 = arith.constant 0 : i32
    return %c0_i32, %c0_i32_0 : i32, i32
  }
  func.func @transform_11(%arg0: i32, %arg1: i32) -> (i32, i32) {
    %c0_i32 = arith.constant 0 : i32
    %c0_i32_0 = arith.constant 0 : i32
    %c0_i32_1 = arith.constant 0 : i32
    return %c0_i32, %c0_i32_0 : i32, i32
  }
  func.func @transform_12(%arg0: i32, %arg1: i32) -> (i32, i32) {
    %c0_i32 = arith.constant 0 : i32
    %c0_i32_0 = arith.constant 0 : i32
    %c0_i32_1 = arith.constant 0 : i32
    return %c0_i32, %c0_i32_0 : i32, i32
  }
  func.func @transform_13(%arg0: i32, %arg1: i32) -> (i32, i32, i32) {
    %c0_i32 = arith.constant 0 : i32
    %c0_i32_0 = arith.constant 0 : i32
    return %arg0, %arg1, %c0_i32 : i32, i32, i32
  }
  func.func @transform_14(%arg0: i32, %arg1: i32) -> (i32, i32, i32, i32) {
    %c0_i32 = arith.constant 0 : i32
    %c0_i32_0 = arith.constant 0 : i32
    %c0_i32_1 = arith.constant 0 : i32
    return %c0_i32, %arg0, %arg1, %c0_i32_0 : i32, i32, i32, i32
  }
  func.func @transform_15(%arg0: i32, %arg1: i32) -> (i32, i32, i32) {
    %c0_i32 = arith.constant 0 : i32
    %c0_i32_0 = arith.constant 0 : i32
    return %arg0, %arg1, %c0_i32 : i32, i32, i32
  }
}

module attributes {stable_mosaic.version = 14 : i64} {
  func.func @_mha_body(%arg0: i32, %arg1: i32, %arg2: memref<6x1x512x64xbf16, #tpu.memory_space<vmem>>, %arg3: memref<6x1x2048x64xbf16, #tpu.memory_space<vmem>>, %arg4: memref<6x1x2048x128xbf16, #tpu.memory_space<vmem>>, %arg5: memref<6x1x512x64xbf16, #tpu.memory_space<vmem>>) attributes {dimension_semantics = [#tpu.dimension_semantics<arbitrary>, #tpu.dimension_semantics<arbitrary>], iteration_bounds = array<i64: 2, 4>, scalar_prefetch = 0 : i64, scratch_operands = 0 : i64, tpu.core_type = #tpu.core_type<tc>, window_params = [{transform_indices = @transform_0, window_bounds = array<i64: 6, 1, 512, 64>}, {transform_indices = @transform_1, window_bounds = array<i64: 6, 1, 2048, 64>}, {transform_indices = @transform_2, window_bounds = array<i64: 6, 1, 2048, 128>}, {transform_indices = @transform_3, window_bounds = array<i64: 6, 1, 512, 64>}]} {
    %get3A = arith.constant 0 : index
    %get3A_0 = arith.constant 0 : index
    %get3A_1 = arith.constant 0 : index
    %get3A_2 = arith.constant 0 : index
    %get3A_3 = vector.load %arg2[%get3A, %get3A_0, %get3A_1, %get3A_2] : memref<6x1x512x64xbf16, #tpu.memory_space<vmem>>, vector<1x1x512x64xbf16>
    %get3A_4 = vector.shape_cast %get3A_3 : vector<1x1x512x64xbf16> to vector<512x64xbf16>
    %get3A_5 = arith.constant 0 : index
    %get3A_6 = arith.constant 0 : index
    %get3A_7 = arith.constant 0 : index
    %get3A_8 = arith.constant 0 : index
    %get3A_9 = vector.load %arg3[%get3A_5, %get3A_6, %get3A_7, %get3A_8] : memref<6x1x2048x64xbf16, #tpu.memory_space<vmem>>, vector<1x1x2048x64xbf16>
    %get3A_10 = vector.shape_cast %get3A_9 : vector<1x1x2048x64xbf16> to vector<2048x64xbf16>
    %dot_general3A = arith.constant dense<0.000000e+00> : vector<512x2048xf32>
    %dot_general3A_11 = tpu.matmul %get3A_4, %get3A_10, %dot_general3A {dimension_numbers = #tpu.dot_dimension_numbers<[1], [1], [0], [0], [0, 0, 1, 0], [], []>, transpose_lhs_hint = false} : vector<512x64xbf16>, vector<2048x64xbf16>, vector<512x2048xf32> -> vector<512x2048xf32>
    %exp3A = math.exp %dot_general3A_11 : vector<512x2048xf32>
    %convert_element_type3A = arith.truncf %exp3A : vector<512x2048xf32> to vector<512x2048xbf16>
    %get3A_12 = arith.constant 0 : index
    %get3A_13 = arith.constant 0 : index
    %get3A_14 = arith.constant 0 : index
    %get3A_15 = arith.constant 0 : index
    %get3A_16 = vector.load %arg4[%get3A_12, %get3A_13, %get3A_14, %get3A_15] : memref<6x1x2048x128xbf16, #tpu.memory_space<vmem>>, vector<1x1x2048x128xbf16>
    %get3A_17 = vector.shape_cast %get3A_16 : vector<1x1x2048x128xbf16> to vector<2048x128xbf16>
    %dot_general3A_18 = arith.constant dense<0.000000e+00> : vector<512x128xf32>
    %dot_general3A_19 = tpu.matmul %convert_element_type3A, %get3A_17, %dot_general3A_18 {dimension_numbers = #tpu.dot_dimension_numbers<[1], [0], [0], [1], [0, 0, 1, 1], [], []>, transpose_lhs_hint = false} : vector<512x2048xbf16>, vector<2048x128xbf16>, vector<512x128xf32> -> vector<512x128xf32>
    %slice3A = vector.extract_strided_slice %dot_general3A_19 {offsets = [0, 0], sizes = [512, 64], strides = [1, 1]} : vector<512x128xf32> to vector<512x64xf32>
    %slice3A_20 = vector.extract_strided_slice %dot_general3A_19 {offsets = [0, 64], sizes = [512, 1], strides = [1, 1]} : vector<512x128xf32> to vector<512x1xf32>
    %div3A = vector.broadcast %slice3A_20 : vector<512x1xf32> to vector<512x64xf32>
    %div3A_21 = arith.divf %slice3A, %div3A : vector<512x64xf32>
    %convert_element_type3A_22 = arith.truncf %div3A_21 : vector<512x64xf32> to vector<512x64xbf16>
    %swap3A = arith.constant 0 : index
    %swap3A_23 = arith.constant 0 : index
    %swap3A_24 = arith.constant 0 : index
    %swap3A_25 = arith.constant 0 : index
    %swap3A_26 = vector.load %arg5[%swap3A, %swap3A_23, %swap3A_24, %swap3A_25] : memref<6x1x512x64xbf16, #tpu.memory_space<vmem>>, vector<1x1x512x64xbf16>
    %swap3A_27 = vector.shape_cast %swap3A_26 : vector<1x1x512x64xbf16> to vector<512x64xbf16>
    %swap3A_28 = vector.shape_cast %convert_element_type3A_22 : vector<512x64xbf16> to vector<1x1x512x64xbf16>
    tpu.vector_store %arg5[%swap3A, %swap3A_23, %swap3A_24, %swap3A_25], %swap3A_28 {strides = array<i32>} : memref<6x1x512x64xbf16, #tpu.memory_space<vmem>>, vector<1x1x512x64xbf16>,
    %get3A_29 = arith.constant 1 : index
    %get3A_30 = arith.constant 0 : index
    %get3A_31 = arith.constant 0 : index
    %get3A_32 = arith.constant 0 : index
    %get3A_33 = vector.load %arg2[%get3A_29, %get3A_30, %get3A_31, %get3A_32] : memref<6x1x512x64xbf16, #tpu.memory_space<vmem>>, vector<1x1x512x64xbf16>
    %get3A_34 = vector.shape_cast %get3A_33 : vector<1x1x512x64xbf16> to vector<512x64xbf16>
    %get3A_35 = arith.constant 1 : index
    %get3A_36 = arith.constant 0 : index
    %get3A_37 = arith.constant 0 : index
    %get3A_38 = arith.constant 0 : index
    %get3A_39 = vector.load %arg3[%get3A_35, %get3A_36, %get3A_37, %get3A_38] : memref<6x1x2048x64xbf16, #tpu.memory_space<vmem>>, vector<1x1x2048x64xbf16>
    %get3A_40 = vector.shape_cast %get3A_39 : vector<1x1x2048x64xbf16> to vector<2048x64xbf16>
    %dot_general3A_41 = arith.constant dense<0.000000e+00> : vector<512x2048xf32>
    %dot_general3A_42 = tpu.matmul %get3A_34, %get3A_40, %dot_general3A_41 {dimension_numbers = #tpu.dot_dimension_numbers<[1], [1], [0], [0], [0, 0, 1, 0], [], []>, transpose_lhs_hint = false} : vector<512x64xbf16>, vector<2048x64xbf16>, vector<512x2048xf32> -> vector<512x2048xf32>
    %exp3A_43 = math.exp %dot_general3A_42 : vector<512x2048xf32>
    %convert_element_type3A_44 = arith.truncf %exp3A_43 : vector<512x2048xf32> to vector<512x2048xbf16>
    %get3A_45 = arith.constant 1 : index
    %get3A_46 = arith.constant 0 : index
    %get3A_47 = arith.constant 0 : index
    %get3A_48 = arith.constant 0 : index
    %get3A_49 = vector.load %arg4[%get3A_45, %get3A_46, %get3A_47, %get3A_48] : memref<6x1x2048x128xbf16, #tpu.memory_space<vmem>>, vector<1x1x2048x128xbf16>
    %get3A_50 = vector.shape_cast %get3A_49 : vector<1x1x2048x128xbf16> to vector<2048x128xbf16>
    %dot_general3A_51 = arith.constant dense<0.000000e+00> : vector<512x128xf32>
    %dot_general3A_52 = tpu.matmul %convert_element_type3A_44, %get3A_50, %dot_general3A_51 {dimension_numbers = #tpu.dot_dimension_numbers<[1], [0], [0], [1], [0, 0, 1, 1], [], []>, transpose_lhs_hint = false} : vector<512x2048xbf16>, vector<2048x128xbf16>, vector<512x128xf32> -> vector<512x128xf32>
    %slice3A_53 = vector.extract_strided_slice %dot_general3A_52 {offsets = [0, 0], sizes = [512, 64], strides = [1, 1]} : vector<512x128xf32> to vector<512x64xf32>
    %slice3A_54 = vector.extract_strided_slice %dot_general3A_52 {offsets = [0, 64], sizes = [512, 1], strides = [1, 1]} : vector<512x128xf32> to vector<512x1xf32>
    %div3A_55 = vector.broadcast %slice3A_54 : vector<512x1xf32> to vector<512x64xf32>
    %div3A_56 = arith.divf %slice3A_53, %div3A_55 : vector<512x64xf32>
    %convert_element_type3A_57 = arith.truncf %div3A_56 : vector<512x64xf32> to vector<512x64xbf16>
    %swap3A_58 = arith.constant 1 : index
    %swap3A_59 = arith.constant 0 : index
    %swap3A_60 = arith.constant 0 : index
    %swap3A_61 = arith.constant 0 : index
    %swap3A_62 = vector.load %arg5[%swap3A_58, %swap3A_59, %swap3A_60, %swap3A_61] : memref<6x1x512x64xbf16, #tpu.memory_space<vmem>>, vector<1x1x512x64xbf16>
    %swap3A_63 = vector.shape_cast %swap3A_62 : vector<1x1x512x64xbf16> to vector<512x64xbf16>
    %swap3A_64 = vector.shape_cast %convert_element_type3A_57 : vector<512x64xbf16> to vector<1x1x512x64xbf16>
    tpu.vector_store %arg5[%swap3A_58, %swap3A_59, %swap3A_60, %swap3A_61], %swap3A_64 {strides = array<i32>} : memref<6x1x512x64xbf16, #tpu.memory_space<vmem>>, vector<1x1x512x64xbf16>,
    %get3A_65 = arith.constant 2 : index
    %get3A_66 = arith.constant 0 : index
    %get3A_67 = arith.constant 0 : index
    %get3A_68 = arith.constant 0 : index
    %get3A_69 = vector.load %arg2[%get3A_65, %get3A_66, %get3A_67, %get3A_68] : memref<6x1x512x64xbf16, #tpu.memory_space<vmem>>, vector<1x1x512x64xbf16>
    %get3A_70 = vector.shape_cast %get3A_69 : vector<1x1x512x64xbf16> to vector<512x64xbf16>
    %get3A_71 = arith.constant 2 : index
    %get3A_72 = arith.constant 0 : index
    %get3A_73 = arith.constant 0 : index
    %get3A_74 = arith.constant 0 : index
    %get3A_75 = vector.load %arg3[%get3A_71, %get3A_72, %get3A_73, %get3A_74] : memref<6x1x2048x64xbf16, #tpu.memory_space<vmem>>, vector<1x1x2048x64xbf16>
    %get3A_76 = vector.shape_cast %get3A_75 : vector<1x1x2048x64xbf16> to vector<2048x64xbf16>
    %dot_general3A_77 = arith.constant dense<0.000000e+00> : vector<512x2048xf32>
    %dot_general3A_78 = tpu.matmul %get3A_70, %get3A_76, %dot_general3A_77 {dimension_numbers = #tpu.dot_dimension_numbers<[1], [1], [0], [0], [0, 0, 1, 0], [], []>, transpose_lhs_hint = false} : vector<512x64xbf16>, vector<2048x64xbf16>, vector<512x2048xf32> -> vector<512x2048xf32>
    %exp3A_79 = math.exp %dot_general3A_78 : vector<512x2048xf32>
    %convert_element_type3A_80 = arith.truncf %exp3A_79 : vector<512x2048xf32> to vector<512x2048xbf16>
    %get3A_81 = arith.constant 2 : index
    %get3A_82 = arith.constant 0 : index
    %get3A_83 = arith.constant 0 : index
    %get3A_84 = arith.constant 0 : index
    %get3A_85 = vector.load %arg4[%get3A_81, %get3A_82, %get3A_83, %get3A_84] : memref<6x1x2048x128xbf16, #tpu.memory_space<vmem>>, vector<1x1x2048x128xbf16>
    %get3A_86 = vector.shape_cast %get3A_85 : vector<1x1x2048x128xbf16> to vector<2048x128xbf16>
    %dot_general3A_87 = arith.constant dense<0.000000e+00> : vector<512x128xf32>
    %dot_general3A_88 = tpu.matmul %convert_element_type3A_80, %get3A_86, %dot_general3A_87 {dimension_numbers = #tpu.dot_dimension_numbers<[1], [0], [0], [1], [0, 0, 1, 1], [], []>, transpose_lhs_hint = false} : vector<512x2048xbf16>, vector<2048x128xbf16>, vector<512x128xf32> -> vector<512x128xf32>
    %slice3A_89 = vector.extract_strided_slice %dot_general3A_88 {offsets = [0, 0], sizes = [512, 64], strides = [1, 1]} : vector<512x128xf32> to vector<512x64xf32>
    %slice3A_90 = vector.extract_strided_slice %dot_general3A_88 {offsets = [0, 64], sizes = [512, 1], strides = [1, 1]} : vector<512x128xf32> to vector<512x1xf32>
    %div3A_91 = vector.broadcast %slice3A_90 : vector<512x1xf32> to vector<512x64xf32>
    %div3A_92 = arith.divf %slice3A_89, %div3A_91 : vector<512x64xf32>
    %convert_element_type3A_93 = arith.truncf %div3A_92 : vector<512x64xf32> to vector<512x64xbf16>
    %swap3A_94 = arith.constant 2 : index
    %swap3A_95 = arith.constant 0 : index
    %swap3A_96 = arith.constant 0 : index
    %swap3A_97 = arith.constant 0 : index
    %swap3A_98 = vector.load %arg5[%swap3A_94, %swap3A_95, %swap3A_96, %swap3A_97] : memref<6x1x512x64xbf16, #tpu.memory_space<vmem>>, vector<1x1x512x64xbf16>
    %swap3A_99 = vector.shape_cast %swap3A_98 : vector<1x1x512x64xbf16> to vector<512x64xbf16>
    %swap3A_100 = vector.shape_cast %convert_element_type3A_93 : vector<512x64xbf16> to vector<1x1x512x64xbf16>
    tpu.vector_store %arg5[%swap3A_94, %swap3A_95, %swap3A_96, %swap3A_97], %swap3A_100 {strides = array<i32>} : memref<6x1x512x64xbf16, #tpu.memory_space<vmem>>, vector<1x1x512x64xbf16>,
    %get3A_101 = arith.constant 3 : index
    %get3A_102 = arith.constant 0 : index
    %get3A_103 = arith.constant 0 : index
    %get3A_104 = arith.constant 0 : index
    %get3A_105 = vector.load %arg2[%get3A_101, %get3A_102, %get3A_103, %get3A_104] : memref<6x1x512x64xbf16, #tpu.memory_space<vmem>>, vector<1x1x512x64xbf16>
    %get3A_106 = vector.shape_cast %get3A_105 : vector<1x1x512x64xbf16> to vector<512x64xbf16>
    %get3A_107 = arith.constant 3 : index
    %get3A_108 = arith.constant 0 : index
    %get3A_109 = arith.constant 0 : index
    %get3A_110 = arith.constant 0 : index
    %get3A_111 = vector.load %arg3[%get3A_107, %get3A_108, %get3A_109, %get3A_110] : memref<6x1x2048x64xbf16, #tpu.memory_space<vmem>>, vector<1x1x2048x64xbf16>
    %get3A_112 = vector.shape_cast %get3A_111 : vector<1x1x2048x64xbf16> to vector<2048x64xbf16>
    %dot_general3A_113 = arith.constant dense<0.000000e+00> : vector<512x2048xf32>
    %dot_general3A_114 = tpu.matmul %get3A_106, %get3A_112, %dot_general3A_113 {dimension_numbers = #tpu.dot_dimension_numbers<[1], [1], [0], [0], [0, 0, 1, 0], [], []>, transpose_lhs_hint = false} : vector<512x64xbf16>, vector<2048x64xbf16>, vector<512x2048xf32> -> vector<512x2048xf32>
    %exp3A_115 = math.exp %dot_general3A_114 : vector<512x2048xf32>
    %convert_element_type3A_116 = arith.truncf %exp3A_115 : vector<512x2048xf32> to vector<512x2048xbf16>
    %get3A_117 = arith.constant 3 : index
    %get3A_118 = arith.constant 0 : index
    %get3A_119 = arith.constant 0 : index
    %get3A_120 = arith.constant 0 : index
    %get3A_121 = vector.load %arg4[%get3A_117, %get3A_118, %get3A_119, %get3A_120] : memref<6x1x2048x128xbf16, #tpu.memory_space<vmem>>, vector<1x1x2048x128xbf16>
    %get3A_122 = vector.shape_cast %get3A_121 : vector<1x1x2048x128xbf16> to vector<2048x128xbf16>
    %dot_general3A_123 = arith.constant dense<0.000000e+00> : vector<512x128xf32>
    %dot_general3A_124 = tpu.matmul %convert_element_type3A_116, %get3A_122, %dot_general3A_123 {dimension_numbers = #tpu.dot_dimension_numbers<[1], [0], [0], [1], [0, 0, 1, 1], [], []>, transpose_lhs_hint = false} : vector<512x2048xbf16>, vector<2048x128xbf16>, vector<512x128xf32> -> vector<512x128xf32>
    %slice3A_125 = vector.extract_strided_slice %dot_general3A_124 {offsets = [0, 0], sizes = [512, 64], strides = [1, 1]} : vector<512x128xf32> to vector<512x64xf32>
    %slice3A_126 = vector.extract_strided_slice %dot_general3A_124 {offsets = [0, 64], sizes = [512, 1], strides = [1, 1]} : vector<512x128xf32> to vector<512x1xf32>
    %div3A_127 = vector.broadcast %slice3A_126 : vector<512x1xf32> to vector<512x64xf32>
    %div3A_128 = arith.divf %slice3A_125, %div3A_127 : vector<512x64xf32>
    %convert_element_type3A_129 = arith.truncf %div3A_128 : vector<512x64xf32> to vector<512x64xbf16>
    %swap3A_130 = arith.constant 3 : index
    %swap3A_131 = arith.constant 0 : index
    %swap3A_132 = arith.constant 0 : index
    %swap3A_133 = arith.constant 0 : index
    %swap3A_134 = vector.load %arg5[%swap3A_130, %swap3A_131, %swap3A_132, %swap3A_133] : memref<6x1x512x64xbf16, #tpu.memory_space<vmem>>, vector<1x1x512x64xbf16>
    %swap3A_135 = vector.shape_cast %swap3A_134 : vector<1x1x512x64xbf16> to vector<512x64xbf16>
    %swap3A_136 = vector.shape_cast %convert_element_type3A_129 : vector<512x64xbf16> to vector<1x1x512x64xbf16>
    tpu.vector_store %arg5[%swap3A_130, %swap3A_131, %swap3A_132, %swap3A_133], %swap3A_136 {strides = array<i32>} : memref<6x1x512x64xbf16, #tpu.memory_space<vmem>>, vector<1x1x512x64xbf16>,
    %get3A_137 = arith.constant 4 : index
    %get3A_138 = arith.constant 0 : index
    %get3A_139 = arith.constant 0 : index
    %get3A_140 = arith.constant 0 : index
    %get3A_141 = vector.load %arg2[%get3A_137, %get3A_138, %get3A_139, %get3A_140] : memref<6x1x512x64xbf16, #tpu.memory_space<vmem>>, vector<1x1x512x64xbf16>
    %get3A_142 = vector.shape_cast %get3A_141 : vector<1x1x512x64xbf16> to vector<512x64xbf16>
    %get3A_143 = arith.constant 4 : index
    %get3A_144 = arith.constant 0 : index
    %get3A_145 = arith.constant 0 : index
    %get3A_146 = arith.constant 0 : index
    %get3A_147 = vector.load %arg3[%get3A_143, %get3A_144, %get3A_145, %get3A_146] : memref<6x1x2048x64xbf16, #tpu.memory_space<vmem>>, vector<1x1x2048x64xbf16>
    %get3A_148 = vector.shape_cast %get3A_147 : vector<1x1x2048x64xbf16> to vector<2048x64xbf16>
    %dot_general3A_149 = arith.constant dense<0.000000e+00> : vector<512x2048xf32>
    %dot_general3A_150 = tpu.matmul %get3A_142, %get3A_148, %dot_general3A_149 {dimension_numbers = #tpu.dot_dimension_numbers<[1], [1], [0], [0], [0, 0, 1, 0], [], []>, transpose_lhs_hint = false} : vector<512x64xbf16>, vector<2048x64xbf16>, vector<512x2048xf32> -> vector<512x2048xf32>
    %exp3A_151 = math.exp %dot_general3A_150 : vector<512x2048xf32>
    %convert_element_type3A_152 = arith.truncf %exp3A_151 : vector<512x2048xf32> to vector<512x2048xbf16>
    %get3A_153 = arith.constant 4 : index
    %get3A_154 = arith.constant 0 : index
    %get3A_155 = arith.constant 0 : index
    %get3A_156 = arith.constant 0 : index
    %get3A_157 = vector.load %arg4[%get3A_153, %get3A_154, %get3A_155, %get3A_156] : memref<6x1x2048x128xbf16, #tpu.memory_space<vmem>>, vector<1x1x2048x128xbf16>
    %get3A_158 = vector.shape_cast %get3A_157 : vector<1x1x2048x128xbf16> to vector<2048x128xbf16>
    %dot_general3A_159 = arith.constant dense<0.000000e+00> : vector<512x128xf32>
    %dot_general3A_160 = tpu.matmul %convert_element_type3A_152, %get3A_158, %dot_general3A_159 {dimension_numbers = #tpu.dot_dimension_numbers<[1], [0], [0], [1], [0, 0, 1, 1], [], []>, transpose_lhs_hint = false} : vector<512x2048xbf16>, vector<2048x128xbf16>, vector<512x128xf32> -> vector<512x128xf32>
    %slice3A_161 = vector.extract_strided_slice %dot_general3A_160 {offsets = [0, 0], sizes = [512, 64], strides = [1, 1]} : vector<512x128xf32> to vector<512x64xf32>
    %slice3A_162 = vector.extract_strided_slice %dot_general3A_160 {offsets = [0, 64], sizes = [512, 1], strides = [1, 1]} : vector<512x128xf32> to vector<512x1xf32>
    %div3A_163 = vector.broadcast %slice3A_162 : vector<512x1xf32> to vector<512x64xf32>
    %div3A_164 = arith.divf %slice3A_161, %div3A_163 : vector<512x64xf32>
    %convert_element_type3A_165 = arith.truncf %div3A_164 : vector<512x64xf32> to vector<512x64xbf16>
    %swap3A_166 = arith.constant 4 : index
    %swap3A_167 = arith.constant 0 : index
    %swap3A_168 = arith.constant 0 : index
    %swap3A_169 = arith.constant 0 : index
    %swap3A_170 = vector.load %arg5[%swap3A_166, %swap3A_167, %swap3A_168, %swap3A_169] : memref<6x1x512x64xbf16, #tpu.memory_space<vmem>>, vector<1x1x512x64xbf16>
    %swap3A_171 = vector.shape_cast %swap3A_170 : vector<1x1x512x64xbf16> to vector<512x64xbf16>
    %swap3A_172 = vector.shape_cast %convert_element_type3A_165 : vector<512x64xbf16> to vector<1x1x512x64xbf16>
    tpu.vector_store %arg5[%swap3A_166, %swap3A_167, %swap3A_168, %swap3A_169], %swap3A_172 {strides = array<i32>} : memref<6x1x512x64xbf16, #tpu.memory_space<vmem>>, vector<1x1x512x64xbf16>,
    %get3A_173 = arith.constant 5 : index
    %get3A_174 = arith.constant 0 : index
    %get3A_175 = arith.constant 0 : index
    %get3A_176 = arith.constant 0 : index
    %get3A_177 = vector.load %arg2[%get3A_173, %get3A_174, %get3A_175, %get3A_176] : memref<6x1x512x64xbf16, #tpu.memory_space<vmem>>, vector<1x1x512x64xbf16>
    %get3A_178 = vector.shape_cast %get3A_177 : vector<1x1x512x64xbf16> to vector<512x64xbf16>
    %get3A_179 = arith.constant 5 : index
    %get3A_180 = arith.constant 0 : index
    %get3A_181 = arith.constant 0 : index
    %get3A_182 = arith.constant 0 : index
    %get3A_183 = vector.load %arg3[%get3A_179, %get3A_180, %get3A_181, %get3A_182] : memref<6x1x2048x64xbf16, #tpu.memory_space<vmem>>, vector<1x1x2048x64xbf16>
    %get3A_184 = vector.shape_cast %get3A_183 : vector<1x1x2048x64xbf16> to vector<2048x64xbf16>
    %dot_general3A_185 = arith.constant dense<0.000000e+00> : vector<512x2048xf32>
    %dot_general3A_186 = tpu.matmul %get3A_178, %get3A_184, %dot_general3A_185 {dimension_numbers = #tpu.dot_dimension_numbers<[1], [1], [0], [0], [0, 0, 1, 0], [], []>, transpose_lhs_hint = false} : vector<512x64xbf16>, vector<2048x64xbf16>, vector<512x2048xf32> -> vector<512x2048xf32>
    %exp3A_187 = math.exp %dot_general3A_186 : vector<512x2048xf32>
    %convert_element_type3A_188 = arith.truncf %exp3A_187 : vector<512x2048xf32> to vector<512x2048xbf16>
    %get3A_189 = arith.constant 5 : index
    %get3A_190 = arith.constant 0 : index
    %get3A_191 = arith.constant 0 : index
    %get3A_192 = arith.constant 0 : index
    %get3A_193 = vector.load %arg4[%get3A_189, %get3A_190, %get3A_191, %get3A_192] : memref<6x1x2048x128xbf16, #tpu.memory_space<vmem>>, vector<1x1x2048x128xbf16>
    %get3A_194 = vector.shape_cast %get3A_193 : vector<1x1x2048x128xbf16> to vector<2048x128xbf16>
    %dot_general3A_195 = arith.constant dense<0.000000e+00> : vector<512x128xf32>
    %dot_general3A_196 = tpu.matmul %convert_element_type3A_188, %get3A_194, %dot_general3A_195 {dimension_numbers = #tpu.dot_dimension_numbers<[1], [0], [0], [1], [0, 0, 1, 1], [], []>, transpose_lhs_hint = false} : vector<512x2048xbf16>, vector<2048x128xbf16>, vector<512x128xf32> -> vector<512x128xf32>
    %slice3A_197 = vector.extract_strided_slice %dot_general3A_196 {offsets = [0, 0], sizes = [512, 64], strides = [1, 1]} : vector<512x128xf32> to vector<512x64xf32>
    %slice3A_198 = vector.extract_strided_slice %dot_general3A_196 {offsets = [0, 64], sizes = [512, 1], strides = [1, 1]} : vector<512x128xf32> to vector<512x1xf32>
    %div3A_199 = vector.broadcast %slice3A_198 : vector<512x1xf32> to vector<512x64xf32>
    %div3A_200 = arith.divf %slice3A_197, %div3A_199 : vector<512x64xf32>
    %convert_element_type3A_201 = arith.truncf %div3A_200 : vector<512x64xf32> to vector<512x64xbf16>
    %swap3A_202 = arith.constant 5 : index
    %swap3A_203 = arith.constant 0 : index
    %swap3A_204 = arith.constant 0 : index
    %swap3A_205 = arith.constant 0 : index
    %swap3A_206 = vector.load %arg5[%swap3A_202, %swap3A_203, %swap3A_204, %swap3A_205] : memref<6x1x512x64xbf16, #tpu.memory_space<vmem>>, vector<1x1x512x64xbf16>
    %swap3A_207 = vector.shape_cast %swap3A_206 : vector<1x1x512x64xbf16> to vector<512x64xbf16>
    %swap3A_208 = vector.shape_cast %convert_element_type3A_201 : vector<512x64xbf16> to vector<1x1x512x64xbf16>
    tpu.vector_store %arg5[%swap3A_202, %swap3A_203, %swap3A_204, %swap3A_205], %swap3A_208 {strides = array<i32>} : memref<6x1x512x64xbf16, #tpu.memory_space<vmem>>, vector<1x1x512x64xbf16>,
    return
  }
  func.func @transform_0(%arg0: i32, %arg1: i32) -> (i32, i32, i32, i32) {
    %c0_i32 = arith.constant 0 : i32
    %c0_i32_0 = arith.constant 0 : i32
    %c0_i32_1 = arith.constant 0 : i32
    return %c0_i32, %arg0, %arg1, %c0_i32_0 : i32, i32, i32, i32
  }
  func.func @transform_1(%arg0: i32, %arg1: i32) -> (i32, i32, i32, i32) {
    %c0_i32 = arith.constant 0 : i32
    %c0_i32_0 = arith.constant 0 : i32
    %c0_i32_1 = arith.constant 0 : i32
    %c0_i32_2 = arith.constant 0 : i32
    return %c0_i32, %arg0, %c0_i32_0, %c0_i32_1 : i32, i32, i32, i32
  }
  func.func @transform_2(%arg0: i32, %arg1: i32) -> (i32, i32, i32, i32) {
    %c0_i32 = arith.constant 0 : i32
    %c0_i32_0 = arith.constant 0 : i32
    %c0_i32_1 = arith.constant 0 : i32
    %c0_i32_2 = arith.constant 0 : i32
    return %c0_i32, %arg0, %c0_i32_0, %c0_i32_1 : i32, i32, i32, i32
  }
  func.func @transform_3(%arg0: i32, %arg1: i32) -> (i32, i32, i32, i32) {
    %c0_i32 = arith.constant 0 : i32
    %c0_i32_0 = arith.constant 0 : i32
    %c0_i32_1 = arith.constant 0 : i32
    return %c0_i32, %arg0, %arg1, %c0_i32_0 : i32, i32, i32, i32
  }
}

module attributes {stable_mosaic.version = 14 : i64} {
  func.func @_comb2_body(%arg0: i32, %arg1: i32, %arg2: memref<6x1x256x64xbf16, #tpu.memory_space<vmem>>, %arg3: memref<8x256x256xi32, #tpu.memory_space<vmem>>, %arg4: memref<1x256x384xf32, #tpu.memory_space<vmem>>, %arg5: memref<1x256x384xf32, #tpu.memory_space<vmem>>, %arg6: memref<1x3x256xf32, #tpu.memory_space<vmem>>, %arg7: memref<384x384xf32, #tpu.memory_space<vmem>>, %arg8: memref<1x384xf32, #tpu.memory_space<vmem>>, %arg9: memref<768x384xf32, #tpu.memory_space<vmem>>, %arg10: memref<1x384xf32, #tpu.memory_space<vmem>>, %arg11: memref<1x384xf32, #tpu.memory_space<vmem>>, %arg12: memref<1x384xf32, #tpu.memory_space<vmem>>, %arg13: memref<384x768xf32, #tpu.memory_space<vmem>>, %arg14: memref<1x768xf32, #tpu.memory_space<vmem>>, %arg15: memref<768x384xf32, #tpu.memory_space<vmem>>, %arg16: memref<1x384xf32, #tpu.memory_space<vmem>>, %arg17: memref<1x387x256xf32, #tpu.memory_space<vmem>>) attributes {dimension_semantics = [#tpu.dimension_semantics<arbitrary>, #tpu.dimension_semantics<arbitrary>], iteration_bounds = array<i64: 2, 8>, scalar_prefetch = 0 : i64, scratch_operands = 0 : i64, tpu.core_type = #tpu.core_type<tc>, window_params = [{transform_indices = @transform_0, window_bounds = array<i64: 6, 1, 256, 64>}, {transform_indices = @transform_1, window_bounds = array<i64: 8, 256, 256>}, {transform_indices = @transform_2, window_bounds = array<i64: 1, 256, 384>}, {transform_indices = @transform_3, window_bounds = array<i64: 1, 256, 384>}, {transform_indices = @transform_4, window_bounds = array<i64: 1, 3, 256>}, {pipeline_mode = #tpu.pipeline_mode<synchronous>, transform_indices = @transform_5, window_bounds = array<i64: 384, 384>}, {pipeline_mode = #tpu.pipeline_mode<synchronous>, transform_indices = @transform_6, window_bounds = array<i64: 1, 384>}, {pipeline_mode = #tpu.pipeline_mode<synchronous>, transform_indices = @transform_7, window_bounds = array<i64: 768, 384>}, {pipeline_mode = #tpu.pipeline_mode<synchronous>, transform_indices = @transform_8, window_bounds = array<i64: 1, 384>}, {pipeline_mode = #tpu.pipeline_mode<synchronous>, transform_indices = @transform_9, window_bounds = array<i64: 1, 384>}, {pipeline_mode = #tpu.pipeline_mode<synchronous>, transform_indices = @transform_10, window_bounds = array<i64: 1, 384>}, {pipeline_mode = #tpu.pipeline_mode<synchronous>, transform_indices = @transform_11, window_bounds = array<i64: 384, 768>}, {pipeline_mode = #tpu.pipeline_mode<synchronous>, transform_indices = @transform_12, window_bounds = array<i64: 1, 768>}, {pipeline_mode = #tpu.pipeline_mode<synchronous>, transform_indices = @transform_13, window_bounds = array<i64: 768, 384>}, {pipeline_mode = #tpu.pipeline_mode<synchronous>, transform_indices = @transform_14, window_bounds = array<i64: 1, 384>}, {transform_indices = @transform_15, window_bounds = array<i64: 1, 387, 256>}]} {
    %get3A = arith.constant 0 : index
    %get3A_0 = arith.constant 0 : index
    %get3A_1 = vector.load %arg7[%get3A, %get3A_0] : memref<384x384xf32, #tpu.memory_space<vmem>>, vector<384x384xf32>
    %convert_element_type3A = arith.truncf %get3A_1 : vector<384x384xf32> to vector<384x384xbf16>
    %get3A_2 = arith.constant 0 : index
    %get3A_3 = arith.constant 0 : index
    %get3A_4 = vector.load %arg8[%get3A_2, %get3A_3] : memref<1x384xf32, #tpu.memory_space<vmem>>, vector<1x384xf32>
    %get3A_5 = vector.shape_cast %get3A_4 : vector<1x384xf32> to vector<384xf32>
    %get3A_6 = arith.constant 0 : index
    %get3A_7 = arith.constant 0 : index
    %get3A_8 = arith.constant 0 : index
    %get3A_9 = arith.constant 0 : index
    %get3A_10 = vector.load %arg2[%get3A_6, %get3A_7, %get3A_8, %get3A_9] : memref<6x1x256x64xbf16, #tpu.memory_space<vmem>>, vector<1x1x256x64xbf16>
    %get3A_11 = vector.shape_cast %get3A_10 : vector<1x1x256x64xbf16> to vector<256x64xbf16>
    %slice3A = vector.extract_strided_slice %convert_element_type3A {offsets = [0, 0], sizes = [64, 384], strides = [1, 1]} : vector<384x384xbf16> to vector<64x384xbf16>
    %dot_general3A = arith.constant dense<0.000000e+00> : vector<256x384xf32>
    %dot_general3A_12 = tpu.matmul %get3A_11, %slice3A, %dot_general3A {dimension_numbers = #tpu.dot_dimension_numbers<[1], [0], [0], [1], [0, 0, 1, 1], [], []>, transpose_lhs_hint = false} : vector<256x64xbf16>, vector<64x384xbf16>, vector<256x384xf32> -> vector<256x384xf32>
    %broadcast_in_dim3A = vector.shape_cast %get3A_5 : vector<384xf32> to vector<1x384xf32>
    %add3A = vector.broadcast %broadcast_in_dim3A : vector<1x384xf32> to vector<256x384xf32>
    %add3A_13 = arith.addf %add3A, %dot_general3A_12 : vector<256x384xf32>
    %get3A_14 = arith.constant 1 : index
    %get3A_15 = arith.constant 0 : index
    %get3A_16 = arith.constant 0 : index
    %get3A_17 = arith.constant 0 : index
    %get3A_18 = vector.load %arg2[%get3A_14, %get3A_15, %get3A_16, %get3A_17] : memref<6x1x256x64xbf16, #tpu.memory_space<vmem>>, vector<1x1x256x64xbf16>
    %get3A_19 = vector.shape_cast %get3A_18 : vector<1x1x256x64xbf16> to vector<256x64xbf16>
    %slice3A_20 = vector.extract_strided_slice %convert_element_type3A {offsets = [64, 0], sizes = [64, 384], strides = [1, 1]} : vector<384x384xbf16> to vector<64x384xbf16>
    %dot_general3A_21 = arith.constant dense<0.000000e+00> : vector<256x384xf32>
    %dot_general3A_22 = tpu.matmul %get3A_19, %slice3A_20, %dot_general3A_21 {dimension_numbers = #tpu.dot_dimension_numbers<[1], [0], [0], [1], [0, 0, 1, 1], [], []>, transpose_lhs_hint = false} : vector<256x64xbf16>, vector<64x384xbf16>, vector<256x384xf32> -> vector<256x384xf32>
    %add3A_23 = arith.addf %add3A_13, %dot_general3A_22 : vector<256x384xf32>
    %get3A_24 = arith.constant 2 : index
    %get3A_25 = arith.constant 0 : index
    %get3A_26 = arith.constant 0 : index
    %get3A_27 = arith.constant 0 : index
    %get3A_28 = vector.load %arg2[%get3A_24, %get3A_25, %get3A_26, %get3A_27] : memref<6x1x256x64xbf16, #tpu.memory_space<vmem>>, vector<1x1x256x64xbf16>
    %get3A_29 = vector.shape_cast %get3A_28 : vector<1x1x256x64xbf16> to vector<256x64xbf16>
    %slice3A_30 = vector.extract_strided_slice %convert_element_type3A {offsets = [128, 0], sizes = [64, 384], strides = [1, 1]} : vector<384x384xbf16> to vector<64x384xbf16>
    %dot_general3A_31 = arith.constant dense<0.000000e+00> : vector<256x384xf32>
    %dot_general3A_32 = tpu.matmul %get3A_29, %slice3A_30, %dot_general3A_31 {dimension_numbers = #tpu.dot_dimension_numbers<[1], [0], [0], [1], [0, 0, 1, 1], [], []>, transpose_lhs_hint = false} : vector<256x64xbf16>, vector<64x384xbf16>, vector<256x384xf32> -> vector<256x384xf32>
    %add3A_33 = arith.addf %add3A_23, %dot_general3A_32 : vector<256x384xf32>
    %get3A_34 = arith.constant 3 : index
    %get3A_35 = arith.constant 0 : index
    %get3A_36 = arith.constant 0 : index
    %get3A_37 = arith.constant 0 : index
    %get3A_38 = vector.load %arg2[%get3A_34, %get3A_35, %get3A_36, %get3A_37] : memref<6x1x256x64xbf16, #tpu.memory_space<vmem>>, vector<1x1x256x64xbf16>
    %get3A_39 = vector.shape_cast %get3A_38 : vector<1x1x256x64xbf16> to vector<256x64xbf16>
    %slice3A_40 = vector.extract_strided_slice %convert_element_type3A {offsets = [192, 0], sizes = [64, 384], strides = [1, 1]} : vector<384x384xbf16> to vector<64x384xbf16>
    %dot_general3A_41 = arith.constant dense<0.000000e+00> : vector<256x384xf32>
    %dot_general3A_42 = tpu.matmul %get3A_39, %slice3A_40, %dot_general3A_41 {dimension_numbers = #tpu.dot_dimension_numbers<[1], [0], [0], [1], [0, 0, 1, 1], [], []>, transpose_lhs_hint = false} : vector<256x64xbf16>, vector<64x384xbf16>, vector<256x384xf32> -> vector<256x384xf32>
    %add3A_43 = arith.addf %add3A_33, %dot_general3A_42 : vector<256x384xf32>
    %get3A_44 = arith.constant 4 : index
    %get3A_45 = arith.constant 0 : index
    %get3A_46 = arith.constant 0 : index
    %get3A_47 = arith.constant 0 : index
    %get3A_48 = vector.load %arg2[%get3A_44, %get3A_45, %get3A_46, %get3A_47] : memref<6x1x256x64xbf16, #tpu.memory_space<vmem>>, vector<1x1x256x64xbf16>
    %get3A_49 = vector.shape_cast %get3A_48 : vector<1x1x256x64xbf16> to vector<256x64xbf16>
    %slice3A_50 = vector.extract_strided_slice %convert_element_type3A {offsets = [256, 0], sizes = [64, 384], strides = [1, 1]} : vector<384x384xbf16> to vector<64x384xbf16>
    %dot_general3A_51 = arith.constant dense<0.000000e+00> : vector<256x384xf32>
    %dot_general3A_52 = tpu.matmul %get3A_49, %slice3A_50, %dot_general3A_51 {dimension_numbers = #tpu.dot_dimension_numbers<[1], [0], [0], [1], [0, 0, 1, 1], [], []>, transpose_lhs_hint = false} : vector<256x64xbf16>, vector<64x384xbf16>, vector<256x384xf32> -> vector<256x384xf32>
    %add3A_53 = arith.addf %add3A_43, %dot_general3A_52 : vector<256x384xf32>
    %get3A_54 = arith.constant 5 : index
    %get3A_55 = arith.constant 0 : index
    %get3A_56 = arith.constant 0 : index
    %get3A_57 = arith.constant 0 : index
    %get3A_58 = vector.load %arg2[%get3A_54, %get3A_55, %get3A_56, %get3A_57] : memref<6x1x256x64xbf16, #tpu.memory_space<vmem>>, vector<1x1x256x64xbf16>
    %get3A_59 = vector.shape_cast %get3A_58 : vector<1x1x256x64xbf16> to vector<256x64xbf16>
    %slice3A_60 = vector.extract_strided_slice %convert_element_type3A {offsets = [320, 0], sizes = [64, 384], strides = [1, 1]} : vector<384x384xbf16> to vector<64x384xbf16>
    %dot_general3A_61 = arith.constant dense<0.000000e+00> : vector<256x384xf32>
    %dot_general3A_62 = tpu.matmul %get3A_59, %slice3A_60, %dot_general3A_61 {dimension_numbers = #tpu.dot_dimension_numbers<[1], [0], [0], [1], [0, 0, 1, 1], [], []>, transpose_lhs_hint = false} : vector<256x64xbf16>, vector<64x384xbf16>, vector<256x384xf32> -> vector<256x384xf32>
    %add3A_63 = arith.addf %add3A_53, %dot_general3A_62 : vector<256x384xf32>
    %get3A_64 = arith.constant 0 : index
    %get3A_65 = arith.constant 0 : index
    %get3A_66 = arith.constant 0 : index
    %get3A_67 = vector.load %arg3[%get3A_64, %get3A_65, %get3A_66] : memref<8x256x256xi32, #tpu.memory_space<vmem>>, vector<8x256x256xi32>
    %get3A_68 = arith.constant 0 : index
    %get3A_69 = arith.constant 0 : index
    %get3A_70 = arith.constant 0 : index
    %get3A_71 = vector.load %arg4[%get3A_68, %get3A_69, %get3A_70] : memref<1x256x384xf32, #tpu.memory_space<vmem>>, vector<1x256x384xf32>
    %get3A_72 = vector.shape_cast %get3A_71 : vector<1x256x384xf32> to vector<256x384xf32>
    %convert_element_type3A_73 = arith.truncf %get3A_72 : vector<256x384xf32> to vector<256x384xbf16>
    %slice3A_74 = vector.extract_strided_slice %get3A_67 {offsets = [0, 0, 0], sizes = [1, 256, 256], strides = [1, 1, 1]} : vector<8x256x256xi32> to vector<1x256x256xi32>
    %squeeze3A = vector.shape_cast %slice3A_74 : vector<1x256x256xi32> to vector<256x256xi32>
    %slice3A_75 = vector.extract_strided_slice %squeeze3A {offsets = [0, 0], sizes = [256, 192], strides = [1, 1]} : vector<256x256xi32> to vector<256x192xi32>
    %bitcast_convert_type3A = tpu.bitcast %slice3A_75 : vector<256x192xi32> -> vector<256x192xi32>
    %and3A = arith.constant 65535 : i32
    %and3A_76 = vector.broadcast %and3A : i32 to vector<256x192xi32>
    %and3A_77 = arith.andi %bitcast_convert_type3A, %and3A_76 : vector<256x192xi32>
    %convert_element_type3A_78 = arith.trunci %and3A_77 : vector<256x192xi32> to vector<256x192xi16>
    %bitcast_convert_type3A_79 = tpu.bitcast %convert_element_type3A_78 : vector<256x192xi16> -> vector<256x192xbf16>
    %shift_right_logical3A = arith.constant 16 : i32
    %shift_right_logical3A_80 = vector.broadcast %shift_right_logical3A : i32 to vector<256x192xi32>
    %shift_right_logical3A_81 = arith.shrui %bitcast_convert_type3A, %shift_right_logical3A_80 : vector<256x192xi32>
    %convert_element_type3A_82 = arith.trunci %shift_right_logical3A_81 : vector<256x192xi32> to vector<256x192xi16>
    %bitcast_convert_type3A_83 = tpu.bitcast %convert_element_type3A_82 : vector<256x192xi16> -> vector<256x192xbf16>
    %concatenate3A = tpu.concatenate %bitcast_convert_type3A_79, %bitcast_convert_type3A_83 in 1 : vector<256x192xbf16>, vector<256x192xbf16> -> vector<256x384xbf16>
    %add3A_84 = arith.addf %concatenate3A, %convert_element_type3A_73 : vector<256x384xbf16>
    %ge3A = arith.constant 0.000000e+00 : bf16
    %ge3A_85 = vector.broadcast %ge3A : bf16 to vector<256x384xbf16>
    %ge3A_86 = arith.cmpf oge, %add3A_84, %ge3A_85 : vector<256x384xbf16>
    %mul3A = arith.constant 2.001950e-01 : bf16
    %mul3A_87 = vector.broadcast %mul3A : bf16 to vector<256x384xbf16>
    %mul3A_88 = arith.mulf %mul3A_87, %add3A_84 : vector<256x384xbf16>
    %select_n3A = arith.select %ge3A_86, %add3A_84, %mul3A_88 : vector<256x384xi1>, vector<256x384xbf16>
    %slice3A_89 = vector.extract_strided_slice %get3A_67 {offsets = [1, 0, 0], sizes = [1, 256, 256], strides = [1, 1, 1]} : vector<8x256x256xi32> to vector<1x256x256xi32>
    %squeeze3A_90 = vector.shape_cast %slice3A_89 : vector<1x256x256xi32> to vector<256x256xi32>
    %slice3A_91 = vector.extract_strided_slice %squeeze3A_90 {offsets = [0, 0], sizes = [256, 192], strides = [1, 1]} : vector<256x256xi32> to vector<256x192xi32>
    %bitcast_convert_type3A_92 = tpu.bitcast %slice3A_91 : vector<256x192xi32> -> vector<256x192xi32>
    %and3A_93 = arith.constant 65535 : i32
    %and3A_94 = vector.broadcast %and3A_93 : i32 to vector<256x192xi32>
    %and3A_95 = arith.andi %bitcast_convert_type3A_92, %and3A_94 : vector<256x192xi32>
    %convert_element_type3A_96 = arith.trunci %and3A_95 : vector<256x192xi32> to vector<256x192xi16>
    %bitcast_convert_type3A_97 = tpu.bitcast %convert_element_type3A_96 : vector<256x192xi16> -> vector<256x192xbf16>
    %shift_right_logical3A_98 = arith.constant 16 : i32
    %shift_right_logical3A_99 = vector.broadcast %shift_right_logical3A_98 : i32 to vector<256x192xi32>
    %shift_right_logical3A_100 = arith.shrui %bitcast_convert_type3A_92, %shift_right_logical3A_99 : vector<256x192xi32>
    %convert_element_type3A_101 = arith.trunci %shift_right_logical3A_100 : vector<256x192xi32> to vector<256x192xi16>
    %bitcast_convert_type3A_102 = tpu.bitcast %convert_element_type3A_101 : vector<256x192xi16> -> vector<256x192xbf16>
    %concatenate3A_103 = tpu.concatenate %bitcast_convert_type3A_97, %bitcast_convert_type3A_102 in 1 : vector<256x192xbf16>, vector<256x192xbf16> -> vector<256x384xbf16>
    %add3A_104 = arith.addf %concatenate3A_103, %convert_element_type3A_73 : vector<256x384xbf16>
    %ge3A_105 = arith.constant 0.000000e+00 : bf16
    %ge3A_106 = vector.broadcast %ge3A_105 : bf16 to vector<256x384xbf16>
    %ge3A_107 = arith.cmpf oge, %add3A_104, %ge3A_106 : vector<256x384xbf16>
    %mul3A_108 = arith.constant 2.001950e-01 : bf16
    %mul3A_109 = vector.broadcast %mul3A_108 : bf16 to vector<256x384xbf16>
    %mul3A_110 = arith.mulf %mul3A_109, %add3A_104 : vector<256x384xbf16>
    %select_n3A_111 = arith.select %ge3A_107, %add3A_104, %mul3A_110 : vector<256x384xi1>, vector<256x384xbf16>
    %max3A = arith.maximumf %select_n3A, %select_n3A_111 : vector<256x384xbf16>
    %slice3A_112 = vector.extract_strided_slice %get3A_67 {offsets = [2, 0, 0], sizes = [1, 256, 256], strides = [1, 1, 1]} : vector<8x256x256xi32> to vector<1x256x256xi32>
    %squeeze3A_113 = vector.shape_cast %slice3A_112 : vector<1x256x256xi32> to vector<256x256xi32>
    %slice3A_114 = vector.extract_strided_slice %squeeze3A_113 {offsets = [0, 0], sizes = [256, 192], strides = [1, 1]} : vector<256x256xi32> to vector<256x192xi32>
    %bitcast_convert_type3A_115 = tpu.bitcast %slice3A_114 : vector<256x192xi32> -> vector<256x192xi32>
    %and3A_116 = arith.constant 65535 : i32
    %and3A_117 = vector.broadcast %and3A_116 : i32 to vector<256x192xi32>
    %and3A_118 = arith.andi %bitcast_convert_type3A_115, %and3A_117 : vector<256x192xi32>
    %convert_element_type3A_119 = arith.trunci %and3A_118 : vector<256x192xi32> to vector<256x192xi16>
    %bitcast_convert_type3A_120 = tpu.bitcast %convert_element_type3A_119 : vector<256x192xi16> -> vector<256x192xbf16>
    %shift_right_logical3A_121 = arith.constant 16 : i32
    %shift_right_logical3A_122 = vector.broadcast %shift_right_logical3A_121 : i32 to vector<256x192xi32>
    %shift_right_logical3A_123 = arith.shrui %bitcast_convert_type3A_115, %shift_right_logical3A_122 : vector<256x192xi32>
    %convert_element_type3A_124 = arith.trunci %shift_right_logical3A_123 : vector<256x192xi32> to vector<256x192xi16>
    %bitcast_convert_type3A_125 = tpu.bitcast %convert_element_type3A_124 : vector<256x192xi16> -> vector<256x192xbf16>
    %concatenate3A_126 = tpu.concatenate %bitcast_convert_type3A_120, %bitcast_convert_type3A_125 in 1 : vector<256x192xbf16>, vector<256x192xbf16> -> vector<256x384xbf16>
    %add3A_127 = arith.addf %concatenate3A_126, %convert_element_type3A_73 : vector<256x384xbf16>
    %ge3A_128 = arith.constant 0.000000e+00 : bf16
    %ge3A_129 = vector.broadcast %ge3A_128 : bf16 to vector<256x384xbf16>
    %ge3A_130 = arith.cmpf oge, %add3A_127, %ge3A_129 : vector<256x384xbf16>
    %mul3A_131 = arith.constant 2.001950e-01 : bf16
    %mul3A_132 = vector.broadcast %mul3A_131 : bf16 to vector<256x384xbf16>
    %mul3A_133 = arith.mulf %mul3A_132, %add3A_127 : vector<256x384xbf16>
    %select_n3A_134 = arith.select %ge3A_130, %add3A_127, %mul3A_133 : vector<256x384xi1>, vector<256x384xbf16>
    %max3A_135 = arith.maximumf %max3A, %select_n3A_134 : vector<256x384xbf16>
    %slice3A_136 = vector.extract_strided_slice %get3A_67 {offsets = [3, 0, 0], sizes = [1, 256, 256], strides = [1, 1, 1]} : vector<8x256x256xi32> to vector<1x256x256xi32>
    %squeeze3A_137 = vector.shape_cast %slice3A_136 : vector<1x256x256xi32> to vector<256x256xi32>
    %slice3A_138 = vector.extract_strided_slice %squeeze3A_137 {offsets = [0, 0], sizes = [256, 192], strides = [1, 1]} : vector<256x256xi32> to vector<256x192xi32>
    %bitcast_convert_type3A_139 = tpu.bitcast %slice3A_138 : vector<256x192xi32> -> vector<256x192xi32>
    %and3A_140 = arith.constant 65535 : i32
    %and3A_141 = vector.broadcast %and3A_140 : i32 to vector<256x192xi32>
    %and3A_142 = arith.andi %bitcast_convert_type3A_139, %and3A_141 : vector<256x192xi32>
    %convert_element_type3A_143 = arith.trunci %and3A_142 : vector<256x192xi32> to vector<256x192xi16>
    %bitcast_convert_type3A_144 = tpu.bitcast %convert_element_type3A_143 : vector<256x192xi16> -> vector<256x192xbf16>
    %shift_right_logical3A_145 = arith.constant 16 : i32
    %shift_right_logical3A_146 = vector.broadcast %shift_right_logical3A_145 : i32 to vector<256x192xi32>
    %shift_right_logical3A_147 = arith.shrui %bitcast_convert_type3A_139, %shift_right_logical3A_146 : vector<256x192xi32>
    %convert_element_type3A_148 = arith.trunci %shift_right_logical3A_147 : vector<256x192xi32> to vector<256x192xi16>
    %bitcast_convert_type3A_149 = tpu.bitcast %convert_element_type3A_148 : vector<256x192xi16> -> vector<256x192xbf16>
    %concatenate3A_150 = tpu.concatenate %bitcast_convert_type3A_144, %bitcast_convert_type3A_149 in 1 : vector<256x192xbf16>, vector<256x192xbf16> -> vector<256x384xbf16>
    %add3A_151 = arith.addf %concatenate3A_150, %convert_element_type3A_73 : vector<256x384xbf16>
    %ge3A_152 = arith.constant 0.000000e+00 : bf16
    %ge3A_153 = vector.broadcast %ge3A_152 : bf16 to vector<256x384xbf16>
    %ge3A_154 = arith.cmpf oge, %add3A_151, %ge3A_153 : vector<256x384xbf16>
    %mul3A_155 = arith.constant 2.001950e-01 : bf16
    %mul3A_156 = vector.broadcast %mul3A_155 : bf16 to vector<256x384xbf16>
    %mul3A_157 = arith.mulf %mul3A_156, %add3A_151 : vector<256x384xbf16>
    %select_n3A_158 = arith.select %ge3A_154, %add3A_151, %mul3A_157 : vector<256x384xi1>, vector<256x384xbf16>
    %max3A_159 = arith.maximumf %max3A_135, %select_n3A_158 : vector<256x384xbf16>
    %slice3A_160 = vector.extract_strided_slice %get3A_67 {offsets = [4, 0, 0], sizes = [1, 256, 256], strides = [1, 1, 1]} : vector<8x256x256xi32> to vector<1x256x256xi32>
    %squeeze3A_161 = vector.shape_cast %slice3A_160 : vector<1x256x256xi32> to vector<256x256xi32>
    %slice3A_162 = vector.extract_strided_slice %squeeze3A_161 {offsets = [0, 0], sizes = [256, 192], strides = [1, 1]} : vector<256x256xi32> to vector<256x192xi32>
    %bitcast_convert_type3A_163 = tpu.bitcast %slice3A_162 : vector<256x192xi32> -> vector<256x192xi32>
    %and3A_164 = arith.constant 65535 : i32
    %and3A_165 = vector.broadcast %and3A_164 : i32 to vector<256x192xi32>
    %and3A_166 = arith.andi %bitcast_convert_type3A_163, %and3A_165 : vector<256x192xi32>
    %convert_element_type3A_167 = arith.trunci %and3A_166 : vector<256x192xi32> to vector<256x192xi16>
    %bitcast_convert_type3A_168 = tpu.bitcast %convert_element_type3A_167 : vector<256x192xi16> -> vector<256x192xbf16>
    %shift_right_logical3A_169 = arith.constant 16 : i32
    %shift_right_logical3A_170 = vector.broadcast %shift_right_logical3A_169 : i32 to vector<256x192xi32>
    %shift_right_logical3A_171 = arith.shrui %bitcast_convert_type3A_163, %shift_right_logical3A_170 : vector<256x192xi32>
    %convert_element_type3A_172 = arith.trunci %shift_right_logical3A_171 : vector<256x192xi32> to vector<256x192xi16>
    %bitcast_convert_type3A_173 = tpu.bitcast %convert_element_type3A_172 : vector<256x192xi16> -> vector<256x192xbf16>
    %concatenate3A_174 = tpu.concatenate %bitcast_convert_type3A_168, %bitcast_convert_type3A_173 in 1 : vector<256x192xbf16>, vector<256x192xbf16> -> vector<256x384xbf16>
    %add3A_175 = arith.addf %concatenate3A_174, %convert_element_type3A_73 : vector<256x384xbf16>
    %ge3A_176 = arith.constant 0.000000e+00 : bf16
    %ge3A_177 = vector.broadcast %ge3A_176 : bf16 to vector<256x384xbf16>
    %ge3A_178 = arith.cmpf oge, %add3A_175, %ge3A_177 : vector<256x384xbf16>
    %mul3A_179 = arith.constant 2.001950e-01 : bf16
    %mul3A_180 = vector.broadcast %mul3A_179 : bf16 to vector<256x384xbf16>
    %mul3A_181 = arith.mulf %mul3A_180, %add3A_175 : vector<256x384xbf16>
    %select_n3A_182 = arith.select %ge3A_178, %add3A_175, %mul3A_181 : vector<256x384xi1>, vector<256x384xbf16>
    %max3A_183 = arith.maximumf %max3A_159, %select_n3A_182 : vector<256x384xbf16>
    %slice3A_184 = vector.extract_strided_slice %get3A_67 {offsets = [5, 0, 0], sizes = [1, 256, 256], strides = [1, 1, 1]} : vector<8x256x256xi32> to vector<1x256x256xi32>
    %squeeze3A_185 = vector.shape_cast %slice3A_184 : vector<1x256x256xi32> to vector<256x256xi32>
    %slice3A_186 = vector.extract_strided_slice %squeeze3A_185 {offsets = [0, 0], sizes = [256, 192], strides = [1, 1]} : vector<256x256xi32> to vector<256x192xi32>
    %bitcast_convert_type3A_187 = tpu.bitcast %slice3A_186 : vector<256x192xi32> -> vector<256x192xi32>
    %and3A_188 = arith.constant 65535 : i32
    %and3A_189 = vector.broadcast %and3A_188 : i32 to vector<256x192xi32>
    %and3A_190 = arith.andi %bitcast_convert_type3A_187, %and3A_189 : vector<256x192xi32>
    %convert_element_type3A_191 = arith.trunci %and3A_190 : vector<256x192xi32> to vector<256x192xi16>
    %bitcast_convert_type3A_192 = tpu.bitcast %convert_element_type3A_191 : vector<256x192xi16> -> vector<256x192xbf16>
    %shift_right_logical3A_193 = arith.constant 16 : i32
    %shift_right_logical3A_194 = vector.broadcast %shift_right_logical3A_193 : i32 to vector<256x192xi32>
    %shift_right_logical3A_195 = arith.shrui %bitcast_convert_type3A_187, %shift_right_logical3A_194 : vector<256x192xi32>
    %convert_element_type3A_196 = arith.trunci %shift_right_logical3A_195 : vector<256x192xi32> to vector<256x192xi16>
    %bitcast_convert_type3A_197 = tpu.bitcast %convert_element_type3A_196 : vector<256x192xi16> -> vector<256x192xbf16>
    %concatenate3A_198 = tpu.concatenate %bitcast_convert_type3A_192, %bitcast_convert_type3A_197 in 1 : vector<256x192xbf16>, vector<256x192xbf16> -> vector<256x384xbf16>
    %add3A_199 = arith.addf %concatenate3A_198, %convert_element_type3A_73 : vector<256x384xbf16>
    %ge3A_200 = arith.constant 0.000000e+00 : bf16
    %ge3A_201 = vector.broadcast %ge3A_200 : bf16 to vector<256x384xbf16>
    %ge3A_202 = arith.cmpf oge, %add3A_199, %ge3A_201 : vector<256x384xbf16>
    %mul3A_203 = arith.constant 2.001950e-01 : bf16
    %mul3A_204 = vector.broadcast %mul3A_203 : bf16 to vector<256x384xbf16>
    %mul3A_205 = arith.mulf %mul3A_204, %add3A_199 : vector<256x384xbf16>
    %select_n3A_206 = arith.select %ge3A_202, %add3A_199, %mul3A_205 : vector<256x384xi1>, vector<256x384xbf16>
    %max3A_207 = arith.maximumf %max3A_183, %select_n3A_206 : vector<256x384xbf16>
    %slice3A_208 = vector.extract_strided_slice %get3A_67 {offsets = [6, 0, 0], sizes = [1, 256, 256], strides = [1, 1, 1]} : vector<8x256x256xi32> to vector<1x256x256xi32>
    %squeeze3A_209 = vector.shape_cast %slice3A_208 : vector<1x256x256xi32> to vector<256x256xi32>
    %slice3A_210 = vector.extract_strided_slice %squeeze3A_209 {offsets = [0, 0], sizes = [256, 192], strides = [1, 1]} : vector<256x256xi32> to vector<256x192xi32>
    %bitcast_convert_type3A_211 = tpu.bitcast %slice3A_210 : vector<256x192xi32> -> vector<256x192xi32>
    %and3A_212 = arith.constant 65535 : i32
    %and3A_213 = vector.broadcast %and3A_212 : i32 to vector<256x192xi32>
    %and3A_214 = arith.andi %bitcast_convert_type3A_211, %and3A_213 : vector<256x192xi32>
    %convert_element_type3A_215 = arith.trunci %and3A_214 : vector<256x192xi32> to vector<256x192xi16>
    %bitcast_convert_type3A_216 = tpu.bitcast %convert_element_type3A_215 : vector<256x192xi16> -> vector<256x192xbf16>
    %shift_right_logical3A_217 = arith.constant 16 : i32
    %shift_right_logical3A_218 = vector.broadcast %shift_right_logical3A_217 : i32 to vector<256x192xi32>
    %shift_right_logical3A_219 = arith.shrui %bitcast_convert_type3A_211, %shift_right_logical3A_218 : vector<256x192xi32>
    %convert_element_type3A_220 = arith.trunci %shift_right_logical3A_219 : vector<256x192xi32> to vector<256x192xi16>
    %bitcast_convert_type3A_221 = tpu.bitcast %convert_element_type3A_220 : vector<256x192xi16> -> vector<256x192xbf16>
    %concatenate3A_222 = tpu.concatenate %bitcast_convert_type3A_216, %bitcast_convert_type3A_221 in 1 : vector<256x192xbf16>, vector<256x192xbf16> -> vector<256x384xbf16>
    %add3A_223 = arith.addf %concatenate3A_222, %convert_element_type3A_73 : vector<256x384xbf16>
    %ge3A_224 = arith.constant 0.000000e+00 : bf16
    %ge3A_225 = vector.broadcast %ge3A_224 : bf16 to vector<256x384xbf16>
    %ge3A_226 = arith.cmpf oge, %add3A_223, %ge3A_225 : vector<256x384xbf16>
    %mul3A_227 = arith.constant 2.001950e-01 : bf16
    %mul3A_228 = vector.broadcast %mul3A_227 : bf16 to vector<256x384xbf16>
    %mul3A_229 = arith.mulf %mul3A_228, %add3A_223 : vector<256x384xbf16>
    %select_n3A_230 = arith.select %ge3A_226, %add3A_223, %mul3A_229 : vector<256x384xi1>, vector<256x384xbf16>
    %max3A_231 = arith.maximumf %max3A_207, %select_n3A_230 : vector<256x384xbf16>
    %slice3A_232 = vector.extract_strided_slice %get3A_67 {offsets = [7, 0, 0], sizes = [1, 256, 256], strides = [1, 1, 1]} : vector<8x256x256xi32> to vector<1x256x256xi32>
    %squeeze3A_233 = vector.shape_cast %slice3A_232 : vector<1x256x256xi32> to vector<256x256xi32>
    %slice3A_234 = vector.extract_strided_slice %squeeze3A_233 {offsets = [0, 0], sizes = [256, 192], strides = [1, 1]} : vector<256x256xi32> to vector<256x192xi32>
    %bitcast_convert_type3A_235 = tpu.bitcast %slice3A_234 : vector<256x192xi32> -> vector<256x192xi32>
    %and3A_236 = arith.constant 65535 : i32
    %and3A_237 = vector.broadcast %and3A_236 : i32 to vector<256x192xi32>
    %and3A_238 = arith.andi %bitcast_convert_type3A_235, %and3A_237 : vector<256x192xi32>
    %convert_element_type3A_239 = arith.trunci %and3A_238 : vector<256x192xi32> to vector<256x192xi16>
    %bitcast_convert_type3A_240 = tpu.bitcast %convert_element_type3A_239 : vector<256x192xi16> -> vector<256x192xbf16>
    %shift_right_logical3A_241 = arith.constant 16 : i32
    %shift_right_logical3A_242 = vector.broadcast %shift_right_logical3A_241 : i32 to vector<256x192xi32>
    %shift_right_logical3A_243 = arith.shrui %bitcast_convert_type3A_235, %shift_right_logical3A_242 : vector<256x192xi32>
    %convert_element_type3A_244 = arith.trunci %shift_right_logical3A_243 : vector<256x192xi32> to vector<256x192xi16>
    %bitcast_convert_type3A_245 = tpu.bitcast %convert_element_type3A_244 : vector<256x192xi16> -> vector<256x192xbf16>
    %concatenate3A_246 = tpu.concatenate %bitcast_convert_type3A_240, %bitcast_convert_type3A_245 in 1 : vector<256x192xbf16>, vector<256x192xbf16> -> vector<256x384xbf16>
    %add3A_247 = arith.addf %concatenate3A_246, %convert_element_type3A_73 : vector<256x384xbf16>
    %ge3A_248 = arith.constant 0.000000e+00 : bf16
    %ge3A_249 = vector.broadcast %ge3A_248 : bf16 to vector<256x384xbf16>
    %ge3A_250 = arith.cmpf oge, %add3A_247, %ge3A_249 : vector<256x384xbf16>
    %mul3A_251 = arith.constant 2.001950e-01 : bf16
    %mul3A_252 = vector.broadcast %mul3A_251 : bf16 to vector<256x384xbf16>
    %mul3A_253 = arith.mulf %mul3A_252, %add3A_247 : vector<256x384xbf16>
    %select_n3A_254 = arith.select %ge3A_250, %add3A_247, %mul3A_253 : vector<256x384xi1>, vector<256x384xbf16>
    %max3A_255 = arith.maximumf %max3A_231, %select_n3A_254 : vector<256x384xbf16>
    %get3A_256 = arith.constant 0 : index
    %get3A_257 = arith.constant 0 : index
    %get3A_258 = vector.load %arg9[%get3A_256, %get3A_257] : memref<768x384xf32, #tpu.memory_space<vmem>>, vector<768x384xf32>
    %convert_element_type3A_259 = arith.truncf %get3A_258 : vector<768x384xf32> to vector<768x384xbf16>
    %convert_element_type3A_260 = arith.truncf %add3A_63 : vector<256x384xf32> to vector<256x384xbf16>
    %slice3A_261 = vector.extract_strided_slice %convert_element_type3A_259 {offsets = [0, 0], sizes = [384, 384], strides = [1, 1]} : vector<768x384xbf16> to vector<384x384xbf16>
    %dot_general3A_262 = arith.constant dense<0.000000e+00> : vector<256x384xf32>
    %dot_general3A_263 = tpu.matmul %convert_element_type3A_260, %slice3A_261, %dot_general3A_262 {dimension_numbers = #tpu.dot_dimension_numbers<[1], [0], [0], [1], [0, 0, 1, 1], [], []>, transpose_lhs_hint = false} : vector<256x384xbf16>, vector<384x384xbf16>, vector<256x384xf32> -> vector<256x384xf32>
    %slice3A_264 = vector.extract_strided_slice %convert_element_type3A_259 {offsets = [384, 0], sizes = [384, 384], strides = [1, 1]} : vector<768x384xbf16> to vector<384x384xbf16>
    %dot_general3A_265 = arith.constant dense<0.000000e+00> : vector<256x384xf32>
    %dot_general3A_266 = tpu.matmul %max3A_255, %slice3A_264, %dot_general3A_265 {dimension_numbers = #tpu.dot_dimension_numbers<[1], [0], [0], [1], [0, 0, 1, 1], [], []>, transpose_lhs_hint = false} : vector<256x384xbf16>, vector<384x384xbf16>, vector<256x384xf32> -> vector<256x384xf32>
    %add3A_267 = arith.addf %dot_general3A_263, %dot_general3A_266 : vector<256x384xf32>
    %get3A_268 = arith.constant 0 : index
    %get3A_269 = arith.constant 0 : index
    %get3A_270 = vector.load %arg10[%get3A_268, %get3A_269] : memref<1x384xf32, #tpu.memory_space<vmem>>, vector<1x384xf32>
    %get3A_271 = vector.shape_cast %get3A_270 : vector<1x384xf32> to vector<384xf32>
    %broadcast_in_dim3A_272 = vector.shape_cast %get3A_271 : vector<384xf32> to vector<1x384xf32>
    %add3A_273 = vector.broadcast %broadcast_in_dim3A_272 : vector<1x384xf32> to vector<256x384xf32>
    %add3A_274 = arith.addf %add3A_267, %add3A_273 : vector<256x384xf32>
    %get3A_275 = arith.constant 0 : index
    %get3A_276 = arith.constant 0 : index
    %get3A_277 = arith.constant 0 : index
    %get3A_278 = vector.load %arg5[%get3A_275, %get3A_276, %get3A_277] : memref<1x256x384xf32, #tpu.memory_space<vmem>>, vector<1x256x384xf32>
    %get3A_279 = vector.shape_cast %get3A_278 : vector<1x256x384xf32> to vector<256x384xf32>
    %add3A_280 = arith.addf %get3A_279, %add3A_274 : vector<256x384xf32>
    %get3A_281 = arith.constant 0 : index
    %get3A_282 = arith.constant 0 : index
    %get3A_283 = vector.load %arg11[%get3A_281, %get3A_282] : memref<1x384xf32, #tpu.memory_space<vmem>>, vector<1x384xf32>
    %get3A_284 = vector.shape_cast %get3A_283 : vector<1x384xf32> to vector<384xf32>
    %get3A_285 = arith.constant 0 : index
    %get3A_286 = arith.constant 0 : index
    %get3A_287 = vector.load %arg12[%get3A_285, %get3A_286] : memref<1x384xf32, #tpu.memory_space<vmem>>, vector<1x384xf32>
    %get3A_288 = vector.shape_cast %get3A_287 : vector<1x384xf32> to vector<384xf32>
    %reduce_sum3A = arith.constant dense<0.000000e+00> : vector<256xf32>
    %reduce_sum3A_289 = vector.multi_reduction <add>, %add3A_280, %reduce_sum3A [1] : vector<256x384xf32> to vector<256xf32>
    %broadcast_in_dim3A_290 = vector.shape_cast %reduce_sum3A_289 : vector<256xf32> to vector<256x1xf32>
    %div3A = arith.constant 3.840000e+02 : f32
    %div3A_291 = vector.broadcast %div3A : f32 to vector<256x1xf32>
    %div3A_292 = arith.divf %broadcast_in_dim3A_290, %div3A_291 : vector<256x1xf32>
    %sub3A = vector.broadcast %div3A_292 : vector<256x1xf32> to vector<256x384xf32>
    %sub3A_293 = arith.subf %add3A_280, %sub3A : vector<256x384xf32>
    %mul3A_294 = arith.mulf %sub3A_293, %sub3A_293 : vector<256x384xf32>
    %reduce_sum3A_295 = arith.constant dense<0.000000e+00> : vector<256xf32>
    %reduce_sum3A_296 = vector.multi_reduction <add>, %mul3A_294, %reduce_sum3A_295 [1] : vector<256x384xf32> to vector<256xf32>
    %broadcast_in_dim3A_297 = vector.shape_cast %reduce_sum3A_296 : vector<256xf32> to vector<256x1xf32>
    %div3A_298 = arith.constant 3.840000e+02 : f32
    %div3A_299 = vector.broadcast %div3A_298 : f32 to vector<256x1xf32>
    %div3A_300 = arith.divf %broadcast_in_dim3A_297, %div3A_299 : vector<256x1xf32>
    %add3A_301 = arith.constant 9.99999974E-6 : f32
    %add3A_302 = vector.broadcast %add3A_301 : f32 to vector<256x1xf32>
    %add3A_303 = arith.addf %div3A_300, %add3A_302 : vector<256x1xf32>
    %rsqrt3A = math.rsqrt %add3A_303 : vector<256x1xf32>
    %mul3A_304 = vector.broadcast %rsqrt3A : vector<256x1xf32> to vector<256x384xf32>
    %mul3A_305 = arith.mulf %sub3A_293, %mul3A_304 : vector<256x384xf32>
    %broadcast_in_dim3A_306 = vector.shape_cast %get3A_284 : vector<384xf32> to vector<1x384xf32>
    %mul3A_307 = vector.broadcast %broadcast_in_dim3A_306 : vector<1x384xf32> to vector<256x384xf32>
    %mul3A_308 = arith.mulf %mul3A_305, %mul3A_307 : vector<256x384xf32>
    %broadcast_in_dim3A_309 = vector.shape_cast %get3A_288 : vector<384xf32> to vector<1x384xf32>
    %add3A_310 = vector.broadcast %broadcast_in_dim3A_309 : vector<1x384xf32> to vector<256x384xf32>
    %add3A_311 = arith.addf %mul3A_308, %add3A_310 : vector<256x384xf32>
    %convert_element_type3A_312 = arith.truncf %add3A_311 : vector<256x384xf32> to vector<256x384xbf16>
    %get3A_313 = arith.constant 0 : index
    %get3A_314 = arith.constant 0 : index
    %get3A_315 = vector.load %arg13[%get3A_313, %get3A_314] : memref<384x768xf32, #tpu.memory_space<vmem>>, vector<384x768xf32>
    %convert_element_type3A_316 = arith.truncf %get3A_315 : vector<384x768xf32> to vector<384x768xbf16>
    %dot_general3A_317 = arith.constant dense<0.000000e+00> : vector<256x768xf32>
    %dot_general3A_318 = tpu.matmul %convert_element_type3A_312, %convert_element_type3A_316, %dot_general3A_317 {dimension_numbers = #tpu.dot_dimension_numbers<[1], [0], [0], [1], [0, 0, 1, 1], [], []>, transpose_lhs_hint = false} : vector<256x384xbf16>, vector<384x768xbf16>, vector<256x768xf32> -> vector<256x768xf32>
    %get3A_319 = arith.constant 0 : index
    %get3A_320 = arith.constant 0 : index
    %get3A_321 = vector.load %arg14[%get3A_319, %get3A_320] : memref<1x768xf32, #tpu.memory_space<vmem>>, vector<1x768xf32>
    %get3A_322 = vector.shape_cast %get3A_321 : vector<1x768xf32> to vector<768xf32>
    %broadcast_in_dim3A_323 = vector.shape_cast %get3A_322 : vector<768xf32> to vector<1x768xf32>
    %add3A_324 = vector.broadcast %broadcast_in_dim3A_323 : vector<1x768xf32> to vector<256x768xf32>
    %add3A_325 = arith.addf %dot_general3A_318, %add3A_324 : vector<256x768xf32>
    %max3A_326 = arith.constant 0.000000e+00 : f32
    %max3A_327 = vector.broadcast %max3A_326 : f32 to vector<256x768xf32>
    %max3A_328 = arith.maximumf %add3A_325, %max3A_327 : vector<256x768xf32>
    %convert_element_type3A_329 = arith.truncf %max3A_328 : vector<256x768xf32> to vector<256x768xbf16>
    %get3A_330 = arith.constant 0 : index
    %get3A_331 = arith.constant 0 : index
    %get3A_332 = vector.load %arg15[%get3A_330, %get3A_331] : memref<768x384xf32, #tpu.memory_space<vmem>>, vector<768x384xf32>
    %convert_element_type3A_333 = arith.truncf %get3A_332 : vector<768x384xf32> to vector<768x384xbf16>
    %dot_general3A_334 = arith.constant dense<0.000000e+00> : vector<256x384xf32>
    %dot_general3A_335 = tpu.matmul %convert_element_type3A_329, %convert_element_type3A_333, %dot_general3A_334 {dimension_numbers = #tpu.dot_dimension_numbers<[1], [0], [0], [1], [0, 0, 1, 1], [], []>, transpose_lhs_hint = false} : vector<256x768xbf16>, vector<768x384xbf16>, vector<256x384xf32> -> vector<256x384xf32>
    %get3A_336 = arith.constant 0 : index
    %get3A_337 = arith.constant 0 : index
    %get3A_338 = vector.load %arg16[%get3A_336, %get3A_337] : memref<1x384xf32, #tpu.memory_space<vmem>>, vector<1x384xf32>
    %get3A_339 = vector.shape_cast %get3A_338 : vector<1x384xf32> to vector<384xf32>
    %broadcast_in_dim3A_340 = vector.shape_cast %get3A_339 : vector<384xf32> to vector<1x384xf32>
    %add3A_341 = vector.broadcast %broadcast_in_dim3A_340 : vector<1x384xf32> to vector<256x384xf32>
    %add3A_342 = arith.addf %dot_general3A_335, %add3A_341 : vector<256x384xf32>
    %add3A_343 = arith.addf %add3A_280, %add3A_342 : vector<256x384xf32>
    %get3A_344 = arith.constant 0 : index
    %get3A_345 = arith.constant 0 : index
    %get3A_346 = arith.constant 0 : index
    %get3A_347 = vector.load %arg6[%get3A_344, %get3A_345, %get3A_346] : memref<1x3x256xf32, #tpu.memory_space<vmem>>, vector<1x3x256xf32>
    %get3A_348 = vector.shape_cast %get3A_347 : vector<1x3x256xf32> to vector<3x256xf32>
    %transpose3A = tpu.transpose %add3A_343, [1, 0] : vector<256x384xf32> -> vector<384x256xf32>
    %concatenate3A_349 = tpu.concatenate %get3A_348, %transpose3A in 0 : vector<3x256xf32>, vector<384x256xf32> -> vector<387x256xf32>
    %swap3A = arith.constant 0 : index
    %swap3A_350 = arith.constant 0 : index
    %swap3A_351 = arith.constant 0 : index
    %swap3A_352 = vector.load %arg17[%swap3A, %swap3A_350, %swap3A_351] : memref<1x387x256xf32, #tpu.memory_space<vmem>>, vector<1x387x256xf32>
    %swap3A_353 = vector.shape_cast %swap3A_352 : vector<1x387x256xf32> to vector<387x256xf32>
    %swap3A_354 = vector.shape_cast %concatenate3A_349 : vector<387x256xf32> to vector<1x387x256xf32>
    tpu.vector_store %arg17[%swap3A, %swap3A_350, %swap3A_351], %swap3A_354 {strides = array<i32>} : memref<1x387x256xf32, #tpu.memory_space<vmem>>, vector<1x387x256xf32>,
    return
  }
  func.func @transform_0(%arg0: i32, %arg1: i32) -> (i32, i32, i32, i32) {
    %c0_i32 = arith.constant 0 : i32
    %c0_i32_0 = arith.constant 0 : i32
    %c0_i32_1 = arith.constant 0 : i32
    return %c0_i32, %arg0, %arg1, %c0_i32_0 : i32, i32, i32, i32
  }
  func.func @transform_1(%arg0: i32, %arg1: i32) -> (i32, i32, i32) {
    %mul3A = arith.constant 8 : i32
    %mul3A_0 = arith.muli %arg0, %mul3A : i32
    %add3A = arith.addi %mul3A_0, %arg1 : i32
    %c0_i32 = arith.constant 0 : i32
    %c0_i32_1 = arith.constant 0 : i32
    %c0_i32_2 = arith.constant 0 : i32
    return %c0_i32, %add3A, %c0_i32_1 : i32, i32, i32
  }
  func.func @transform_2(%arg0: i32, %arg1: i32) -> (i32, i32, i32) {
    %c0_i32 = arith.constant 0 : i32
    %c0_i32_0 = arith.constant 0 : i32
    return %arg0, %arg1, %c0_i32 : i32, i32, i32
  }
  func.func @transform_3(%arg0: i32, %arg1: i32) -> (i32, i32, i32) {
    %c0_i32 = arith.constant 0 : i32
    %c0_i32_0 = arith.constant 0 : i32
    return %arg0, %arg1, %c0_i32 : i32, i32, i32
  }
  func.func @transform_4(%arg0: i32, %arg1: i32) -> (i32, i32, i32) {
    %c0_i32 = arith.constant 0 : i32
    %c0_i32_0 = arith.constant 0 : i32
    return %arg0, %c0_i32, %arg1 : i32, i32, i32
  }
  func.func @transform_5(%arg0: i32, %arg1: i32) -> (i32, i32) {
    %c0_i32 = arith.constant 0 : i32
    %c0_i32_0 = arith.constant 0 : i32
    %c0_i32_1 = arith.constant 0 : i32
    return %c0_i32, %c0_i32_0 : i32, i32
  }
  func.func @transform_6(%arg0: i32, %arg1: i32) -> (i32, i32) {
    %c0_i32 = arith.constant 0 : i32
    %c0_i32_0 = arith.constant 0 : i32
    %c0_i32_1 = arith.constant 0 : i32
    return %c0_i32, %c0_i32_0 : i32, i32
  }
  func.func @transform_7(%arg0: i32, %arg1: i32) -> (i32, i32) {
    %c0_i32 = arith.constant 0 : i32
    %c0_i32_0 = arith.constant 0 : i32
    %c0_i32_1 = arith.constant 0 : i32
    return %c0_i32, %c0_i32_0 : i32, i32
  }
  func.func @transform_8(%arg0: i32, %arg1: i32) -> (i32, i32) {
    %c0_i32 = arith.constant 0 : i32
    %c0_i32_0 = arith.constant 0 : i32
    %c0_i32_1 = arith.constant 0 : i32
    return %c0_i32, %c0_i32_0 : i32, i32
  }
  func.func @transform_9(%arg0: i32, %arg1: i32) -> (i32, i32) {
    %c0_i32 = arith.constant 0 : i32
    %c0_i32_0 = arith.constant 0 : i32
    %c0_i32_1 = arith.constant 0 : i32
    return %c0_i32, %c0_i32_0 : i32, i32
  }
  func.func @transform_10(%arg0: i32, %arg1: i32) -> (i32, i32) {
    %c0_i32 = arith.constant 0 : i32
    %c0_i32_0 = arith.constant 0 : i32
    %c0_i32_1 = arith.constant 0 : i32
    return %c0_i32, %c0_i32_0 : i32, i32
  }
  func.func @transform_11(%arg0: i32, %arg1: i32) -> (i32, i32) {
    %c0_i32 = arith.constant 0 : i32
    %c0_i32_0 = arith.constant 0 : i32
    %c0_i32_1 = arith.constant 0 : i32
    return %c0_i32, %c0_i32_0 : i32, i32
  }
  func.func @transform_12(%arg0: i32, %arg1: i32) -> (i32, i32) {
    %c0_i32 = arith.constant 0 : i32
    %c0_i32_0 = arith.constant 0 : i32
    %c0_i32_1 = arith.constant 0 : i32
    return %c0_i32, %c0_i32_0 : i32, i32
  }
  func.func @transform_13(%arg0: i32, %arg1: i32) -> (i32, i32) {
    %c0_i32 = arith.constant 0 : i32
    %c0_i32_0 = arith.constant 0 : i32
    %c0_i32_1 = arith.constant 0 : i32
    return %c0_i32, %c0_i32_0 : i32, i32
  }
  func.func @transform_14(%arg0: i32, %arg1: i32) -> (i32, i32) {
    %c0_i32 = arith.constant 0 : i32
    %c0_i32_0 = arith.constant 0 : i32
    %c0_i32_1 = arith.constant 0 : i32
    return %c0_i32, %c0_i32_0 : i32, i32
  }
  func.func @transform_15(%arg0: i32, %arg1: i32) -> (i32, i32, i32) {
    %c0_i32 = arith.constant 0 : i32
    %c0_i32_0 = arith.constant 0 : i32
    return %arg0, %c0_i32, %arg1 : i32, i32, i32
  }
}

</mosaic_0001>

<sc_bundles>
// kernel: kernel.8.cloned.1.call-start
scs
__scs_entry_jumppad:
0x0: {  	(pc) =	sbr.rel $0x88, $3  }
0x1: {  	(tag) =	ssettag $0x0;
	lr =	simm.s32 $0x1  }
0x2: {  	[smem:$0x3F85] =	sst lr;
	_ =	strace $0xD0000000  }
0x3: {  	_ = 	snop  }
0x4: {  	_ = 	snop  }
0x5: {  	_ = 	snop  }
0x6: {  	_ = 	snop  }
0x7: {  	_ = 	snop  }
__scs_overlays_trampoline_lowered:
0x8: {  	[smem:$0x3F94] =	sst s0  }
0x9: {  	[smem:$0x3F95] =	sst s1  }
0xa: {  	[smem:$0x3F96] =	sst s2  }
0xb: {  	[smem:$0x3F97] =	sst s3  }
0xc: {  	[smem:$0x3F98] =	sst s4  }
0xd: {  	[smem:$0x3F99] =	sst s5  }
0xe: {  	[smem:$0x3F9A] =	sst s6  }
0xf: {  	[smem:$0x3F9B] =	sst s7  }
0x10: {  	[smem:$0x3F9C] =	sst s8  }
0x11: {  	[smem:$0x3F9D] =	sst s9;
	s0 =	simm.s32 @!p0 $0x0  }
0x12: {  	s1 =	sld [smem:$0x3F83];
	s0 =	simm.s32 @p0 $0x1  }
0x13: {  	[smem:$0x3F9E] =	sst s0;
	s0 =	simm.s32 @!p1 $0x0  }
0x14: {  	s2 =	sld [smem:$0x3F82];
	s0 =	simm.s32 @p1 $0x1  }
0x15: {  	[smem:$0x3F9F] =	sst s0;
	s0 =	simm.s32 @!p2 $0x0  }
0x16: {  	s3 =	sld [smem:$0x3FDB];
	s0 =	simm.s32 @p2 $0x1  }
0x17: {  	s4 =	simm.s32 $0x1BF5;
	[smem:$0x3FA1] =	sst s0  }
0x18: {  	s0 =	sld [smem:$0x3F84];
	_ =	swait.ge [sflag:s4], $0x0  }
0x19: {  	s7 =	sld [smem:$0x3F85]  }
0x1a: {  	s8 =	sadd.s32 $0xFFFFE003, lr  }
0x1b: {  	s9 =	sadd.s32 $0xFFFFFEF7, lr;
	s5 =	simm.s32 $0xFFFFFFFF;
	p2 =	slt.u32 s8, $0xFFFFF086  }
0x1c: {  	p1 =	slt.u32 s9, $0xF7A;
	s5 =	simm.s32 @!p2 $0x0  }
0x1d: {  	s5 =	simm.s32 @p1 $0x1;
	p0 =	seq.s32 s7, s2  }
0x1e: {  	s7 =	smul.u32 @!p0 $0xF7A, s2;
	p2 =	seq.s32 @!p0 s5, $0x0  }
0x1f: {  	s9 =	smul.u32 $0xF7A, s1;
	s8 =	simm.s32 @!p0 $0x1BF5;
	p2 =	por !p2, p0  }
0x20: {  	[sflag:s8] =	ssyncset.s32 @!p0 $0xFFFFF086;
	s6 =	sadd.s32 @!p0 s3, s7;
	s7 =	simm.s32 @!p0 $0x108  }
0x21: {  	s3 =	sadd.s32 s3, s9;
	s6 =	sadd.s32 @!p0 $0x88, s6;
	s7 =	simm.s32 @p2 $0x1082  }
0x22: {  	[simem:s7], [sflag:s8] =	dma.local @!p0 [hbm:s6], $0xF7A  }
0x23: {  	s9 =	sor.u32 $0xD0000000, s2;
	s6 =	simm.s32 $0x108;
	_ =	swait.ge @!p0 [sflag:s8], $0x0  }
0x24: {  	s3 =	sadd.s32 $0x88, s3;
	s6 =	simm.s32 @!p1 $0x1082;
	[sflag:s4] =	ssyncset.s32 $0xFFFFF086  }
0x25: {  	[simem:s6], [sflag:s4] =	dma.local [hbm:s3], $0xF7A  }
0x26: {  	[smem:$0x3F85] =	sst s1;
	(tag) =	ssettag s2;
	_ =	strace s9  }
0x27: {  	s1 =	sld [smem:$0x3F95]  }
0x28: {  	s2 =	sld [smem:$0x3F96]  }
0x29: {  	s4 =	sld [smem:$0x3F98]  }
0x2a: {  	p0 =	seq.s32 s5, $0x0;
	s5 =	sld [smem:$0x3F99]  }
0x2b: {  	s6 =	sld [smem:$0x3F9A]  }
0x2c: {  	s7 =	sld [smem:$0x3F9B]  }
0x2d: {  	s3 =	simm.s32 $0x108;
	s8 =	sld [smem:$0x3F9C]  }
0x2e: {  	s3 =	simm.s32 @!p0 $0x1082;
	s9 =	sld [smem:$0x3F9D]  }
0x2f: {  	lr =	sadd.s32 s0, s3;
	s0 =	sld [smem:$0x3F94]  }
0x30: {  	s3 =	sld [smem:$0x3F97]  }
0x31: {  	[smem:$0x3FA0] =	sst s10  }
0x32: {  	s10 =	sld [smem:$0x3F9E];
	_ =	sdelay $0x3  }
0x33: {  	p0 =	seq.s32 s10, $0x1;
	s10 =	sld [smem:$0x3FA0];
	_ =	sdelay $0x3  }
0x34: {  	[smem:$0x3FA0] =	sst s10  }
0x35: {  	s10 =	sld [smem:$0x3F9F];
	_ =	sdelay $0x3  }
0x36: {  	p1 =	seq.s32 s10, $0x1;
	s10 =	sld [smem:$0x3FA0];
	_ =	sdelay $0x3  }
0x37: {  	[smem:$0x3FA0] =	sst s10  }
0x38: {  	s10 =	sld [smem:$0x3FA1]  }
0x39: {  	_ = 	snop;
	(pc) =	sbr.ind lr, $3  }
0x3a: {  	_ = 	snop  }
0x3b: {  	_ = 	snop  }
0x3c: {  	p2 =	seq.s32 s10, $0x1;
	s10 =	sld [smem:$0x3FA0]  }
0x3d: {  	_ =	shalt  }
0x3e: {  	_ =	shalt  }
0x3f: {  	_ =	shalt  }
0x40: {  	_ =	shalt  }
0x41: {  	_ =	shalt  }
0x42: {  	_ =	shalt  }
0x43: {  	_ =	shalt  }
0x44: {  	_ =	shalt  }
0x45: {  	_ =	shalt  }
0x46: {  	_ =	shalt  }
0x47: {  	_ =	shalt  }
0x48: {  	_ =	shalt  }
0x49: {  	_ =	shalt  }
0x4a: {  	_ =	shalt  }
0x4b: {  	_ =	shalt  }
0x4c: {  	_ =	shalt  }
0x4d: {  	_ =	shalt  }
0x4e: {  	_ =	shalt  }
0x4f: {  	_ =	shalt  }
0x50: {  	_ =	shalt  }
0x51: {  	_ =	shalt  }
0x52: {  	_ =	shalt  }
0x53: {  	_ =	shalt  }
0x54: {  	_ =	shalt  }
0x55: {  	_ =	shalt  }
0x56: {  	_ =	shalt  }
0x57: {  	_ =	shalt  }
0x58: {  	_ =	shalt  }
0x59: {  	_ =	shalt  }
0x5a: {  	_ =	shalt  }
0x5b: {  	_ =	shalt  }
0x5c: {  	_ =	shalt  }
0x5d: {  	_ =	shalt  }
0x5e: {  	_ =	shalt  }
0x5f: {  	_ =	shalt  }
0x60: {  	_ =	shalt  }
0x61: {  	_ =	shalt  }
0x62: {  	_ =	shalt  }
0x63: {  	_ =	shalt  }
0x64: {  	_ =	shalt  }
0x65: {  	_ =	shalt  }
0x66: {  	_ =	shalt  }
0x67: {  	_ =	shalt  }
0x68: {  	_ =	shalt  }
0x69: {  	_ =	shalt  }
0x6a: {  	_ =	shalt  }
0x6b: {  	_ =	shalt  }
0x6c: {  	_ =	shalt  }
0x6d: {  	_ =	shalt  }
0x6e: {  	_ =	shalt  }
0x6f: {  	_ =	shalt  }
0x70: {  	_ =	shalt  }
0x71: {  	_ =	shalt  }
0x72: {  	_ =	shalt  }
0x73: {  	_ =	shalt  }
0x74: {  	_ =	shalt  }
0x75: {  	_ =	shalt  }
0x76: {  	_ =	shalt  }
0x77: {  	_ =	shalt  }
0x78: {  	_ =	shalt  }
0x79: {  	_ =	shalt  }
0x7a: {  	_ =	shalt  }
0x7b: {  	_ =	shalt  }
0x7c: {  	_ =	shalt  }
0x7d: {  	_ =	shalt  }
0x7e: {  	_ =	shalt  }
0x7f: {  	_ =	shalt  }
0x80: {  	_ =	shalt  }
0x81: {  	_ =	shalt  }
0x82: {  	_ =	shalt  }
0x83: {  	_ =	shalt  }
0x84: {  	_ =	shalt  }
0x85: {  	_ =	shalt  }
0x86: {  	_ =	shalt  }
0x87: {  	_ =	shalt  }
.Lfunc_end0:
.L_simem_size_0:
called_computation_lowered:
.L_overlay_start_0:
0x88: {  	s2 =	sld [smem:$0x3FD9]  }
0x89: {  	s3 =	sld [smem:$0x3FFE];
	_ =	sdelay $0x1  }
0x8a: {  	s1 =	srdreg.scid  }
0x8b: {  	s0 =	sand.u32 $0x1, s1  }
0x8c: {  	s16 =	sshll.u32 s0, $0xA;
	s2 =	sadd.s32 s3, s2  }
0x8d: {  	s2 =	sadd.s32 s2, s16  }
0x8e: {  	[smem:$0x3FAC] =	sst s2  }
0x8f: {  	_ = 	snop  }
0x90: {  	(tm) =	ssettm $0x1  }
0x91: {  	s17 =	sld [smem:$0x3FFB];
	_ =	sdelay $0x3  }
0x92: {  	_ =	strace s17  }
0x93: {  	s2 =	sld [smem:$0x3FFC];
	_ =	sdelay $0x3  }
0x94: {  	_ =	strace s2  }
0x95: {  	s2 =	sld [smem:$0x3FFD];
	_ =	sdelay $0x3  }
0x96: {  	_ =	strace s2  }
0x97: {  	_ =	strace $0x8FFFFFFF  }
0x98: {  	s18 =	sld [smem:$0x3FDB];
	_ =	sdelay $0x1  }
0x99: {  	s19 =	simm.s32 $_scs_section_size  }
0x9a: {  	s4 =	simm.s32 $_size__tile_overlayer_lowered;
	s5 =	simm.s32 $_tile_overlayer_lowered  }
0x9b: {  	s22 =	simm.s32 $0x1BFF;
	s21 =	sshll.u32 s5, $0x1;
	s2 =	sadd.s32 s19, s18  }
0x9c: {  	s6 =	simm.s32 $0x0;
	s20 =	sshll.u32 s4, $0x1;
	s4 =	sadd.s32 s21, s2  }
0x9d: {  	[timem:s6], [sflag:s22] =	dma.local [hbm:s4], s20  }
0x9e: {  	_ =	swait.ge [sflag:s22], s20  }
0x9f: {  	s3 =	ssub.s32 $0x0, s20;
	[sflag:s22] =	ssyncset.done $0x0  }
0xa0: {  	[sflag:s22] =	ssyncadd.s32 s3;
	_ =	sdelay $0x1  }
0xa1: {  	s23 =	simm.s32 $0x1B8B  }
0xa2: {  	_ =	swait.ge [sflag:s23], $0x1  }
0xa3: {  	[sflag:s23] =	ssyncset.done $0x0  }
0xa4: {  	s25 =	simm.s32 $0x1B8E;
	s24 =	sld [smem:$0x3FFE];
	[sflag:s23] =	ssyncadd.s32 $0xFFFFFFFF  }
0xa5: {  	s26 =	simm.s32 $execute0_lowered;
	[smem:$0x3FD2] =	sst s25  }
0xa6: {  	s4 =	sshll.u32 s26, $0x1;
	_ =	strace $0x80000046;
	[dreg:$0x1] =	wrdreg $0xFFFFFFFF  }
0xa7: {  	s28 =	simm.s32 $_size_execute0_lowered;
	s2 =	sadd.s32 s2, s4;
	[dreg:$0x0] =	wrdreg $0x0  }
0xa8: {  	s4 =	sshll.u32 s28, $0x1;
	[dreg:$0x2] =	wrdreg s2  }
0xa9: {  	[dreg:$0x3] =	wrdreg s4  }
0xaa: {  	[dreg:$0x4] =	wrdreg $0xC0  }
0xab: {  	_ =	task [dreg:s6], $0x5FFFF  }
0xac: {  	[dreg:$0x1] =	wrdreg $0xFFFFFFFF  }
0xad: {  	[dreg:$0x0] =	wrdreg $0x60  }
0xae: {  	[dreg:$0x2] =	wrdreg s24  }
0xaf: {  	[dreg:$0x3] =	wrdreg $0x9  }
0xb0: {  	_ =	task.clear_ibuf [dreg:s6], $0x4FFFF;
	_ =	strace $0x90000046  }
0xb1: {  	s29 =	simm.s32 $0x9;
	_ =	strace $0x80000048  }
0xb2: {  	_ =	swait.ge [sflag:s29], $0x1  }
0xb3: {  	[sflag:s29] =	ssyncadd.s32 $0xFFFFFFFF  }
0xb4: {  	_ =	strace $0x90000048  }
0xb5: {  	_ =	sfence  }
0xb6: {  	s30 =	sld [smem:$0x0];
	_ =	sdelay $0x2  }
0xb7: {  	s31 =	sshll.u32 s1, $0xD;
	s1 =	sshrl.u32 s1, $0x2  }
0xb8: {  	s3 =	sand.u32 $0x4000, s31;
	s1 =	sadd.s32 s1, s30  }
0xb9: {  	s0 =	sor.u32 s3, s0;
	s1 =	sshll.u32 s1, $0x11  }
0xba: {  	s0 =	sor.u32 s1, s0  }
0xbb: {  	s0 =	sadd.s32 $0x8F2B, s0  }
0xbc: {  	[sflag:s0] =	ssyncadd.remote.s32 $0x1  }
0xbd: {  	_ =	sfence.sel $0xFFFF  }
0xbe: {  	[dreg:$0x0] =	wrdreg $0xFFFFFFFF;
	(pc) =	sbr.abs _section_cstart, $3  }
0xbf: {  	[dreg:$0x1] =	wrdreg $0xFFFFFFFF  }
0xc0: {  	_ =	task.clear_ibuf [dreg:s6], $0x2FFFF;
	_ =	strace $0x9FFFFFFF  }
0xc1: {  	(tm) =	ssettm $0x7FFFFFFF  }
tec
execute0_lowered:
.L_overlay_start_1:
0x0: {  	(tag) =	ssettag $0x1  }
0x1: {  	s0 =	srdreg.scid  }
0x2: {  	s2 =	stileid.u32;
	s0 =	sand.u32 $0x1, s0  }
0x3: {  	s3 =	sshll.u32 s2, $0xB;
	s4 =	sshll.u32 s0, $0xA  }
0x4: {  	s1 =	rddreg [dreg:$0x0];
	s2 =	simm.s32 $0x0;
	s3 =	sor.u32 s4, s3  }
0x5: {  	s5 =	sadd.s32 $0x176200, s1;
	s4 =	sshrl.u32 s3, $0x3;
	s3 =	sshll.u32 s3, $0x5  }
0x6: {  	[smem:$0x7FF] =	sst s2;
	s4 =	sadd.s32 s4, s1;
	s26 =	sadd.s32 s5, s3  }
0x7: {  	_ =	strace $0x80000047;
	s6 =	sadd.s32 $0x26200, s4;
	[dreg:$0x4] =	wrdreg s26  }
0x8: {  	s30 =	sor.u32 $0x1000, s3;
	s4 =	sadd.s32 $0x27200, s4;
	[dreg:$0x2] =	wrdreg s6  }
0x9: {  	s7 =	sor.u32 $0x2000, s3;
	s12 =	sadd.s32 s5, s30;
	[dreg:$0x3] =	wrdreg s4  }
0xa: {  	s8 =	sor.u32 $0x3000, s3;
	s13 =	sadd.s32 s5, s7;
	[dreg:$0x5] =	wrdreg s12  }
0xb: {  	s9 =	sor.u32 $0x4000, s3;
	s14 =	sadd.s32 s5, s8;
	[dreg:$0x6] =	wrdreg s13  }
0xc: {  	s10 =	sor.u32 $0x5000, s3;
	s15 =	sadd.s32 s5, s9;
	[dreg:$0x7] =	wrdreg s14  }
0xd: {  	s11 =	sor.u32 $0x6000, s3;
	s16 =	sadd.s32 s5, s10;
	[dreg:$0x8] =	wrdreg s15  }
0xe: {  	s17 =	sadd.s32 s5, s11;
	[dreg:$0x9] =	wrdreg s16;
	s12 =	sor.u32 $0x7000, s3  }
0xf: {  	s13 =	sadd.s32 $0x276200, s1;
	[dreg:$0xa] =	wrdreg s17;
	s18 =	sadd.s32 s5, s12  }
0x10: {  	s31 =	simm.s32 $0x1;
	s3 =	sadd.s32 s13, s3;
	[dreg:$0xb] =	wrdreg s18  }
0x11: {  	s28 =	simm.s32 $0x5;
	s19 =	sadd.s32 s13, s30;
	[dreg:$0xc] =	wrdreg s3  }
0x12: {  	s29 =	simm.s32 $0x6;
	s20 =	sadd.s32 s13, s7;
	[dreg:$0xd] =	wrdreg s19  }
0x13: {  	s0 =	ssub.s32 $0x2, s0;
	s21 =	sadd.s32 s13, s8;
	[dreg:$0xe] =	wrdreg s20  }
0x14: {  	s25 =	sshrl.u32 s0, $0x1;
	s22 =	sadd.s32 s13, s9;
	[dreg:$0xf] =	wrdreg s21  }
0x15: {  	s0 =	ssub.s32 s0, s25;
	s23 =	sadd.s32 s13, s10;
	[dreg:$0x10] =	wrdreg s22  }
0x16: {  	s25 =	simm.s32 $0x4;
	s24 =	sadd.s32 s13, s11;
	[dreg:$0x11] =	wrdreg s23  }
0x17: {  	s4 =	sadd.s32 $0x156200, s1;
	s26 =	sadd.s32 s13, s12;
	[dreg:$0x12] =	wrdreg s24  }
0x18: {  	v2 =	vlaneseq.u32;
	s30 =	simm.s32 $0x400;
	s5 =	smax.u32 s0, $0x1;
	[dreg:$0x13] =	wrdreg s26  }
0x19: {  	vm0 =	vmmov $0xffff;
	v1 =	vshrl.u32 v2, $0x3;
	s7 =	simm.s32 $0x800;
	s3 =	sadd.s32 $0x6200, s1;
	[dreg:$0x14] =	wrdreg s30  }
0x1a: {  	v0 =	vand.u32 $0x7, v2;
	v2 =	vor.u32 $0x8, v2;
	v1 =	vmul.u32 $0x8, v1;
	s24 =	simm.s32 $0x2;
	s26 =	simm.s32 $0x3;
	s1 =	simm.s32 $0x8800  }
.LBB2_1:
0x1b: {  	s30 =	rddreg [dreg:$0x2];
	s6 =	simm.s32 $0x7  }
0x1c: {  	[tilespmem:s2], [sflag:$0x7] =	stream.linear.gather [hbm4b:s30+s2], $0x400, $0x38;
	[tilespmem:$0x18800] =	vst v63  }
0x1d: {  	_ =	swait.ge [sflag:s6], $0x400  }
0x1e: {  	s13 =	rddreg [dreg:$0x3];
	[sflag:s6] =	ssyncset.done $0x0  }
0x1f: {  	s0 =	rddreg [dreg:$0x14];
	[sflag:s6] =	ssyncadd.s32 $0xFFFFFC00  }
0x20: {  	[tilespmem:s0], [sflag:$0x7] =	stream.linear.gather [hbm4b:s13+s2], $0x400, $0x38;
	[tilespmem:$0x18800] =	vst v63  }
0x21: {  	_ =	swait.ge [sflag:s6], $0x400  }
0x22: {  	[sflag:s6] =	ssyncset.done $0x0  }
0x23: {  	[sflag:s6] =	ssyncadd.s32 $0xFFFFFC00  }
0x24: {  	v3 =	vld [tilespmem:$0x0];
	_ =	sdelay $0x4  }
0x25: {  	v4 =	vshll.u32 v3, $0x1  }
0x26: {  	v3 =	vand.u32 $0x7, v3;
	v4 =	vand.u32 $0xFFFFFFF0, v4  }
0x27: {  	v3 =	vor.u32 v3, v4  }
0x28: {  	v4 =	vperm.xlane v3, v0;
	_ =	sdelay $0x1  }
0x29: {  	v3 =	vperm.xlane v3, v2;
	v4 =	vadd.s32 v1, v4;
	_ =	sdelay $0x1  }
0x2a: {  	v3 =	vadd.s32 v1, v3;
	_ =	sdelay $0x2  }
0x2b: {  	[tilespmem:s7], [sflag:$0x1] =	stream.indirect_vreg.gather [hbm4b:s3+s2], $0x80, v4, vm0, $0xb8;
	[tilespmem:$0x18800] =	vst v63  }
0x2c: {  	s14 =	simm.s32 $0x1000  }
0x2d: {  	[tilespmem:s14], [sflag:$0x1] =	stream.indirect_vreg.gather [hbm4b:s3+s2], $0x80, v3, vm0, $0xb8;
	[tilespmem:$0x18800] =	vst v63  }
0x2e: {  	v3 =	vld [tilespmem:$0x10];
	_ =	sdelay $0x4  }
0x2f: {  	v49 =	vshll.u32 v3, $0x1  }
0x30: {  	v3 =	vand.u32 $0x7, v3;
	v4 =	vand.u32 $0xFFFFFFF0, v49  }
0x31: {  	v3 =	vor.u32 v3, v4  }
0x32: {  	v4 =	vperm.xlane v3, v0;
	_ =	sdelay $0x1  }
0x33: {  	v3 =	vperm.xlane v3, v2;
	v4 =	vadd.s32 v1, v4;
	_ =	sdelay $0x1  }
0x34: {  	v3 =	vadd.s32 v1, v3;
	_ =	sdelay $0x1  }
0x35: {  	s15 =	simm.s32 $0x1800  }
0x36: {  	[tilespmem:s15], [sflag:$0x1] =	stream.indirect_vreg.gather [hbm4b:s3+s2], $0x80, v4, vm0, $0xb8;
	[tilespmem:$0x18800] =	vst v63  }
0x37: {  	s16 =	simm.s32 $0x2000  }
0x38: {  	[tilespmem:s16], [sflag:$0x1] =	stream.indirect_vreg.gather [hbm4b:s3+s2], $0x80, v3, vm0, $0xb8;
	[tilespmem:$0x18800] =	vst v63  }
0x39: {  	v3 =	vld [tilespmem:$0x20];
	_ =	sdelay $0x4  }
0x3a: {  	v50 =	vshll.u32 v3, $0x1  }
0x3b: {  	v3 =	vand.u32 $0x7, v3;
	v4 =	vand.u32 $0xFFFFFFF0, v50  }
0x3c: {  	v3 =	vor.u32 v3, v4  }
0x3d: {  	v4 =	vperm.xlane v3, v0;
	_ =	sdelay $0x1  }
0x3e: {  	v3 =	vperm.xlane v3, v2;
	v4 =	vadd.s32 v1, v4;
	_ =	sdelay $0x1  }
0x3f: {  	v3 =	vadd.s32 v1, v3;
	_ =	sdelay $0x1  }
0x40: {  	s17 =	simm.s32 $0x2800  }
0x41: {  	[tilespmem:s17], [sflag:$0x1] =	stream.indirect_vreg.gather [hbm4b:s3+s2], $0x80, v4, vm0, $0xb8;
	[tilespmem:$0x18800] =	vst v63  }
0x42: {  	s18 =	simm.s32 $0x3000  }
0x43: {  	[tilespmem:s18], [sflag:$0x1] =	stream.indirect_vreg.gather [hbm4b:s3+s2], $0x80, v3, vm0, $0xb8;
	[tilespmem:$0x18800] =	vst v63  }
0x44: {  	v3 =	vld [tilespmem:$0x30];
	_ =	sdelay $0x4  }
0x45: {  	v51 =	vshll.u32 v3, $0x1  }
0x46: {  	v3 =	vand.u32 $0x7, v3;
	v4 =	vand.u32 $0xFFFFFFF0, v51  }
0x47: {  	v3 =	vor.u32 v3, v4  }
0x48: {  	v4 =	vperm.xlane v3, v0;
	_ =	sdelay $0x1  }
0x49: {  	v3 =	vperm.xlane v3, v2;
	v4 =	vadd.s32 v1, v4;
	_ =	sdelay $0x1  }
0x4a: {  	v3 =	vadd.s32 v1, v3;
	_ =	sdelay $0x1  }
0x4b: {  	s19 =	simm.s32 $0x3800  }
0x4c: {  	[tilespmem:s19], [sflag:$0x1] =	stream.indirect_vreg.gather [hbm4b:s3+s2], $0x80, v4, vm0, $0xb8;
	[tilespmem:$0x18800] =	vst v63  }
0x4d: {  	s20 =	simm.s32 $0x4000  }
0x4e: {  	[tilespmem:s20], [sflag:$0x1] =	stream.indirect_vreg.gather [hbm4b:s3+s2], $0x80, v3, vm0, $0xb8;
	[tilespmem:$0x18800] =	vst v63  }
0x4f: {  	v3 =	vld [tilespmem:$0x40];
	_ =	sdelay $0x4  }
0x50: {  	v52 =	vshll.u32 v3, $0x1  }
0x51: {  	v3 =	vand.u32 $0x7, v3;
	v4 =	vand.u32 $0xFFFFFFF0, v52  }
0x52: {  	v3 =	vor.u32 v3, v4  }
0x53: {  	v4 =	vperm.xlane v3, v0;
	_ =	sdelay $0x1  }
0x54: {  	v3 =	vperm.xlane v3, v2;
	v4 =	vadd.s32 v1, v4;
	_ =	sdelay $0x1  }
0x55: {  	v3 =	vadd.s32 v1, v3;
	_ =	sdelay $0x1  }
0x56: {  	s30 =	simm.s32 $0x4800  }
0x57: {  	[tilespmem:s30], [sflag:$0x1] =	stream.indirect_vreg.gather [hbm4b:s3+s2], $0x80, v4, vm0, $0xb8;
	[tilespmem:$0x18800] =	vst v63  }
0x58: {  	s6 =	simm.s32 $0x5000  }
0x59: {  	[tilespmem:s6], [sflag:$0x1] =	stream.indirect_vreg.gather [hbm4b:s3+s2], $0x80, v3, vm0, $0xb8;
	[tilespmem:$0x18800] =	vst v63  }
0x5a: {  	v3 =	vld [tilespmem:$0x50];
	_ =	sdelay $0x4  }
0x5b: {  	v53 =	vshll.u32 v3, $0x1  }
0x5c: {  	v3 =	vand.u32 $0x7, v3;
	v4 =	vand.u32 $0xFFFFFFF0, v53  }
0x5d: {  	v3 =	vor.u32 v3, v4  }
0x5e: {  	v4 =	vperm.xlane v3, v0;
	_ =	sdelay $0x1  }
0x5f: {  	v3 =	vperm.xlane v3, v2;
	v4 =	vadd.s32 v1, v4;
	_ =	sdelay $0x1  }
0x60: {  	v3 =	vadd.s32 v1, v3;
	_ =	sdelay $0x1  }
0x61: {  	s9 =	simm.s32 $0x5800  }
0x62: {  	[tilespmem:s9], [sflag:$0x1] =	stream.indirect_vreg.gather [hbm4b:s3+s2], $0x80, v4, vm0, $0xb8;
	[tilespmem:$0x18800] =	vst v63  }
0x63: {  	s10 =	simm.s32 $0x6000  }
0x64: {  	[tilespmem:s10], [sflag:$0x1] =	stream.indirect_vreg.gather [hbm4b:s3+s2], $0x80, v3, vm0, $0xb8;
	[tilespmem:$0x18800] =	vst v63  }
0x65: {  	v3 =	vld [tilespmem:$0x60];
	_ =	sdelay $0x4  }
0x66: {  	v54 =	vshll.u32 v3, $0x1  }
0x67: {  	v3 =	vand.u32 $0x7, v3;
	v4 =	vand.u32 $0xFFFFFFF0, v54  }
0x68: {  	v3 =	vor.u32 v3, v4  }
0x69: {  	v4 =	vperm.xlane v3, v0;
	_ =	sdelay $0x1  }
0x6a: {  	v3 =	vperm.xlane v3, v2;
	v4 =	vadd.s32 v1, v4;
	_ =	sdelay $0x1  }
0x6b: {  	v3 =	vadd.s32 v1, v3;
	_ =	sdelay $0x1  }
0x6c: {  	s11 =	simm.s32 $0x6800  }
0x6d: {  	[tilespmem:s11], [sflag:$0x1] =	stream.indirect_vreg.gather [hbm4b:s3+s2], $0x80, v4, vm0, $0xb8;
	[tilespmem:$0x18800] =	vst v63  }
0x6e: {  	s18 =	simm.s32 $0x7000  }
0x6f: {  	[tilespmem:s18], [sflag:$0x1] =	stream.indirect_vreg.gather [hbm4b:s3+s2], $0x80, v3, vm0, $0xb8;
	[tilespmem:$0x18800] =	vst v63  }
0x70: {  	v3 =	vld [tilespmem:$0x70];
	_ =	sdelay $0x4  }
0x71: {  	v55 =	vshll.u32 v3, $0x1  }
0x72: {  	v3 =	vand.u32 $0x7, v3;
	v4 =	vand.u32 $0xFFFFFFF0, v55  }
0x73: {  	v3 =	vor.u32 v3, v4  }
0x74: {  	v4 =	vperm.xlane v3, v0;
	_ =	sdelay $0x1  }
0x75: {  	v3 =	vperm.xlane v3, v2;
	v4 =	vadd.s32 v1, v4;
	_ =	sdelay $0x1  }
0x76: {  	v3 =	vadd.s32 v1, v3;
	_ =	sdelay $0x1  }
0x77: {  	s19 =	simm.s32 $0x7800  }
0x78: {  	[tilespmem:s19], [sflag:$0x1] =	stream.indirect_vreg.gather [hbm4b:s3+s2], $0x80, v4, vm0, $0xb8;
	[tilespmem:$0x18800] =	vst v63  }
0x79: {  	s20 =	simm.s32 $0x8000  }
0x7a: {  	[tilespmem:s20], [sflag:$0x1] =	stream.indirect_vreg.gather [hbm4b:s3+s2], $0x80, v3, vm0, $0xb8;
	[tilespmem:$0x18800] =	vst v63  }
0x7b: {  	v3 =	vld [tilespmem:$0x80];
	_ =	sdelay $0x4  }
0x7c: {  	v56 =	vshll.u32 v3, $0x1  }
0x7d: {  	v3 =	vand.u32 $0x7, v3;
	v4 =	vand.u32 $0xFFFFFFF0, v56  }
0x7e: {  	v3 =	vor.u32 v3, v4  }
0x7f: {  	v4 =	vperm.xlane v3, v0;
	_ =	sdelay $0x1  }
0x80: {  	v3 =	vperm.xlane v3, v2;
	v4 =	vadd.s32 v1, v4;
	_ =	sdelay $0x1  }
0x81: {  	v3 =	vadd.s32 v1, v3;
	_ =	sdelay $0x2  }
0x82: {  	[tilespmem:s1], [sflag:$0x2] =	stream.indirect_vreg.gather [hbm4b:s3+s2], $0x80, v4, vm0, $0xb8;
	[tilespmem:$0x18800] =	vst v63  }
0x83: {  	s30 =	simm.s32 $0x9000  }
0x84: {  	[tilespmem:s30], [sflag:$0x2] =	stream.indirect_vreg.gather [hbm4b:s3+s2], $0x80, v3, vm0, $0xb8;
	[tilespmem:$0x18800] =	vst v63  }
0x85: {  	v3 =	vld [tilespmem:$0x90];
	_ =	sdelay $0x4  }
0x86: {  	v57 =	vshll.u32 v3, $0x1  }
0x87: {  	v3 =	vand.u32 $0x7, v3;
	v4 =	vand.u32 $0xFFFFFFF0, v57  }
0x88: {  	v3 =	vor.u32 v3, v4  }
0x89: {  	v4 =	vperm.xlane v3, v0;
	_ =	sdelay $0x1  }
0x8a: {  	v3 =	vperm.xlane v3, v2;
	v4 =	vadd.s32 v1, v4;
	_ =	sdelay $0x1  }
0x8b: {  	v3 =	vadd.s32 v1, v3;
	_ =	sdelay $0x1  }
0x8c: {  	s6 =	simm.s32 $0x9800  }
0x8d: {  	[tilespmem:s6], [sflag:$0x2] =	stream.indirect_vreg.gather [hbm4b:s3+s2], $0x80, v4, vm0, $0xb8;
	[tilespmem:$0x18800] =	vst v63  }
0x8e: {  	s30 =	simm.s32 $0xA000  }
0x8f: {  	[tilespmem:s30], [sflag:$0x2] =	stream.indirect_vreg.gather [hbm4b:s3+s2], $0x80, v3, vm0, $0xb8;
	[tilespmem:$0x18800] =	vst v63  }
0x90: {  	v3 =	vld [tilespmem:$0xA0];
	_ =	sdelay $0x4  }
0x91: {  	v58 =	vshll.u32 v3, $0x1  }
0x92: {  	v3 =	vand.u32 $0x7, v3;
	v4 =	vand.u32 $0xFFFFFFF0, v58  }
0x93: {  	v3 =	vor.u32 v3, v4  }
0x94: {  	v4 =	vperm.xlane v3, v0;
	_ =	sdelay $0x1  }
0x95: {  	v3 =	vperm.xlane v3, v2;
	v4 =	vadd.s32 v1, v4;
	_ =	sdelay $0x1  }
0x96: {  	v3 =	vadd.s32 v1, v3;
	_ =	sdelay $0x1  }
0x97: {  	s6 =	simm.s32 $0xA800  }
0x98: {  	[tilespmem:s6], [sflag:$0x2] =	stream.indirect_vreg.gather [hbm4b:s3+s2], $0x80, v4, vm0, $0xb8;
	[tilespmem:$0x18800] =	vst v63  }
0x99: {  	s6 =	simm.s32 $0xB000  }
0x9a: {  	[tilespmem:s6], [sflag:$0x2] =	stream.indirect_vreg.gather [hbm4b:s3+s2], $0x80, v3, vm0, $0xb8;
	[tilespmem:$0x18800] =	vst v63  }
0x9b: {  	v3 =	vld [tilespmem:$0xB0];
	_ =	sdelay $0x4  }
0x9c: {  	v59 =	vshll.u32 v3, $0x1  }
0x9d: {  	v3 =	vand.u32 $0x7, v3;
	v4 =	vand.u32 $0xFFFFFFF0, v59  }
0x9e: {  	v3 =	vor.u32 v3, v4  }
0x9f: {  	v4 =	vperm.xlane v3, v0;
	_ =	sdelay $0x1  }
0xa0: {  	v3 =	vperm.xlane v3, v2;
	v4 =	vadd.s32 v1, v4;
	_ =	sdelay $0x1  }
0xa1: {  	v3 =	vadd.s32 v1, v3;
	_ =	sdelay $0x1  }
0xa2: {  	s6 =	simm.s32 $0xB800  }
0xa3: {  	[tilespmem:s6], [sflag:$0x2] =	stream.indirect_vreg.gather [hbm4b:s3+s2], $0x80, v4, vm0, $0xb8;
	[tilespmem:$0x18800] =	vst v63  }
0xa4: {  	s6 =	simm.s32 $0xC000  }
0xa5: {  	[tilespmem:s6], [sflag:$0x2] =	stream.indirect_vreg.gather [hbm4b:s3+s2], $0x80, v3, vm0, $0xb8;
	[tilespmem:$0x18800] =	vst v63  }
0xa6: {  	v3 =	vld [tilespmem:$0xC0];
	_ =	sdelay $0x4  }
0xa7: {  	v60 =	vshll.u32 v3, $0x1  }
0xa8: {  	v3 =	vand.u32 $0x7, v3;
	v4 =	vand.u32 $0xFFFFFFF0, v60  }
0xa9: {  	v3 =	vor.u32 v3, v4  }
0xaa: {  	v4 =	vperm.xlane v3, v0;
	_ =	sdelay $0x1  }
0xab: {  	v3 =	vperm.xlane v3, v2;
	v4 =	vadd.s32 v1, v4;
	_ =	sdelay $0x1  }
0xac: {  	v3 =	vadd.s32 v1, v3;
	_ =	sdelay $0x1  }
0xad: {  	s6 =	simm.s32 $0xC800  }
0xae: {  	[tilespmem:s6], [sflag:$0x2] =	stream.indirect_vreg.gather [hbm4b:s3+s2], $0x80, v4, vm0, $0xb8;
	[tilespmem:$0x18800] =	vst v63  }
0xaf: {  	s6 =	simm.s32 $0xD000  }
0xb0: {  	[tilespmem:s6], [sflag:$0x2] =	stream.indirect_vreg.gather [hbm4b:s3+s2], $0x80, v3, vm0, $0xb8;
	[tilespmem:$0x18800] =	vst v63  }
0xb1: {  	v3 =	vld [tilespmem:$0xD0];
	_ =	sdelay $0x4  }
0xb2: {  	v61 =	vshll.u32 v3, $0x1  }
0xb3: {  	v3 =	vand.u32 $0x7, v3;
	v4 =	vand.u32 $0xFFFFFFF0, v61  }
0xb4: {  	v3 =	vor.u32 v3, v4  }
0xb5: {  	v4 =	vperm.xlane v3, v0;
	_ =	sdelay $0x1  }
0xb6: {  	v3 =	vperm.xlane v3, v2;
	v4 =	vadd.s32 v1, v4;
	_ =	sdelay $0x1  }
0xb7: {  	v3 =	vadd.s32 v1, v3;
	_ =	sdelay $0x1  }
0xb8: {  	s6 =	simm.s32 $0xD800  }
0xb9: {  	[tilespmem:s6], [sflag:$0x2] =	stream.indirect_vreg.gather [hbm4b:s3+s2], $0x80, v4, vm0, $0xb8;
	[tilespmem:$0x18800] =	vst v63  }
0xba: {  	s6 =	simm.s32 $0xE000  }
0xbb: {  	[tilespmem:s6], [sflag:$0x2] =	stream.indirect_vreg.gather [hbm4b:s3+s2], $0x80, v3, vm0, $0xb8;
	[tilespmem:$0x18800] =	vst v63  }
0xbc: {  	v3 =	vld [tilespmem:$0xE0];
	_ =	sdelay $0x4  }
0xbd: {  	v62 =	vshll.u32 v3, $0x1  }
0xbe: {  	v3 =	vand.u32 $0x7, v3;
	v4 =	vand.u32 $0xFFFFFFF0, v62  }
0xbf: {  	v3 =	vor.u32 v3, v4  }
0xc0: {  	v4 =	vperm.xlane v3, v0;
	_ =	sdelay $0x1  }
0xc1: {  	v3 =	vperm.xlane v3, v2;
	v4 =	vadd.s32 v1, v4;
	_ =	sdelay $0x1  }
0xc2: {  	v3 =	vadd.s32 v1, v3;
	_ =	sdelay $0x1  }
0xc3: {  	s6 =	simm.s32 $0xE800  }
0xc4: {  	[tilespmem:s6], [sflag:$0x2] =	stream.indirect_vreg.gather [hbm4b:s3+s2], $0x80, v4, vm0, $0xb8;
	[tilespmem:$0x18800] =	vst v63  }
0xc5: {  	s6 =	simm.s32 $0xF000  }
0xc6: {  	[tilespmem:s6], [sflag:$0x2] =	stream.indirect_vreg.gather [hbm4b:s3+s2], $0x80, v3, vm0, $0xb8;
	[tilespmem:$0x18800] =	vst v63  }
0xc7: {  	v3 =	vld [tilespmem:$0xF0];
	_ =	sdelay $0x4  }
0xc8: {  	v63 =	vshll.u32 v3, $0x1  }
0xc9: {  	v3 =	vand.u32 $0x7, v3;
	v4 =	vand.u32 $0xFFFFFFF0, v63  }
0xca: {  	v3 =	vor.u32 v3, v4  }
0xcb: {  	v4 =	vperm.xlane v3, v0;
	_ =	sdelay $0x1  }
0xcc: {  	v3 =	vperm.xlane v3, v2;
	v4 =	vadd.s32 v1, v4;
	_ =	sdelay $0x1  }
0xcd: {  	v3 =	vadd.s32 v1, v3;
	_ =	sdelay $0x1  }
0xce: {  	s6 =	simm.s32 $0xF800  }
0xcf: {  	[tilespmem:s6], [sflag:$0x2] =	stream.indirect_vreg.gather [hbm4b:s3+s2], $0x80, v4, vm0, $0xb8;
	[tilespmem:$0x18800] =	vst v63  }
0xd0: {  	s6 =	simm.s32 $0x10000  }
0xd1: {  	[tilespmem:s6], [sflag:$0x2] =	stream.indirect_vreg.gather [hbm4b:s3+s2], $0x80, v3, vm0, $0xb8;
	[tilespmem:$0x18800] =	vst v63  }
0xd2: {  	_ =	swait.ge [sflag:s31], $0x8000  }
0xd3: {  	[sflag:s31] =	ssyncset.done $0x0  }
0xd4: {  	s6 =	rddreg [dreg:$0x4];
	[sflag:s31] =	ssyncadd.s32 $0xFFFF8000  }
0xd5: {  	[hbm4b:s6+s2] =	stream.linear.scatter [tilespmem:s7], [sflag:$0x4], $0x8000, $0x38;
	[tilespmem:$0x18800] =	vst v63  }
0xd6: {  	v3 =	vld [tilespmem:$0x100];
	_ =	sdelay $0x4  }
0xd7: {  	v8 =	vshll.u32 v3, $0x1  }
0xd8: {  	v3 =	vand.u32 $0x7, v3;
	v4 =	vand.u32 $0xFFFFFFF0, v8  }
0xd9: {  	v3 =	vor.u32 v3, v4  }
0xda: {  	v4 =	vperm.xlane v3, v0;
	_ =	sdelay $0x1  }
0xdb: {  	v3 =	vperm.xlane v3, v2;
	v4 =	vadd.s32 v1, v4;
	_ =	sdelay $0x1  }
0xdc: {  	v3 =	vadd.s32 v1, v3;
	_ =	sdelay $0x1  }
0xdd: {  	s6 =	simm.s32 $0x10800  }
0xde: {  	[tilespmem:s6], [sflag:$0x3] =	stream.indirect_vreg.gather [hbm4b:s3+s2], $0x80, v4, vm0, $0xb8;
	[tilespmem:$0x18800] =	vst v63  }
0xdf: {  	s0 =	simm.s32 $0x11000  }
0xe0: {  	[tilespmem:s0], [sflag:$0x3] =	stream.indirect_vreg.gather [hbm4b:s3+s2], $0x80, v3, vm0, $0xb8;
	[tilespmem:$0x18800] =	vst v63  }
0xe1: {  	v3 =	vld [tilespmem:$0x110];
	_ =	sdelay $0x4  }
0xe2: {  	v9 =	vshll.u32 v3, $0x1  }
0xe3: {  	v3 =	vand.u32 $0x7, v3;
	v4 =	vand.u32 $0xFFFFFFF0, v9  }
0xe4: {  	v3 =	vor.u32 v3, v4  }
0xe5: {  	v4 =	vperm.xlane v3, v0;
	_ =	sdelay $0x1  }
0xe6: {  	v3 =	vperm.xlane v3, v2;
	v4 =	vadd.s32 v1, v4;
	_ =	sdelay $0x1  }
0xe7: {  	v3 =	vadd.s32 v1, v3;
	_ =	sdelay $0x1  }
0xe8: {  	s0 =	simm.s32 $0x11800  }
0xe9: {  	[tilespmem:s0], [sflag:$0x3] =	stream.indirect_vreg.gather [hbm4b:s3+s2], $0x80, v4, vm0, $0xb8;
	[tilespmem:$0x18800] =	vst v63  }
0xea: {  	s0 =	simm.s32 $0x12000  }
0xeb: {  	[tilespmem:s0], [sflag:$0x3] =	stream.indirect_vreg.gather [hbm4b:s3+s2], $0x80, v3, vm0, $0xb8;
	[tilespmem:$0x18800] =	vst v63  }
0xec: {  	v3 =	vld [tilespmem:$0x120];
	_ =	sdelay $0x4  }
0xed: {  	v10 =	vshll.u32 v3, $0x1  }
0xee: {  	v3 =	vand.u32 $0x7, v3;
	v4 =	vand.u32 $0xFFFFFFF0, v10  }
0xef: {  	v3 =	vor.u32 v3, v4  }
0xf0: {  	v4 =	vperm.xlane v3, v0;
	_ =	sdelay $0x1  }
0xf1: {  	v3 =	vperm.xlane v3, v2;
	v4 =	vadd.s32 v1, v4;
	_ =	sdelay $0x1  }
0xf2: {  	v3 =	vadd.s32 v1, v3;
	_ =	sdelay $0x1  }
0xf3: {  	s0 =	simm.s32 $0x12800  }
0xf4: {  	[tilespmem:s0], [sflag:$0x3] =	stream.indirect_vreg.gather [hbm4b:s3+s2], $0x80, v4, vm0, $0xb8;
	[tilespmem:$0x18800] =	vst v63  }
0xf5: {  	s0 =	simm.s32 $0x13000  }
0xf6: {  	[tilespmem:s0], [sflag:$0x3] =	stream.indirect_vreg.gather [hbm4b:s3+s2], $0x80, v3, vm0, $0xb8;
	[tilespmem:$0x18800] =	vst v63  }
0xf7: {  	v3 =	vld [tilespmem:$0x130];
	_ =	sdelay $0x4  }
0xf8: {  	v11 =	vshll.u32 v3, $0x1  }
0xf9: {  	v3 =	vand.u32 $0x7, v3;
	v4 =	vand.u32 $0xFFFFFFF0, v11  }
0xfa: {  	v3 =	vor.u32 v3, v4  }
0xfb: {  	v4 =	vperm.xlane v3, v0;
	_ =	sdelay $0x1  }
0xfc: {  	v3 =	vperm.xlane v3, v2;
	v4 =	vadd.s32 v1, v4;
	_ =	sdelay $0x1  }
0xfd: {  	v3 =	vadd.s32 v1, v3;
	_ =	sdelay $0x1  }
0xfe: {  	s0 =	simm.s32 $0x13800  }
0xff: {  	[tilespmem:s0], [sflag:$0x3] =	stream.indirect_vreg.gather [hbm4b:s3+s2], $0x80, v4, vm0, $0xb8;
	[tilespmem:$0x18800] =	vst v63  }
0x100: {  	s0 =	simm.s32 $0x14000  }
0x101: {  	[tilespmem:s0], [sflag:$0x3] =	stream.indirect_vreg.gather [hbm4b:s3+s2], $0x80, v3, vm0, $0xb8;
	[tilespmem:$0x18800] =	vst v63  }
0x102: {  	v3 =	vld [tilespmem:$0x140];
	_ =	sdelay $0x4  }
0x103: {  	v12 =	vshll.u32 v3, $0x1  }
0x104: {  	v3 =	vand.u32 $0x7, v3;
	v4 =	vand.u32 $0xFFFFFFF0, v12  }
0x105: {  	v3 =	vor.u32 v3, v4  }
0x106: {  	v4 =	vperm.xlane v3, v0;
	_ =	sdelay $0x1  }
0x107: {  	v3 =	vperm.xlane v3, v2;
	v4 =	vadd.s32 v1, v4;
	_ =	sdelay $0x1  }
0x108: {  	v3 =	vadd.s32 v1, v3;
	_ =	sdelay $0x1  }
0x109: {  	s0 =	simm.s32 $0x14800  }
0x10a: {  	[tilespmem:s0], [sflag:$0x3] =	stream.indirect_vreg.gather [hbm4b:s3+s2], $0x80, v4, vm0, $0xb8;
	[tilespmem:$0x18800] =	vst v63  }
0x10b: {  	s0 =	simm.s32 $0x15000  }
0x10c: {  	[tilespmem:s0], [sflag:$0x3] =	stream.indirect_vreg.gather [hbm4b:s3+s2], $0x80, v3, vm0, $0xb8;
	[tilespmem:$0x18800] =	vst v63  }
0x10d: {  	v3 =	vld [tilespmem:$0x150];
	_ =	sdelay $0x4  }
0x10e: {  	v13 =	vshll.u32 v3, $0x1  }
0x10f: {  	v3 =	vand.u32 $0x7, v3;
	v4 =	vand.u32 $0xFFFFFFF0, v13  }
0x110: {  	v3 =	vor.u32 v3, v4  }
0x111: {  	v4 =	vperm.xlane v3, v0;
	_ =	sdelay $0x1  }
0x112: {  	v3 =	vperm.xlane v3, v2;
	v4 =	vadd.s32 v1, v4;
	_ =	sdelay $0x1  }
0x113: {  	v3 =	vadd.s32 v1, v3;
	_ =	sdelay $0x1  }
0x114: {  	s0 =	simm.s32 $0x15800  }
0x115: {  	[tilespmem:s0], [sflag:$0x3] =	stream.indirect_vreg.gather [hbm4b:s3+s2], $0x80, v4, vm0, $0xb8;
	[tilespmem:$0x18800] =	vst v63  }
0x116: {  	s0 =	simm.s32 $0x16000  }
0x117: {  	[tilespmem:s0], [sflag:$0x3] =	stream.indirect_vreg.gather [hbm4b:s3+s2], $0x80, v3, vm0, $0xb8;
	[tilespmem:$0x18800] =	vst v63  }
0x118: {  	v3 =	vld [tilespmem:$0x160];
	_ =	sdelay $0x4  }
0x119: {  	v14 =	vshll.u32 v3, $0x1  }
0x11a: {  	v3 =	vand.u32 $0x7, v3;
	v4 =	vand.u32 $0xFFFFFFF0, v14  }
0x11b: {  	v3 =	vor.u32 v3, v4  }
0x11c: {  	v4 =	vperm.xlane v3, v0;
	_ =	sdelay $0x1  }
0x11d: {  	v3 =	vperm.xlane v3, v2;
	v4 =	vadd.s32 v1, v4;
	_ =	sdelay $0x1  }
0x11e: {  	v3 =	vadd.s32 v1, v3;
	_ =	sdelay $0x1  }
0x11f: {  	s0 =	simm.s32 $0x16800  }
0x120: {  	[tilespmem:s0], [sflag:$0x3] =	stream.indirect_vreg.gather [hbm4b:s3+s2], $0x80, v4, vm0, $0xb8;
	[tilespmem:$0x18800] =	vst v63  }
0x121: {  	s0 =	simm.s32 $0x17000  }
0x122: {  	[tilespmem:s0], [sflag:$0x3] =	stream.indirect_vreg.gather [hbm4b:s3+s2], $0x80, v3, vm0, $0xb8;
	[tilespmem:$0x18800] =	vst v63  }
0x123: {  	v3 =	vld [tilespmem:$0x170];
	_ =	sdelay $0x4  }
0x124: {  	v15 =	vshll.u32 v3, $0x1  }
0x125: {  	v3 =	vand.u32 $0x7, v3;
	v4 =	vand.u32 $0xFFFFFFF0, v15  }
0x126: {  	v3 =	vor.u32 v3, v4  }
0x127: {  	v4 =	vperm.xlane v3, v0;
	_ =	sdelay $0x1  }
0x128: {  	v3 =	vperm.xlane v3, v2;
	v4 =	vadd.s32 v1, v4;
	_ =	sdelay $0x1  }
0x129: {  	v3 =	vadd.s32 v1, v3;
	_ =	sdelay $0x1  }
0x12a: {  	s0 =	simm.s32 $0x17800  }
0x12b: {  	[tilespmem:s0], [sflag:$0x3] =	stream.indirect_vreg.gather [hbm4b:s3+s2], $0x80, v4, vm0, $0xb8;
	[tilespmem:$0x18800] =	vst v63  }
0x12c: {  	s0 =	simm.s32 $0x18000  }
0x12d: {  	[tilespmem:s0], [sflag:$0x3] =	stream.indirect_vreg.gather [hbm4b:s3+s2], $0x80, v3, vm0, $0xb8;
	[tilespmem:$0x18800] =	vst v63  }
0x12e: {  	_ =	swait.ge [sflag:s24], $0x8000  }
0x12f: {  	[sflag:s24] =	ssyncset.done $0x0  }
0x130: {  	s0 =	rddreg [dreg:$0x5];
	[sflag:s24] =	ssyncadd.s32 $0xFFFF8000  }
0x131: {  	[hbm4b:s0+s2] =	stream.linear.scatter [tilespmem:s1], [sflag:$0x5], $0x8000, $0x38;
	[tilespmem:$0x18800] =	vst v63  }
0x132: {  	_ =	swait.ge [sflag:s25], $0x8000  }
0x133: {  	[sflag:s25] =	ssyncset.done $0x0  }
0x134: {  	[sflag:s25] =	ssyncadd.s32 $0xFFFF8000  }
0x135: {  	v3 =	vld [tilespmem:$0x180];
	_ =	sdelay $0x4  }
0x136: {  	v16 =	vshll.u32 v3, $0x1  }
0x137: {  	v3 =	vand.u32 $0x7, v3;
	v4 =	vand.u32 $0xFFFFFFF0, v16  }
0x138: {  	v3 =	vor.u32 v3, v4  }
0x139: {  	v4 =	vperm.xlane v3, v0;
	_ =	sdelay $0x1  }
0x13a: {  	v3 =	vperm.xlane v3, v2;
	v4 =	vadd.s32 v1, v4;
	_ =	sdelay $0x1  }
0x13b: {  	v3 =	vadd.s32 v1, v3;
	_ =	sdelay $0x2  }
0x13c: {  	[tilespmem:s7], [sflag:$0x1] =	stream.indirect_vreg.gather [hbm4b:s3+s2], $0x80, v4, vm0, $0xb8;
	[tilespmem:$0x18800] =	vst v63  }
0x13d: {  	s12 =	simm.s32 $0x1000  }
0x13e: {  	[tilespmem:s12], [sflag:$0x1] =	stream.indirect_vreg.gather [hbm4b:s3+s2], $0x80, v3, vm0, $0xb8;
	[tilespmem:$0x18800] =	vst v63  }
0x13f: {  	v3 =	vld [tilespmem:$0x190];
	_ =	sdelay $0x4  }
0x140: {  	v17 =	vshll.u32 v3, $0x1  }
0x141: {  	v3 =	vand.u32 $0x7, v3;
	v4 =	vand.u32 $0xFFFFFFF0, v17  }
0x142: {  	v3 =	vor.u32 v3, v4  }
0x143: {  	v4 =	vperm.xlane v3, v0;
	_ =	sdelay $0x1  }
0x144: {  	v3 =	vperm.xlane v3, v2;
	v4 =	vadd.s32 v1, v4;
	_ =	sdelay $0x1  }
0x145: {  	v3 =	vadd.s32 v1, v3;
	_ =	sdelay $0x1  }
0x146: {  	s23 =	simm.s32 $0x1800  }
0x147: {  	[tilespmem:s23], [sflag:$0x1] =	stream.indirect_vreg.gather [hbm4b:s3+s2], $0x80, v4, vm0, $0xb8;
	[tilespmem:$0x18800] =	vst v63  }
0x148: {  	s13 =	simm.s32 $0x2000  }
0x149: {  	[tilespmem:s13], [sflag:$0x1] =	stream.indirect_vreg.gather [hbm4b:s3+s2], $0x80, v3, vm0, $0xb8;
	[tilespmem:$0x18800] =	vst v63  }
0x14a: {  	v3 =	vld [tilespmem:$0x1A0];
	_ =	sdelay $0x4  }
0x14b: {  	v18 =	vshll.u32 v3, $0x1  }
0x14c: {  	v3 =	vand.u32 $0x7, v3;
	v4 =	vand.u32 $0xFFFFFFF0, v18  }
0x14d: {  	v3 =	vor.u32 v3, v4  }
0x14e: {  	v4 =	vperm.xlane v3, v0;
	_ =	sdelay $0x1  }
0x14f: {  	v3 =	vperm.xlane v3, v2;
	v4 =	vadd.s32 v1, v4;
	_ =	sdelay $0x1  }
0x150: {  	v3 =	vadd.s32 v1, v3;
	_ =	sdelay $0x1  }
0x151: {  	s21 =	simm.s32 $0x2800  }
0x152: {  	[tilespmem:s21], [sflag:$0x1] =	stream.indirect_vreg.gather [hbm4b:s3+s2], $0x80, v4, vm0, $0xb8;
	[tilespmem:$0x18800] =	vst v63  }
0x153: {  	s14 =	simm.s32 $0x3000  }
0x154: {  	[tilespmem:s14], [sflag:$0x1] =	stream.indirect_vreg.gather [hbm4b:s3+s2], $0x80, v3, vm0, $0xb8;
	[tilespmem:$0x18800] =	vst v63  }
0x155: {  	v3 =	vld [tilespmem:$0x1B0];
	_ =	sdelay $0x4  }
0x156: {  	v19 =	vshll.u32 v3, $0x1  }
0x157: {  	v3 =	vand.u32 $0x7, v3;
	v4 =	vand.u32 $0xFFFFFFF0, v19  }
0x158: {  	v3 =	vor.u32 v3, v4  }
0x159: {  	v4 =	vperm.xlane v3, v0;
	_ =	sdelay $0x1  }
0x15a: {  	v3 =	vperm.xlane v3, v2;
	v4 =	vadd.s32 v1, v4;
	_ =	sdelay $0x1  }
0x15b: {  	v3 =	vadd.s32 v1, v3;
	_ =	sdelay $0x1  }
0x15c: {  	s22 =	simm.s32 $0x3800  }
0x15d: {  	[tilespmem:s22], [sflag:$0x1] =	stream.indirect_vreg.gather [hbm4b:s3+s2], $0x80, v4, vm0, $0xb8;
	[tilespmem:$0x18800] =	vst v63  }
0x15e: {  	s15 =	simm.s32 $0x4000  }
0x15f: {  	[tilespmem:s15], [sflag:$0x1] =	stream.indirect_vreg.gather [hbm4b:s3+s2], $0x80, v3, vm0, $0xb8;
	[tilespmem:$0x18800] =	vst v63  }
0x160: {  	v3 =	vld [tilespmem:$0x1C0];
	_ =	sdelay $0x4  }
0x161: {  	v20 =	vshll.u32 v3, $0x1  }
0x162: {  	v3 =	vand.u32 $0x7, v3;
	v4 =	vand.u32 $0xFFFFFFF0, v20  }
0x163: {  	v3 =	vor.u32 v3, v4  }
0x164: {  	v4 =	vperm.xlane v3, v0;
	_ =	sdelay $0x1  }
0x165: {  	v3 =	vperm.xlane v3, v2;
	v4 =	vadd.s32 v1, v4;
	_ =	sdelay $0x1  }
0x166: {  	v3 =	vadd.s32 v1, v3;
	_ =	sdelay $0x1  }
0x167: {  	s8 =	simm.s32 $0x4800  }
0x168: {  	[tilespmem:s8], [sflag:$0x1] =	stream.indirect_vreg.gather [hbm4b:s3+s2], $0x80, v4, vm0, $0xb8;
	[tilespmem:$0x18800] =	vst v63  }
0x169: {  	s16 =	simm.s32 $0x5000  }
0x16a: {  	[tilespmem:s16], [sflag:$0x1] =	stream.indirect_vreg.gather [hbm4b:s3+s2], $0x80, v3, vm0, $0xb8;
	[tilespmem:$0x18800] =	vst v63  }
0x16b: {  	v3 =	vld [tilespmem:$0x1D0];
	_ =	sdelay $0x4  }
0x16c: {  	v21 =	vshll.u32 v3, $0x1  }
0x16d: {  	v3 =	vand.u32 $0x7, v3;
	v4 =	vand.u32 $0xFFFFFFF0, v21  }
0x16e: {  	v3 =	vor.u32 v3, v4  }
0x16f: {  	v4 =	vperm.xlane v3, v0;
	_ =	sdelay $0x1  }
0x170: {  	v3 =	vperm.xlane v3, v2;
	v4 =	vadd.s32 v1, v4;
	_ =	sdelay $0x1  }
0x171: {  	v3 =	vadd.s32 v1, v3;
	_ =	sdelay $0x1  }
0x172: {  	s9 =	simm.s32 $0x5800  }
0x173: {  	[tilespmem:s9], [sflag:$0x1] =	stream.indirect_vreg.gather [hbm4b:s3+s2], $0x80, v4, vm0, $0xb8;
	[tilespmem:$0x18800] =	vst v63  }
0x174: {  	s17 =	simm.s32 $0x6000  }
0x175: {  	[tilespmem:s17], [sflag:$0x1] =	stream.indirect_vreg.gather [hbm4b:s3+s2], $0x80, v3, vm0, $0xb8;
	[tilespmem:$0x18800] =	vst v63  }
0x176: {  	v3 =	vld [tilespmem:$0x1E0];
	_ =	sdelay $0x4  }
0x177: {  	v22 =	vshll.u32 v3, $0x1  }
0x178: {  	v3 =	vand.u32 $0x7, v3;
	v4 =	vand.u32 $0xFFFFFFF0, v22  }
0x179: {  	v3 =	vor.u32 v3, v4  }
0x17a: {  	v4 =	vperm.xlane v3, v0;
	_ =	sdelay $0x1  }
0x17b: {  	v3 =	vperm.xlane v3, v2;
	v4 =	vadd.s32 v1, v4;
	_ =	sdelay $0x1  }
0x17c: {  	v3 =	vadd.s32 v1, v3;
	_ =	sdelay $0x1  }
0x17d: {  	s10 =	simm.s32 $0x6800  }
0x17e: {  	[tilespmem:s10], [sflag:$0x1] =	stream.indirect_vreg.gather [hbm4b:s3+s2], $0x80, v4, vm0, $0xb8;
	[tilespmem:$0x18800] =	vst v63  }
0x17f: {  	s18 =	simm.s32 $0x7000  }
0x180: {  	[tilespmem:s18], [sflag:$0x1] =	stream.indirect_vreg.gather [hbm4b:s3+s2], $0x80, v3, vm0, $0xb8;
	[tilespmem:$0x18800] =	vst v63  }
0x181: {  	v3 =	vld [tilespmem:$0x1F0];
	_ =	sdelay $0x4  }
0x182: {  	v23 =	vshll.u32 v3, $0x1  }
0x183: {  	v3 =	vand.u32 $0x7, v3;
	v4 =	vand.u32 $0xFFFFFFF0, v23  }
0x184: {  	v3 =	vor.u32 v3, v4  }
0x185: {  	v4 =	vperm.xlane v3, v0;
	_ =	sdelay $0x1  }
0x186: {  	v3 =	vperm.xlane v3, v2;
	v4 =	vadd.s32 v1, v4;
	_ =	sdelay $0x1  }
0x187: {  	v3 =	vadd.s32 v1, v3;
	_ =	sdelay $0x1  }
0x188: {  	s11 =	simm.s32 $0x7800  }
0x189: {  	[tilespmem:s11], [sflag:$0x1] =	stream.indirect_vreg.gather [hbm4b:s3+s2], $0x80, v4, vm0, $0xb8;
	[tilespmem:$0x18800] =	vst v63  }
0x18a: {  	s19 =	simm.s32 $0x8000  }
0x18b: {  	[tilespmem:s19], [sflag:$0x1] =	stream.indirect_vreg.gather [hbm4b:s3+s2], $0x80, v3, vm0, $0xb8;
	[tilespmem:$0x18800] =	vst v63  }
0x18c: {  	_ =	swait.ge [sflag:s26], $0x8000  }
0x18d: {  	[sflag:s26] =	ssyncset.done $0x0  }
0x18e: {  	s19 =	rddreg [dreg:$0x6];
	[sflag:s26] =	ssyncadd.s32 $0xFFFF8000  }
0x18f: {  	[hbm4b:s19+s2] =	stream.linear.scatter [tilespmem:s6], [sflag:$0x6], $0x8000, $0x38;
	[tilespmem:$0x18800] =	vst v63  }
0x190: {  	_ =	swait.ge [sflag:s28], $0x8000  }
0x191: {  	[sflag:s28] =	ssyncset.done $0x0  }
0x192: {  	[sflag:s28] =	ssyncadd.s32 $0xFFFF8000  }
0x193: {  	v3 =	vld [tilespmem:$0x200];
	_ =	sdelay $0x4  }
0x194: {  	v24 =	vshll.u32 v3, $0x1  }
0x195: {  	v3 =	vand.u32 $0x7, v3;
	v4 =	vand.u32 $0xFFFFFFF0, v24  }
0x196: {  	v3 =	vor.u32 v3, v4  }
0x197: {  	v4 =	vperm.xlane v3, v0;
	_ =	sdelay $0x1  }
0x198: {  	v3 =	vperm.xlane v3, v2;
	v4 =	vadd.s32 v1, v4;
	_ =	sdelay $0x1  }
0x199: {  	v3 =	vadd.s32 v1, v3;
	_ =	sdelay $0x2  }
0x19a: {  	[tilespmem:s1], [sflag:$0x2] =	stream.indirect_vreg.gather [hbm4b:s3+s2], $0x80, v4, vm0, $0xb8;
	[tilespmem:$0x18800] =	vst v63  }
0x19b: {  	s20 =	simm.s32 $0x9000  }
0x19c: {  	[tilespmem:s20], [sflag:$0x2] =	stream.indirect_vreg.gather [hbm4b:s3+s2], $0x80, v3, vm0, $0xb8;
	[tilespmem:$0x18800] =	vst v63  }
0x19d: {  	v3 =	vld [tilespmem:$0x210];
	_ =	sdelay $0x4  }
0x19e: {  	v25 =	vshll.u32 v3, $0x1  }
0x19f: {  	v3 =	vand.u32 $0x7, v3;
	v4 =	vand.u32 $0xFFFFFFF0, v25  }
0x1a0: {  	v3 =	vor.u32 v3, v4  }
0x1a1: {  	v4 =	vperm.xlane v3, v0;
	_ =	sdelay $0x1  }
0x1a2: {  	v3 =	vperm.xlane v3, v2;
	v4 =	vadd.s32 v1, v4;
	_ =	sdelay $0x1  }
0x1a3: {  	v3 =	vadd.s32 v1, v3;
	_ =	sdelay $0x1  }
0x1a4: {  	s20 =	simm.s32 $0x9800  }
0x1a5: {  	[tilespmem:s20], [sflag:$0x2] =	stream.indirect_vreg.gather [hbm4b:s3+s2], $0x80, v4, vm0, $0xb8;
	[tilespmem:$0x18800] =	vst v63  }
0x1a6: {  	s30 =	simm.s32 $0xA000  }
0x1a7: {  	[tilespmem:s30], [sflag:$0x2] =	stream.indirect_vreg.gather [hbm4b:s3+s2], $0x80, v3, vm0, $0xb8;
	[tilespmem:$0x18800] =	vst v63  }
0x1a8: {  	v3 =	vld [tilespmem:$0x220];
	_ =	sdelay $0x4  }
0x1a9: {  	v26 =	vshll.u32 v3, $0x1  }
0x1aa: {  	v3 =	vand.u32 $0x7, v3;
	v4 =	vand.u32 $0xFFFFFFF0, v26  }
0x1ab: {  	v3 =	vor.u32 v3, v4  }
0x1ac: {  	v4 =	vperm.xlane v3, v0;
	_ =	sdelay $0x1  }
0x1ad: {  	v3 =	vperm.xlane v3, v2;
	v4 =	vadd.s32 v1, v4;
	_ =	sdelay $0x1  }
0x1ae: {  	v3 =	vadd.s32 v1, v3;
	_ =	sdelay $0x1  }
0x1af: {  	s30 =	simm.s32 $0xA800  }
0x1b0: {  	[tilespmem:s30], [sflag:$0x2] =	stream.indirect_vreg.gather [hbm4b:s3+s2], $0x80, v4, vm0, $0xb8;
	[tilespmem:$0x18800] =	vst v63  }
0x1b1: {  	s19 =	simm.s32 $0xB000  }
0x1b2: {  	[tilespmem:s19], [sflag:$0x2] =	stream.indirect_vreg.gather [hbm4b:s3+s2], $0x80, v3, vm0, $0xb8;
	[tilespmem:$0x18800] =	vst v63  }
0x1b3: {  	v3 =	vld [tilespmem:$0x230];
	_ =	sdelay $0x4  }
0x1b4: {  	v27 =	vshll.u32 v3, $0x1  }
0x1b5: {  	v3 =	vand.u32 $0x7, v3;
	v4 =	vand.u32 $0xFFFFFFF0, v27  }
0x1b6: {  	v3 =	vor.u32 v3, v4  }
0x1b7: {  	v4 =	vperm.xlane v3, v0;
	_ =	sdelay $0x1  }
0x1b8: {  	v3 =	vperm.xlane v3, v2;
	v4 =	vadd.s32 v1, v4;
	_ =	sdelay $0x1  }
0x1b9: {  	v3 =	vadd.s32 v1, v3;
	_ =	sdelay $0x1  }
0x1ba: {  	s20 =	simm.s32 $0xB800  }
0x1bb: {  	[tilespmem:s20], [sflag:$0x2] =	stream.indirect_vreg.gather [hbm4b:s3+s2], $0x80, v4, vm0, $0xb8;
	[tilespmem:$0x18800] =	vst v63  }
0x1bc: {  	s30 =	simm.s32 $0xC000  }
0x1bd: {  	[tilespmem:s30], [sflag:$0x2] =	stream.indirect_vreg.gather [hbm4b:s3+s2], $0x80, v3, vm0, $0xb8;
	[tilespmem:$0x18800] =	vst v63  }
0x1be: {  	v3 =	vld [tilespmem:$0x240];
	_ =	sdelay $0x4  }
0x1bf: {  	v28 =	vshll.u32 v3, $0x1  }
0x1c0: {  	v3 =	vand.u32 $0x7, v3;
	v4 =	vand.u32 $0xFFFFFFF0, v28  }
0x1c1: {  	v3 =	vor.u32 v3, v4  }
0x1c2: {  	v4 =	vperm.xlane v3, v0;
	_ =	sdelay $0x1  }
0x1c3: {  	v3 =	vperm.xlane v3, v2;
	v4 =	vadd.s32 v1, v4;
	_ =	sdelay $0x1  }
0x1c4: {  	v3 =	vadd.s32 v1, v3;
	_ =	sdelay $0x1  }
0x1c5: {  	s19 =	simm.s32 $0xC800  }
0x1c6: {  	[tilespmem:s19], [sflag:$0x2] =	stream.indirect_vreg.gather [hbm4b:s3+s2], $0x80, v4, vm0, $0xb8;
	[tilespmem:$0x18800] =	vst v63  }
0x1c7: {  	s20 =	simm.s32 $0xD000  }
0x1c8: {  	[tilespmem:s20], [sflag:$0x2] =	stream.indirect_vreg.gather [hbm4b:s3+s2], $0x80, v3, vm0, $0xb8;
	[tilespmem:$0x18800] =	vst v63  }
0x1c9: {  	v3 =	vld [tilespmem:$0x250];
	_ =	sdelay $0x4  }
0x1ca: {  	v29 =	vshll.u32 v3, $0x1  }
0x1cb: {  	v3 =	vand.u32 $0x7, v3;
	v4 =	vand.u32 $0xFFFFFFF0, v29  }
0x1cc: {  	v3 =	vor.u32 v3, v4  }
0x1cd: {  	v4 =	vperm.xlane v3, v0;
	_ =	sdelay $0x1  }
0x1ce: {  	v3 =	vperm.xlane v3, v2;
	v4 =	vadd.s32 v1, v4;
	_ =	sdelay $0x1  }
0x1cf: {  	v3 =	vadd.s32 v1, v3;
	_ =	sdelay $0x1  }
0x1d0: {  	s30 =	simm.s32 $0xD800  }
0x1d1: {  	[tilespmem:s30], [sflag:$0x2] =	stream.indirect_vreg.gather [hbm4b:s3+s2], $0x80, v4, vm0, $0xb8;
	[tilespmem:$0x18800] =	vst v63  }
0x1d2: {  	s19 =	simm.s32 $0xE000  }
0x1d3: {  	[tilespmem:s19], [sflag:$0x2] =	stream.indirect_vreg.gather [hbm4b:s3+s2], $0x80, v3, vm0, $0xb8;
	[tilespmem:$0x18800] =	vst v63  }
0x1d4: {  	v3 =	vld [tilespmem:$0x260];
	_ =	sdelay $0x4  }
0x1d5: {  	v30 =	vshll.u32 v3, $0x1  }
0x1d6: {  	v3 =	vand.u32 $0x7, v3;
	v4 =	vand.u32 $0xFFFFFFF0, v30  }
0x1d7: {  	v3 =	vor.u32 v3, v4  }
0x1d8: {  	v4 =	vperm.xlane v3, v0;
	_ =	sdelay $0x1  }
0x1d9: {  	v3 =	vperm.xlane v3, v2;
	v4 =	vadd.s32 v1, v4;
	_ =	sdelay $0x1  }
0x1da: {  	v3 =	vadd.s32 v1, v3;
	_ =	sdelay $0x1  }
0x1db: {  	s20 =	simm.s32 $0xE800  }
0x1dc: {  	[tilespmem:s20], [sflag:$0x2] =	stream.indirect_vreg.gather [hbm4b:s3+s2], $0x80, v4, vm0, $0xb8;
	[tilespmem:$0x18800] =	vst v63  }
0x1dd: {  	s30 =	simm.s32 $0xF000  }
0x1de: {  	[tilespmem:s30], [sflag:$0x2] =	stream.indirect_vreg.gather [hbm4b:s3+s2], $0x80, v3, vm0, $0xb8;
	[tilespmem:$0x18800] =	vst v63  }
0x1df: {  	v3 =	vld [tilespmem:$0x270];
	_ =	sdelay $0x4  }
0x1e0: {  	v31 =	vshll.u32 v3, $0x1  }
0x1e1: {  	v3 =	vand.u32 $0x7, v3;
	v4 =	vand.u32 $0xFFFFFFF0, v31  }
0x1e2: {  	v3 =	vor.u32 v3, v4  }
0x1e3: {  	v4 =	vperm.xlane v3, v0;
	_ =	sdelay $0x1  }
0x1e4: {  	v3 =	vperm.xlane v3, v2;
	v4 =	vadd.s32 v1, v4;
	_ =	sdelay $0x1  }
0x1e5: {  	v3 =	vadd.s32 v1, v3;
	_ =	sdelay $0x1  }
0x1e6: {  	s19 =	simm.s32 $0xF800  }
0x1e7: {  	[tilespmem:s19], [sflag:$0x2] =	stream.indirect_vreg.gather [hbm4b:s3+s2], $0x80, v4, vm0, $0xb8;
	[tilespmem:$0x18800] =	vst v63  }
0x1e8: {  	s20 =	simm.s32 $0x10000  }
0x1e9: {  	[tilespmem:s20], [sflag:$0x2] =	stream.indirect_vreg.gather [hbm4b:s3+s2], $0x80, v3, vm0, $0xb8;
	[tilespmem:$0x18800] =	vst v63  }
0x1ea: {  	_ =	swait.ge [sflag:s31], $0x8000  }
0x1eb: {  	[sflag:s31] =	ssyncset.done $0x0  }
0x1ec: {  	s30 =	rddreg [dreg:$0x7];
	[sflag:s31] =	ssyncadd.s32 $0xFFFF8000  }
0x1ed: {  	[hbm4b:s30+s2] =	stream.linear.scatter [tilespmem:s7], [sflag:$0x4], $0x8000, $0x38;
	[tilespmem:$0x18800] =	vst v63  }
0x1ee: {  	_ =	swait.ge [sflag:s29], $0x8000  }
0x1ef: {  	[sflag:s29] =	ssyncset.done $0x0  }
0x1f0: {  	[sflag:s29] =	ssyncadd.s32 $0xFFFF8000  }
0x1f1: {  	v3 =	vld [tilespmem:$0x280];
	_ =	sdelay $0x4  }
0x1f2: {  	v32 =	vshll.u32 v3, $0x1  }
0x1f3: {  	v3 =	vand.u32 $0x7, v3;
	v4 =	vand.u32 $0xFFFFFFF0, v32  }
0x1f4: {  	v3 =	vor.u32 v3, v4  }
0x1f5: {  	v4 =	vperm.xlane v3, v0;
	_ =	sdelay $0x1  }
0x1f6: {  	v3 =	vperm.xlane v3, v2;
	v4 =	vadd.s32 v1, v4;
	_ =	sdelay $0x1  }
0x1f7: {  	v3 =	vadd.s32 v1, v3;
	_ =	sdelay $0x2  }
0x1f8: {  	[tilespmem:s6], [sflag:$0x3] =	stream.indirect_vreg.gather [hbm4b:s3+s2], $0x80, v4, vm0, $0xb8;
	[tilespmem:$0x18800] =	vst v63  }
0x1f9: {  	s19 =	simm.s32 $0x11000  }
0x1fa: {  	[tilespmem:s19], [sflag:$0x3] =	stream.indirect_vreg.gather [hbm4b:s3+s2], $0x80, v3, vm0, $0xb8;
	[tilespmem:$0x18800] =	vst v63  }
0x1fb: {  	v3 =	vld [tilespmem:$0x290];
	_ =	sdelay $0x4  }
0x1fc: {  	v33 =	vshll.u32 v3, $0x1  }
0x1fd: {  	v3 =	vand.u32 $0x7, v3;
	v4 =	vand.u32 $0xFFFFFFF0, v33  }
0x1fe: {  	v3 =	vor.u32 v3, v4  }
0x1ff: {  	v4 =	vperm.xlane v3, v0;
	_ =	sdelay $0x1  }
0x200: {  	v3 =	vperm.xlane v3, v2;
	v4 =	vadd.s32 v1, v4;
	_ =	sdelay $0x1  }
0x201: {  	v3 =	vadd.s32 v1, v3;
	_ =	sdelay $0x1  }
0x202: {  	s20 =	simm.s32 $0x11800  }
0x203: {  	[tilespmem:s20], [sflag:$0x3] =	stream.indirect_vreg.gather [hbm4b:s3+s2], $0x80, v4, vm0, $0xb8;
	[tilespmem:$0x18800] =	vst v63  }
0x204: {  	s30 =	simm.s32 $0x12000  }
0x205: {  	[tilespmem:s30], [sflag:$0x3] =	stream.indirect_vreg.gather [hbm4b:s3+s2], $0x80, v3, vm0, $0xb8;
	[tilespmem:$0x18800] =	vst v63  }
0x206: {  	v3 =	vld [tilespmem:$0x2A0];
	_ =	sdelay $0x4  }
0x207: {  	v34 =	vshll.u32 v3, $0x1  }
0x208: {  	v3 =	vand.u32 $0x7, v3;
	v4 =	vand.u32 $0xFFFFFFF0, v34  }
0x209: {  	v3 =	vor.u32 v3, v4  }
0x20a: {  	v4 =	vperm.xlane v3, v0;
	_ =	sdelay $0x1  }
0x20b: {  	v3 =	vperm.xlane v3, v2;
	v4 =	vadd.s32 v1, v4;
	_ =	sdelay $0x1  }
0x20c: {  	v3 =	vadd.s32 v1, v3;
	_ =	sdelay $0x1  }
0x20d: {  	s20 =	simm.s32 $0x12800  }
0x20e: {  	[tilespmem:s20], [sflag:$0x3] =	stream.indirect_vreg.gather [hbm4b:s3+s2], $0x80, v4, vm0, $0xb8;
	[tilespmem:$0x18800] =	vst v63  }
0x20f: {  	s30 =	simm.s32 $0x13000  }
0x210: {  	[tilespmem:s30], [sflag:$0x3] =	stream.indirect_vreg.gather [hbm4b:s3+s2], $0x80, v3, vm0, $0xb8;
	[tilespmem:$0x18800] =	vst v63  }
0x211: {  	v3 =	vld [tilespmem:$0x2B0];
	_ =	sdelay $0x4  }
0x212: {  	v35 =	vshll.u32 v3, $0x1  }
0x213: {  	v3 =	vand.u32 $0x7, v3;
	v4 =	vand.u32 $0xFFFFFFF0, v35  }
0x214: {  	v3 =	vor.u32 v3, v4  }
0x215: {  	v4 =	vperm.xlane v3, v0;
	_ =	sdelay $0x1  }
0x216: {  	v3 =	vperm.xlane v3, v2;
	v4 =	vadd.s32 v1, v4;
	_ =	sdelay $0x1  }
0x217: {  	v3 =	vadd.s32 v1, v3;
	_ =	sdelay $0x1  }
0x218: {  	s30 =	simm.s32 $0x13800  }
0x219: {  	[tilespmem:s30], [sflag:$0x3] =	stream.indirect_vreg.gather [hbm4b:s3+s2], $0x80, v4, vm0, $0xb8;
	[tilespmem:$0x18800] =	vst v63  }
0x21a: {  	s0 =	simm.s32 $0x14000  }
0x21b: {  	[tilespmem:s0], [sflag:$0x3] =	stream.indirect_vreg.gather [hbm4b:s3+s2], $0x80, v3, vm0, $0xb8;
	[tilespmem:$0x18800] =	vst v63  }
0x21c: {  	v3 =	vld [tilespmem:$0x2C0];
	_ =	sdelay $0x4  }
0x21d: {  	v36 =	vshll.u32 v3, $0x1  }
0x21e: {  	v3 =	vand.u32 $0x7, v3;
	v4 =	vand.u32 $0xFFFFFFF0, v36  }
0x21f: {  	v3 =	vor.u32 v3, v4  }
0x220: {  	v4 =	vperm.xlane v3, v0;
	_ =	sdelay $0x1  }
0x221: {  	v3 =	vperm.xlane v3, v2;
	v4 =	vadd.s32 v1, v4;
	_ =	sdelay $0x1  }
0x222: {  	v3 =	vadd.s32 v1, v3;
	_ =	sdelay $0x1  }
0x223: {  	s0 =	simm.s32 $0x14800  }
0x224: {  	[tilespmem:s0], [sflag:$0x3] =	stream.indirect_vreg.gather [hbm4b:s3+s2], $0x80, v4, vm0, $0xb8;
	[tilespmem:$0x18800] =	vst v63  }
0x225: {  	s0 =	simm.s32 $0x15000  }
0x226: {  	[tilespmem:s0], [sflag:$0x3] =	stream.indirect_vreg.gather [hbm4b:s3+s2], $0x80, v3, vm0, $0xb8;
	[tilespmem:$0x18800] =	vst v63  }
0x227: {  	v3 =	vld [tilespmem:$0x2D0];
	_ =	sdelay $0x4  }
0x228: {  	v37 =	vshll.u32 v3, $0x1  }
0x229: {  	v3 =	vand.u32 $0x7, v3;
	v4 =	vand.u32 $0xFFFFFFF0, v37  }
0x22a: {  	v3 =	vor.u32 v3, v4  }
0x22b: {  	v4 =	vperm.xlane v3, v0;
	_ =	sdelay $0x1  }
0x22c: {  	v3 =	vperm.xlane v3, v2;
	v4 =	vadd.s32 v1, v4;
	_ =	sdelay $0x1  }
0x22d: {  	v3 =	vadd.s32 v1, v3;
	_ =	sdelay $0x1  }
0x22e: {  	s0 =	simm.s32 $0x15800  }
0x22f: {  	[tilespmem:s0], [sflag:$0x3] =	stream.indirect_vreg.gather [hbm4b:s3+s2], $0x80, v4, vm0, $0xb8;
	[tilespmem:$0x18800] =	vst v63  }
0x230: {  	s0 =	simm.s32 $0x16000  }
0x231: {  	[tilespmem:s0], [sflag:$0x3] =	stream.indirect_vreg.gather [hbm4b:s3+s2], $0x80, v3, vm0, $0xb8;
	[tilespmem:$0x18800] =	vst v63  }
0x232: {  	v3 =	vld [tilespmem:$0x2E0];
	_ =	sdelay $0x4  }
0x233: {  	v38 =	vshll.u32 v3, $0x1  }
0x234: {  	v3 =	vand.u32 $0x7, v3;
	v4 =	vand.u32 $0xFFFFFFF0, v38  }
0x235: {  	v3 =	vor.u32 v3, v4  }
0x236: {  	v4 =	vperm.xlane v3, v0;
	_ =	sdelay $0x1  }
0x237: {  	v3 =	vperm.xlane v3, v2;
	v4 =	vadd.s32 v1, v4;
	_ =	sdelay $0x1  }
0x238: {  	v3 =	vadd.s32 v1, v3;
	_ =	sdelay $0x1  }
0x239: {  	s0 =	simm.s32 $0x16800  }
0x23a: {  	[tilespmem:s0], [sflag:$0x3] =	stream.indirect_vreg.gather [hbm4b:s3+s2], $0x80, v4, vm0, $0xb8;
	[tilespmem:$0x18800] =	vst v63  }
0x23b: {  	s0 =	simm.s32 $0x17000  }
0x23c: {  	[tilespmem:s0], [sflag:$0x3] =	stream.indirect_vreg.gather [hbm4b:s3+s2], $0x80, v3, vm0, $0xb8;
	[tilespmem:$0x18800] =	vst v63  }
0x23d: {  	v3 =	vld [tilespmem:$0x2F0];
	_ =	sdelay $0x4  }
0x23e: {  	v39 =	vshll.u32 v3, $0x1  }
0x23f: {  	v3 =	vand.u32 $0x7, v3;
	v4 =	vand.u32 $0xFFFFFFF0, v39  }
0x240: {  	v3 =	vor.u32 v3, v4  }
0x241: {  	v4 =	vperm.xlane v3, v0;
	_ =	sdelay $0x1  }
0x242: {  	v3 =	vperm.xlane v3, v2;
	v4 =	vadd.s32 v1, v4;
	_ =	sdelay $0x1  }
0x243: {  	v3 =	vadd.s32 v1, v3;
	_ =	sdelay $0x1  }
0x244: {  	s0 =	simm.s32 $0x17800  }
0x245: {  	[tilespmem:s0], [sflag:$0x3] =	stream.indirect_vreg.gather [hbm4b:s3+s2], $0x80, v4, vm0, $0xb8;
	[tilespmem:$0x18800] =	vst v63  }
0x246: {  	s0 =	simm.s32 $0x18000  }
0x247: {  	[tilespmem:s0], [sflag:$0x3] =	stream.indirect_vreg.gather [hbm4b:s3+s2], $0x80, v3, vm0, $0xb8;
	[tilespmem:$0x18800] =	vst v63  }
0x248: {  	_ =	swait.ge [sflag:s24], $0x8000  }
0x249: {  	[sflag:s24] =	ssyncset.done $0x0  }
0x24a: {  	s0 =	rddreg [dreg:$0x8];
	[sflag:s24] =	ssyncadd.s32 $0xFFFF8000  }
0x24b: {  	[hbm4b:s0+s2] =	stream.linear.scatter [tilespmem:s1], [sflag:$0x5], $0x8000, $0x38;
	[tilespmem:$0x18800] =	vst v63  }
0x24c: {  	_ =	swait.ge [sflag:s25], $0x8000  }
0x24d: {  	[sflag:s25] =	ssyncset.done $0x0  }
0x24e: {  	[sflag:s25] =	ssyncadd.s32 $0xFFFF8000  }
0x24f: {  	v3 =	vld [tilespmem:$0x300];
	_ =	sdelay $0x4  }
0x250: {  	v40 =	vshll.u32 v3, $0x1  }
0x251: {  	v3 =	vand.u32 $0x7, v3;
	v4 =	vand.u32 $0xFFFFFFF0, v40  }
0x252: {  	v3 =	vor.u32 v3, v4  }
0x253: {  	v4 =	vperm.xlane v3, v0;
	_ =	sdelay $0x1  }
0x254: {  	v3 =	vperm.xlane v3, v2;
	v4 =	vadd.s32 v1, v4;
	_ =	sdelay $0x1  }
0x255: {  	v3 =	vadd.s32 v1, v3;
	_ =	sdelay $0x2  }
0x256: {  	[tilespmem:s7], [sflag:$0x1] =	stream.indirect_vreg.gather [hbm4b:s3+s2], $0x80, v4, vm0, $0xb8;
	[tilespmem:$0x18800] =	vst v63  }
0x257: {  	s0 =	simm.s32 $0x1000  }
0x258: {  	[tilespmem:s0], [sflag:$0x1] =	stream.indirect_vreg.gather [hbm4b:s3+s2], $0x80, v3, vm0, $0xb8;
	[tilespmem:$0x18800] =	vst v63  }
0x259: {  	v3 =	vld [tilespmem:$0x310];
	_ =	sdelay $0x4  }
0x25a: {  	v41 =	vshll.u32 v3, $0x1  }
0x25b: {  	v3 =	vand.u32 $0x7, v3;
	v4 =	vand.u32 $0xFFFFFFF0, v41  }
0x25c: {  	v3 =	vor.u32 v3, v4  }
0x25d: {  	v4 =	vperm.xlane v3, v0;
	_ =	sdelay $0x1  }
0x25e: {  	v3 =	vperm.xlane v3, v2;
	v4 =	vadd.s32 v1, v4;
	_ =	sdelay $0x1  }
0x25f: {  	v3 =	vadd.s32 v1, v3;
	_ =	sdelay $0x1  }
0x260: {  	s12 =	simm.s32 $0x1800  }
0x261: {  	[tilespmem:s12], [sflag:$0x1] =	stream.indirect_vreg.gather [hbm4b:s3+s2], $0x80, v4, vm0, $0xb8;
	[tilespmem:$0x18800] =	vst v63  }
0x262: {  	s13 =	simm.s32 $0x2000  }
0x263: {  	[tilespmem:s13], [sflag:$0x1] =	stream.indirect_vreg.gather [hbm4b:s3+s2], $0x80, v3, vm0, $0xb8;
	[tilespmem:$0x18800] =	vst v63  }
0x264: {  	v3 =	vld [tilespmem:$0x320];
	_ =	sdelay $0x4  }
0x265: {  	v42 =	vshll.u32 v3, $0x1  }
0x266: {  	v3 =	vand.u32 $0x7, v3;
	v4 =	vand.u32 $0xFFFFFFF0, v42  }
0x267: {  	v3 =	vor.u32 v3, v4  }
0x268: {  	v4 =	vperm.xlane v3, v0;
	_ =	sdelay $0x1  }
0x269: {  	v3 =	vperm.xlane v3, v2;
	v4 =	vadd.s32 v1, v4;
	_ =	sdelay $0x1  }
0x26a: {  	v3 =	vadd.s32 v1, v3;
	_ =	sdelay $0x1  }
0x26b: {  	s21 =	simm.s32 $0x2800  }
0x26c: {  	[tilespmem:s21], [sflag:$0x1] =	stream.indirect_vreg.gather [hbm4b:s3+s2], $0x80, v4, vm0, $0xb8;
	[tilespmem:$0x18800] =	vst v63  }
0x26d: {  	s23 =	simm.s32 $0x3000  }
0x26e: {  	[tilespmem:s23], [sflag:$0x1] =	stream.indirect_vreg.gather [hbm4b:s3+s2], $0x80, v3, vm0, $0xb8;
	[tilespmem:$0x18800] =	vst v63  }
0x26f: {  	v3 =	vld [tilespmem:$0x330];
	_ =	sdelay $0x4  }
0x270: {  	v43 =	vshll.u32 v3, $0x1  }
0x271: {  	v3 =	vand.u32 $0x7, v3;
	v4 =	vand.u32 $0xFFFFFFF0, v43  }
0x272: {  	v3 =	vor.u32 v3, v4  }
0x273: {  	v4 =	vperm.xlane v3, v0;
	_ =	sdelay $0x1  }
0x274: {  	v3 =	vperm.xlane v3, v2;
	v4 =	vadd.s32 v1, v4;
	_ =	sdelay $0x1  }
0x275: {  	v3 =	vadd.s32 v1, v3;
	_ =	sdelay $0x1  }
0x276: {  	s14 =	simm.s32 $0x3800  }
0x277: {  	[tilespmem:s14], [sflag:$0x1] =	stream.indirect_vreg.gather [hbm4b:s3+s2], $0x80, v4, vm0, $0xb8;
	[tilespmem:$0x18800] =	vst v63  }
0x278: {  	s22 =	simm.s32 $0x4000  }
0x279: {  	[tilespmem:s22], [sflag:$0x1] =	stream.indirect_vreg.gather [hbm4b:s3+s2], $0x80, v3, vm0, $0xb8;
	[tilespmem:$0x18800] =	vst v63  }
0x27a: {  	v3 =	vld [tilespmem:$0x340];
	_ =	sdelay $0x4  }
0x27b: {  	v44 =	vshll.u32 v3, $0x1  }
0x27c: {  	v3 =	vand.u32 $0x7, v3;
	v4 =	vand.u32 $0xFFFFFFF0, v44  }
0x27d: {  	v3 =	vor.u32 v3, v4  }
0x27e: {  	v4 =	vperm.xlane v3, v0;
	_ =	sdelay $0x1  }
0x27f: {  	v3 =	vperm.xlane v3, v2;
	v4 =	vadd.s32 v1, v4;
	_ =	sdelay $0x1  }
0x280: {  	v3 =	vadd.s32 v1, v3;
	_ =	sdelay $0x1  }
0x281: {  	s15 =	simm.s32 $0x4800  }
0x282: {  	[tilespmem:s15], [sflag:$0x1] =	stream.indirect_vreg.gather [hbm4b:s3+s2], $0x80, v4, vm0, $0xb8;
	[tilespmem:$0x18800] =	vst v63  }
0x283: {  	s16 =	simm.s32 $0x5000  }
0x284: {  	[tilespmem:s16], [sflag:$0x1] =	stream.indirect_vreg.gather [hbm4b:s3+s2], $0x80, v3, vm0, $0xb8;
	[tilespmem:$0x18800] =	vst v63  }
0x285: {  	v3 =	vld [tilespmem:$0x350];
	_ =	sdelay $0x4  }
0x286: {  	v45 =	vshll.u32 v3, $0x1  }
0x287: {  	v3 =	vand.u32 $0x7, v3;
	v4 =	vand.u32 $0xFFFFFFF0, v45  }
0x288: {  	v3 =	vor.u32 v3, v4  }
0x289: {  	v4 =	vperm.xlane v3, v0;
	_ =	sdelay $0x1  }
0x28a: {  	v3 =	vperm.xlane v3, v2;
	v4 =	vadd.s32 v1, v4;
	_ =	sdelay $0x1  }
0x28b: {  	v3 =	vadd.s32 v1, v3;
	_ =	sdelay $0x1  }
0x28c: {  	s8 =	simm.s32 $0x5800  }
0x28d: {  	[tilespmem:s8], [sflag:$0x1] =	stream.indirect_vreg.gather [hbm4b:s3+s2], $0x80, v4, vm0, $0xb8;
	[tilespmem:$0x18800] =	vst v63  }
0x28e: {  	s17 =	simm.s32 $0x6000  }
0x28f: {  	[tilespmem:s17], [sflag:$0x1] =	stream.indirect_vreg.gather [hbm4b:s3+s2], $0x80, v3, vm0, $0xb8;
	[tilespmem:$0x18800] =	vst v63  }
0x290: {  	v3 =	vld [tilespmem:$0x360];
	_ =	sdelay $0x4  }
0x291: {  	v46 =	vshll.u32 v3, $0x1  }
0x292: {  	v3 =	vand.u32 $0x7, v3;
	v4 =	vand.u32 $0xFFFFFFF0, v46  }
0x293: {  	v3 =	vor.u32 v3, v4  }
0x294: {  	v4 =	vperm.xlane v3, v0;
	_ =	sdelay $0x1  }
0x295: {  	v3 =	vperm.xlane v3, v2;
	v4 =	vadd.s32 v1, v4;
	_ =	sdelay $0x1  }
0x296: {  	v3 =	vadd.s32 v1, v3;
	_ =	sdelay $0x1  }
0x297: {  	s9 =	simm.s32 $0x6800  }
0x298: {  	[tilespmem:s9], [sflag:$0x1] =	stream.indirect_vreg.gather [hbm4b:s3+s2], $0x80, v4, vm0, $0xb8;
	[tilespmem:$0x18800] =	vst v63  }
0x299: {  	s18 =	simm.s32 $0x7000  }
0x29a: {  	[tilespmem:s18], [sflag:$0x1] =	stream.indirect_vreg.gather [hbm4b:s3+s2], $0x80, v3, vm0, $0xb8;
	[tilespmem:$0x18800] =	vst v63  }
0x29b: {  	v3 =	vld [tilespmem:$0x370];
	_ =	sdelay $0x4  }
0x29c: {  	v47 =	vshll.u32 v3, $0x1  }
0x29d: {  	v3 =	vand.u32 $0x7, v3;
	v4 =	vand.u32 $0xFFFFFFF0, v47  }
0x29e: {  	v3 =	vor.u32 v3, v4  }
0x29f: {  	v4 =	vperm.xlane v3, v0;
	_ =	sdelay $0x1  }
0x2a0: {  	v3 =	vperm.xlane v3, v2;
	v4 =	vadd.s32 v1, v4;
	_ =	sdelay $0x1  }
0x2a1: {  	v3 =	vadd.s32 v1, v3;
	_ =	sdelay $0x1  }
0x2a2: {  	s10 =	simm.s32 $0x7800  }
0x2a3: {  	[tilespmem:s10], [sflag:$0x1] =	stream.indirect_vreg.gather [hbm4b:s3+s2], $0x80, v4, vm0, $0xb8;
	[tilespmem:$0x18800] =	vst v63  }
0x2a4: {  	s11 =	simm.s32 $0x8000  }
0x2a5: {  	[tilespmem:s11], [sflag:$0x1] =	stream.indirect_vreg.gather [hbm4b:s3+s2], $0x80, v3, vm0, $0xb8;
	[tilespmem:$0x18800] =	vst v63  }
0x2a6: {  	_ =	swait.ge [sflag:s26], $0x8000  }
0x2a7: {  	[sflag:s26] =	ssyncset.done $0x0  }
0x2a8: {  	s0 =	rddreg [dreg:$0x9];
	[sflag:s26] =	ssyncadd.s32 $0xFFFF8000  }
0x2a9: {  	[hbm4b:s0+s2] =	stream.linear.scatter [tilespmem:s6], [sflag:$0x6], $0x8000, $0x38;
	[tilespmem:$0x18800] =	vst v63  }
0x2aa: {  	_ =	swait.ge [sflag:s28], $0x8000  }
0x2ab: {  	[sflag:s28] =	ssyncset.done $0x0  }
0x2ac: {  	[sflag:s28] =	ssyncadd.s32 $0xFFFF8000  }
0x2ad: {  	v3 =	vld [tilespmem:$0x380];
	_ =	sdelay $0x4  }
0x2ae: {  	v48 =	vshll.u32 v3, $0x1  }
0x2af: {  	v3 =	vand.u32 $0x7, v3;
	v4 =	vand.u32 $0xFFFFFFF0, v48  }
0x2b0: {  	v3 =	vor.u32 v3, v4  }
0x2b1: {  	v4 =	vperm.xlane v3, v0;
	_ =	sdelay $0x1  }
0x2b2: {  	v3 =	vperm.xlane v3, v2;
	v4 =	vadd.s32 v1, v4;
	_ =	sdelay $0x1  }
0x2b3: {  	v3 =	vadd.s32 v1, v3;
	_ =	sdelay $0x2  }
0x2b4: {  	[tilespmem:s1], [sflag:$0x2] =	stream.indirect_vreg.gather [hbm4b:s3+s2], $0x80, v4, vm0, $0xb8;
	[tilespmem:$0x18800] =	vst v63  }
0x2b5: {  	s0 =	simm.s32 $0x9000  }
0x2b6: {  	[tilespmem:s0], [sflag:$0x2] =	stream.indirect_vreg.gather [hbm4b:s3+s2], $0x80, v3, vm0, $0xb8;
	[tilespmem:$0x18800] =	vst v63  }
0x2b7: {  	v3 =	vld [tilespmem:$0x390];
	_ =	sdelay $0x4  }
0x2b8: {  	v49 =	vshll.u32 v3, $0x1  }
0x2b9: {  	v3 =	vand.u32 $0x7, v3;
	v4 =	vand.u32 $0xFFFFFFF0, v49  }
0x2ba: {  	v3 =	vor.u32 v3, v4  }
0x2bb: {  	v4 =	vperm.xlane v3, v0;
	_ =	sdelay $0x1  }
0x2bc: {  	v3 =	vperm.xlane v3, v2;
	v4 =	vadd.s32 v1, v4;
	_ =	sdelay $0x1  }
0x2bd: {  	v3 =	vadd.s32 v1, v3;
	_ =	sdelay $0x1  }
0x2be: {  	s0 =	simm.s32 $0x9800  }
0x2bf: {  	[tilespmem:s0], [sflag:$0x2] =	stream.indirect_vreg.gather [hbm4b:s3+s2], $0x80, v4, vm0, $0xb8;
	[tilespmem:$0x18800] =	vst v63  }
0x2c0: {  	s0 =	simm.s32 $0xA000  }
0x2c1: {  	[tilespmem:s0], [sflag:$0x2] =	stream.indirect_vreg.gather [hbm4b:s3+s2], $0x80, v3, vm0, $0xb8;
	[tilespmem:$0x18800] =	vst v63  }
0x2c2: {  	v3 =	vld [tilespmem:$0x3A0];
	_ =	sdelay $0x4  }
0x2c3: {  	v50 =	vshll.u32 v3, $0x1  }
0x2c4: {  	v3 =	vand.u32 $0x7, v3;
	v4 =	vand.u32 $0xFFFFFFF0, v50  }
0x2c5: {  	v3 =	vor.u32 v3, v4  }
0x2c6: {  	v4 =	vperm.xlane v3, v0;
	_ =	sdelay $0x1  }
0x2c7: {  	v3 =	vperm.xlane v3, v2;
	v4 =	vadd.s32 v1, v4;
	_ =	sdelay $0x1  }
0x2c8: {  	v3 =	vadd.s32 v1, v3;
	_ =	sdelay $0x1  }
0x2c9: {  	s0 =	simm.s32 $0xA800  }
0x2ca: {  	[tilespmem:s0], [sflag:$0x2] =	stream.indirect_vreg.gather [hbm4b:s3+s2], $0x80, v4, vm0, $0xb8;
	[tilespmem:$0x18800] =	vst v63  }
0x2cb: {  	s0 =	simm.s32 $0xB000  }
0x2cc: {  	[tilespmem:s0], [sflag:$0x2] =	stream.indirect_vreg.gather [hbm4b:s3+s2], $0x80, v3, vm0, $0xb8;
	[tilespmem:$0x18800] =	vst v63  }
0x2cd: {  	v3 =	vld [tilespmem:$0x3B0];
	_ =	sdelay $0x4  }
0x2ce: {  	v51 =	vshll.u32 v3, $0x1  }
0x2cf: {  	v3 =	vand.u32 $0x7, v3;
	v4 =	vand.u32 $0xFFFFFFF0, v51  }
0x2d0: {  	v3 =	vor.u32 v3, v4  }
0x2d1: {  	v4 =	vperm.xlane v3, v0;
	_ =	sdelay $0x1  }
0x2d2: {  	v3 =	vperm.xlane v3, v2;
	v4 =	vadd.s32 v1, v4;
	_ =	sdelay $0x1  }
0x2d3: {  	v3 =	vadd.s32 v1, v3;
	_ =	sdelay $0x1  }
0x2d4: {  	s0 =	simm.s32 $0xB800  }
0x2d5: {  	[tilespmem:s0], [sflag:$0x2] =	stream.indirect_vreg.gather [hbm4b:s3+s2], $0x80, v4, vm0, $0xb8;
	[tilespmem:$0x18800] =	vst v63  }
0x2d6: {  	s0 =	simm.s32 $0xC000  }
0x2d7: {  	[tilespmem:s0], [sflag:$0x2] =	stream.indirect_vreg.gather [hbm4b:s3+s2], $0x80, v3, vm0, $0xb8;
	[tilespmem:$0x18800] =	vst v63  }
0x2d8: {  	v3 =	vld [tilespmem:$0x3C0];
	_ =	sdelay $0x4  }
0x2d9: {  	v52 =	vshll.u32 v3, $0x1  }
0x2da: {  	v3 =	vand.u32 $0x7, v3;
	v4 =	vand.u32 $0xFFFFFFF0, v52  }
0x2db: {  	v3 =	vor.u32 v3, v4  }
0x2dc: {  	v4 =	vperm.xlane v3, v0;
	_ =	sdelay $0x1  }
0x2dd: {  	v3 =	vperm.xlane v3, v2;
	v4 =	vadd.s32 v1, v4;
	_ =	sdelay $0x1  }
0x2de: {  	v3 =	vadd.s32 v1, v3;
	_ =	sdelay $0x1  }
0x2df: {  	s0 =	simm.s32 $0xC800  }
0x2e0: {  	[tilespmem:s0], [sflag:$0x2] =	stream.indirect_vreg.gather [hbm4b:s3+s2], $0x80, v4, vm0, $0xb8;
	[tilespmem:$0x18800] =	vst v63  }
0x2e1: {  	s0 =	simm.s32 $0xD000  }
0x2e2: {  	[tilespmem:s0], [sflag:$0x2] =	stream.indirect_vreg.gather [hbm4b:s3+s2], $0x80, v3, vm0, $0xb8;
	[tilespmem:$0x18800] =	vst v63  }
0x2e3: {  	v3 =	vld [tilespmem:$0x3D0];
	_ =	sdelay $0x4  }
0x2e4: {  	v53 =	vshll.u32 v3, $0x1  }
0x2e5: {  	v3 =	vand.u32 $0x7, v3;
	v4 =	vand.u32 $0xFFFFFFF0, v53  }
0x2e6: {  	v3 =	vor.u32 v3, v4  }
0x2e7: {  	v4 =	vperm.xlane v3, v0;
	_ =	sdelay $0x1  }
0x2e8: {  	v3 =	vperm.xlane v3, v2;
	v4 =	vadd.s32 v1, v4;
	_ =	sdelay $0x1  }
0x2e9: {  	v3 =	vadd.s32 v1, v3;
	_ =	sdelay $0x1  }
0x2ea: {  	s0 =	simm.s32 $0xD800  }
0x2eb: {  	[tilespmem:s0], [sflag:$0x2] =	stream.indirect_vreg.gather [hbm4b:s3+s2], $0x80, v4, vm0, $0xb8;
	[tilespmem:$0x18800] =	vst v63  }
0x2ec: {  	s0 =	simm.s32 $0xE000  }
0x2ed: {  	[tilespmem:s0], [sflag:$0x2] =	stream.indirect_vreg.gather [hbm4b:s3+s2], $0x80, v3, vm0, $0xb8;
	[tilespmem:$0x18800] =	vst v63  }
0x2ee: {  	v3 =	vld [tilespmem:$0x3E0];
	_ =	sdelay $0x4  }
0x2ef: {  	v54 =	vshll.u32 v3, $0x1  }
0x2f0: {  	v3 =	vand.u32 $0x7, v3;
	v4 =	vand.u32 $0xFFFFFFF0, v54  }
0x2f1: {  	v3 =	vor.u32 v3, v4  }
0x2f2: {  	v4 =	vperm.xlane v3, v0;
	_ =	sdelay $0x1  }
0x2f3: {  	v3 =	vperm.xlane v3, v2;
	v4 =	vadd.s32 v1, v4;
	_ =	sdelay $0x1  }
0x2f4: {  	v3 =	vadd.s32 v1, v3;
	_ =	sdelay $0x1  }
0x2f5: {  	s0 =	simm.s32 $0xE800  }
0x2f6: {  	[tilespmem:s0], [sflag:$0x2] =	stream.indirect_vreg.gather [hbm4b:s3+s2], $0x80, v4, vm0, $0xb8;
	[tilespmem:$0x18800] =	vst v63  }
0x2f7: {  	s0 =	simm.s32 $0xF000  }
0x2f8: {  	[tilespmem:s0], [sflag:$0x2] =	stream.indirect_vreg.gather [hbm4b:s3+s2], $0x80, v3, vm0, $0xb8;
	[tilespmem:$0x18800] =	vst v63  }
0x2f9: {  	v3 =	vld [tilespmem:$0x3F0];
	_ =	sdelay $0x4  }
0x2fa: {  	v55 =	vshll.u32 v3, $0x1  }
0x2fb: {  	v3 =	vand.u32 $0x7, v3;
	v4 =	vand.u32 $0xFFFFFFF0, v55  }
0x2fc: {  	v3 =	vor.u32 v3, v4  }
0x2fd: {  	v4 =	vperm.xlane v3, v0;
	_ =	sdelay $0x1  }
0x2fe: {  	v3 =	vperm.xlane v3, v2;
	v4 =	vadd.s32 v1, v4;
	_ =	sdelay $0x1  }
0x2ff: {  	v3 =	vadd.s32 v1, v3;
	_ =	sdelay $0x1  }
0x300: {  	s0 =	simm.s32 $0xF800  }
0x301: {  	[tilespmem:s0], [sflag:$0x2] =	stream.indirect_vreg.gather [hbm4b:s3+s2], $0x80, v4, vm0, $0xb8;
	[tilespmem:$0x18800] =	vst v63  }
0x302: {  	s0 =	simm.s32 $0x10000  }
0x303: {  	[tilespmem:s0], [sflag:$0x2] =	stream.indirect_vreg.gather [hbm4b:s3+s2], $0x80, v3, vm0, $0xb8;
	[tilespmem:$0x18800] =	vst v63  }
0x304: {  	_ =	swait.ge [sflag:s31], $0x8000  }
0x305: {  	[sflag:s31] =	ssyncset.done $0x0  }
0x306: {  	s0 =	rddreg [dreg:$0xa];
	[sflag:s31] =	ssyncadd.s32 $0xFFFF8000  }
0x307: {  	[hbm4b:s0+s2] =	stream.linear.scatter [tilespmem:s7], [sflag:$0x4], $0x8000, $0x38;
	[tilespmem:$0x18800] =	vst v63  }
0x308: {  	_ =	swait.ge [sflag:s29], $0x8000  }
0x309: {  	[sflag:s29] =	ssyncset.done $0x0  }
0x30a: {  	[sflag:s29] =	ssyncadd.s32 $0xFFFF8000  }
0x30b: {  	v3 =	vld [tilespmem:$0x400];
	_ =	sdelay $0x4  }
0x30c: {  	v56 =	vshll.u32 v3, $0x1  }
0x30d: {  	v3 =	vand.u32 $0x7, v3;
	v4 =	vand.u32 $0xFFFFFFF0, v56  }
0x30e: {  	v3 =	vor.u32 v3, v4  }
0x30f: {  	v4 =	vperm.xlane v3, v0;
	_ =	sdelay $0x1  }
0x310: {  	v3 =	vperm.xlane v3, v2;
	v4 =	vadd.s32 v1, v4;
	_ =	sdelay $0x1  }
0x311: {  	v3 =	vadd.s32 v1, v3;
	_ =	sdelay $0x2  }
0x312: {  	[tilespmem:s6], [sflag:$0x3] =	stream.indirect_vreg.gather [hbm4b:s4+s2], $0x80, v4, vm0, $0xb8;
	[tilespmem:$0x18800] =	vst v63  }
0x313: {  	s0 =	simm.s32 $0x11000  }
0x314: {  	[tilespmem:s0], [sflag:$0x3] =	stream.indirect_vreg.gather [hbm4b:s4+s2], $0x80, v3, vm0, $0xb8;
	[tilespmem:$0x18800] =	vst v63  }
0x315: {  	v3 =	vld [tilespmem:$0x410];
	_ =	sdelay $0x4  }
0x316: {  	v57 =	vshll.u32 v3, $0x1  }
0x317: {  	v3 =	vand.u32 $0x7, v3;
	v4 =	vand.u32 $0xFFFFFFF0, v57  }
0x318: {  	v3 =	vor.u32 v3, v4  }
0x319: {  	v4 =	vperm.xlane v3, v0;
	_ =	sdelay $0x1  }
0x31a: {  	v3 =	vperm.xlane v3, v2;
	v4 =	vadd.s32 v1, v4;
	_ =	sdelay $0x1  }
0x31b: {  	v3 =	vadd.s32 v1, v3;
	_ =	sdelay $0x1  }
0x31c: {  	s19 =	simm.s32 $0x11800  }
0x31d: {  	[tilespmem:s19], [sflag:$0x3] =	stream.indirect_vreg.gather [hbm4b:s4+s2], $0x80, v4, vm0, $0xb8;
	[tilespmem:$0x18800] =	vst v63  }
0x31e: {  	s0 =	simm.s32 $0x12000  }
0x31f: {  	[tilespmem:s0], [sflag:$0x3] =	stream.indirect_vreg.gather [hbm4b:s4+s2], $0x80, v3, vm0, $0xb8;
	[tilespmem:$0x18800] =	vst v63  }
0x320: {  	v3 =	vld [tilespmem:$0x420];
	_ =	sdelay $0x4  }
0x321: {  	v58 =	vshll.u32 v3, $0x1  }
0x322: {  	v3 =	vand.u32 $0x7, v3;
	v4 =	vand.u32 $0xFFFFFFF0, v58  }
0x323: {  	v3 =	vor.u32 v3, v4  }
0x324: {  	v4 =	vperm.xlane v3, v0;
	_ =	sdelay $0x1  }
0x325: {  	v3 =	vperm.xlane v3, v2;
	v4 =	vadd.s32 v1, v4;
	_ =	sdelay $0x1  }
0x326: {  	v3 =	vadd.s32 v1, v3;
	_ =	sdelay $0x1  }
0x327: {  	s20 =	simm.s32 $0x12800  }
0x328: {  	[tilespmem:s20], [sflag:$0x3] =	stream.indirect_vreg.gather [hbm4b:s4+s2], $0x80, v4, vm0, $0xb8;
	[tilespmem:$0x18800] =	vst v63  }
0x329: {  	s0 =	simm.s32 $0x13000  }
0x32a: {  	[tilespmem:s0], [sflag:$0x3] =	stream.indirect_vreg.gather [hbm4b:s4+s2], $0x80, v3, vm0, $0xb8;
	[tilespmem:$0x18800] =	vst v63  }
0x32b: {  	v3 =	vld [tilespmem:$0x430];
	_ =	sdelay $0x4  }
0x32c: {  	v59 =	vshll.u32 v3, $0x1  }
0x32d: {  	v3 =	vand.u32 $0x7, v3;
	v4 =	vand.u32 $0xFFFFFFF0, v59  }
0x32e: {  	v3 =	vor.u32 v3, v4  }
0x32f: {  	v4 =	vperm.xlane v3, v0;
	_ =	sdelay $0x1  }
0x330: {  	v3 =	vperm.xlane v3, v2;
	v4 =	vadd.s32 v1, v4;
	_ =	sdelay $0x1  }
0x331: {  	v3 =	vadd.s32 v1, v3;
	_ =	sdelay $0x1  }
0x332: {  	s30 =	simm.s32 $0x13800  }
0x333: {  	[tilespmem:s30], [sflag:$0x3] =	stream.indirect_vreg.gather [hbm4b:s4+s2], $0x80, v4, vm0, $0xb8;
	[tilespmem:$0x18800] =	vst v63  }
0x334: {  	s0 =	simm.s32 $0x14000  }
0x335: {  	[tilespmem:s0], [sflag:$0x3] =	stream.indirect_vreg.gather [hbm4b:s4+s2], $0x80, v3, vm0, $0xb8;
	[tilespmem:$0x18800] =	vst v63  }
0x336: {  	v3 =	vld [tilespmem:$0x440];
	_ =	sdelay $0x4  }
0x337: {  	v60 =	vshll.u32 v3, $0x1  }
0x338: {  	v3 =	vand.u32 $0x7, v3;
	v4 =	vand.u32 $0xFFFFFFF0, v60  }
0x339: {  	v3 =	vor.u32 v3, v4  }
0x33a: {  	v4 =	vperm.xlane v3, v0;
	_ =	sdelay $0x1  }
0x33b: {  	v3 =	vperm.xlane v3, v2;
	v4 =	vadd.s32 v1, v4;
	_ =	sdelay $0x1  }
0x33c: {  	v3 =	vadd.s32 v1, v3;
	_ =	sdelay $0x1  }
0x33d: {  	s0 =	simm.s32 $0x14800  }
0x33e: {  	[tilespmem:s0], [sflag:$0x3] =	stream.indirect_vreg.gather [hbm4b:s4+s2], $0x80, v4, vm0, $0xb8;
	[tilespmem:$0x18800] =	vst v63  }
0x33f: {  	s0 =	simm.s32 $0x15000  }
0x340: {  	[tilespmem:s0], [sflag:$0x3] =	stream.indirect_vreg.gather [hbm4b:s4+s2], $0x80, v3, vm0, $0xb8;
	[tilespmem:$0x18800] =	vst v63  }
0x341: {  	v3 =	vld [tilespmem:$0x450];
	_ =	sdelay $0x4  }
0x342: {  	v61 =	vshll.u32 v3, $0x1  }
0x343: {  	v3 =	vand.u32 $0x7, v3;
	v4 =	vand.u32 $0xFFFFFFF0, v61  }
0x344: {  	v3 =	vor.u32 v3, v4  }
0x345: {  	v4 =	vperm.xlane v3, v0;
	_ =	sdelay $0x1  }
0x346: {  	v3 =	vperm.xlane v3, v2;
	v4 =	vadd.s32 v1, v4;
	_ =	sdelay $0x1  }
0x347: {  	v3 =	vadd.s32 v1, v3;
	_ =	sdelay $0x1  }
0x348: {  	s0 =	simm.s32 $0x15800  }
0x349: {  	[tilespmem:s0], [sflag:$0x3] =	stream.indirect_vreg.gather [hbm4b:s4+s2], $0x80, v4, vm0, $0xb8;
	[tilespmem:$0x18800] =	vst v63  }
0x34a: {  	s0 =	simm.s32 $0x16000  }
0x34b: {  	[tilespmem:s0], [sflag:$0x3] =	stream.indirect_vreg.gather [hbm4b:s4+s2], $0x80, v3, vm0, $0xb8;
	[tilespmem:$0x18800] =	vst v63  }
0x34c: {  	v3 =	vld [tilespmem:$0x460];
	_ =	sdelay $0x4  }
0x34d: {  	v62 =	vshll.u32 v3, $0x1  }
0x34e: {  	v3 =	vand.u32 $0x7, v3;
	v4 =	vand.u32 $0xFFFFFFF0, v62  }
0x34f: {  	v3 =	vor.u32 v3, v4  }
0x350: {  	v4 =	vperm.xlane v3, v0;
	_ =	sdelay $0x1  }
0x351: {  	v3 =	vperm.xlane v3, v2;
	v4 =	vadd.s32 v1, v4;
	_ =	sdelay $0x1  }
0x352: {  	v3 =	vadd.s32 v1, v3;
	_ =	sdelay $0x1  }
0x353: {  	s0 =	simm.s32 $0x16800  }
0x354: {  	[tilespmem:s0], [sflag:$0x3] =	stream.indirect_vreg.gather [hbm4b:s4+s2], $0x80, v4, vm0, $0xb8;
	[tilespmem:$0x18800] =	vst v63  }
0x355: {  	s0 =	simm.s32 $0x17000  }
0x356: {  	[tilespmem:s0], [sflag:$0x3] =	stream.indirect_vreg.gather [hbm4b:s4+s2], $0x80, v3, vm0, $0xb8;
	[tilespmem:$0x18800] =	vst v63  }
0x357: {  	v3 =	vld [tilespmem:$0x470];
	_ =	sdelay $0x4  }
0x358: {  	v63 =	vshll.u32 v3, $0x1  }
0x359: {  	v3 =	vand.u32 $0x7, v3;
	v4 =	vand.u32 $0xFFFFFFF0, v63  }
0x35a: {  	v3 =	vor.u32 v3, v4  }
0x35b: {  	v4 =	vperm.xlane v3, v0;
	_ =	sdelay $0x1  }
0x35c: {  	v3 =	vperm.xlane v3, v2;
	v4 =	vadd.s32 v1, v4;
	_ =	sdelay $0x1  }
0x35d: {  	v3 =	vadd.s32 v1, v3;
	_ =	sdelay $0x1  }
0x35e: {  	s0 =	simm.s32 $0x17800  }
0x35f: {  	[tilespmem:s0], [sflag:$0x3] =	stream.indirect_vreg.gather [hbm4b:s4+s2], $0x80, v4, vm0, $0xb8;
	[tilespmem:$0x18800] =	vst v63  }
0x360: {  	s0 =	simm.s32 $0x18000  }
0x361: {  	[tilespmem:s0], [sflag:$0x3] =	stream.indirect_vreg.gather [hbm4b:s4+s2], $0x80, v3, vm0, $0xb8;
	[tilespmem:$0x18800] =	vst v63  }
0x362: {  	_ =	swait.ge [sflag:s24], $0x8000  }
0x363: {  	[sflag:s24] =	ssyncset.done $0x0  }
0x364: {  	s0 =	rddreg [dreg:$0xb];
	[sflag:s24] =	ssyncadd.s32 $0xFFFF8000  }
0x365: {  	[hbm4b:s0+s2] =	stream.linear.scatter [tilespmem:s1], [sflag:$0x5], $0x8000, $0x38;
	[tilespmem:$0x18800] =	vst v63  }
0x366: {  	_ =	swait.ge [sflag:s25], $0x8000  }
0x367: {  	[sflag:s25] =	ssyncset.done $0x0  }
0x368: {  	[sflag:s25] =	ssyncadd.s32 $0xFFFF8000  }
0x369: {  	v3 =	vld [tilespmem:$0x480];
	_ =	sdelay $0x4  }
0x36a: {  	v8 =	vshll.u32 v3, $0x1  }
0x36b: {  	v3 =	vand.u32 $0x7, v3;
	v4 =	vand.u32 $0xFFFFFFF0, v8  }
0x36c: {  	v3 =	vor.u32 v3, v4  }
0x36d: {  	v4 =	vperm.xlane v3, v0;
	_ =	sdelay $0x1  }
0x36e: {  	v3 =	vperm.xlane v3, v2;
	v4 =	vadd.s32 v1, v4;
	_ =	sdelay $0x1  }
0x36f: {  	v3 =	vadd.s32 v1, v3;
	_ =	sdelay $0x2  }
0x370: {  	[tilespmem:s7], [sflag:$0x1] =	stream.indirect_vreg.gather [hbm4b:s4+s2], $0x80, v4, vm0, $0xb8;
	[tilespmem:$0x18800] =	vst v63  }
0x371: {  	s0 =	simm.s32 $0x1000  }
0x372: {  	[tilespmem:s0], [sflag:$0x1] =	stream.indirect_vreg.gather [hbm4b:s4+s2], $0x80, v3, vm0, $0xb8;
	[tilespmem:$0x18800] =	vst v63  }
0x373: {  	v3 =	vld [tilespmem:$0x490];
	_ =	sdelay $0x4  }
0x374: {  	v9 =	vshll.u32 v3, $0x1  }
0x375: {  	v3 =	vand.u32 $0x7, v3;
	v4 =	vand.u32 $0xFFFFFFF0, v9  }
0x376: {  	v3 =	vor.u32 v3, v4  }
0x377: {  	v4 =	vperm.xlane v3, v0;
	_ =	sdelay $0x1  }
0x378: {  	v3 =	vperm.xlane v3, v2;
	v4 =	vadd.s32 v1, v4;
	_ =	sdelay $0x1  }
0x379: {  	v3 =	vadd.s32 v1, v3;
	_ =	sdelay $0x1  }
0x37a: {  	s12 =	simm.s32 $0x1800  }
0x37b: {  	[tilespmem:s12], [sflag:$0x1] =	stream.indirect_vreg.gather [hbm4b:s4+s2], $0x80, v4, vm0, $0xb8;
	[tilespmem:$0x18800] =	vst v63  }
0x37c: {  	s13 =	simm.s32 $0x2000  }
0x37d: {  	[tilespmem:s13], [sflag:$0x1] =	stream.indirect_vreg.gather [hbm4b:s4+s2], $0x80, v3, vm0, $0xb8;
	[tilespmem:$0x18800] =	vst v63  }
0x37e: {  	v3 =	vld [tilespmem:$0x4A0];
	_ =	sdelay $0x4  }
0x37f: {  	v10 =	vshll.u32 v3, $0x1  }
0x380: {  	v3 =	vand.u32 $0x7, v3;
	v4 =	vand.u32 $0xFFFFFFF0, v10  }
0x381: {  	v3 =	vor.u32 v3, v4  }
0x382: {  	v4 =	vperm.xlane v3, v0;
	_ =	sdelay $0x1  }
0x383: {  	v3 =	vperm.xlane v3, v2;
	v4 =	vadd.s32 v1, v4;
	_ =	sdelay $0x1  }
0x384: {  	v3 =	vadd.s32 v1, v3;
	_ =	sdelay $0x1  }
0x385: {  	s21 =	simm.s32 $0x2800  }
0x386: {  	[tilespmem:s21], [sflag:$0x1] =	stream.indirect_vreg.gather [hbm4b:s4+s2], $0x80, v4, vm0, $0xb8;
	[tilespmem:$0x18800] =	vst v63  }
0x387: {  	s23 =	simm.s32 $0x3000  }
0x388: {  	[tilespmem:s23], [sflag:$0x1] =	stream.indirect_vreg.gather [hbm4b:s4+s2], $0x80, v3, vm0, $0xb8;
	[tilespmem:$0x18800] =	vst v63  }
0x389: {  	v3 =	vld [tilespmem:$0x4B0];
	_ =	sdelay $0x4  }
0x38a: {  	v11 =	vshll.u32 v3, $0x1  }
0x38b: {  	v3 =	vand.u32 $0x7, v3;
	v4 =	vand.u32 $0xFFFFFFF0, v11  }
0x38c: {  	v3 =	vor.u32 v3, v4  }
0x38d: {  	v4 =	vperm.xlane v3, v0;
	_ =	sdelay $0x1  }
0x38e: {  	v3 =	vperm.xlane v3, v2;
	v4 =	vadd.s32 v1, v4;
	_ =	sdelay $0x1  }
0x38f: {  	v3 =	vadd.s32 v1, v3;
	_ =	sdelay $0x1  }
0x390: {  	s14 =	simm.s32 $0x3800  }
0x391: {  	[tilespmem:s14], [sflag:$0x1] =	stream.indirect_vreg.gather [hbm4b:s4+s2], $0x80, v4, vm0, $0xb8;
	[tilespmem:$0x18800] =	vst v63  }
0x392: {  	s22 =	simm.s32 $0x4000  }
0x393: {  	[tilespmem:s22], [sflag:$0x1] =	stream.indirect_vreg.gather [hbm4b:s4+s2], $0x80, v3, vm0, $0xb8;
	[tilespmem:$0x18800] =	vst v63  }
0x394: {  	v3 =	vld [tilespmem:$0x4C0];
	_ =	sdelay $0x4  }
0x395: {  	v12 =	vshll.u32 v3, $0x1  }
0x396: {  	v3 =	vand.u32 $0x7, v3;
	v4 =	vand.u32 $0xFFFFFFF0, v12  }
0x397: {  	v3 =	vor.u32 v3, v4  }
0x398: {  	v4 =	vperm.xlane v3, v0;
	_ =	sdelay $0x1  }
0x399: {  	v3 =	vperm.xlane v3, v2;
	v4 =	vadd.s32 v1, v4;
	_ =	sdelay $0x1  }
0x39a: {  	v3 =	vadd.s32 v1, v3;
	_ =	sdelay $0x1  }
0x39b: {  	s15 =	simm.s32 $0x4800  }
0x39c: {  	[tilespmem:s15], [sflag:$0x1] =	stream.indirect_vreg.gather [hbm4b:s4+s2], $0x80, v4, vm0, $0xb8;
	[tilespmem:$0x18800] =	vst v63  }
0x39d: {  	s16 =	simm.s32 $0x5000  }
0x39e: {  	[tilespmem:s16], [sflag:$0x1] =	stream.indirect_vreg.gather [hbm4b:s4+s2], $0x80, v3, vm0, $0xb8;
	[tilespmem:$0x18800] =	vst v63  }
0x39f: {  	v3 =	vld [tilespmem:$0x4D0];
	_ =	sdelay $0x4  }
0x3a0: {  	v13 =	vshll.u32 v3, $0x1  }
0x3a1: {  	v3 =	vand.u32 $0x7, v3;
	v4 =	vand.u32 $0xFFFFFFF0, v13  }
0x3a2: {  	v3 =	vor.u32 v3, v4  }
0x3a3: {  	v4 =	vperm.xlane v3, v0;
	_ =	sdelay $0x1  }
0x3a4: {  	v3 =	vperm.xlane v3, v2;
	v4 =	vadd.s32 v1, v4;
	_ =	sdelay $0x1  }
0x3a5: {  	v3 =	vadd.s32 v1, v3;
	_ =	sdelay $0x1  }
0x3a6: {  	s8 =	simm.s32 $0x5800  }
0x3a7: {  	[tilespmem:s8], [sflag:$0x1] =	stream.indirect_vreg.gather [hbm4b:s4+s2], $0x80, v4, vm0, $0xb8;
	[tilespmem:$0x18800] =	vst v63  }
0x3a8: {  	s17 =	simm.s32 $0x6000  }
0x3a9: {  	[tilespmem:s17], [sflag:$0x1] =	stream.indirect_vreg.gather [hbm4b:s4+s2], $0x80, v3, vm0, $0xb8;
	[tilespmem:$0x18800] =	vst v63  }
0x3aa: {  	v3 =	vld [tilespmem:$0x4E0];
	_ =	sdelay $0x4  }
0x3ab: {  	v14 =	vshll.u32 v3, $0x1  }
0x3ac: {  	v3 =	vand.u32 $0x7, v3;
	v4 =	vand.u32 $0xFFFFFFF0, v14  }
0x3ad: {  	v3 =	vor.u32 v3, v4  }
0x3ae: {  	v4 =	vperm.xlane v3, v0;
	_ =	sdelay $0x1  }
0x3af: {  	v3 =	vperm.xlane v3, v2;
	v4 =	vadd.s32 v1, v4;
	_ =	sdelay $0x1  }
0x3b0: {  	v3 =	vadd.s32 v1, v3;
	_ =	sdelay $0x1  }
0x3b1: {  	s9 =	simm.s32 $0x6800  }
0x3b2: {  	[tilespmem:s9], [sflag:$0x1] =	stream.indirect_vreg.gather [hbm4b:s4+s2], $0x80, v4, vm0, $0xb8;
	[tilespmem:$0x18800] =	vst v63  }
0x3b3: {  	s18 =	simm.s32 $0x7000  }
0x3b4: {  	[tilespmem:s18], [sflag:$0x1] =	stream.indirect_vreg.gather [hbm4b:s4+s2], $0x80, v3, vm0, $0xb8;
	[tilespmem:$0x18800] =	vst v63  }
0x3b5: {  	v3 =	vld [tilespmem:$0x4F0];
	_ =	sdelay $0x4  }
0x3b6: {  	v15 =	vshll.u32 v3, $0x1  }
0x3b7: {  	v3 =	vand.u32 $0x7, v3;
	v4 =	vand.u32 $0xFFFFFFF0, v15  }
0x3b8: {  	v3 =	vor.u32 v3, v4  }
0x3b9: {  	v4 =	vperm.xlane v3, v0;
	_ =	sdelay $0x1  }
0x3ba: {  	v3 =	vperm.xlane v3, v2;
	v4 =	vadd.s32 v1, v4;
	_ =	sdelay $0x1  }
0x3bb: {  	v3 =	vadd.s32 v1, v3;
	_ =	sdelay $0x1  }
0x3bc: {  	s10 =	simm.s32 $0x7800  }
0x3bd: {  	[tilespmem:s10], [sflag:$0x1] =	stream.indirect_vreg.gather [hbm4b:s4+s2], $0x80, v4, vm0, $0xb8;
	[tilespmem:$0x18800] =	vst v63  }
0x3be: {  	s11 =	simm.s32 $0x8000  }
0x3bf: {  	[tilespmem:s11], [sflag:$0x1] =	stream.indirect_vreg.gather [hbm4b:s4+s2], $0x80, v3, vm0, $0xb8;
	[tilespmem:$0x18800] =	vst v63  }
0x3c0: {  	_ =	swait.ge [sflag:s26], $0x8000  }
0x3c1: {  	[sflag:s26] =	ssyncset.done $0x0  }
0x3c2: {  	s17 =	rddreg [dreg:$0xc];
	[sflag:s26] =	ssyncadd.s32 $0xFFFF8000  }
0x3c3: {  	[hbm4b:s17+s2] =	stream.linear.scatter [tilespmem:s6], [sflag:$0x6], $0x8000, $0x38;
	[tilespmem:$0x18800] =	vst v63  }
0x3c4: {  	_ =	swait.ge [sflag:s28], $0x8000  }
0x3c5: {  	[sflag:s28] =	ssyncset.done $0x0  }
0x3c6: {  	[sflag:s28] =	ssyncadd.s32 $0xFFFF8000  }
0x3c7: {  	v3 =	vld [tilespmem:$0x500];
	_ =	sdelay $0x4  }
0x3c8: {  	v16 =	vshll.u32 v3, $0x1  }
0x3c9: {  	v3 =	vand.u32 $0x7, v3;
	v4 =	vand.u32 $0xFFFFFFF0, v16  }
0x3ca: {  	v3 =	vor.u32 v3, v4  }
0x3cb: {  	v4 =	vperm.xlane v3, v0;
	_ =	sdelay $0x1  }
0x3cc: {  	v3 =	vperm.xlane v3, v2;
	v4 =	vadd.s32 v1, v4;
	_ =	sdelay $0x1  }
0x3cd: {  	v3 =	vadd.s32 v1, v3;
	_ =	sdelay $0x2  }
0x3ce: {  	[tilespmem:s1], [sflag:$0x2] =	stream.indirect_vreg.gather [hbm4b:s4+s2], $0x80, v4, vm0, $0xb8;
	[tilespmem:$0x18800] =	vst v63  }
0x3cf: {  	s18 =	simm.s32 $0x9000  }
0x3d0: {  	[tilespmem:s18], [sflag:$0x2] =	stream.indirect_vreg.gather [hbm4b:s4+s2], $0x80, v3, vm0, $0xb8;
	[tilespmem:$0x18800] =	vst v63  }
0x3d1: {  	v3 =	vld [tilespmem:$0x510];
	_ =	sdelay $0x4  }
0x3d2: {  	v17 =	vshll.u32 v3, $0x1  }
0x3d3: {  	v3 =	vand.u32 $0x7, v3;
	v4 =	vand.u32 $0xFFFFFFF0, v17  }
0x3d4: {  	v3 =	vor.u32 v3, v4  }
0x3d5: {  	v4 =	vperm.xlane v3, v0;
	_ =	sdelay $0x1  }
0x3d6: {  	v3 =	vperm.xlane v3, v2;
	v4 =	vadd.s32 v1, v4;
	_ =	sdelay $0x1  }
0x3d7: {  	v3 =	vadd.s32 v1, v3;
	_ =	sdelay $0x1  }
0x3d8: {  	s22 =	simm.s32 $0x9800  }
0x3d9: {  	[tilespmem:s22], [sflag:$0x2] =	stream.indirect_vreg.gather [hbm4b:s4+s2], $0x80, v4, vm0, $0xb8;
	[tilespmem:$0x18800] =	vst v63  }
0x3da: {  	s8 =	simm.s32 $0xA000  }
0x3db: {  	[tilespmem:s8], [sflag:$0x2] =	stream.indirect_vreg.gather [hbm4b:s4+s2], $0x80, v3, vm0, $0xb8;
	[tilespmem:$0x18800] =	vst v63  }
0x3dc: {  	v3 =	vld [tilespmem:$0x520];
	_ =	sdelay $0x4  }
0x3dd: {  	v18 =	vshll.u32 v3, $0x1  }
0x3de: {  	v3 =	vand.u32 $0x7, v3;
	v4 =	vand.u32 $0xFFFFFFF0, v18  }
0x3df: {  	v3 =	vor.u32 v3, v4  }
0x3e0: {  	v4 =	vperm.xlane v3, v0;
	_ =	sdelay $0x1  }
0x3e1: {  	v3 =	vperm.xlane v3, v2;
	v4 =	vadd.s32 v1, v4;
	_ =	sdelay $0x1  }
0x3e2: {  	v3 =	vadd.s32 v1, v3;
	_ =	sdelay $0x1  }
0x3e3: {  	s9 =	simm.s32 $0xA800  }
0x3e4: {  	[tilespmem:s9], [sflag:$0x2] =	stream.indirect_vreg.gather [hbm4b:s4+s2], $0x80, v4, vm0, $0xb8;
	[tilespmem:$0x18800] =	vst v63  }
0x3e5: {  	s11 =	simm.s32 $0xB000  }
0x3e6: {  	[tilespmem:s11], [sflag:$0x2] =	stream.indirect_vreg.gather [hbm4b:s4+s2], $0x80, v3, vm0, $0xb8;
	[tilespmem:$0x18800] =	vst v63  }
0x3e7: {  	v3 =	vld [tilespmem:$0x530];
	_ =	sdelay $0x4  }
0x3e8: {  	v19 =	vshll.u32 v3, $0x1  }
0x3e9: {  	v3 =	vand.u32 $0x7, v3;
	v4 =	vand.u32 $0xFFFFFFF0, v19  }
0x3ea: {  	v3 =	vor.u32 v3, v4  }
0x3eb: {  	v4 =	vperm.xlane v3, v0;
	_ =	sdelay $0x1  }
0x3ec: {  	v3 =	vperm.xlane v3, v2;
	v4 =	vadd.s32 v1, v4;
	_ =	sdelay $0x1  }
0x3ed: {  	v3 =	vadd.s32 v1, v3;
	_ =	sdelay $0x1  }
0x3ee: {  	s15 =	simm.s32 $0xB800  }
0x3ef: {  	[tilespmem:s15], [sflag:$0x2] =	stream.indirect_vreg.gather [hbm4b:s4+s2], $0x80, v4, vm0, $0xb8;
	[tilespmem:$0x18800] =	vst v63  }
0x3f0: {  	s16 =	simm.s32 $0xC000  }
0x3f1: {  	[tilespmem:s16], [sflag:$0x2] =	stream.indirect_vreg.gather [hbm4b:s4+s2], $0x80, v3, vm0, $0xb8;
	[tilespmem:$0x18800] =	vst v63  }
0x3f2: {  	v3 =	vld [tilespmem:$0x540];
	_ =	sdelay $0x4  }
0x3f3: {  	v20 =	vshll.u32 v3, $0x1  }
0x3f4: {  	v3 =	vand.u32 $0x7, v3;
	v4 =	vand.u32 $0xFFFFFFF0, v20  }
0x3f5: {  	v3 =	vor.u32 v3, v4  }
0x3f6: {  	v4 =	vperm.xlane v3, v0;
	_ =	sdelay $0x1  }
0x3f7: {  	v3 =	vperm.xlane v3, v2;
	v4 =	vadd.s32 v1, v4;
	_ =	sdelay $0x1  }
0x3f8: {  	v3 =	vadd.s32 v1, v3;
	_ =	sdelay $0x1  }
0x3f9: {  	s17 =	simm.s32 $0xC800  }
0x3fa: {  	[tilespmem:s17], [sflag:$0x2] =	stream.indirect_vreg.gather [hbm4b:s4+s2], $0x80, v4, vm0, $0xb8;
	[tilespmem:$0x18800] =	vst v63  }
0x3fb: {  	s18 =	simm.s32 $0xD000  }
0x3fc: {  	[tilespmem:s18], [sflag:$0x2] =	stream.indirect_vreg.gather [hbm4b:s4+s2], $0x80, v3, vm0, $0xb8;
	[tilespmem:$0x18800] =	vst v63  }
0x3fd: {  	v3 =	vld [tilespmem:$0x550];
	_ =	sdelay $0x4  }
0x3fe: {  	v21 =	vshll.u32 v3, $0x1  }
0x3ff: {  	v3 =	vand.u32 $0x7, v3;
	v4 =	vand.u32 $0xFFFFFFF0, v21  }
0x400: {  	v3 =	vor.u32 v3, v4  }
0x401: {  	v4 =	vperm.xlane v3, v0;
	_ =	sdelay $0x1  }
0x402: {  	v3 =	vperm.xlane v3, v2;
	v4 =	vadd.s32 v1, v4;
	_ =	sdelay $0x1  }
0x403: {  	v3 =	vadd.s32 v1, v3;
	_ =	sdelay $0x1  }
0x404: {  	s22 =	simm.s32 $0xD800  }
0x405: {  	[tilespmem:s22], [sflag:$0x2] =	stream.indirect_vreg.gather [hbm4b:s4+s2], $0x80, v4, vm0, $0xb8;
	[tilespmem:$0x18800] =	vst v63  }
0x406: {  	s8 =	simm.s32 $0xE000  }
0x407: {  	[tilespmem:s8], [sflag:$0x2] =	stream.indirect_vreg.gather [hbm4b:s4+s2], $0x80, v3, vm0, $0xb8;
	[tilespmem:$0x18800] =	vst v63  }
0x408: {  	v3 =	vld [tilespmem:$0x560];
	_ =	sdelay $0x4  }
0x409: {  	v22 =	vshll.u32 v3, $0x1  }
0x40a: {  	v3 =	vand.u32 $0x7, v3;
	v4 =	vand.u32 $0xFFFFFFF0, v22  }
0x40b: {  	v3 =	vor.u32 v3, v4  }
0x40c: {  	v4 =	vperm.xlane v3, v0;
	_ =	sdelay $0x1  }
0x40d: {  	v3 =	vperm.xlane v3, v2;
	v4 =	vadd.s32 v1, v4;
	_ =	sdelay $0x1  }
0x40e: {  	v3 =	vadd.s32 v1, v3;
	_ =	sdelay $0x1  }
0x40f: {  	s9 =	simm.s32 $0xE800  }
0x410: {  	[tilespmem:s9], [sflag:$0x2] =	stream.indirect_vreg.gather [hbm4b:s4+s2], $0x80, v4, vm0, $0xb8;
	[tilespmem:$0x18800] =	vst v63  }
0x411: {  	s11 =	simm.s32 $0xF000  }
0x412: {  	[tilespmem:s11], [sflag:$0x2] =	stream.indirect_vreg.gather [hbm4b:s4+s2], $0x80, v3, vm0, $0xb8;
	[tilespmem:$0x18800] =	vst v63  }
0x413: {  	v3 =	vld [tilespmem:$0x570];
	_ =	sdelay $0x4  }
0x414: {  	v23 =	vshll.u32 v3, $0x1  }
0x415: {  	v3 =	vand.u32 $0x7, v3;
	v4 =	vand.u32 $0xFFFFFFF0, v23  }
0x416: {  	v3 =	vor.u32 v3, v4  }
0x417: {  	v4 =	vperm.xlane v3, v0;
	_ =	sdelay $0x1  }
0x418: {  	v3 =	vperm.xlane v3, v2;
	v4 =	vadd.s32 v1, v4;
	_ =	sdelay $0x1  }
0x419: {  	v3 =	vadd.s32 v1, v3;
	_ =	sdelay $0x1  }
0x41a: {  	s15 =	simm.s32 $0xF800  }
0x41b: {  	[tilespmem:s15], [sflag:$0x2] =	stream.indirect_vreg.gather [hbm4b:s4+s2], $0x80, v4, vm0, $0xb8;
	[tilespmem:$0x18800] =	vst v63  }
0x41c: {  	s16 =	simm.s32 $0x10000  }
0x41d: {  	[tilespmem:s16], [sflag:$0x2] =	stream.indirect_vreg.gather [hbm4b:s4+s2], $0x80, v3, vm0, $0xb8;
	[tilespmem:$0x18800] =	vst v63  }
0x41e: {  	_ =	swait.ge [sflag:s31], $0x8000  }
0x41f: {  	[sflag:s31] =	ssyncset.done $0x0  }
0x420: {  	s17 =	rddreg [dreg:$0xd];
	[sflag:s31] =	ssyncadd.s32 $0xFFFF8000  }
0x421: {  	[hbm4b:s17+s2] =	stream.linear.scatter [tilespmem:s7], [sflag:$0x4], $0x8000, $0x38;
	[tilespmem:$0x18800] =	vst v63  }
0x422: {  	_ =	swait.ge [sflag:s29], $0x8000  }
0x423: {  	[sflag:s29] =	ssyncset.done $0x0  }
0x424: {  	[sflag:s29] =	ssyncadd.s32 $0xFFFF8000  }
0x425: {  	v3 =	vld [tilespmem:$0x580];
	_ =	sdelay $0x4  }
0x426: {  	v24 =	vshll.u32 v3, $0x1  }
0x427: {  	v3 =	vand.u32 $0x7, v3;
	v4 =	vand.u32 $0xFFFFFFF0, v24  }
0x428: {  	v3 =	vor.u32 v3, v4  }
0x429: {  	v4 =	vperm.xlane v3, v0;
	_ =	sdelay $0x1  }
0x42a: {  	v3 =	vperm.xlane v3, v2;
	v4 =	vadd.s32 v1, v4;
	_ =	sdelay $0x1  }
0x42b: {  	v3 =	vadd.s32 v1, v3;
	_ =	sdelay $0x2  }
0x42c: {  	[tilespmem:s6], [sflag:$0x3] =	stream.indirect_vreg.gather [hbm4b:s4+s2], $0x80, v4, vm0, $0xb8;
	[tilespmem:$0x18800] =	vst v63  }
0x42d: {  	s18 =	simm.s32 $0x11000  }
0x42e: {  	[tilespmem:s18], [sflag:$0x3] =	stream.indirect_vreg.gather [hbm4b:s4+s2], $0x80, v3, vm0, $0xb8;
	[tilespmem:$0x18800] =	vst v63  }
0x42f: {  	v3 =	vld [tilespmem:$0x590];
	_ =	sdelay $0x4  }
0x430: {  	v25 =	vshll.u32 v3, $0x1  }
0x431: {  	v3 =	vand.u32 $0x7, v3;
	v4 =	vand.u32 $0xFFFFFFF0, v25  }
0x432: {  	v3 =	vor.u32 v3, v4  }
0x433: {  	v4 =	vperm.xlane v3, v0;
	_ =	sdelay $0x1  }
0x434: {  	v3 =	vperm.xlane v3, v2;
	v4 =	vadd.s32 v1, v4;
	_ =	sdelay $0x1  }
0x435: {  	v3 =	vadd.s32 v1, v3;
	_ =	sdelay $0x1  }
0x436: {  	s19 =	simm.s32 $0x11800  }
0x437: {  	[tilespmem:s19], [sflag:$0x3] =	stream.indirect_vreg.gather [hbm4b:s4+s2], $0x80, v4, vm0, $0xb8;
	[tilespmem:$0x18800] =	vst v63  }
0x438: {  	s19 =	simm.s32 $0x12000  }
0x439: {  	[tilespmem:s19], [sflag:$0x3] =	stream.indirect_vreg.gather [hbm4b:s4+s2], $0x80, v3, vm0, $0xb8;
	[tilespmem:$0x18800] =	vst v63  }
0x43a: {  	v3 =	vld [tilespmem:$0x5A0];
	_ =	sdelay $0x4  }
0x43b: {  	v26 =	vshll.u32 v3, $0x1  }
0x43c: {  	v3 =	vand.u32 $0x7, v3;
	v4 =	vand.u32 $0xFFFFFFF0, v26  }
0x43d: {  	v3 =	vor.u32 v3, v4  }
0x43e: {  	v4 =	vperm.xlane v3, v0;
	_ =	sdelay $0x1  }
0x43f: {  	v3 =	vperm.xlane v3, v2;
	v4 =	vadd.s32 v1, v4;
	_ =	sdelay $0x1  }
0x440: {  	v3 =	vadd.s32 v1, v3;
	_ =	sdelay $0x1  }
0x441: {  	s20 =	simm.s32 $0x12800  }
0x442: {  	[tilespmem:s20], [sflag:$0x3] =	stream.indirect_vreg.gather [hbm4b:s4+s2], $0x80, v4, vm0, $0xb8;
	[tilespmem:$0x18800] =	vst v63  }
0x443: {  	s20 =	simm.s32 $0x13000  }
0x444: {  	[tilespmem:s20], [sflag:$0x3] =	stream.indirect_vreg.gather [hbm4b:s4+s2], $0x80, v3, vm0, $0xb8;
	[tilespmem:$0x18800] =	vst v63  }
0x445: {  	v3 =	vld [tilespmem:$0x5B0];
	_ =	sdelay $0x4  }
0x446: {  	v27 =	vshll.u32 v3, $0x1  }
0x447: {  	v3 =	vand.u32 $0x7, v3;
	v4 =	vand.u32 $0xFFFFFFF0, v27  }
0x448: {  	v3 =	vor.u32 v3, v4  }
0x449: {  	v4 =	vperm.xlane v3, v0;
	_ =	sdelay $0x1  }
0x44a: {  	v3 =	vperm.xlane v3, v2;
	v4 =	vadd.s32 v1, v4;
	_ =	sdelay $0x1  }
0x44b: {  	v3 =	vadd.s32 v1, v3;
	_ =	sdelay $0x1  }
0x44c: {  	s30 =	simm.s32 $0x13800  }
0x44d: {  	[tilespmem:s30], [sflag:$0x3] =	stream.indirect_vreg.gather [hbm4b:s4+s2], $0x80, v4, vm0, $0xb8;
	[tilespmem:$0x18800] =	vst v63  }
0x44e: {  	s22 =	simm.s32 $0x14000  }
0x44f: {  	[tilespmem:s22], [sflag:$0x3] =	stream.indirect_vreg.gather [hbm4b:s4+s2], $0x80, v3, vm0, $0xb8;
	[tilespmem:$0x18800] =	vst v63  }
0x450: {  	v3 =	vld [tilespmem:$0x5C0];
	_ =	sdelay $0x4  }
0x451: {  	v28 =	vshll.u32 v3, $0x1  }
0x452: {  	v3 =	vand.u32 $0x7, v3;
	v4 =	vand.u32 $0xFFFFFFF0, v28  }
0x453: {  	v3 =	vor.u32 v3, v4  }
0x454: {  	v4 =	vperm.xlane v3, v0;
	_ =	sdelay $0x1  }
0x455: {  	v3 =	vperm.xlane v3, v2;
	v4 =	vadd.s32 v1, v4;
	_ =	sdelay $0x1  }
0x456: {  	v3 =	vadd.s32 v1, v3;
	_ =	sdelay $0x1  }
0x457: {  	s30 =	simm.s32 $0x14800  }
0x458: {  	[tilespmem:s30], [sflag:$0x3] =	stream.indirect_vreg.gather [hbm4b:s4+s2], $0x80, v4, vm0, $0xb8;
	[tilespmem:$0x18800] =	vst v63  }
0x459: {  	s8 =	simm.s32 $0x15000  }
0x45a: {  	[tilespmem:s8], [sflag:$0x3] =	stream.indirect_vreg.gather [hbm4b:s4+s2], $0x80, v3, vm0, $0xb8;
	[tilespmem:$0x18800] =	vst v63  }
0x45b: {  	v3 =	vld [tilespmem:$0x5D0];
	_ =	sdelay $0x4  }
0x45c: {  	v29 =	vshll.u32 v3, $0x1  }
0x45d: {  	v3 =	vand.u32 $0x7, v3;
	v4 =	vand.u32 $0xFFFFFFF0, v29  }
0x45e: {  	v3 =	vor.u32 v3, v4  }
0x45f: {  	v4 =	vperm.xlane v3, v0;
	_ =	sdelay $0x1  }
0x460: {  	v3 =	vperm.xlane v3, v2;
	v4 =	vadd.s32 v1, v4;
	_ =	sdelay $0x1  }
0x461: {  	v3 =	vadd.s32 v1, v3;
	_ =	sdelay $0x1  }
0x462: {  	s9 =	simm.s32 $0x15800  }
0x463: {  	[tilespmem:s9], [sflag:$0x3] =	stream.indirect_vreg.gather [hbm4b:s4+s2], $0x80, v4, vm0, $0xb8;
	[tilespmem:$0x18800] =	vst v63  }
0x464: {  	s15 =	simm.s32 $0x16000  }
0x465: {  	[tilespmem:s15], [sflag:$0x3] =	stream.indirect_vreg.gather [hbm4b:s4+s2], $0x80, v3, vm0, $0xb8;
	[tilespmem:$0x18800] =	vst v63  }
0x466: {  	v3 =	vld [tilespmem:$0x5E0];
	_ =	sdelay $0x4  }
0x467: {  	v30 =	vshll.u32 v3, $0x1  }
0x468: {  	v3 =	vand.u32 $0x7, v3;
	v4 =	vand.u32 $0xFFFFFFF0, v30  }
0x469: {  	v3 =	vor.u32 v3, v4  }
0x46a: {  	v4 =	vperm.xlane v3, v0;
	_ =	sdelay $0x1  }
0x46b: {  	v3 =	vperm.xlane v3, v2;
	v4 =	vadd.s32 v1, v4;
	_ =	sdelay $0x1  }
0x46c: {  	v3 =	vadd.s32 v1, v3;
	_ =	sdelay $0x1  }
0x46d: {  	s16 =	simm.s32 $0x16800  }
0x46e: {  	[tilespmem:s16], [sflag:$0x3] =	stream.indirect_vreg.gather [hbm4b:s4+s2], $0x80, v4, vm0, $0xb8;
	[tilespmem:$0x18800] =	vst v63  }
0x46f: {  	s17 =	simm.s32 $0x17000  }
0x470: {  	[tilespmem:s17], [sflag:$0x3] =	stream.indirect_vreg.gather [hbm4b:s4+s2], $0x80, v3, vm0, $0xb8;
	[tilespmem:$0x18800] =	vst v63  }
0x471: {  	v3 =	vld [tilespmem:$0x5F0];
	_ =	sdelay $0x4  }
0x472: {  	v31 =	vshll.u32 v3, $0x1  }
0x473: {  	v3 =	vand.u32 $0x7, v3;
	v4 =	vand.u32 $0xFFFFFFF0, v31  }
0x474: {  	v3 =	vor.u32 v3, v4  }
0x475: {  	v4 =	vperm.xlane v3, v0;
	_ =	sdelay $0x1  }
0x476: {  	v3 =	vperm.xlane v3, v2;
	v4 =	vadd.s32 v1, v4;
	_ =	sdelay $0x1  }
0x477: {  	v3 =	vadd.s32 v1, v3;
	_ =	sdelay $0x1  }
0x478: {  	s8 =	simm.s32 $0x17800  }
0x479: {  	[tilespmem:s8], [sflag:$0x3] =	stream.indirect_vreg.gather [hbm4b:s4+s2], $0x80, v4, vm0, $0xb8;
	[tilespmem:$0x18800] =	vst v63  }
0x47a: {  	s9 =	simm.s32 $0x18000  }
0x47b: {  	[tilespmem:s9], [sflag:$0x3] =	stream.indirect_vreg.gather [hbm4b:s4+s2], $0x80, v3, vm0, $0xb8;
	[tilespmem:$0x18800] =	vst v63  }
0x47c: {  	_ =	swait.ge [sflag:s24], $0x8000  }
0x47d: {  	[sflag:s24] =	ssyncset.done $0x0  }
0x47e: {  	s15 =	rddreg [dreg:$0xe];
	[sflag:s24] =	ssyncadd.s32 $0xFFFF8000  }
0x47f: {  	[hbm4b:s15+s2] =	stream.linear.scatter [tilespmem:s1], [sflag:$0x5], $0x8000, $0x38;
	[tilespmem:$0x18800] =	vst v63  }
0x480: {  	_ =	swait.ge [sflag:s25], $0x8000  }
0x481: {  	[sflag:s25] =	ssyncset.done $0x0  }
0x482: {  	[sflag:s25] =	ssyncadd.s32 $0xFFFF8000  }
0x483: {  	v3 =	vld [tilespmem:$0x600];
	_ =	sdelay $0x4  }
0x484: {  	v32 =	vshll.u32 v3, $0x1  }
0x485: {  	v3 =	vand.u32 $0x7, v3;
	v4 =	vand.u32 $0xFFFFFFF0, v32  }
0x486: {  	v3 =	vor.u32 v3, v4  }
0x487: {  	v4 =	vperm.xlane v3, v0;
	_ =	sdelay $0x1  }
0x488: {  	v3 =	vperm.xlane v3, v2;
	v4 =	vadd.s32 v1, v4;
	_ =	sdelay $0x1  }
0x489: {  	v3 =	vadd.s32 v1, v3;
	_ =	sdelay $0x2  }
0x48a: {  	[tilespmem:s7], [sflag:$0x1] =	stream.indirect_vreg.gather [hbm4b:s4+s2], $0x80, v4, vm0, $0xb8;
	[tilespmem:$0x18800] =	vst v63  }
0x48b: {  	s16 =	simm.s32 $0x1000  }
0x48c: {  	[tilespmem:s16], [sflag:$0x1] =	stream.indirect_vreg.gather [hbm4b:s4+s2], $0x80, v3, vm0, $0xb8;
	[tilespmem:$0x18800] =	vst v63  }
0x48d: {  	v3 =	vld [tilespmem:$0x610];
	_ =	sdelay $0x4  }
0x48e: {  	v33 =	vshll.u32 v3, $0x1  }
0x48f: {  	v3 =	vand.u32 $0x7, v3;
	v4 =	vand.u32 $0xFFFFFFF0, v33  }
0x490: {  	v3 =	vor.u32 v3, v4  }
0x491: {  	v4 =	vperm.xlane v3, v0;
	_ =	sdelay $0x1  }
0x492: {  	v3 =	vperm.xlane v3, v2;
	v4 =	vadd.s32 v1, v4;
	_ =	sdelay $0x1  }
0x493: {  	v3 =	vadd.s32 v1, v3;
	_ =	sdelay $0x1  }
0x494: {  	s12 =	simm.s32 $0x1800  }
0x495: {  	[tilespmem:s12], [sflag:$0x1] =	stream.indirect_vreg.gather [hbm4b:s4+s2], $0x80, v4, vm0, $0xb8;
	[tilespmem:$0x18800] =	vst v63  }
0x496: {  	s17 =	simm.s32 $0x2000  }
0x497: {  	[tilespmem:s17], [sflag:$0x1] =	stream.indirect_vreg.gather [hbm4b:s4+s2], $0x80, v3, vm0, $0xb8;
	[tilespmem:$0x18800] =	vst v63  }
0x498: {  	v3 =	vld [tilespmem:$0x620];
	_ =	sdelay $0x4  }
0x499: {  	v34 =	vshll.u32 v3, $0x1  }
0x49a: {  	v3 =	vand.u32 $0x7, v3;
	v4 =	vand.u32 $0xFFFFFFF0, v34  }
0x49b: {  	v3 =	vor.u32 v3, v4  }
0x49c: {  	v4 =	vperm.xlane v3, v0;
	_ =	sdelay $0x1  }
0x49d: {  	v3 =	vperm.xlane v3, v2;
	v4 =	vadd.s32 v1, v4;
	_ =	sdelay $0x1  }
0x49e: {  	v3 =	vadd.s32 v1, v3;
	_ =	sdelay $0x1  }
0x49f: {  	s12 =	simm.s32 $0x2800  }
0x4a0: {  	[tilespmem:s12], [sflag:$0x1] =	stream.indirect_vreg.gather [hbm4b:s4+s2], $0x80, v4, vm0, $0xb8;
	[tilespmem:$0x18800] =	vst v63  }
0x4a1: {  	s17 =	simm.s32 $0x3000  }
0x4a2: {  	[tilespmem:s17], [sflag:$0x1] =	stream.indirect_vreg.gather [hbm4b:s4+s2], $0x80, v3, vm0, $0xb8;
	[tilespmem:$0x18800] =	vst v63  }
0x4a3: {  	v3 =	vld [tilespmem:$0x630];
	_ =	sdelay $0x4  }
0x4a4: {  	v35 =	vshll.u32 v3, $0x1  }
0x4a5: {  	v3 =	vand.u32 $0x7, v3;
	v4 =	vand.u32 $0xFFFFFFF0, v35  }
0x4a6: {  	v3 =	vor.u32 v3, v4  }
0x4a7: {  	v4 =	vperm.xlane v3, v0;
	_ =	sdelay $0x1  }
0x4a8: {  	v3 =	vperm.xlane v3, v2;
	v4 =	vadd.s32 v1, v4;
	_ =	sdelay $0x1  }
0x4a9: {  	v3 =	vadd.s32 v1, v3;
	_ =	sdelay $0x1  }
0x4aa: {  	s21 =	simm.s32 $0x3800  }
0x4ab: {  	[tilespmem:s21], [sflag:$0x1] =	stream.indirect_vreg.gather [hbm4b:s4+s2], $0x80, v4, vm0, $0xb8;
	[tilespmem:$0x18800] =	vst v63  }
0x4ac: {  	s21 =	simm.s32 $0x4000  }
0x4ad: {  	[tilespmem:s21], [sflag:$0x1] =	stream.indirect_vreg.gather [hbm4b:s4+s2], $0x80, v3, vm0, $0xb8;
	[tilespmem:$0x18800] =	vst v63  }
0x4ae: {  	v3 =	vld [tilespmem:$0x640];
	_ =	sdelay $0x4  }
0x4af: {  	v36 =	vshll.u32 v3, $0x1  }
0x4b0: {  	v3 =	vand.u32 $0x7, v3;
	v4 =	vand.u32 $0xFFFFFFF0, v36  }
0x4b1: {  	v3 =	vor.u32 v3, v4  }
0x4b2: {  	v4 =	vperm.xlane v3, v0;
	_ =	sdelay $0x1  }
0x4b3: {  	v3 =	vperm.xlane v3, v2;
	v4 =	vadd.s32 v1, v4;
	_ =	sdelay $0x1  }
0x4b4: {  	v3 =	vadd.s32 v1, v3;
	_ =	sdelay $0x1  }
0x4b5: {  	s23 =	simm.s32 $0x4800  }
0x4b6: {  	[tilespmem:s23], [sflag:$0x1] =	stream.indirect_vreg.gather [hbm4b:s4+s2], $0x80, v4, vm0, $0xb8;
	[tilespmem:$0x18800] =	vst v63  }
0x4b7: {  	s12 =	simm.s32 $0x5000  }
0x4b8: {  	[tilespmem:s12], [sflag:$0x1] =	stream.indirect_vreg.gather [hbm4b:s4+s2], $0x80, v3, vm0, $0xb8;
	[tilespmem:$0x18800] =	vst v63  }
0x4b9: {  	v3 =	vld [tilespmem:$0x650];
	_ =	sdelay $0x4  }
0x4ba: {  	v37 =	vshll.u32 v3, $0x1  }
0x4bb: {  	v3 =	vand.u32 $0x7, v3;
	v4 =	vand.u32 $0xFFFFFFF0, v37  }
0x4bc: {  	v3 =	vor.u32 v3, v4  }
0x4bd: {  	v4 =	vperm.xlane v3, v0;
	_ =	sdelay $0x1  }
0x4be: {  	v3 =	vperm.xlane v3, v2;
	v4 =	vadd.s32 v1, v4;
	_ =	sdelay $0x1  }
0x4bf: {  	v3 =	vadd.s32 v1, v3;
	_ =	sdelay $0x1  }
0x4c0: {  	s13 =	simm.s32 $0x5800  }
0x4c1: {  	[tilespmem:s13], [sflag:$0x1] =	stream.indirect_vreg.gather [hbm4b:s4+s2], $0x80, v4, vm0, $0xb8;
	[tilespmem:$0x18800] =	vst v63  }
0x4c2: {  	s13 =	simm.s32 $0x6000  }
0x4c3: {  	[tilespmem:s13], [sflag:$0x1] =	stream.indirect_vreg.gather [hbm4b:s4+s2], $0x80, v3, vm0, $0xb8;
	[tilespmem:$0x18800] =	vst v63  }
0x4c4: {  	v3 =	vld [tilespmem:$0x660];
	_ =	sdelay $0x4  }
0x4c5: {  	v38 =	vshll.u32 v3, $0x1  }
0x4c6: {  	v3 =	vand.u32 $0x7, v3;
	v4 =	vand.u32 $0xFFFFFFF0, v38  }
0x4c7: {  	v3 =	vor.u32 v3, v4  }
0x4c8: {  	v4 =	vperm.xlane v3, v0;
	_ =	sdelay $0x1  }
0x4c9: {  	v3 =	vperm.xlane v3, v2;
	v4 =	vadd.s32 v1, v4;
	_ =	sdelay $0x1  }
0x4ca: {  	v3 =	vadd.s32 v1, v3;
	_ =	sdelay $0x1  }
0x4cb: {  	s14 =	simm.s32 $0x6800  }
0x4cc: {  	[tilespmem:s14], [sflag:$0x1] =	stream.indirect_vreg.gather [hbm4b:s4+s2], $0x80, v4, vm0, $0xb8;
	[tilespmem:$0x18800] =	vst v63  }
0x4cd: {  	s14 =	simm.s32 $0x7000  }
0x4ce: {  	[tilespmem:s14], [sflag:$0x1] =	stream.indirect_vreg.gather [hbm4b:s4+s2], $0x80, v3, vm0, $0xb8;
	[tilespmem:$0x18800] =	vst v63  }
0x4cf: {  	v3 =	vld [tilespmem:$0x670];
	_ =	sdelay $0x4  }
0x4d0: {  	v39 =	vshll.u32 v3, $0x1  }
0x4d1: {  	v3 =	vand.u32 $0x7, v3;
	v4 =	vand.u32 $0xFFFFFFF0, v39  }
0x4d2: {  	v3 =	vor.u32 v3, v4  }
0x4d3: {  	v4 =	vperm.xlane v3, v0;
	_ =	sdelay $0x1  }
0x4d4: {  	v3 =	vperm.xlane v3, v2;
	v4 =	vadd.s32 v1, v4;
	_ =	sdelay $0x1  }
0x4d5: {  	v3 =	vadd.s32 v1, v3;
	_ =	sdelay $0x1  }
0x4d6: {  	s10 =	simm.s32 $0x7800  }
0x4d7: {  	[tilespmem:s10], [sflag:$0x1] =	stream.indirect_vreg.gather [hbm4b:s4+s2], $0x80, v4, vm0, $0xb8;
	[tilespmem:$0x18800] =	vst v63  }
0x4d8: {  	s10 =	simm.s32 $0x8000  }
0x4d9: {  	[tilespmem:s10], [sflag:$0x1] =	stream.indirect_vreg.gather [hbm4b:s4+s2], $0x80, v3, vm0, $0xb8;
	[tilespmem:$0x18800] =	vst v63  }
0x4da: {  	_ =	swait.ge [sflag:s26], $0x8000  }
0x4db: {  	[sflag:s26] =	ssyncset.done $0x0  }
0x4dc: {  	s0 =	rddreg [dreg:$0xf];
	[sflag:s26] =	ssyncadd.s32 $0xFFFF8000  }
0x4dd: {  	[hbm4b:s0+s2] =	stream.linear.scatter [tilespmem:s6], [sflag:$0x6], $0x8000, $0x38;
	[tilespmem:$0x18800] =	vst v63  }
0x4de: {  	_ =	swait.ge [sflag:s28], $0x8000  }
0x4df: {  	[sflag:s28] =	ssyncset.done $0x0  }
0x4e0: {  	[sflag:s28] =	ssyncadd.s32 $0xFFFF8000  }
0x4e1: {  	v3 =	vld [tilespmem:$0x680];
	_ =	sdelay $0x4  }
0x4e2: {  	v40 =	vshll.u32 v3, $0x1  }
0x4e3: {  	v3 =	vand.u32 $0x7, v3;
	v4 =	vand.u32 $0xFFFFFFF0, v40  }
0x4e4: {  	v3 =	vor.u32 v3, v4  }
0x4e5: {  	v4 =	vperm.xlane v3, v0;
	_ =	sdelay $0x1  }
0x4e6: {  	v3 =	vperm.xlane v3, v2;
	v4 =	vadd.s32 v1, v4;
	_ =	sdelay $0x1  }
0x4e7: {  	v3 =	vadd.s32 v1, v3;
	_ =	sdelay $0x2  }
0x4e8: {  	[tilespmem:s1], [sflag:$0x2] =	stream.indirect_vreg.gather [hbm4b:s4+s2], $0x80, v4, vm0, $0xb8;
	[tilespmem:$0x18800] =	vst v63  }
0x4e9: {  	s0 =	simm.s32 $0x9000  }
0x4ea: {  	[tilespmem:s0], [sflag:$0x2] =	stream.indirect_vreg.gather [hbm4b:s4+s2], $0x80, v3, vm0, $0xb8;
	[tilespmem:$0x18800] =	vst v63  }
0x4eb: {  	v3 =	vld [tilespmem:$0x690];
	_ =	sdelay $0x4  }
0x4ec: {  	v41 =	vshll.u32 v3, $0x1  }
0x4ed: {  	v3 =	vand.u32 $0x7, v3;
	v4 =	vand.u32 $0xFFFFFFF0, v41  }
0x4ee: {  	v3 =	vor.u32 v3, v4  }
0x4ef: {  	v4 =	vperm.xlane v3, v0;
	_ =	sdelay $0x1  }
0x4f0: {  	v3 =	vperm.xlane v3, v2;
	v4 =	vadd.s32 v1, v4;
	_ =	sdelay $0x1  }
0x4f1: {  	v3 =	vadd.s32 v1, v3;
	_ =	sdelay $0x1  }
0x4f2: {  	s0 =	simm.s32 $0x9800  }
0x4f3: {  	[tilespmem:s0], [sflag:$0x2] =	stream.indirect_vreg.gather [hbm4b:s4+s2], $0x80, v4, vm0, $0xb8;
	[tilespmem:$0x18800] =	vst v63  }
0x4f4: {  	s0 =	simm.s32 $0xA000  }
0x4f5: {  	[tilespmem:s0], [sflag:$0x2] =	stream.indirect_vreg.gather [hbm4b:s4+s2], $0x80, v3, vm0, $0xb8;
	[tilespmem:$0x18800] =	vst v63  }
0x4f6: {  	v3 =	vld [tilespmem:$0x6A0];
	_ =	sdelay $0x4  }
0x4f7: {  	v42 =	vshll.u32 v3, $0x1  }
0x4f8: {  	v3 =	vand.u32 $0x7, v3;
	v4 =	vand.u32 $0xFFFFFFF0, v42  }
0x4f9: {  	v3 =	vor.u32 v3, v4  }
0x4fa: {  	v4 =	vperm.xlane v3, v0;
	_ =	sdelay $0x1  }
0x4fb: {  	v3 =	vperm.xlane v3, v2;
	v4 =	vadd.s32 v1, v4;
	_ =	sdelay $0x1  }
0x4fc: {  	v3 =	vadd.s32 v1, v3;
	_ =	sdelay $0x1  }
0x4fd: {  	s0 =	simm.s32 $0xA800  }
0x4fe: {  	[tilespmem:s0], [sflag:$0x2] =	stream.indirect_vreg.gather [hbm4b:s4+s2], $0x80, v4, vm0, $0xb8;
	[tilespmem:$0x18800] =	vst v63  }
0x4ff: {  	s0 =	simm.s32 $0xB000  }
0x500: {  	[tilespmem:s0], [sflag:$0x2] =	stream.indirect_vreg.gather [hbm4b:s4+s2], $0x80, v3, vm0, $0xb8;
	[tilespmem:$0x18800] =	vst v63  }
0x501: {  	v3 =	vld [tilespmem:$0x6B0];
	_ =	sdelay $0x4  }
0x502: {  	v43 =	vshll.u32 v3, $0x1  }
0x503: {  	v3 =	vand.u32 $0x7, v3;
	v4 =	vand.u32 $0xFFFFFFF0, v43  }
0x504: {  	v3 =	vor.u32 v3, v4  }
0x505: {  	v4 =	vperm.xlane v3, v0;
	_ =	sdelay $0x1  }
0x506: {  	v3 =	vperm.xlane v3, v2;
	v4 =	vadd.s32 v1, v4;
	_ =	sdelay $0x1  }
0x507: {  	v3 =	vadd.s32 v1, v3;
	_ =	sdelay $0x1  }
0x508: {  	s0 =	simm.s32 $0xB800  }
0x509: {  	[tilespmem:s0], [sflag:$0x2] =	stream.indirect_vreg.gather [hbm4b:s4+s2], $0x80, v4, vm0, $0xb8;
	[tilespmem:$0x18800] =	vst v63  }
0x50a: {  	s0 =	simm.s32 $0xC000  }
0x50b: {  	[tilespmem:s0], [sflag:$0x2] =	stream.indirect_vreg.gather [hbm4b:s4+s2], $0x80, v3, vm0, $0xb8;
	[tilespmem:$0x18800] =	vst v63  }
0x50c: {  	v3 =	vld [tilespmem:$0x6C0];
	_ =	sdelay $0x4  }
0x50d: {  	v44 =	vshll.u32 v3, $0x1  }
0x50e: {  	v3 =	vand.u32 $0x7, v3;
	v4 =	vand.u32 $0xFFFFFFF0, v44  }
0x50f: {  	v3 =	vor.u32 v3, v4  }
0x510: {  	v4 =	vperm.xlane v3, v0;
	_ =	sdelay $0x1  }
0x511: {  	v3 =	vperm.xlane v3, v2;
	v4 =	vadd.s32 v1, v4;
	_ =	sdelay $0x1  }
0x512: {  	v3 =	vadd.s32 v1, v3;
	_ =	sdelay $0x1  }
0x513: {  	s0 =	simm.s32 $0xC800  }
0x514: {  	[tilespmem:s0], [sflag:$0x2] =	stream.indirect_vreg.gather [hbm4b:s4+s2], $0x80, v4, vm0, $0xb8;
	[tilespmem:$0x18800] =	vst v63  }
0x515: {  	s0 =	simm.s32 $0xD000  }
0x516: {  	[tilespmem:s0], [sflag:$0x2] =	stream.indirect_vreg.gather [hbm4b:s4+s2], $0x80, v3, vm0, $0xb8;
	[tilespmem:$0x18800] =	vst v63  }
0x517: {  	v3 =	vld [tilespmem:$0x6D0];
	_ =	sdelay $0x4  }
0x518: {  	v45 =	vshll.u32 v3, $0x1  }
0x519: {  	v3 =	vand.u32 $0x7, v3;
	v4 =	vand.u32 $0xFFFFFFF0, v45  }
0x51a: {  	v3 =	vor.u32 v3, v4  }
0x51b: {  	v4 =	vperm.xlane v3, v0;
	_ =	sdelay $0x1  }
0x51c: {  	v3 =	vperm.xlane v3, v2;
	v4 =	vadd.s32 v1, v4;
	_ =	sdelay $0x1  }
0x51d: {  	v3 =	vadd.s32 v1, v3;
	_ =	sdelay $0x1  }
0x51e: {  	s0 =	simm.s32 $0xD800  }
0x51f: {  	[tilespmem:s0], [sflag:$0x2] =	stream.indirect_vreg.gather [hbm4b:s4+s2], $0x80, v4, vm0, $0xb8;
	[tilespmem:$0x18800] =	vst v63  }
0x520: {  	s0 =	simm.s32 $0xE000  }
0x521: {  	[tilespmem:s0], [sflag:$0x2] =	stream.indirect_vreg.gather [hbm4b:s4+s2], $0x80, v3, vm0, $0xb8;
	[tilespmem:$0x18800] =	vst v63  }
0x522: {  	v3 =	vld [tilespmem:$0x6E0];
	_ =	sdelay $0x4  }
0x523: {  	v46 =	vshll.u32 v3, $0x1  }
0x524: {  	v3 =	vand.u32 $0x7, v3;
	v4 =	vand.u32 $0xFFFFFFF0, v46  }
0x525: {  	v3 =	vor.u32 v3, v4  }
0x526: {  	v4 =	vperm.xlane v3, v0;
	_ =	sdelay $0x1  }
0x527: {  	v3 =	vperm.xlane v3, v2;
	v4 =	vadd.s32 v1, v4;
	_ =	sdelay $0x1  }
0x528: {  	v3 =	vadd.s32 v1, v3;
	_ =	sdelay $0x1  }
0x529: {  	s0 =	simm.s32 $0xE800  }
0x52a: {  	[tilespmem:s0], [sflag:$0x2] =	stream.indirect_vreg.gather [hbm4b:s4+s2], $0x80, v4, vm0, $0xb8;
	[tilespmem:$0x18800] =	vst v63  }
0x52b: {  	s0 =	simm.s32 $0xF000  }
0x52c: {  	[tilespmem:s0], [sflag:$0x2] =	stream.indirect_vreg.gather [hbm4b:s4+s2], $0x80, v3, vm0, $0xb8;
	[tilespmem:$0x18800] =	vst v63  }
0x52d: {  	v3 =	vld [tilespmem:$0x6F0];
	_ =	sdelay $0x4  }
0x52e: {  	v47 =	vshll.u32 v3, $0x1  }
0x52f: {  	v3 =	vand.u32 $0x7, v3;
	v4 =	vand.u32 $0xFFFFFFF0, v47  }
0x530: {  	v3 =	vor.u32 v3, v4  }
0x531: {  	v4 =	vperm.xlane v3, v0;
	_ =	sdelay $0x1  }
0x532: {  	v3 =	vperm.xlane v3, v2;
	v4 =	vadd.s32 v1, v4;
	_ =	sdelay $0x1  }
0x533: {  	v3 =	vadd.s32 v1, v3;
	_ =	sdelay $0x1  }
0x534: {  	s0 =	simm.s32 $0xF800  }
0x535: {  	[tilespmem:s0], [sflag:$0x2] =	stream.indirect_vreg.gather [hbm4b:s4+s2], $0x80, v4, vm0, $0xb8;
	[tilespmem:$0x18800] =	vst v63  }
0x536: {  	s0 =	simm.s32 $0x10000  }
0x537: {  	[tilespmem:s0], [sflag:$0x2] =	stream.indirect_vreg.gather [hbm4b:s4+s2], $0x80, v3, vm0, $0xb8;
	[tilespmem:$0x18800] =	vst v63  }
0x538: {  	_ =	swait.ge [sflag:s31], $0x8000  }
0x539: {  	[sflag:s31] =	ssyncset.done $0x0  }
0x53a: {  	s0 =	rddreg [dreg:$0x10];
	[sflag:s31] =	ssyncadd.s32 $0xFFFF8000  }
0x53b: {  	[hbm4b:s0+s2] =	stream.linear.scatter [tilespmem:s7], [sflag:$0x4], $0x8000, $0x38;
	[tilespmem:$0x18800] =	vst v63  }
0x53c: {  	_ =	swait.ge [sflag:s29], $0x8000  }
0x53d: {  	[sflag:s29] =	ssyncset.done $0x0  }
0x53e: {  	[sflag:s29] =	ssyncadd.s32 $0xFFFF8000  }
0x53f: {  	v3 =	vld [tilespmem:$0x700];
	_ =	sdelay $0x4  }
0x540: {  	v48 =	vshll.u32 v3, $0x1  }
0x541: {  	v3 =	vand.u32 $0x7, v3;
	v4 =	vand.u32 $0xFFFFFFF0, v48  }
0x542: {  	v3 =	vor.u32 v3, v4  }
0x543: {  	v4 =	vperm.xlane v3, v0;
	_ =	sdelay $0x1  }
0x544: {  	v3 =	vperm.xlane v3, v2;
	v4 =	vadd.s32 v1, v4;
	_ =	sdelay $0x1  }
0x545: {  	v3 =	vadd.s32 v1, v3;
	_ =	sdelay $0x2  }
0x546: {  	[tilespmem:s6], [sflag:$0x3] =	stream.indirect_vreg.gather [hbm4b:s4+s2], $0x80, v4, vm0, $0xb8;
	[tilespmem:$0x18800] =	vst v63  }
0x547: {  	s0 =	simm.s32 $0x11000  }
0x548: {  	[tilespmem:s0], [sflag:$0x3] =	stream.indirect_vreg.gather [hbm4b:s4+s2], $0x80, v3, vm0, $0xb8;
	[tilespmem:$0x18800] =	vst v63  }
0x549: {  	v3 =	vld [tilespmem:$0x710];
	_ =	sdelay $0x4  }
0x54a: {  	v49 =	vshll.u32 v3, $0x1  }
0x54b: {  	v3 =	vand.u32 $0x7, v3;
	v4 =	vand.u32 $0xFFFFFFF0, v49  }
0x54c: {  	v3 =	vor.u32 v3, v4  }
0x54d: {  	v4 =	vperm.xlane v3, v0;
	_ =	sdelay $0x1  }
0x54e: {  	v3 =	vperm.xlane v3, v2;
	v4 =	vadd.s32 v1, v4;
	_ =	sdelay $0x1  }
0x54f: {  	v3 =	vadd.s32 v1, v3;
	_ =	sdelay $0x1  }
0x550: {  	s11 =	simm.s32 $0x11800  }
0x551: {  	[tilespmem:s11], [sflag:$0x3] =	stream.indirect_vreg.gather [hbm4b:s4+s2], $0x80, v4, vm0, $0xb8;
	[tilespmem:$0x18800] =	vst v63  }
0x552: {  	s11 =	simm.s32 $0x12000  }
0x553: {  	[tilespmem:s11], [sflag:$0x3] =	stream.indirect_vreg.gather [hbm4b:s4+s2], $0x80, v3, vm0, $0xb8;
	[tilespmem:$0x18800] =	vst v63  }
0x554: {  	v3 =	vld [tilespmem:$0x720];
	_ =	sdelay $0x4  }
0x555: {  	v50 =	vshll.u32 v3, $0x1  }
0x556: {  	v3 =	vand.u32 $0x7, v3;
	v4 =	vand.u32 $0xFFFFFFF0, v50  }
0x557: {  	v3 =	vor.u32 v3, v4  }
0x558: {  	v4 =	vperm.xlane v3, v0;
	_ =	sdelay $0x1  }
0x559: {  	v3 =	vperm.xlane v3, v2;
	v4 =	vadd.s32 v1, v4;
	_ =	sdelay $0x1  }
0x55a: {  	v3 =	vadd.s32 v1, v3;
	_ =	sdelay $0x1  }
0x55b: {  	s18 =	simm.s32 $0x12800  }
0x55c: {  	[tilespmem:s18], [sflag:$0x3] =	stream.indirect_vreg.gather [hbm4b:s4+s2], $0x80, v4, vm0, $0xb8;
	[tilespmem:$0x18800] =	vst v63  }
0x55d: {  	s18 =	simm.s32 $0x13000  }
0x55e: {  	[tilespmem:s18], [sflag:$0x3] =	stream.indirect_vreg.gather [hbm4b:s4+s2], $0x80, v3, vm0, $0xb8;
	[tilespmem:$0x18800] =	vst v63  }
0x55f: {  	v3 =	vld [tilespmem:$0x730];
	_ =	sdelay $0x4  }
0x560: {  	v51 =	vshll.u32 v3, $0x1  }
0x561: {  	v3 =	vand.u32 $0x7, v3;
	v4 =	vand.u32 $0xFFFFFFF0, v51  }
0x562: {  	v3 =	vor.u32 v3, v4  }
0x563: {  	v4 =	vperm.xlane v3, v0;
	_ =	sdelay $0x1  }
0x564: {  	v3 =	vperm.xlane v3, v2;
	v4 =	vadd.s32 v1, v4;
	_ =	sdelay $0x1  }
0x565: {  	v3 =	vadd.s32 v1, v3;
	_ =	sdelay $0x1  }
0x566: {  	s19 =	simm.s32 $0x13800  }
0x567: {  	[tilespmem:s19], [sflag:$0x3] =	stream.indirect_vreg.gather [hbm4b:s4+s2], $0x80, v4, vm0, $0xb8;
	[tilespmem:$0x18800] =	vst v63  }
0x568: {  	s19 =	simm.s32 $0x14000  }
0x569: {  	[tilespmem:s19], [sflag:$0x3] =	stream.indirect_vreg.gather [hbm4b:s4+s2], $0x80, v3, vm0, $0xb8;
	[tilespmem:$0x18800] =	vst v63  }
0x56a: {  	v3 =	vld [tilespmem:$0x740];
	_ =	sdelay $0x4  }
0x56b: {  	v52 =	vshll.u32 v3, $0x1  }
0x56c: {  	v3 =	vand.u32 $0x7, v3;
	v4 =	vand.u32 $0xFFFFFFF0, v52  }
0x56d: {  	v3 =	vor.u32 v3, v4  }
0x56e: {  	v4 =	vperm.xlane v3, v0;
	_ =	sdelay $0x1  }
0x56f: {  	v3 =	vperm.xlane v3, v2;
	v4 =	vadd.s32 v1, v4;
	_ =	sdelay $0x1  }
0x570: {  	v3 =	vadd.s32 v1, v3;
	_ =	sdelay $0x1  }
0x571: {  	s20 =	simm.s32 $0x14800  }
0x572: {  	[tilespmem:s20], [sflag:$0x3] =	stream.indirect_vreg.gather [hbm4b:s4+s2], $0x80, v4, vm0, $0xb8;
	[tilespmem:$0x18800] =	vst v63  }
0x573: {  	s20 =	simm.s32 $0x15000  }
0x574: {  	[tilespmem:s20], [sflag:$0x3] =	stream.indirect_vreg.gather [hbm4b:s4+s2], $0x80, v3, vm0, $0xb8;
	[tilespmem:$0x18800] =	vst v63  }
0x575: {  	v3 =	vld [tilespmem:$0x750];
	_ =	sdelay $0x4  }
0x576: {  	v53 =	vshll.u32 v3, $0x1  }
0x577: {  	v3 =	vand.u32 $0x7, v3;
	v4 =	vand.u32 $0xFFFFFFF0, v53  }
0x578: {  	v3 =	vor.u32 v3, v4  }
0x579: {  	v4 =	vperm.xlane v3, v0;
	_ =	sdelay $0x1  }
0x57a: {  	v3 =	vperm.xlane v3, v2;
	v4 =	vadd.s32 v1, v4;
	_ =	sdelay $0x1  }
0x57b: {  	v3 =	vadd.s32 v1, v3;
	_ =	sdelay $0x1  }
0x57c: {  	s22 =	simm.s32 $0x15800  }
0x57d: {  	[tilespmem:s22], [sflag:$0x3] =	stream.indirect_vreg.gather [hbm4b:s4+s2], $0x80, v4, vm0, $0xb8;
	[tilespmem:$0x18800] =	vst v63  }
0x57e: {  	s22 =	simm.s32 $0x16000  }
0x57f: {  	[tilespmem:s22], [sflag:$0x3] =	stream.indirect_vreg.gather [hbm4b:s4+s2], $0x80, v3, vm0, $0xb8;
	[tilespmem:$0x18800] =	vst v63  }
0x580: {  	v3 =	vld [tilespmem:$0x760];
	_ =	sdelay $0x4  }
0x581: {  	v54 =	vshll.u32 v3, $0x1  }
0x582: {  	v3 =	vand.u32 $0x7, v3;
	v4 =	vand.u32 $0xFFFFFFF0, v54  }
0x583: {  	v3 =	vor.u32 v3, v4  }
0x584: {  	v4 =	vperm.xlane v3, v0;
	_ =	sdelay $0x1  }
0x585: {  	v3 =	vperm.xlane v3, v2;
	v4 =	vadd.s32 v1, v4;
	_ =	sdelay $0x1  }
0x586: {  	v3 =	vadd.s32 v1, v3;
	_ =	sdelay $0x1  }
0x587: {  	s30 =	simm.s32 $0x16800  }
0x588: {  	[tilespmem:s30], [sflag:$0x3] =	stream.indirect_vreg.gather [hbm4b:s4+s2], $0x80, v4, vm0, $0xb8;
	[tilespmem:$0x18800] =	vst v63  }
0x589: {  	s30 =	simm.s32 $0x17000  }
0x58a: {  	[tilespmem:s30], [sflag:$0x3] =	stream.indirect_vreg.gather [hbm4b:s4+s2], $0x80, v3, vm0, $0xb8;
	[tilespmem:$0x18800] =	vst v63  }
0x58b: {  	v3 =	vld [tilespmem:$0x770];
	_ =	sdelay $0x4  }
0x58c: {  	v55 =	vshll.u32 v3, $0x1  }
0x58d: {  	v3 =	vand.u32 $0x7, v3;
	v4 =	vand.u32 $0xFFFFFFF0, v55  }
0x58e: {  	v3 =	vor.u32 v3, v4  }
0x58f: {  	v4 =	vperm.xlane v3, v0;
	_ =	sdelay $0x1  }
0x590: {  	v3 =	vperm.xlane v3, v2;
	v4 =	vadd.s32 v1, v4;
	_ =	sdelay $0x1  }
0x591: {  	v3 =	vadd.s32 v1, v3;
	_ =	sdelay $0x1  }
0x592: {  	s8 =	simm.s32 $0x17800  }
0x593: {  	[tilespmem:s8], [sflag:$0x3] =	stream.indirect_vreg.gather [hbm4b:s4+s2], $0x80, v4, vm0, $0xb8;
	[tilespmem:$0x18800] =	vst v63  }
0x594: {  	s8 =	simm.s32 $0x18000  }
0x595: {  	[tilespmem:s8], [sflag:$0x3] =	stream.indirect_vreg.gather [hbm4b:s4+s2], $0x80, v3, vm0, $0xb8;
	[tilespmem:$0x18800] =	vst v63  }
0x596: {  	_ =	swait.ge [sflag:s24], $0x8000  }
0x597: {  	[sflag:s24] =	ssyncset.done $0x0  }
0x598: {  	s11 =	rddreg [dreg:$0x11];
	[sflag:s24] =	ssyncadd.s32 $0xFFFF8000  }
0x599: {  	[hbm4b:s11+s2] =	stream.linear.scatter [tilespmem:s1], [sflag:$0x5], $0x8000, $0x38;
	[tilespmem:$0x18800] =	vst v63  }
0x59a: {  	_ =	swait.ge [sflag:s25], $0x8000  }
0x59b: {  	[sflag:s25] =	ssyncset.done $0x0  }
0x59c: {  	[sflag:s25] =	ssyncadd.s32 $0xFFFF8000  }
0x59d: {  	v3 =	vld [tilespmem:$0x780];
	_ =	sdelay $0x4  }
0x59e: {  	v56 =	vshll.u32 v3, $0x1  }
0x59f: {  	v3 =	vand.u32 $0x7, v3;
	v4 =	vand.u32 $0xFFFFFFF0, v56  }
0x5a0: {  	v3 =	vor.u32 v3, v4  }
0x5a1: {  	v4 =	vperm.xlane v3, v0;
	_ =	sdelay $0x1  }
0x5a2: {  	v3 =	vperm.xlane v3, v2;
	v4 =	vadd.s32 v1, v4;
	_ =	sdelay $0x1  }
0x5a3: {  	v3 =	vadd.s32 v1, v3;
	_ =	sdelay $0x2  }
0x5a4: {  	[tilespmem:s7], [sflag:$0x1] =	stream.indirect_vreg.gather [hbm4b:s4+s2], $0x80, v4, vm0, $0xb8;
	[tilespmem:$0x18800] =	vst v63  }
0x5a5: {  	s15 =	simm.s32 $0x1000  }
0x5a6: {  	[tilespmem:s15], [sflag:$0x1] =	stream.indirect_vreg.gather [hbm4b:s4+s2], $0x80, v3, vm0, $0xb8;
	[tilespmem:$0x18800] =	vst v63  }
0x5a7: {  	v3 =	vld [tilespmem:$0x790];
	_ =	sdelay $0x4  }
0x5a8: {  	v57 =	vshll.u32 v3, $0x1  }
0x5a9: {  	v3 =	vand.u32 $0x7, v3;
	v4 =	vand.u32 $0xFFFFFFF0, v57  }
0x5aa: {  	v3 =	vor.u32 v3, v4  }
0x5ab: {  	v4 =	vperm.xlane v3, v0;
	_ =	sdelay $0x1  }
0x5ac: {  	v3 =	vperm.xlane v3, v2;
	v4 =	vadd.s32 v1, v4;
	_ =	sdelay $0x1  }
0x5ad: {  	v3 =	vadd.s32 v1, v3;
	_ =	sdelay $0x1  }
0x5ae: {  	s9 =	simm.s32 $0x1800  }
0x5af: {  	[tilespmem:s9], [sflag:$0x1] =	stream.indirect_vreg.gather [hbm4b:s4+s2], $0x80, v4, vm0, $0xb8;
	[tilespmem:$0x18800] =	vst v63  }
0x5b0: {  	s16 =	simm.s32 $0x2000  }
0x5b1: {  	[tilespmem:s16], [sflag:$0x1] =	stream.indirect_vreg.gather [hbm4b:s4+s2], $0x80, v3, vm0, $0xb8;
	[tilespmem:$0x18800] =	vst v63  }
0x5b2: {  	v3 =	vld [tilespmem:$0x7A0];
	_ =	sdelay $0x4  }
0x5b3: {  	v58 =	vshll.u32 v3, $0x1  }
0x5b4: {  	v3 =	vand.u32 $0x7, v3;
	v4 =	vand.u32 $0xFFFFFFF0, v58  }
0x5b5: {  	v3 =	vor.u32 v3, v4  }
0x5b6: {  	v4 =	vperm.xlane v3, v0;
	_ =	sdelay $0x1  }
0x5b7: {  	v3 =	vperm.xlane v3, v2;
	v4 =	vadd.s32 v1, v4;
	_ =	sdelay $0x1  }
0x5b8: {  	v3 =	vadd.s32 v1, v3;
	_ =	sdelay $0x1  }
0x5b9: {  	s18 =	simm.s32 $0x2800  }
0x5ba: {  	[tilespmem:s18], [sflag:$0x1] =	stream.indirect_vreg.gather [hbm4b:s4+s2], $0x80, v4, vm0, $0xb8;
	[tilespmem:$0x18800] =	vst v63  }
0x5bb: {  	s19 =	simm.s32 $0x3000  }
0x5bc: {  	[tilespmem:s19], [sflag:$0x1] =	stream.indirect_vreg.gather [hbm4b:s4+s2], $0x80, v3, vm0, $0xb8;
	[tilespmem:$0x18800] =	vst v63  }
0x5bd: {  	v3 =	vld [tilespmem:$0x7B0];
	_ =	sdelay $0x4  }
0x5be: {  	v59 =	vshll.u32 v3, $0x1  }
0x5bf: {  	v3 =	vand.u32 $0x7, v3;
	v4 =	vand.u32 $0xFFFFFFF0, v59  }
0x5c0: {  	v3 =	vor.u32 v3, v4  }
0x5c1: {  	v4 =	vperm.xlane v3, v0;
	_ =	sdelay $0x1  }
0x5c2: {  	v3 =	vperm.xlane v3, v2;
	v4 =	vadd.s32 v1, v4;
	_ =	sdelay $0x1  }
0x5c3: {  	v3 =	vadd.s32 v1, v3;
	_ =	sdelay $0x1  }
0x5c4: {  	s17 =	simm.s32 $0x3800  }
0x5c5: {  	[tilespmem:s17], [sflag:$0x1] =	stream.indirect_vreg.gather [hbm4b:s4+s2], $0x80, v4, vm0, $0xb8;
	[tilespmem:$0x18800] =	vst v63  }
0x5c6: {  	s20 =	simm.s32 $0x4000  }
0x5c7: {  	[tilespmem:s20], [sflag:$0x1] =	stream.indirect_vreg.gather [hbm4b:s4+s2], $0x80, v3, vm0, $0xb8;
	[tilespmem:$0x18800] =	vst v63  }
0x5c8: {  	v3 =	vld [tilespmem:$0x7C0];
	_ =	sdelay $0x4  }
0x5c9: {  	v60 =	vshll.u32 v3, $0x1  }
0x5ca: {  	v3 =	vand.u32 $0x7, v3;
	v4 =	vand.u32 $0xFFFFFFF0, v60  }
0x5cb: {  	v3 =	vor.u32 v3, v4  }
0x5cc: {  	v4 =	vperm.xlane v3, v0;
	_ =	sdelay $0x1  }
0x5cd: {  	v3 =	vperm.xlane v3, v2;
	v4 =	vadd.s32 v1, v4;
	_ =	sdelay $0x1  }
0x5ce: {  	v3 =	vadd.s32 v1, v3;
	_ =	sdelay $0x1  }
0x5cf: {  	s21 =	simm.s32 $0x4800  }
0x5d0: {  	[tilespmem:s21], [sflag:$0x1] =	stream.indirect_vreg.gather [hbm4b:s4+s2], $0x80, v4, vm0, $0xb8;
	[tilespmem:$0x18800] =	vst v63  }
0x5d1: {  	s23 =	simm.s32 $0x5000  }
0x5d2: {  	[tilespmem:s23], [sflag:$0x1] =	stream.indirect_vreg.gather [hbm4b:s4+s2], $0x80, v3, vm0, $0xb8;
	[tilespmem:$0x18800] =	vst v63  }
0x5d3: {  	v3 =	vld [tilespmem:$0x7D0];
	_ =	sdelay $0x4  }
0x5d4: {  	v61 =	vshll.u32 v3, $0x1  }
0x5d5: {  	v3 =	vand.u32 $0x7, v3;
	v4 =	vand.u32 $0xFFFFFFF0, v61  }
0x5d6: {  	v3 =	vor.u32 v3, v4  }
0x5d7: {  	v4 =	vperm.xlane v3, v0;
	_ =	sdelay $0x1  }
0x5d8: {  	v3 =	vperm.xlane v3, v2;
	v4 =	vadd.s32 v1, v4;
	_ =	sdelay $0x1  }
0x5d9: {  	v3 =	vadd.s32 v1, v3;
	_ =	sdelay $0x1  }
0x5da: {  	s12 =	simm.s32 $0x5800  }
0x5db: {  	[tilespmem:s12], [sflag:$0x1] =	stream.indirect_vreg.gather [hbm4b:s4+s2], $0x80, v4, vm0, $0xb8;
	[tilespmem:$0x18800] =	vst v63  }
0x5dc: {  	s21 =	simm.s32 $0x6000  }
0x5dd: {  	[tilespmem:s21], [sflag:$0x1] =	stream.indirect_vreg.gather [hbm4b:s4+s2], $0x80, v3, vm0, $0xb8;
	[tilespmem:$0x18800] =	vst v63  }
0x5de: {  	v3 =	vld [tilespmem:$0x7E0];
	_ =	sdelay $0x4  }
0x5df: {  	v62 =	vshll.u32 v3, $0x1  }
0x5e0: {  	v3 =	vand.u32 $0x7, v3;
	v4 =	vand.u32 $0xFFFFFFF0, v62  }
0x5e1: {  	v3 =	vor.u32 v3, v4  }
0x5e2: {  	v4 =	vperm.xlane v3, v0;
	_ =	sdelay $0x1  }
0x5e3: {  	v3 =	vperm.xlane v3, v2;
	v4 =	vadd.s32 v1, v4;
	_ =	sdelay $0x1  }
0x5e4: {  	v3 =	vadd.s32 v1, v3;
	_ =	sdelay $0x1  }
0x5e5: {  	s13 =	simm.s32 $0x6800  }
0x5e6: {  	[tilespmem:s13], [sflag:$0x1] =	stream.indirect_vreg.gather [hbm4b:s4+s2], $0x80, v4, vm0, $0xb8;
	[tilespmem:$0x18800] =	vst v63  }
0x5e7: {  	s22 =	simm.s32 $0x7000  }
0x5e8: {  	[tilespmem:s22], [sflag:$0x1] =	stream.indirect_vreg.gather [hbm4b:s4+s2], $0x80, v3, vm0, $0xb8;
	[tilespmem:$0x18800] =	vst v63  }
0x5e9: {  	v3 =	vld [tilespmem:$0x7F0];
	_ =	sdelay $0x4  }
0x5ea: {  	v63 =	vshll.u32 v3, $0x1  }
0x5eb: {  	v3 =	vand.u32 $0x7, v3;
	v4 =	vand.u32 $0xFFFFFFF0, v63  }
0x5ec: {  	v3 =	vor.u32 v3, v4  }
0x5ed: {  	v4 =	vperm.xlane v3, v0;
	_ =	sdelay $0x1  }
0x5ee: {  	v3 =	vperm.xlane v3, v2;
	v4 =	vadd.s32 v1, v4;
	_ =	sdelay $0x1  }
0x5ef: {  	v3 =	vadd.s32 v1, v3;
	_ =	sdelay $0x1  }
0x5f0: {  	s14 =	simm.s32 $0x7800  }
0x5f1: {  	[tilespmem:s14], [sflag:$0x1] =	stream.indirect_vreg.gather [hbm4b:s4+s2], $0x80, v4, vm0, $0xb8;
	[tilespmem:$0x18800] =	vst v63  }
0x5f2: {  	s10 =	simm.s32 $0x8000  }
0x5f3: {  	[tilespmem:s10], [sflag:$0x1] =	stream.indirect_vreg.gather [hbm4b:s4+s2], $0x80, v3, vm0, $0xb8;
	[tilespmem:$0x18800] =	vst v63  }
0x5f4: {  	_ =	swait.ge [sflag:s26], $0x8000  }
0x5f5: {  	[sflag:s26] =	ssyncset.done $0x0  }
0x5f6: {  	s23 =	rddreg [dreg:$0x12];
	[sflag:s26] =	ssyncadd.s32 $0xFFFF8000  }
0x5f7: {  	[hbm4b:s23+s2] =	stream.linear.scatter [tilespmem:s6], [sflag:$0x6], $0x8000, $0x38;
	[tilespmem:$0x18800] =	vst v63  }
0x5f8: {  	_ =	swait.ge [sflag:s31], $0x8000  }
0x5f9: {  	[sflag:s31] =	ssyncset.done $0x0  }
0x5fa: {  	s30 =	rddreg [dreg:$0x13];
	[sflag:s31] =	ssyncadd.s32 $0xFFFF8000  }
0x5fb: {  	[hbm4b:s30+s2] =	stream.linear.scatter [tilespmem:s7], [sflag:$0x4], $0x8000, $0x38;
	[tilespmem:$0x18800] =	vst v63  }
0x5fc: {  	_ =	swait.ge [sflag:s25], $0x8000  }
0x5fd: {  	[sflag:s25] =	ssyncset.done $0x0  }
0x5fe: {  	[sflag:s25] =	ssyncadd.s32 $0xFFFF8000  }
0x5ff: {  	p0 =	sne.s32 s5, $0x1;
	_ =	swait.ge [sflag:s28], $0x8000  }
.Ltmp0:
0x600: {  	[sflag:s28] =	ssyncset.done $0x0;
	(pc) =	sbr.rel @p0 .LBB2_1-.Ltmp0, $4  }
0x601: {  	[sflag:s28] =	ssyncadd.s32 $0xFFFF8000  }
0x602: {  	_ =	swait.ge [sflag:s29], $0x8000  }
0x603: {  	[sflag:s29] =	ssyncset.done $0x0  }
0x604: {  	s5 =	sadd.s32 $0xFFFFFFFF, s5;
	[sflag:s29] =	ssyncadd.s32 $0xFFFF8000  }
0x605: {  	_ =	sfence.sel $0x180000  }
0x606: {  	[bflag:$0x0] =	sbarrier.arrive $0xFFFF  }
0x607: {  	_ =	strace $0x90000047  }
0x608: {  	s0 =	stileid.u32;
	[bflag:$0x2] =	sbarrier.arrive $0xFFFF  }
0x609: {  	p0 =	sne.s32 s0, $0x0;
	s0 =	rddreg [dreg:$0x1]  }
0x60a: {  	s0 =	sadd.s32 @!p0 $0x100000, s0  }
0x60b: {  	[sflag:s0] =	ssyncadd.tile.s32 @!p0 $0x1;
	_ =	shalt  }
.Lfunc_end2:
_tile_overlayer_lowered:
.L_overlay_start_2:
0x60c: {  	(tag) =	ssettag $0x2  }
0x60d: {  	s0 =	rddreg [dreg:$0x0];
	s2 =	stileid.u32  }
0x60e: {  	s1 =	rddreg [dreg:$0x1];
	p0 =	sne.s32 s2, $0x0  }
0x60f: {  	s3 =	rddreg [dreg:$0x2];
	[bflag:$0x3] =	sbarrier.arrive $0xFFFF;
	s2 =	simm.s32 @!p0 $0x1C07  }
0x610: {  	[timem:s3], [sflag:s2] =	dma.local @!p0 [hbm:s0], s1  }
0x611: {  	s0 =	simm.s32 @!p0 $0x7  }
0x612: {  	_ =	swait.ge @!p0 [sflag:s0], s1  }
0x613: {  	s1 =	ssub.s32 @!p0 $0x0, s1;
	[sflag:s0] =	ssyncset.done @!p0 $0x0  }
0x614: {  	[sflag:s0] =	ssyncadd.s32 @!p0 s1  }
0x615: {  	[bflag:$0x3] =	sbarrier.arrive $0xFFFF  }
0x616: {  	_ =	shalt  }

</sc_bundles>
